<compile_context>
chip_gen: v7x
topology: tpu7x:2x2x1
jax: 0.10.2.dev20260603
libtpu: 0.0.44.dev20260713+nightly
codegen_flags: <defaults>
</compile_context>

<pallas_src>
import functools

import jax
import jax.numpy as jnp
from jax import lax
from jax.experimental import pallas as pl
from jax.experimental.pallas import tpu as pltpu
from jax.experimental.pallas import tpu_sc as plsc

_DIM = 128
_HALF = _DIM // 2
_BATCH = 16384
_NUM_OPS_GRP = 12500
_NC = 2
_NS = 16
_NW = _NC * _NS
_ROWS_PER_W = _BATCH // _NW
_PASS = 128
_NPASS = _ROWS_PER_W // _PASS
_LANES = 16

_mesh = plsc.VectorSubcoreMesh(core_axis_name="c", subcore_axis_name="s")


@functools.partial(
    pl.kernel,
    out_type=jax.ShapeDtypeStruct((_BATCH, _DIM), jnp.float32),
    mesh=_mesh,
    scratch_types=[
        pltpu.VMEM((_ROWS_PER_W + _LANES,), jnp.int32),
        pltpu.VMEM((_PASS, _DIM), jnp.float32),
        pltpu.VMEM((_PASS, _DIM), jnp.float32),
        pltpu.VMEM((_PASS, _DIM), jnp.float32),
        pltpu.VMEM((_PASS // 8, 8, _HALF), jnp.float32),
        pltpu.VMEM((_PASS // 8, 8, _HALF), jnp.float32),
        pltpu.VMEM((_PASS // 8, 8, _HALF), jnp.float32),
        pltpu.VMEM((_PASS // 8, 8, _HALF), jnp.float32),
        pltpu.SemaphoreType.DMA,
        pltpu.SemaphoreType.DMA,
        pltpu.SemaphoreType.DMA,
        pltpu.SemaphoreType.DMA,
        pltpu.SemaphoreType.DMA,
    ],
)
def _sc_complex_diag(emb_hbm, idx_hbm, real_hbm, imag_hbm, out_hbm,
                     idx_v, emb0_v, emb1_v, emb2_v, rb0_v, rb1_v, ib0_v,
                     ib1_v, gsem0, gsem1, osem0, osem1, osem2):
    wid = lax.axis_index("s") * _NC + lax.axis_index("c")
    base = wid * _ROWS_PER_W
    embs = (emb0_v, emb1_v, emb2_v)
    rbs = (rb0_v, rb1_v)
    ibs = (ib0_v, ib1_v)
    gsems = (gsem0, gsem1)
    osems = (osem0, osem1, osem2)

    pltpu.sync_copy(idx_hbm.at[pl.ds(base, _ROWS_PER_W)],
                    idx_v.at[pl.ds(0, _ROWS_PER_W)])

    def fire(p):
        g2, e3 = p & 1, p % 3
        row0 = base + p * _PASS
        pltpu.async_copy(emb_hbm.at[pl.ds(row0, _PASS)], embs[e3], gsems[g2])

        @pl.loop(0, _PASS // _LANES)
        def _(t):
            v = idx_v[pl.ds(p * _PASS + t * _LANES, _LANES)]
            for j in range(_LANES):
                k = v[j]
                g = k >> 3
                s = k & 7
                r = t * _LANES + j
                pltpu.async_copy(real_hbm.at[g, s],
                                 rbs[g2].at[r >> 3, r & 7], gsems[g2])
                pltpu.async_copy(imag_hbm.at[g, s],
                                 ibs[g2].at[r >> 3, r & 7], gsems[g2])

    def drain(p):
        g2 = p & 1
        dummy = real_hbm.at[pl.ds(0, _PASS // 8)]
        pltpu.make_async_copy(dummy, rbs[g2], gsems[g2]).wait()
        pltpu.make_async_copy(dummy, ibs[g2], gsems[g2]).wait()
        pltpu.make_async_copy(emb_hbm.at[pl.ds(0, _PASS)], embs[p % 3],
                              gsems[g2]).wait()

    def compute_and_write(p):
        g2, e3 = p & 1, p % 3
        row0 = base + p * _PASS
        emb_v, rb_v, ib_v = embs[e3], rbs[g2], ibs[g2]

        @pl.loop(0, _PASS)
        def _(r):
            for c in range(_HALF // _LANES):
                lo = pl.ds(c * _LANES, _LANES)
                hi = pl.ds(_HALF + c * _LANES, _LANES)
                ra = emb_v[r, lo]
                ia = emb_v[r, hi]
                rb = rb_v[r >> 3, r & 7, lo]
                ib = ib_v[r >> 3, r & 7, lo]
                emb_v[r, lo] = ra * rb - ia * ib
                emb_v[r, hi] = ra * ib + ia * rb

        pltpu.async_copy(emb_v, out_hbm.at[pl.ds(row0, _PASS)], osems[e3])

    def wait_out(p):
        pltpu.make_async_copy(emb_hbm.at[pl.ds(0, _PASS)], embs[p % 3],
                              osems[p % 3]).wait()

    fire(0)
    for p in range(_NPASS):
        if p + 1 < _NPASS:
            if p >= 2:
                wait_out(p - 2)
            fire(p + 1)
        drain(p)
        compute_and_write(p)
    wait_out(_NPASS - 2)
    wait_out(_NPASS - 1)


def kernel(embeddings, operator_idxs, real, imag):
    idx = operator_idxs.astype(jnp.int32)
    real3 = real.reshape(_NUM_OPS_GRP, 8, _HALF)
    imag3 = imag.reshape(_NUM_OPS_GRP, 8, _HALF)
    return _sc_complex_diag(embeddings, idx, real3, imag3)

# --- scband reference (transcript-rebuilt; emitter-appended) ---
"""Pipeline reference for scband-complex-diagonal-dynamic-operator-37941741092956 (READ-ONLY COPY).

The authoritative reference and input builder live on the scoring server;
editing this copy changes nothing except your own understanding.
"""

import jax, jax.numpy as jnp
import numpy as np

DIM = 128
NUM_OPS = 100000
BATCH = 16384

def setup_inputs(seed: int = 0) -> dict:
    key = jax.random.key(seed)
    k1, k2 = jax.random.split(key, 2)
    embeddings = jax.random.normal(k1, (BATCH, DIM), dtype=jnp.float32)
    operator_idxs = jax.random.randint(k2, (BATCH,), 0, NUM_OPS, dtype=jnp.int64 if jax.config.read('jax_enable_x64') else jnp.int32)
    # learned parameters, initialized as in the torch module
    real = jnp.ones((NUM_OPS, DIM // 2), dtype=jnp.float32)
    imag = jnp.zeros((NUM_OPS, DIM // 2), dtype=jnp.float32)
    return {"embeddings": embeddings, "operator_idxs": operator_idxs, "real": real, "imag": imag}

def reference(embeddings, operator_idxs, real, imag):
    half = DIM // 2
    real_a = embeddings[..., :half]
    imag_a = embeddings[..., half:]
    real_b = jnp.take(real, operator_idxs, axis=0)
    imag_b = jnp.take(imag, operator_idxs, axis=0)
    prod_real = real_a * real_b - imag_a * imag_b
    prod_imag = real_a * imag_b + imag_a * real_b
    return jnp.concatenate([prod_real, prod_imag], axis=-1)

if __name__ == "__main__":
    import jax
    _d = setup_inputs()
    print(jax.jit(kernel)(*tuple(_d.values())))

</pallas_src>

<mosaic_0001>
#map = affine_map<(d0, d1) -> (0, 0)>
#map1 = affine_map<(d0, d1) -> (0)>
#map2 = affine_map<(d0, d1) -> (0, 0, 0)>
module attributes {stable_mosaic.version = 14 : i64} {
  func.func @_sc_complex_diag(%arg0: i32, %arg1: i32, %arg2: memref<16384x128xf32, #tpu.memory_space<hbm>>, %arg3: memref<16384xi32, #tpu.memory_space<hbm>>, %arg4: memref<12500x8x64xf32, #tpu.memory_space<hbm>>, %arg5: memref<12500x8x64xf32, #tpu.memory_space<hbm>>, %arg6: memref<16384x128xf32, #tpu.memory_space<hbm>>, %arg7: memref<528xi32, #tpu.memory_space<vmem>>, %arg8: memref<128x128xf32, #tpu.memory_space<vmem>>, %arg9: memref<128x128xf32, #tpu.memory_space<vmem>>, %arg10: memref<128x128xf32, #tpu.memory_space<vmem>>, %arg11: memref<16x8x64xf32, #tpu.memory_space<vmem>>, %arg12: memref<16x8x64xf32, #tpu.memory_space<vmem>>, %arg13: memref<16x8x64xf32, #tpu.memory_space<vmem>>, %arg14: memref<16x8x64xf32, #tpu.memory_space<vmem>>, %arg15: memref<!tpu.dma_semaphore, #tpu.memory_space<semaphore_mem>>, %arg16: memref<!tpu.dma_semaphore, #tpu.memory_space<semaphore_mem>>, %arg17: memref<!tpu.dma_semaphore, #tpu.memory_space<semaphore_mem>>, %arg18: memref<!tpu.dma_semaphore, #tpu.memory_space<semaphore_mem>>, %arg19: memref<!tpu.dma_semaphore, #tpu.memory_space<semaphore_mem>>) attributes {dimension_semantics = [#tpu.dimension_semantics<core_parallel>, #tpu.dimension_semantics<subcore_parallel>], iteration_bounds = array<i64: 2, 16>, scalar_prefetch = 0 : i64, scratch_operands = 13 : i64, tpu.core_type = #tpu.core_type<sc_vector_subcore>, window_params = [{transform_indices = #map}, {transform_indices = #map1}, {transform_indices = #map2}, {transform_indices = #map2}, {transform_indices = #map}]} {
    %mul3A = arith.constant 2 : i32
    %mul3A_0 = arith.muli %arg1, %mul3A : i32
    %add3A = arith.addi %mul3A_0, %arg0 : i32
    %mul3A_1 = arith.constant 512 : i32
    %mul3A_2 = arith.muli %add3A, %mul3A_1 : i32
    "tpu.region"() ({
      %run_scoped3A = tpu.sem_alloc : memref<!tpu.dma_semaphore, #tpu.memory_space<semaphore_mem>>
      %dma_start3A_194 = arith.constant 0 : i32
      %dma_start3A_195 = tpu.memref_slice %arg7[%dma_start3A_194] : memref<528xi32, #tpu.memory_space<vmem>> -> memref<512xi32, #tpu.memory_space<vmem>>
      %dma_start3A_196 = tpu.memref_slice %arg3[%mul3A_2] : memref<16384xi32, #tpu.memory_space<hbm>> -> memref<512xi32, #tpu.memory_space<hbm>>
      %dma_start3A_197 = arith.constant 0 : i32
      %dma_start3A_198 = tpu.memref_slice %arg7[%dma_start3A_197] : memref<528xi32, #tpu.memory_space<vmem>> -> memref<512xi32, #tpu.memory_space<vmem>>
      %dma_start3A_199 = tpu.memref_slice %arg3[%mul3A_2] : memref<16384xi32, #tpu.memory_space<hbm>> -> memref<512xi32, #tpu.memory_space<hbm>>
      tpu.enqueue_dma source(%dma_start3A_199 : memref<512xi32, #tpu.memory_space<hbm>>) target(%dma_start3A_198 : memref<512xi32, #tpu.memory_space<vmem>>) target_semaphore(%run_scoped3A : memref<!tpu.dma_semaphore, #tpu.memory_space<semaphore_mem>>)
      %dma_wait3A_200 = arith.constant 0 : i32
      %dma_wait3A_201 = tpu.memref_slice %arg7[%dma_wait3A_200] : memref<528xi32, #tpu.memory_space<vmem>> -> memref<512xi32, #tpu.memory_space<vmem>>
      %dma_wait3A_202 = tpu.memref_slice %arg3[%mul3A_2] : memref<16384xi32, #tpu.memory_space<hbm>> -> memref<512xi32, #tpu.memory_space<hbm>>
      %dma_wait3A_203 = arith.constant 0 : i32
      %dma_wait3A_204 = tpu.memref_slice %arg7[%dma_wait3A_203] : memref<528xi32, #tpu.memory_space<vmem>> -> memref<512xi32, #tpu.memory_space<vmem>>
      %dma_wait3A_205 = tpu.memref_slice %arg3[%mul3A_2] : memref<16384xi32, #tpu.memory_space<hbm>> -> memref<512xi32, #tpu.memory_space<hbm>>
      tpu.wait_dma2 semaphore(%run_scoped3A : memref<!tpu.dma_semaphore, #tpu.memory_space<semaphore_mem>>) src(%dma_wait3A_205 : memref<512xi32, #tpu.memory_space<hbm>>) dst(%dma_wait3A_204 : memref<512xi32, #tpu.memory_space<vmem>>)
      tpu.yield
    }) : () -> ()
    %add3A_3 = arith.constant 0 : i32
    %add3A_4 = arith.addi %mul3A_2, %add3A_3 : i32
    %dma_start3A = arith.constant 0 : i32
    %dma_start3A_5 = tpu.memref_slice %arg2[%add3A_4, %dma_start3A] : memref<16384x128xf32, #tpu.memory_space<hbm>> -> memref<128x128xf32, #tpu.memory_space<hbm>>
    %dma_start3A_6 = arith.constant 0 : i32
    %dma_start3A_7 = tpu.memref_slice %arg2[%add3A_4, %dma_start3A_6] : memref<16384x128xf32, #tpu.memory_space<hbm>> -> memref<128x128xf32, #tpu.memory_space<hbm>>
    tpu.enqueue_dma source(%dma_start3A_7 : memref<128x128xf32, #tpu.memory_space<hbm>>) target(%arg8 : memref<128x128xf32, #tpu.memory_space<vmem>>) target_semaphore(%arg15 : memref<!tpu.dma_semaphore, #tpu.memory_space<semaphore_mem>>)
    %scan3A = arith.constant 0 : i32
    %scan3A_8 = arith.constant 8 : i32
    %scan3A_9 = arith.addi %scan3A, %scan3A_8 : i32
    %scan3A_10 = arith.constant 1 : i32
    scf.for %scan3A_194 = %scan3A to %scan3A_9 step %scan3A_10  : i32 {
      %mul3A_195 = arith.constant 1 : i32
      %mul3A_196 = arith.muli %scan3A_194, %mul3A_195 : i32
      %add3A_197 = arith.constant 0 : i32
      %add3A_198 = arith.addi %add3A_197, %mul3A_196 : i32
      %mul3A_199 = arith.constant 16 : i32
      %mul3A_200 = arith.muli %add3A_198, %mul3A_199 : i32
      %add3A_201 = arith.constant 0 : i32
      %add3A_202 = arith.addi %add3A_201, %mul3A_200 : i32
      %get3A = arith.index_cast %add3A_202 : i32 to index
      %get3A_203 = tpu.vector_load %arg7[%get3A] {strides = array<i32>} : memref<528xi32, #tpu.memory_space<vmem>>, vector<16xi32>,
      %get3A_204 = vector.shape_cast %get3A_203 : vector<16xi32> to vector<16xi32>
      %slice3A = vector.extract_strided_slice %get3A_204 {offsets = [0], sizes = [1], strides = [1]} : vector<16xi32> to vector<1xi32>
      %squeeze3A = vector.extract %slice3A[0] : i32 from vector<1xi32>
      %shift_right_arithmetic3A = arith.constant 3 : i32
      %shift_right_arithmetic3A_205 = arith.shrsi %squeeze3A, %shift_right_arithmetic3A : i32
      %and3A = arith.constant 7 : i32
      %and3A_206 = arith.andi %squeeze3A, %and3A : i32
      %mul3A_207 = arith.constant 16 : i32
      %mul3A_208 = arith.muli %add3A_198, %mul3A_207 : i32
      %add3A_209 = arith.constant 0 : i32
      %add3A_210 = arith.addi %mul3A_208, %add3A_209 : i32
      %shift_right_arithmetic3A_211 = arith.constant 3 : i32
      %shift_right_arithmetic3A_212 = arith.shrsi %add3A_210, %shift_right_arithmetic3A_211 : i32
      %and3A_213 = arith.constant 7 : i32
      %and3A_214 = arith.andi %add3A_210, %and3A_213 : i32
      %dma_start3A_215 = arith.constant 0 : i32
      %dma_start3A_216 = tpu.memref_slice %arg11[%shift_right_arithmetic3A_212, %and3A_214, %dma_start3A_215] : memref<16x8x64xf32, #tpu.memory_space<vmem>> -> memref<1x1x64xf32, #tpu.memory_space<vmem>>
      %dma_start3A_217 = tpu.memref_squeeze %dma_start3A_216 : memref<1x1x64xf32, #tpu.memory_space<vmem>> -> memref<64xf32, #tpu.memory_space<vmem>>
      %dma_start3A_218 = arith.constant 0 : i32
      %dma_start3A_219 = tpu.memref_slice %arg4[%shift_right_arithmetic3A_205, %and3A_206, %dma_start3A_218] : memref<12500x8x64xf32, #tpu.memory_space<hbm>> -> memref<1x1x64xf32, #tpu.memory_space<hbm>>
      %dma_start3A_220 = tpu.memref_squeeze %dma_start3A_219 : memref<1x1x64xf32, #tpu.memory_space<hbm>> -> memref<64xf32, #tpu.memory_space<hbm>>
      %dma_start3A_221 = arith.constant 0 : i32
      %dma_start3A_222 = tpu.memref_slice %arg11[%shift_right_arithmetic3A_212, %and3A_214, %dma_start3A_221] : memref<16x8x64xf32, #tpu.memory_space<vmem>> -> memref<1x1x64xf32, #tpu.memory_space<vmem>>
      %dma_start3A_223 = tpu.memref_squeeze %dma_start3A_222 : memref<1x1x64xf32, #tpu.memory_space<vmem>> -> memref<64xf32, #tpu.memory_space<vmem>>
      %dma_start3A_224 = arith.constant 0 : i32
      %dma_start3A_225 = tpu.memref_slice %arg4[%shift_right_arithmetic3A_205, %and3A_206, %dma_start3A_224] : memref<12500x8x64xf32, #tpu.memory_space<hbm>> -> memref<1x1x64xf32, #tpu.memory_space<hbm>>
      %dma_start3A_226 = tpu.memref_squeeze %dma_start3A_225 : memref<1x1x64xf32, #tpu.memory_space<hbm>> -> memref<64xf32, #tpu.memory_space<hbm>>
      tpu.enqueue_dma source(%dma_start3A_226 : memref<64xf32, #tpu.memory_space<hbm>>) target(%dma_start3A_223 : memref<64xf32, #tpu.memory_space<vmem>>) target_semaphore(%arg15 : memref<!tpu.dma_semaphore, #tpu.memory_space<semaphore_mem>>)
      %shift_right_arithmetic3A_227 = arith.constant 3 : i32
      %shift_right_arithmetic3A_228 = arith.shrsi %add3A_210, %shift_right_arithmetic3A_227 : i32
      %and3A_229 = arith.constant 7 : i32
      %and3A_230 = arith.andi %add3A_210, %and3A_229 : i32
      %dma_start3A_231 = arith.constant 0 : i32
      %dma_start3A_232 = tpu.memref_slice %arg13[%shift_right_arithmetic3A_228, %and3A_230, %dma_start3A_231] : memref<16x8x64xf32, #tpu.memory_space<vmem>> -> memref<1x1x64xf32, #tpu.memory_space<vmem>>
      %dma_start3A_233 = tpu.memref_squeeze %dma_start3A_232 : memref<1x1x64xf32, #tpu.memory_space<vmem>> -> memref<64xf32, #tpu.memory_space<vmem>>
      %dma_start3A_234 = arith.constant 0 : i32
      %dma_start3A_235 = tpu.memref_slice %arg5[%shift_right_arithmetic3A_205, %and3A_206, %dma_start3A_234] : memref<12500x8x64xf32, #tpu.memory_space<hbm>> -> memref<1x1x64xf32, #tpu.memory_space<hbm>>
      %dma_start3A_236 = tpu.memref_squeeze %dma_start3A_235 : memref<1x1x64xf32, #tpu.memory_space<hbm>> -> memref<64xf32, #tpu.memory_space<hbm>>
      %dma_start3A_237 = arith.constant 0 : i32
      %dma_start3A_238 = tpu.memref_slice %arg13[%shift_right_arithmetic3A_228, %and3A_230, %dma_start3A_237] : memref<16x8x64xf32, #tpu.memory_space<vmem>> -> memref<1x1x64xf32, #tpu.memory_space<vmem>>
      %dma_start3A_239 = tpu.memref_squeeze %dma_start3A_238 : memref<1x1x64xf32, #tpu.memory_space<vmem>> -> memref<64xf32, #tpu.memory_space<vmem>>
      %dma_start3A_240 = arith.constant 0 : i32
      %dma_start3A_241 = tpu.memref_slice %arg5[%shift_right_arithmetic3A_205, %and3A_206, %dma_start3A_240] : memref<12500x8x64xf32, #tpu.memory_space<hbm>> -> memref<1x1x64xf32, #tpu.memory_space<hbm>>
      %dma_start3A_242 = tpu.memref_squeeze %dma_start3A_241 : memref<1x1x64xf32, #tpu.memory_space<hbm>> -> memref<64xf32, #tpu.memory_space<hbm>>
      tpu.enqueue_dma source(%dma_start3A_242 : memref<64xf32, #tpu.memory_space<hbm>>) target(%dma_start3A_239 : memref<64xf32, #tpu.memory_space<vmem>>) target_semaphore(%arg15 : memref<!tpu.dma_semaphore, #tpu.memory_space<semaphore_mem>>)
      %slice3A_243 = vector.extract_strided_slice %get3A_204 {offsets = [1], sizes = [1], strides = [1]} : vector<16xi32> to vector<1xi32>
      %squeeze3A_244 = vector.extract %slice3A_243[0] : i32 from vector<1xi32>
      %shift_right_arithmetic3A_245 = arith.constant 3 : i32
      %shift_right_arithmetic3A_246 = arith.shrsi %squeeze3A_244, %shift_right_arithmetic3A_245 : i32
      %and3A_247 = arith.constant 7 : i32
      %and3A_248 = arith.andi %squeeze3A_244, %and3A_247 : i32
      %mul3A_249 = arith.constant 16 : i32
      %mul3A_250 = arith.muli %add3A_198, %mul3A_249 : i32
      %add3A_251 = arith.constant 1 : i32
      %add3A_252 = arith.addi %mul3A_250, %add3A_251 : i32
      %shift_right_arithmetic3A_253 = arith.constant 3 : i32
      %shift_right_arithmetic3A_254 = arith.shrsi %add3A_252, %shift_right_arithmetic3A_253 : i32
      %and3A_255 = arith.constant 7 : i32
      %and3A_256 = arith.andi %add3A_252, %and3A_255 : i32
      %dma_start3A_257 = arith.constant 0 : i32
      %dma_start3A_258 = tpu.memref_slice %arg11[%shift_right_arithmetic3A_254, %and3A_256, %dma_start3A_257] : memref<16x8x64xf32, #tpu.memory_space<vmem>> -> memref<1x1x64xf32, #tpu.memory_space<vmem>>
      %dma_start3A_259 = tpu.memref_squeeze %dma_start3A_258 : memref<1x1x64xf32, #tpu.memory_space<vmem>> -> memref<64xf32, #tpu.memory_space<vmem>>
      %dma_start3A_260 = arith.constant 0 : i32
      %dma_start3A_261 = tpu.memref_slice %arg4[%shift_right_arithmetic3A_246, %and3A_248, %dma_start3A_260] : memref<12500x8x64xf32, #tpu.memory_space<hbm>> -> memref<1x1x64xf32, #tpu.memory_space<hbm>>
      %dma_start3A_262 = tpu.memref_squeeze %dma_start3A_261 : memref<1x1x64xf32, #tpu.memory_space<hbm>> -> memref<64xf32, #tpu.memory_space<hbm>>
      %dma_start3A_263 = arith.constant 0 : i32
      %dma_start3A_264 = tpu.memref_slice %arg11[%shift_right_arithmetic3A_254, %and3A_256, %dma_start3A_263] : memref<16x8x64xf32, #tpu.memory_space<vmem>> -> memref<1x1x64xf32, #tpu.memory_space<vmem>>
      %dma_start3A_265 = tpu.memref_squeeze %dma_start3A_264 : memref<1x1x64xf32, #tpu.memory_space<vmem>> -> memref<64xf32, #tpu.memory_space<vmem>>
      %dma_start3A_266 = arith.constant 0 : i32
      %dma_start3A_267 = tpu.memref_slice %arg4[%shift_right_arithmetic3A_246, %and3A_248, %dma_start3A_266] : memref<12500x8x64xf32, #tpu.memory_space<hbm>> -> memref<1x1x64xf32, #tpu.memory_space<hbm>>
      %dma_start3A_268 = tpu.memref_squeeze %dma_start3A_267 : memref<1x1x64xf32, #tpu.memory_space<hbm>> -> memref<64xf32, #tpu.memory_space<hbm>>
      tpu.enqueue_dma source(%dma_start3A_268 : memref<64xf32, #tpu.memory_space<hbm>>) target(%dma_start3A_265 : memref<64xf32, #tpu.memory_space<vmem>>) target_semaphore(%arg15 : memref<!tpu.dma_semaphore, #tpu.memory_space<semaphore_mem>>)
      %shift_right_arithmetic3A_269 = arith.constant 3 : i32
      %shift_right_arithmetic3A_270 = arith.shrsi %add3A_252, %shift_right_arithmetic3A_269 : i32
      %and3A_271 = arith.constant 7 : i32
      %and3A_272 = arith.andi %add3A_252, %and3A_271 : i32
      %dma_start3A_273 = arith.constant 0 : i32
      %dma_start3A_274 = tpu.memref_slice %arg13[%shift_right_arithmetic3A_270, %and3A_272, %dma_start3A_273] : memref<16x8x64xf32, #tpu.memory_space<vmem>> -> memref<1x1x64xf32, #tpu.memory_space<vmem>>
      %dma_start3A_275 = tpu.memref_squeeze %dma_start3A_274 : memref<1x1x64xf32, #tpu.memory_space<vmem>> -> memref<64xf32, #tpu.memory_space<vmem>>
      %dma_start3A_276 = arith.constant 0 : i32
      %dma_start3A_277 = tpu.memref_slice %arg5[%shift_right_arithmetic3A_246, %and3A_248, %dma_start3A_276] : memref<12500x8x64xf32, #tpu.memory_space<hbm>> -> memref<1x1x64xf32, #tpu.memory_space<hbm>>
      %dma_start3A_278 = tpu.memref_squeeze %dma_start3A_277 : memref<1x1x64xf32, #tpu.memory_space<hbm>> -> memref<64xf32, #tpu.memory_space<hbm>>
      %dma_start3A_279 = arith.constant 0 : i32
      %dma_start3A_280 = tpu.memref_slice %arg13[%shift_right_arithmetic3A_270, %and3A_272, %dma_start3A_279] : memref<16x8x64xf32, #tpu.memory_space<vmem>> -> memref<1x1x64xf32, #tpu.memory_space<vmem>>
      %dma_start3A_281 = tpu.memref_squeeze %dma_start3A_280 : memref<1x1x64xf32, #tpu.memory_space<vmem>> -> memref<64xf32, #tpu.memory_space<vmem>>
      %dma_start3A_282 = arith.constant 0 : i32
      %dma_start3A_283 = tpu.memref_slice %arg5[%shift_right_arithmetic3A_246, %and3A_248, %dma_start3A_282] : memref<12500x8x64xf32, #tpu.memory_space<hbm>> -> memref<1x1x64xf32, #tpu.memory_space<hbm>>
      %dma_start3A_284 = tpu.memref_squeeze %dma_start3A_283 : memref<1x1x64xf32, #tpu.memory_space<hbm>> -> memref<64xf32, #tpu.memory_space<hbm>>
      tpu.enqueue_dma source(%dma_start3A_284 : memref<64xf32, #tpu.memory_space<hbm>>) target(%dma_start3A_281 : memref<64xf32, #tpu.memory_space<vmem>>) target_semaphore(%arg15 : memref<!tpu.dma_semaphore, #tpu.memory_space<semaphore_mem>>)
      %slice3A_285 = vector.extract_strided_slice %get3A_204 {offsets = [2], sizes = [1], strides = [1]} : vector<16xi32> to vector<1xi32>
      %squeeze3A_286 = vector.extract %slice3A_285[0] : i32 from vector<1xi32>
      %shift_right_arithmetic3A_287 = arith.constant 3 : i32
      %shift_right_arithmetic3A_288 = arith.shrsi %squeeze3A_286, %shift_right_arithmetic3A_287 : i32
      %and3A_289 = arith.constant 7 : i32
      %and3A_290 = arith.andi %squeeze3A_286, %and3A_289 : i32
      %mul3A_291 = arith.constant 16 : i32
      %mul3A_292 = arith.muli %add3A_198, %mul3A_291 : i32
      %add3A_293 = arith.constant 2 : i32
      %add3A_294 = arith.addi %mul3A_292, %add3A_293 : i32
      %shift_right_arithmetic3A_295 = arith.constant 3 : i32
      %shift_right_arithmetic3A_296 = arith.shrsi %add3A_294, %shift_right_arithmetic3A_295 : i32
      %and3A_297 = arith.constant 7 : i32
      %and3A_298 = arith.andi %add3A_294, %and3A_297 : i32
      %dma_start3A_299 = arith.constant 0 : i32
      %dma_start3A_300 = tpu.memref_slice %arg11[%shift_right_arithmetic3A_296, %and3A_298, %dma_start3A_299] : memref<16x8x64xf32, #tpu.memory_space<vmem>> -> memref<1x1x64xf32, #tpu.memory_space<vmem>>
      %dma_start3A_301 = tpu.memref_squeeze %dma_start3A_300 : memref<1x1x64xf32, #tpu.memory_space<vmem>> -> memref<64xf32, #tpu.memory_space<vmem>>
      %dma_start3A_302 = arith.constant 0 : i32
      %dma_start3A_303 = tpu.memref_slice %arg4[%shift_right_arithmetic3A_288, %and3A_290, %dma_start3A_302] : memref<12500x8x64xf32, #tpu.memory_space<hbm>> -> memref<1x1x64xf32, #tpu.memory_space<hbm>>
      %dma_start3A_304 = tpu.memref_squeeze %dma_start3A_303 : memref<1x1x64xf32, #tpu.memory_space<hbm>> -> memref<64xf32, #tpu.memory_space<hbm>>
      %dma_start3A_305 = arith.constant 0 : i32
      %dma_start3A_306 = tpu.memref_slice %arg11[%shift_right_arithmetic3A_296, %and3A_298, %dma_start3A_305] : memref<16x8x64xf32, #tpu.memory_space<vmem>> -> memref<1x1x64xf32, #tpu.memory_space<vmem>>
      %dma_start3A_307 = tpu.memref_squeeze %dma_start3A_306 : memref<1x1x64xf32, #tpu.memory_space<vmem>> -> memref<64xf32, #tpu.memory_space<vmem>>
      %dma_start3A_308 = arith.constant 0 : i32
      %dma_start3A_309 = tpu.memref_slice %arg4[%shift_right_arithmetic3A_288, %and3A_290, %dma_start3A_308] : memref<12500x8x64xf32, #tpu.memory_space<hbm>> -> memref<1x1x64xf32, #tpu.memory_space<hbm>>
      %dma_start3A_310 = tpu.memref_squeeze %dma_start3A_309 : memref<1x1x64xf32, #tpu.memory_space<hbm>> -> memref<64xf32, #tpu.memory_space<hbm>>
      tpu.enqueue_dma source(%dma_start3A_310 : memref<64xf32, #tpu.memory_space<hbm>>) target(%dma_start3A_307 : memref<64xf32, #tpu.memory_space<vmem>>) target_semaphore(%arg15 : memref<!tpu.dma_semaphore, #tpu.memory_space<semaphore_mem>>)
      %shift_right_arithmetic3A_311 = arith.constant 3 : i32
      %shift_right_arithmetic3A_312 = arith.shrsi %add3A_294, %shift_right_arithmetic3A_311 : i32
      %and3A_313 = arith.constant 7 : i32
      %and3A_314 = arith.andi %add3A_294, %and3A_313 : i32
      %dma_start3A_315 = arith.constant 0 : i32
      %dma_start3A_316 = tpu.memref_slice %arg13[%shift_right_arithmetic3A_312, %and3A_314, %dma_start3A_315] : memref<16x8x64xf32, #tpu.memory_space<vmem>> -> memref<1x1x64xf32, #tpu.memory_space<vmem>>
      %dma_start3A_317 = tpu.memref_squeeze %dma_start3A_316 : memref<1x1x64xf32, #tpu.memory_space<vmem>> -> memref<64xf32, #tpu.memory_space<vmem>>
      %dma_start3A_318 = arith.constant 0 : i32
      %dma_start3A_319 = tpu.memref_slice %arg5[%shift_right_arithmetic3A_288, %and3A_290, %dma_start3A_318] : memref<12500x8x64xf32, #tpu.memory_space<hbm>> -> memref<1x1x64xf32, #tpu.memory_space<hbm>>
      %dma_start3A_320 = tpu.memref_squeeze %dma_start3A_319 : memref<1x1x64xf32, #tpu.memory_space<hbm>> -> memref<64xf32, #tpu.memory_space<hbm>>
      %dma_start3A_321 = arith.constant 0 : i32
      %dma_start3A_322 = tpu.memref_slice %arg13[%shift_right_arithmetic3A_312, %and3A_314, %dma_start3A_321] : memref<16x8x64xf32, #tpu.memory_space<vmem>> -> memref<1x1x64xf32, #tpu.memory_space<vmem>>
      %dma_start3A_323 = tpu.memref_squeeze %dma_start3A_322 : memref<1x1x64xf32, #tpu.memory_space<vmem>> -> memref<64xf32, #tpu.memory_space<vmem>>
      %dma_start3A_324 = arith.constant 0 : i32
      %dma_start3A_325 = tpu.memref_slice %arg5[%shift_right_arithmetic3A_288, %and3A_290, %dma_start3A_324] : memref<12500x8x64xf32, #tpu.memory_space<hbm>> -> memref<1x1x64xf32, #tpu.memory_space<hbm>>
      %dma_start3A_326 = tpu.memref_squeeze %dma_start3A_325 : memref<1x1x64xf32, #tpu.memory_space<hbm>> -> memref<64xf32, #tpu.memory_space<hbm>>
      tpu.enqueue_dma source(%dma_start3A_326 : memref<64xf32, #tpu.memory_space<hbm>>) target(%dma_start3A_323 : memref<64xf32, #tpu.memory_space<vmem>>) target_semaphore(%arg15 : memref<!tpu.dma_semaphore, #tpu.memory_space<semaphore_mem>>)
      %slice3A_327 = vector.extract_strided_slice %get3A_204 {offsets = [3], sizes = [1], strides = [1]} : vector<16xi32> to vector<1xi32>
      %squeeze3A_328 = vector.extract %slice3A_327[0] : i32 from vector<1xi32>
      %shift_right_arithmetic3A_329 = arith.constant 3 : i32
      %shift_right_arithmetic3A_330 = arith.shrsi %squeeze3A_328, %shift_right_arithmetic3A_329 : i32
      %and3A_331 = arith.constant 7 : i32
      %and3A_332 = arith.andi %squeeze3A_328, %and3A_331 : i32
      %mul3A_333 = arith.constant 16 : i32
      %mul3A_334 = arith.muli %add3A_198, %mul3A_333 : i32
      %add3A_335 = arith.constant 3 : i32
      %add3A_336 = arith.addi %mul3A_334, %add3A_335 : i32
      %shift_right_arithmetic3A_337 = arith.constant 3 : i32
      %shift_right_arithmetic3A_338 = arith.shrsi %add3A_336, %shift_right_arithmetic3A_337 : i32
      %and3A_339 = arith.constant 7 : i32
      %and3A_340 = arith.andi %add3A_336, %and3A_339 : i32
      %dma_start3A_341 = arith.constant 0 : i32
      %dma_start3A_342 = tpu.memref_slice %arg11[%shift_right_arithmetic3A_338, %and3A_340, %dma_start3A_341] : memref<16x8x64xf32, #tpu.memory_space<vmem>> -> memref<1x1x64xf32, #tpu.memory_space<vmem>>
      %dma_start3A_343 = tpu.memref_squeeze %dma_start3A_342 : memref<1x1x64xf32, #tpu.memory_space<vmem>> -> memref<64xf32, #tpu.memory_space<vmem>>
      %dma_start3A_344 = arith.constant 0 : i32
      %dma_start3A_345 = tpu.memref_slice %arg4[%shift_right_arithmetic3A_330, %and3A_332, %dma_start3A_344] : memref<12500x8x64xf32, #tpu.memory_space<hbm>> -> memref<1x1x64xf32, #tpu.memory_space<hbm>>
      %dma_start3A_346 = tpu.memref_squeeze %dma_start3A_345 : memref<1x1x64xf32, #tpu.memory_space<hbm>> -> memref<64xf32, #tpu.memory_space<hbm>>
      %dma_start3A_347 = arith.constant 0 : i32
      %dma_start3A_348 = tpu.memref_slice %arg11[%shift_right_arithmetic3A_338, %and3A_340, %dma_start3A_347] : memref<16x8x64xf32, #tpu.memory_space<vmem>> -> memref<1x1x64xf32, #tpu.memory_space<vmem>>
      %dma_start3A_349 = tpu.memref_squeeze %dma_start3A_348 : memref<1x1x64xf32, #tpu.memory_space<vmem>> -> memref<64xf32, #tpu.memory_space<vmem>>
      %dma_start3A_350 = arith.constant 0 : i32
      %dma_start3A_351 = tpu.memref_slice %arg4[%shift_right_arithmetic3A_330, %and3A_332, %dma_start3A_350] : memref<12500x8x64xf32, #tpu.memory_space<hbm>> -> memref<1x1x64xf32, #tpu.memory_space<hbm>>
      %dma_start3A_352 = tpu.memref_squeeze %dma_start3A_351 : memref<1x1x64xf32, #tpu.memory_space<hbm>> -> memref<64xf32, #tpu.memory_space<hbm>>
      tpu.enqueue_dma source(%dma_start3A_352 : memref<64xf32, #tpu.memory_space<hbm>>) target(%dma_start3A_349 : memref<64xf32, #tpu.memory_space<vmem>>) target_semaphore(%arg15 : memref<!tpu.dma_semaphore, #tpu.memory_space<semaphore_mem>>)
      %shift_right_arithmetic3A_353 = arith.constant 3 : i32
      %shift_right_arithmetic3A_354 = arith.shrsi %add3A_336, %shift_right_arithmetic3A_353 : i32
      %and3A_355 = arith.constant 7 : i32
      %and3A_356 = arith.andi %add3A_336, %and3A_355 : i32
      %dma_start3A_357 = arith.constant 0 : i32
      %dma_start3A_358 = tpu.memref_slice %arg13[%shift_right_arithmetic3A_354, %and3A_356, %dma_start3A_357] : memref<16x8x64xf32, #tpu.memory_space<vmem>> -> memref<1x1x64xf32, #tpu.memory_space<vmem>>
      %dma_start3A_359 = tpu.memref_squeeze %dma_start3A_358 : memref<1x1x64xf32, #tpu.memory_space<vmem>> -> memref<64xf32, #tpu.memory_space<vmem>>
      %dma_start3A_360 = arith.constant 0 : i32
      %dma_start3A_361 = tpu.memref_slice %arg5[%shift_right_arithmetic3A_330, %and3A_332, %dma_start3A_360] : memref<12500x8x64xf32, #tpu.memory_space<hbm>> -> memref<1x1x64xf32, #tpu.memory_space<hbm>>
      %dma_start3A_362 = tpu.memref_squeeze %dma_start3A_361 : memref<1x1x64xf32, #tpu.memory_space<hbm>> -> memref<64xf32, #tpu.memory_space<hbm>>
      %dma_start3A_363 = arith.constant 0 : i32
      %dma_start3A_364 = tpu.memref_slice %arg13[%shift_right_arithmetic3A_354, %and3A_356, %dma_start3A_363] : memref<16x8x64xf32, #tpu.memory_space<vmem>> -> memref<1x1x64xf32, #tpu.memory_space<vmem>>
      %dma_start3A_365 = tpu.memref_squeeze %dma_start3A_364 : memref<1x1x64xf32, #tpu.memory_space<vmem>> -> memref<64xf32, #tpu.memory_space<vmem>>
      %dma_start3A_366 = arith.constant 0 : i32
      %dma_start3A_367 = tpu.memref_slice %arg5[%shift_right_arithmetic3A_330, %and3A_332, %dma_start3A_366] : memref<12500x8x64xf32, #tpu.memory_space<hbm>> -> memref<1x1x64xf32, #tpu.memory_space<hbm>>
      %dma_start3A_368 = tpu.memref_squeeze %dma_start3A_367 : memref<1x1x64xf32, #tpu.memory_space<hbm>> -> memref<64xf32, #tpu.memory_space<hbm>>
      tpu.enqueue_dma source(%dma_start3A_368 : memref<64xf32, #tpu.memory_space<hbm>>) target(%dma_start3A_365 : memref<64xf32, #tpu.memory_space<vmem>>) target_semaphore(%arg15 : memref<!tpu.dma_semaphore, #tpu.memory_space<semaphore_mem>>)
      %slice3A_369 = vector.extract_strided_slice %get3A_204 {offsets = [4], sizes = [1], strides = [1]} : vector<16xi32> to vector<1xi32>
      %squeeze3A_370 = vector.extract %slice3A_369[0] : i32 from vector<1xi32>
      %shift_right_arithmetic3A_371 = arith.constant 3 : i32
      %shift_right_arithmetic3A_372 = arith.shrsi %squeeze3A_370, %shift_right_arithmetic3A_371 : i32
      %and3A_373 = arith.constant 7 : i32
      %and3A_374 = arith.andi %squeeze3A_370, %and3A_373 : i32
      %mul3A_375 = arith.constant 16 : i32
      %mul3A_376 = arith.muli %add3A_198, %mul3A_375 : i32
      %add3A_377 = arith.constant 4 : i32
      %add3A_378 = arith.addi %mul3A_376, %add3A_377 : i32
      %shift_right_arithmetic3A_379 = arith.constant 3 : i32
      %shift_right_arithmetic3A_380 = arith.shrsi %add3A_378, %shift_right_arithmetic3A_379 : i32
      %and3A_381 = arith.constant 7 : i32
      %and3A_382 = arith.andi %add3A_378, %and3A_381 : i32
      %dma_start3A_383 = arith.constant 0 : i32
      %dma_start3A_384 = tpu.memref_slice %arg11[%shift_right_arithmetic3A_380, %and3A_382, %dma_start3A_383] : memref<16x8x64xf32, #tpu.memory_space<vmem>> -> memref<1x1x64xf32, #tpu.memory_space<vmem>>
      %dma_start3A_385 = tpu.memref_squeeze %dma_start3A_384 : memref<1x1x64xf32, #tpu.memory_space<vmem>> -> memref<64xf32, #tpu.memory_space<vmem>>
      %dma_start3A_386 = arith.constant 0 : i32
      %dma_start3A_387 = tpu.memref_slice %arg4[%shift_right_arithmetic3A_372, %and3A_374, %dma_start3A_386] : memref<12500x8x64xf32, #tpu.memory_space<hbm>> -> memref<1x1x64xf32, #tpu.memory_space<hbm>>
      %dma_start3A_388 = tpu.memref_squeeze %dma_start3A_387 : memref<1x1x64xf32, #tpu.memory_space<hbm>> -> memref<64xf32, #tpu.memory_space<hbm>>
      %dma_start3A_389 = arith.constant 0 : i32
      %dma_start3A_390 = tpu.memref_slice %arg11[%shift_right_arithmetic3A_380, %and3A_382, %dma_start3A_389] : memref<16x8x64xf32, #tpu.memory_space<vmem>> -> memref<1x1x64xf32, #tpu.memory_space<vmem>>
      %dma_start3A_391 = tpu.memref_squeeze %dma_start3A_390 : memref<1x1x64xf32, #tpu.memory_space<vmem>> -> memref<64xf32, #tpu.memory_space<vmem>>
      %dma_start3A_392 = arith.constant 0 : i32
      %dma_start3A_393 = tpu.memref_slice %arg4[%shift_right_arithmetic3A_372, %and3A_374, %dma_start3A_392] : memref<12500x8x64xf32, #tpu.memory_space<hbm>> -> memref<1x1x64xf32, #tpu.memory_space<hbm>>
      %dma_start3A_394 = tpu.memref_squeeze %dma_start3A_393 : memref<1x1x64xf32, #tpu.memory_space<hbm>> -> memref<64xf32, #tpu.memory_space<hbm>>
      tpu.enqueue_dma source(%dma_start3A_394 : memref<64xf32, #tpu.memory_space<hbm>>) target(%dma_start3A_391 : memref<64xf32, #tpu.memory_space<vmem>>) target_semaphore(%arg15 : memref<!tpu.dma_semaphore, #tpu.memory_space<semaphore_mem>>)
      %shift_right_arithmetic3A_395 = arith.constant 3 : i32
      %shift_right_arithmetic3A_396 = arith.shrsi %add3A_378, %shift_right_arithmetic3A_395 : i32
      %and3A_397 = arith.constant 7 : i32
      %and3A_398 = arith.andi %add3A_378, %and3A_397 : i32
      %dma_start3A_399 = arith.constant 0 : i32
      %dma_start3A_400 = tpu.memref_slice %arg13[%shift_right_arithmetic3A_396, %and3A_398, %dma_start3A_399] : memref<16x8x64xf32, #tpu.memory_space<vmem>> -> memref<1x1x64xf32, #tpu.memory_space<vmem>>
      %dma_start3A_401 = tpu.memref_squeeze %dma_start3A_400 : memref<1x1x64xf32, #tpu.memory_space<vmem>> -> memref<64xf32, #tpu.memory_space<vmem>>
      %dma_start3A_402 = arith.constant 0 : i32
      %dma_start3A_403 = tpu.memref_slice %arg5[%shift_right_arithmetic3A_372, %and3A_374, %dma_start3A_402] : memref<12500x8x64xf32, #tpu.memory_space<hbm>> -> memref<1x1x64xf32, #tpu.memory_space<hbm>>
      %dma_start3A_404 = tpu.memref_squeeze %dma_start3A_403 : memref<1x1x64xf32, #tpu.memory_space<hbm>> -> memref<64xf32, #tpu.memory_space<hbm>>
      %dma_start3A_405 = arith.constant 0 : i32
      %dma_start3A_406 = tpu.memref_slice %arg13[%shift_right_arithmetic3A_396, %and3A_398, %dma_start3A_405] : memref<16x8x64xf32, #tpu.memory_space<vmem>> -> memref<1x1x64xf32, #tpu.memory_space<vmem>>
      %dma_start3A_407 = tpu.memref_squeeze %dma_start3A_406 : memref<1x1x64xf32, #tpu.memory_space<vmem>> -> memref<64xf32, #tpu.memory_space<vmem>>
      %dma_start3A_408 = arith.constant 0 : i32
      %dma_start3A_409 = tpu.memref_slice %arg5[%shift_right_arithmetic3A_372, %and3A_374, %dma_start3A_408] : memref<12500x8x64xf32, #tpu.memory_space<hbm>> -> memref<1x1x64xf32, #tpu.memory_space<hbm>>
      %dma_start3A_410 = tpu.memref_squeeze %dma_start3A_409 : memref<1x1x64xf32, #tpu.memory_space<hbm>> -> memref<64xf32, #tpu.memory_space<hbm>>
      tpu.enqueue_dma source(%dma_start3A_410 : memref<64xf32, #tpu.memory_space<hbm>>) target(%dma_start3A_407 : memref<64xf32, #tpu.memory_space<vmem>>) target_semaphore(%arg15 : memref<!tpu.dma_semaphore, #tpu.memory_space<semaphore_mem>>)
      %slice3A_411 = vector.extract_strided_slice %get3A_204 {offsets = [5], sizes = [1], strides = [1]} : vector<16xi32> to vector<1xi32>
      %squeeze3A_412 = vector.extract %slice3A_411[0] : i32 from vector<1xi32>
      %shift_right_arithmetic3A_413 = arith.constant 3 : i32
      %shift_right_arithmetic3A_414 = arith.shrsi %squeeze3A_412, %shift_right_arithmetic3A_413 : i32
      %and3A_415 = arith.constant 7 : i32
      %and3A_416 = arith.andi %squeeze3A_412, %and3A_415 : i32
      %mul3A_417 = arith.constant 16 : i32
      %mul3A_418 = arith.muli %add3A_198, %mul3A_417 : i32
      %add3A_419 = arith.constant 5 : i32
      %add3A_420 = arith.addi %mul3A_418, %add3A_419 : i32
      %shift_right_arithmetic3A_421 = arith.constant 3 : i32
      %shift_right_arithmetic3A_422 = arith.shrsi %add3A_420, %shift_right_arithmetic3A_421 : i32
      %and3A_423 = arith.constant 7 : i32
      %and3A_424 = arith.andi %add3A_420, %and3A_423 : i32
      %dma_start3A_425 = arith.constant 0 : i32
      %dma_start3A_426 = tpu.memref_slice %arg11[%shift_right_arithmetic3A_422, %and3A_424, %dma_start3A_425] : memref<16x8x64xf32, #tpu.memory_space<vmem>> -> memref<1x1x64xf32, #tpu.memory_space<vmem>>
      %dma_start3A_427 = tpu.memref_squeeze %dma_start3A_426 : memref<1x1x64xf32, #tpu.memory_space<vmem>> -> memref<64xf32, #tpu.memory_space<vmem>>
      %dma_start3A_428 = arith.constant 0 : i32
      %dma_start3A_429 = tpu.memref_slice %arg4[%shift_right_arithmetic3A_414, %and3A_416, %dma_start3A_428] : memref<12500x8x64xf32, #tpu.memory_space<hbm>> -> memref<1x1x64xf32, #tpu.memory_space<hbm>>
      %dma_start3A_430 = tpu.memref_squeeze %dma_start3A_429 : memref<1x1x64xf32, #tpu.memory_space<hbm>> -> memref<64xf32, #tpu.memory_space<hbm>>
      %dma_start3A_431 = arith.constant 0 : i32
      %dma_start3A_432 = tpu.memref_slice %arg11[%shift_right_arithmetic3A_422, %and3A_424, %dma_start3A_431] : memref<16x8x64xf32, #tpu.memory_space<vmem>> -> memref<1x1x64xf32, #tpu.memory_space<vmem>>
      %dma_start3A_433 = tpu.memref_squeeze %dma_start3A_432 : memref<1x1x64xf32, #tpu.memory_space<vmem>> -> memref<64xf32, #tpu.memory_space<vmem>>
      %dma_start3A_434 = arith.constant 0 : i32
      %dma_start3A_435 = tpu.memref_slice %arg4[%shift_right_arithmetic3A_414, %and3A_416, %dma_start3A_434] : memref<12500x8x64xf32, #tpu.memory_space<hbm>> -> memref<1x1x64xf32, #tpu.memory_space<hbm>>
      %dma_start3A_436 = tpu.memref_squeeze %dma_start3A_435 : memref<1x1x64xf32, #tpu.memory_space<hbm>> -> memref<64xf32, #tpu.memory_space<hbm>>
      tpu.enqueue_dma source(%dma_start3A_436 : memref<64xf32, #tpu.memory_space<hbm>>) target(%dma_start3A_433 : memref<64xf32, #tpu.memory_space<vmem>>) target_semaphore(%arg15 : memref<!tpu.dma_semaphore, #tpu.memory_space<semaphore_mem>>)
      %shift_right_arithmetic3A_437 = arith.constant 3 : i32
      %shift_right_arithmetic3A_438 = arith.shrsi %add3A_420, %shift_right_arithmetic3A_437 : i32
      %and3A_439 = arith.constant 7 : i32
      %and3A_440 = arith.andi %add3A_420, %and3A_439 : i32
      %dma_start3A_441 = arith.constant 0 : i32
      %dma_start3A_442 = tpu.memref_slice %arg13[%shift_right_arithmetic3A_438, %and3A_440, %dma_start3A_441] : memref<16x8x64xf32, #tpu.memory_space<vmem>> -> memref<1x1x64xf32, #tpu.memory_space<vmem>>
      %dma_start3A_443 = tpu.memref_squeeze %dma_start3A_442 : memref<1x1x64xf32, #tpu.memory_space<vmem>> -> memref<64xf32, #tpu.memory_space<vmem>>
      %dma_start3A_444 = arith.constant 0 : i32
      %dma_start3A_445 = tpu.memref_slice %arg5[%shift_right_arithmetic3A_414, %and3A_416, %dma_start3A_444] : memref<12500x8x64xf32, #tpu.memory_space<hbm>> -> memref<1x1x64xf32, #tpu.memory_space<hbm>>
      %dma_start3A_446 = tpu.memref_squeeze %dma_start3A_445 : memref<1x1x64xf32, #tpu.memory_space<hbm>> -> memref<64xf32, #tpu.memory_space<hbm>>
      %dma_start3A_447 = arith.constant 0 : i32
      %dma_start3A_448 = tpu.memref_slice %arg13[%shift_right_arithmetic3A_438, %and3A_440, %dma_start3A_447] : memref<16x8x64xf32, #tpu.memory_space<vmem>> -> memref<1x1x64xf32, #tpu.memory_space<vmem>>
      %dma_start3A_449 = tpu.memref_squeeze %dma_start3A_448 : memref<1x1x64xf32, #tpu.memory_space<vmem>> -> memref<64xf32, #tpu.memory_space<vmem>>
      %dma_start3A_450 = arith.constant 0 : i32
      %dma_start3A_451 = tpu.memref_slice %arg5[%shift_right_arithmetic3A_414, %and3A_416, %dma_start3A_450] : memref<12500x8x64xf32, #tpu.memory_space<hbm>> -> memref<1x1x64xf32, #tpu.memory_space<hbm>>
      %dma_start3A_452 = tpu.memref_squeeze %dma_start3A_451 : memref<1x1x64xf32, #tpu.memory_space<hbm>> -> memref<64xf32, #tpu.memory_space<hbm>>
      tpu.enqueue_dma source(%dma_start3A_452 : memref<64xf32, #tpu.memory_space<hbm>>) target(%dma_start3A_449 : memref<64xf32, #tpu.memory_space<vmem>>) target_semaphore(%arg15 : memref<!tpu.dma_semaphore, #tpu.memory_space<semaphore_mem>>)
      %slice3A_453 = vector.extract_strided_slice %get3A_204 {offsets = [6], sizes = [1], strides = [1]} : vector<16xi32> to vector<1xi32>
      %squeeze3A_454 = vector.extract %slice3A_453[0] : i32 from vector<1xi32>
      %shift_right_arithmetic3A_455 = arith.constant 3 : i32
      %shift_right_arithmetic3A_456 = arith.shrsi %squeeze3A_454, %shift_right_arithmetic3A_455 : i32
      %and3A_457 = arith.constant 7 : i32
      %and3A_458 = arith.andi %squeeze3A_454, %and3A_457 : i32
      %mul3A_459 = arith.constant 16 : i32
      %mul3A_460 = arith.muli %add3A_198, %mul3A_459 : i32
      %add3A_461 = arith.constant 6 : i32
      %add3A_462 = arith.addi %mul3A_460, %add3A_461 : i32
      %shift_right_arithmetic3A_463 = arith.constant 3 : i32
      %shift_right_arithmetic3A_464 = arith.shrsi %add3A_462, %shift_right_arithmetic3A_463 : i32
      %and3A_465 = arith.constant 7 : i32
      %and3A_466 = arith.andi %add3A_462, %and3A_465 : i32
      %dma_start3A_467 = arith.constant 0 : i32
      %dma_start3A_468 = tpu.memref_slice %arg11[%shift_right_arithmetic3A_464, %and3A_466, %dma_start3A_467] : memref<16x8x64xf32, #tpu.memory_space<vmem>> -> memref<1x1x64xf32, #tpu.memory_space<vmem>>
      %dma_start3A_469 = tpu.memref_squeeze %dma_start3A_468 : memref<1x1x64xf32, #tpu.memory_space<vmem>> -> memref<64xf32, #tpu.memory_space<vmem>>
      %dma_start3A_470 = arith.constant 0 : i32
      %dma_start3A_471 = tpu.memref_slice %arg4[%shift_right_arithmetic3A_456, %and3A_458, %dma_start3A_470] : memref<12500x8x64xf32, #tpu.memory_space<hbm>> -> memref<1x1x64xf32, #tpu.memory_space<hbm>>
      %dma_start3A_472 = tpu.memref_squeeze %dma_start3A_471 : memref<1x1x64xf32, #tpu.memory_space<hbm>> -> memref<64xf32, #tpu.memory_space<hbm>>
      %dma_start3A_473 = arith.constant 0 : i32
      %dma_start3A_474 = tpu.memref_slice %arg11[%shift_right_arithmetic3A_464, %and3A_466, %dma_start3A_473] : memref<16x8x64xf32, #tpu.memory_space<vmem>> -> memref<1x1x64xf32, #tpu.memory_space<vmem>>
      %dma_start3A_475 = tpu.memref_squeeze %dma_start3A_474 : memref<1x1x64xf32, #tpu.memory_space<vmem>> -> memref<64xf32, #tpu.memory_space<vmem>>
      %dma_start3A_476 = arith.constant 0 : i32
      %dma_start3A_477 = tpu.memref_slice %arg4[%shift_right_arithmetic3A_456, %and3A_458, %dma_start3A_476] : memref<12500x8x64xf32, #tpu.memory_space<hbm>> -> memref<1x1x64xf32, #tpu.memory_space<hbm>>
      %dma_start3A_478 = tpu.memref_squeeze %dma_start3A_477 : memref<1x1x64xf32, #tpu.memory_space<hbm>> -> memref<64xf32, #tpu.memory_space<hbm>>
      tpu.enqueue_dma source(%dma_start3A_478 : memref<64xf32, #tpu.memory_space<hbm>>) target(%dma_start3A_475 : memref<64xf32, #tpu.memory_space<vmem>>) target_semaphore(%arg15 : memref<!tpu.dma_semaphore, #tpu.memory_space<semaphore_mem>>)
      %shift_right_arithmetic3A_479 = arith.constant 3 : i32
      %shift_right_arithmetic3A_480 = arith.shrsi %add3A_462, %shift_right_arithmetic3A_479 : i32
      %and3A_481 = arith.constant 7 : i32
      %and3A_482 = arith.andi %add3A_462, %and3A_481 : i32
      %dma_start3A_483 = arith.constant 0 : i32
      %dma_start3A_484 = tpu.memref_slice %arg13[%shift_right_arithmetic3A_480, %and3A_482, %dma_start3A_483] : memref<16x8x64xf32, #tpu.memory_space<vmem>> -> memref<1x1x64xf32, #tpu.memory_space<vmem>>
      %dma_start3A_485 = tpu.memref_squeeze %dma_start3A_484 : memref<1x1x64xf32, #tpu.memory_space<vmem>> -> memref<64xf32, #tpu.memory_space<vmem>>
      %dma_start3A_486 = arith.constant 0 : i32
      %dma_start3A_487 = tpu.memref_slice %arg5[%shift_right_arithmetic3A_456, %and3A_458, %dma_start3A_486] : memref<12500x8x64xf32, #tpu.memory_space<hbm>> -> memref<1x1x64xf32, #tpu.memory_space<hbm>>
      %dma_start3A_488 = tpu.memref_squeeze %dma_start3A_487 : memref<1x1x64xf32, #tpu.memory_space<hbm>> -> memref<64xf32, #tpu.memory_space<hbm>>
      %dma_start3A_489 = arith.constant 0 : i32
      %dma_start3A_490 = tpu.memref_slice %arg13[%shift_right_arithmetic3A_480, %and3A_482, %dma_start3A_489] : memref<16x8x64xf32, #tpu.memory_space<vmem>> -> memref<1x1x64xf32, #tpu.memory_space<vmem>>
      %dma_start3A_491 = tpu.memref_squeeze %dma_start3A_490 : memref<1x1x64xf32, #tpu.memory_space<vmem>> -> memref<64xf32, #tpu.memory_space<vmem>>
      %dma_start3A_492 = arith.constant 0 : i32
      %dma_start3A_493 = tpu.memref_slice %arg5[%shift_right_arithmetic3A_456, %and3A_458, %dma_start3A_492] : memref<12500x8x64xf32, #tpu.memory_space<hbm>> -> memref<1x1x64xf32, #tpu.memory_space<hbm>>
      %dma_start3A_494 = tpu.memref_squeeze %dma_start3A_493 : memref<1x1x64xf32, #tpu.memory_space<hbm>> -> memref<64xf32, #tpu.memory_space<hbm>>
      tpu.enqueue_dma source(%dma_start3A_494 : memref<64xf32, #tpu.memory_space<hbm>>) target(%dma_start3A_491 : memref<64xf32, #tpu.memory_space<vmem>>) target_semaphore(%arg15 : memref<!tpu.dma_semaphore, #tpu.memory_space<semaphore_mem>>)
      %slice3A_495 = vector.extract_strided_slice %get3A_204 {offsets = [7], sizes = [1], strides = [1]} : vector<16xi32> to vector<1xi32>
      %squeeze3A_496 = vector.extract %slice3A_495[0] : i32 from vector<1xi32>
      %shift_right_arithmetic3A_497 = arith.constant 3 : i32
      %shift_right_arithmetic3A_498 = arith.shrsi %squeeze3A_496, %shift_right_arithmetic3A_497 : i32
      %and3A_499 = arith.constant 7 : i32
      %and3A_500 = arith.andi %squeeze3A_496, %and3A_499 : i32
      %mul3A_501 = arith.constant 16 : i32
      %mul3A_502 = arith.muli %add3A_198, %mul3A_501 : i32
      %add3A_503 = arith.constant 7 : i32
      %add3A_504 = arith.addi %mul3A_502, %add3A_503 : i32
      %shift_right_arithmetic3A_505 = arith.constant 3 : i32
      %shift_right_arithmetic3A_506 = arith.shrsi %add3A_504, %shift_right_arithmetic3A_505 : i32
      %and3A_507 = arith.constant 7 : i32
      %and3A_508 = arith.andi %add3A_504, %and3A_507 : i32
      %dma_start3A_509 = arith.constant 0 : i32
      %dma_start3A_510 = tpu.memref_slice %arg11[%shift_right_arithmetic3A_506, %and3A_508, %dma_start3A_509] : memref<16x8x64xf32, #tpu.memory_space<vmem>> -> memref<1x1x64xf32, #tpu.memory_space<vmem>>
      %dma_start3A_511 = tpu.memref_squeeze %dma_start3A_510 : memref<1x1x64xf32, #tpu.memory_space<vmem>> -> memref<64xf32, #tpu.memory_space<vmem>>
      %dma_start3A_512 = arith.constant 0 : i32
      %dma_start3A_513 = tpu.memref_slice %arg4[%shift_right_arithmetic3A_498, %and3A_500, %dma_start3A_512] : memref<12500x8x64xf32, #tpu.memory_space<hbm>> -> memref<1x1x64xf32, #tpu.memory_space<hbm>>
      %dma_start3A_514 = tpu.memref_squeeze %dma_start3A_513 : memref<1x1x64xf32, #tpu.memory_space<hbm>> -> memref<64xf32, #tpu.memory_space<hbm>>
      %dma_start3A_515 = arith.constant 0 : i32
      %dma_start3A_516 = tpu.memref_slice %arg11[%shift_right_arithmetic3A_506, %and3A_508, %dma_start3A_515] : memref<16x8x64xf32, #tpu.memory_space<vmem>> -> memref<1x1x64xf32, #tpu.memory_space<vmem>>
      %dma_start3A_517 = tpu.memref_squeeze %dma_start3A_516 : memref<1x1x64xf32, #tpu.memory_space<vmem>> -> memref<64xf32, #tpu.memory_space<vmem>>
      %dma_start3A_518 = arith.constant 0 : i32
      %dma_start3A_519 = tpu.memref_slice %arg4[%shift_right_arithmetic3A_498, %and3A_500, %dma_start3A_518] : memref<12500x8x64xf32, #tpu.memory_space<hbm>> -> memref<1x1x64xf32, #tpu.memory_space<hbm>>
      %dma_start3A_520 = tpu.memref_squeeze %dma_start3A_519 : memref<1x1x64xf32, #tpu.memory_space<hbm>> -> memref<64xf32, #tpu.memory_space<hbm>>
      tpu.enqueue_dma source(%dma_start3A_520 : memref<64xf32, #tpu.memory_space<hbm>>) target(%dma_start3A_517 : memref<64xf32, #tpu.memory_space<vmem>>) target_semaphore(%arg15 : memref<!tpu.dma_semaphore, #tpu.memory_space<semaphore_mem>>)
      %shift_right_arithmetic3A_521 = arith.constant 3 : i32
      %shift_right_arithmetic3A_522 = arith.shrsi %add3A_504, %shift_right_arithmetic3A_521 : i32
      %and3A_523 = arith.constant 7 : i32
      %and3A_524 = arith.andi %add3A_504, %and3A_523 : i32
      %dma_start3A_525 = arith.constant 0 : i32
      %dma_start3A_526 = tpu.memref_slice %arg13[%shift_right_arithmetic3A_522, %and3A_524, %dma_start3A_525] : memref<16x8x64xf32, #tpu.memory_space<vmem>> -> memref<1x1x64xf32, #tpu.memory_space<vmem>>
      %dma_start3A_527 = tpu.memref_squeeze %dma_start3A_526 : memref<1x1x64xf32, #tpu.memory_space<vmem>> -> memref<64xf32, #tpu.memory_space<vmem>>
      %dma_start3A_528 = arith.constant 0 : i32
      %dma_start3A_529 = tpu.memref_slice %arg5[%shift_right_arithmetic3A_498, %and3A_500, %dma_start3A_528] : memref<12500x8x64xf32, #tpu.memory_space<hbm>> -> memref<1x1x64xf32, #tpu.memory_space<hbm>>
      %dma_start3A_530 = tpu.memref_squeeze %dma_start3A_529 : memref<1x1x64xf32, #tpu.memory_space<hbm>> -> memref<64xf32, #tpu.memory_space<hbm>>
      %dma_start3A_531 = arith.constant 0 : i32
      %dma_start3A_532 = tpu.memref_slice %arg13[%shift_right_arithmetic3A_522, %and3A_524, %dma_start3A_531] : memref<16x8x64xf32, #tpu.memory_space<vmem>> -> memref<1x1x64xf32, #tpu.memory_space<vmem>>
      %dma_start3A_533 = tpu.memref_squeeze %dma_start3A_532 : memref<1x1x64xf32, #tpu.memory_space<vmem>> -> memref<64xf32, #tpu.memory_space<vmem>>
      %dma_start3A_534 = arith.constant 0 : i32
      %dma_start3A_535 = tpu.memref_slice %arg5[%shift_right_arithmetic3A_498, %and3A_500, %dma_start3A_534] : memref<12500x8x64xf32, #tpu.memory_space<hbm>> -> memref<1x1x64xf32, #tpu.memory_space<hbm>>
      %dma_start3A_536 = tpu.memref_squeeze %dma_start3A_535 : memref<1x1x64xf32, #tpu.memory_space<hbm>> -> memref<64xf32, #tpu.memory_space<hbm>>
      tpu.enqueue_dma source(%dma_start3A_536 : memref<64xf32, #tpu.memory_space<hbm>>) target(%dma_start3A_533 : memref<64xf32, #tpu.memory_space<vmem>>) target_semaphore(%arg15 : memref<!tpu.dma_semaphore, #tpu.memory_space<semaphore_mem>>)
      %slice3A_537 = vector.extract_strided_slice %get3A_204 {offsets = [8], sizes = [1], strides = [1]} : vector<16xi32> to vector<1xi32>
      %squeeze3A_538 = vector.extract %slice3A_537[0] : i32 from vector<1xi32>
      %shift_right_arithmetic3A_539 = arith.constant 3 : i32
      %shift_right_arithmetic3A_540 = arith.shrsi %squeeze3A_538, %shift_right_arithmetic3A_539 : i32
      %and3A_541 = arith.constant 7 : i32
      %and3A_542 = arith.andi %squeeze3A_538, %and3A_541 : i32
      %mul3A_543 = arith.constant 16 : i32
      %mul3A_544 = arith.muli %add3A_198, %mul3A_543 : i32
      %add3A_545 = arith.constant 8 : i32
      %add3A_546 = arith.addi %mul3A_544, %add3A_545 : i32
      %shift_right_arithmetic3A_547 = arith.constant 3 : i32
      %shift_right_arithmetic3A_548 = arith.shrsi %add3A_546, %shift_right_arithmetic3A_547 : i32
      %and3A_549 = arith.constant 7 : i32
      %and3A_550 = arith.andi %add3A_546, %and3A_549 : i32
      %dma_start3A_551 = arith.constant 0 : i32
      %dma_start3A_552 = tpu.memref_slice %arg11[%shift_right_arithmetic3A_548, %and3A_550, %dma_start3A_551] : memref<16x8x64xf32, #tpu.memory_space<vmem>> -> memref<1x1x64xf32, #tpu.memory_space<vmem>>
      %dma_start3A_553 = tpu.memref_squeeze %dma_start3A_552 : memref<1x1x64xf32, #tpu.memory_space<vmem>> -> memref<64xf32, #tpu.memory_space<vmem>>
      %dma_start3A_554 = arith.constant 0 : i32
      %dma_start3A_555 = tpu.memref_slice %arg4[%shift_right_arithmetic3A_540, %and3A_542, %dma_start3A_554] : memref<12500x8x64xf32, #tpu.memory_space<hbm>> -> memref<1x1x64xf32, #tpu.memory_space<hbm>>
      %dma_start3A_556 = tpu.memref_squeeze %dma_start3A_555 : memref<1x1x64xf32, #tpu.memory_space<hbm>> -> memref<64xf32, #tpu.memory_space<hbm>>
      %dma_start3A_557 = arith.constant 0 : i32
      %dma_start3A_558 = tpu.memref_slice %arg11[%shift_right_arithmetic3A_548, %and3A_550, %dma_start3A_557] : memref<16x8x64xf32, #tpu.memory_space<vmem>> -> memref<1x1x64xf32, #tpu.memory_space<vmem>>
      %dma_start3A_559 = tpu.memref_squeeze %dma_start3A_558 : memref<1x1x64xf32, #tpu.memory_space<vmem>> -> memref<64xf32, #tpu.memory_space<vmem>>
      %dma_start3A_560 = arith.constant 0 : i32
      %dma_start3A_561 = tpu.memref_slice %arg4[%shift_right_arithmetic3A_540, %and3A_542, %dma_start3A_560] : memref<12500x8x64xf32, #tpu.memory_space<hbm>> -> memref<1x1x64xf32, #tpu.memory_space<hbm>>
      %dma_start3A_562 = tpu.memref_squeeze %dma_start3A_561 : memref<1x1x64xf32, #tpu.memory_space<hbm>> -> memref<64xf32, #tpu.memory_space<hbm>>
      tpu.enqueue_dma source(%dma_start3A_562 : memref<64xf32, #tpu.memory_space<hbm>>) target(%dma_start3A_559 : memref<64xf32, #tpu.memory_space<vmem>>) target_semaphore(%arg15 : memref<!tpu.dma_semaphore, #tpu.memory_space<semaphore_mem>>)
      %shift_right_arithmetic3A_563 = arith.constant 3 : i32
      %shift_right_arithmetic3A_564 = arith.shrsi %add3A_546, %shift_right_arithmetic3A_563 : i32
      %and3A_565 = arith.constant 7 : i32
      %and3A_566 = arith.andi %add3A_546, %and3A_565 : i32
      %dma_start3A_567 = arith.constant 0 : i32
      %dma_start3A_568 = tpu.memref_slice %arg13[%shift_right_arithmetic3A_564, %and3A_566, %dma_start3A_567] : memref<16x8x64xf32, #tpu.memory_space<vmem>> -> memref<1x1x64xf32, #tpu.memory_space<vmem>>
      %dma_start3A_569 = tpu.memref_squeeze %dma_start3A_568 : memref<1x1x64xf32, #tpu.memory_space<vmem>> -> memref<64xf32, #tpu.memory_space<vmem>>
      %dma_start3A_570 = arith.constant 0 : i32
      %dma_start3A_571 = tpu.memref_slice %arg5[%shift_right_arithmetic3A_540, %and3A_542, %dma_start3A_570] : memref<12500x8x64xf32, #tpu.memory_space<hbm>> -> memref<1x1x64xf32, #tpu.memory_space<hbm>>
      %dma_start3A_572 = tpu.memref_squeeze %dma_start3A_571 : memref<1x1x64xf32, #tpu.memory_space<hbm>> -> memref<64xf32, #tpu.memory_space<hbm>>
      %dma_start3A_573 = arith.constant 0 : i32
      %dma_start3A_574 = tpu.memref_slice %arg13[%shift_right_arithmetic3A_564, %and3A_566, %dma_start3A_573] : memref<16x8x64xf32, #tpu.memory_space<vmem>> -> memref<1x1x64xf32, #tpu.memory_space<vmem>>
      %dma_start3A_575 = tpu.memref_squeeze %dma_start3A_574 : memref<1x1x64xf32, #tpu.memory_space<vmem>> -> memref<64xf32, #tpu.memory_space<vmem>>
      %dma_start3A_576 = arith.constant 0 : i32
      %dma_start3A_577 = tpu.memref_slice %arg5[%shift_right_arithmetic3A_540, %and3A_542, %dma_start3A_576] : memref<12500x8x64xf32, #tpu.memory_space<hbm>> -> memref<1x1x64xf32, #tpu.memory_space<hbm>>
      %dma_start3A_578 = tpu.memref_squeeze %dma_start3A_577 : memref<1x1x64xf32, #tpu.memory_space<hbm>> -> memref<64xf32, #tpu.memory_space<hbm>>
      tpu.enqueue_dma source(%dma_start3A_578 : memref<64xf32, #tpu.memory_space<hbm>>) target(%dma_start3A_575 : memref<64xf32, #tpu.memory_space<vmem>>) target_semaphore(%arg15 : memref<!tpu.dma_semaphore, #tpu.memory_space<semaphore_mem>>)
      %slice3A_579 = vector.extract_strided_slice %get3A_204 {offsets = [9], sizes = [1], strides = [1]} : vector<16xi32> to vector<1xi32>
      %squeeze3A_580 = vector.extract %slice3A_579[0] : i32 from vector<1xi32>
      %shift_right_arithmetic3A_581 = arith.constant 3 : i32
      %shift_right_arithmetic3A_582 = arith.shrsi %squeeze3A_580, %shift_right_arithmetic3A_581 : i32
      %and3A_583 = arith.constant 7 : i32
      %and3A_584 = arith.andi %squeeze3A_580, %and3A_583 : i32
      %mul3A_585 = arith.constant 16 : i32
      %mul3A_586 = arith.muli %add3A_198, %mul3A_585 : i32
      %add3A_587 = arith.constant 9 : i32
      %add3A_588 = arith.addi %mul3A_586, %add3A_587 : i32
      %shift_right_arithmetic3A_589 = arith.constant 3 : i32
      %shift_right_arithmetic3A_590 = arith.shrsi %add3A_588, %shift_right_arithmetic3A_589 : i32
      %and3A_591 = arith.constant 7 : i32
      %and3A_592 = arith.andi %add3A_588, %and3A_591 : i32
      %dma_start3A_593 = arith.constant 0 : i32
      %dma_start3A_594 = tpu.memref_slice %arg11[%shift_right_arithmetic3A_590, %and3A_592, %dma_start3A_593] : memref<16x8x64xf32, #tpu.memory_space<vmem>> -> memref<1x1x64xf32, #tpu.memory_space<vmem>>
      %dma_start3A_595 = tpu.memref_squeeze %dma_start3A_594 : memref<1x1x64xf32, #tpu.memory_space<vmem>> -> memref<64xf32, #tpu.memory_space<vmem>>
      %dma_start3A_596 = arith.constant 0 : i32
      %dma_start3A_597 = tpu.memref_slice %arg4[%shift_right_arithmetic3A_582, %and3A_584, %dma_start3A_596] : memref<12500x8x64xf32, #tpu.memory_space<hbm>> -> memref<1x1x64xf32, #tpu.memory_space<hbm>>
      %dma_start3A_598 = tpu.memref_squeeze %dma_start3A_597 : memref<1x1x64xf32, #tpu.memory_space<hbm>> -> memref<64xf32, #tpu.memory_space<hbm>>
      %dma_start3A_599 = arith.constant 0 : i32
      %dma_start3A_600 = tpu.memref_slice %arg11[%shift_right_arithmetic3A_590, %and3A_592, %dma_start3A_599] : memref<16x8x64xf32, #tpu.memory_space<vmem>> -> memref<1x1x64xf32, #tpu.memory_space<vmem>>
      %dma_start3A_601 = tpu.memref_squeeze %dma_start3A_600 : memref<1x1x64xf32, #tpu.memory_space<vmem>> -> memref<64xf32, #tpu.memory_space<vmem>>
      %dma_start3A_602 = arith.constant 0 : i32
      %dma_start3A_603 = tpu.memref_slice %arg4[%shift_right_arithmetic3A_582, %and3A_584, %dma_start3A_602] : memref<12500x8x64xf32, #tpu.memory_space<hbm>> -> memref<1x1x64xf32, #tpu.memory_space<hbm>>
      %dma_start3A_604 = tpu.memref_squeeze %dma_start3A_603 : memref<1x1x64xf32, #tpu.memory_space<hbm>> -> memref<64xf32, #tpu.memory_space<hbm>>
      tpu.enqueue_dma source(%dma_start3A_604 : memref<64xf32, #tpu.memory_space<hbm>>) target(%dma_start3A_601 : memref<64xf32, #tpu.memory_space<vmem>>) target_semaphore(%arg15 : memref<!tpu.dma_semaphore, #tpu.memory_space<semaphore_mem>>)
      %shift_right_arithmetic3A_605 = arith.constant 3 : i32
      %shift_right_arithmetic3A_606 = arith.shrsi %add3A_588, %shift_right_arithmetic3A_605 : i32
      %and3A_607 = arith.constant 7 : i32
      %and3A_608 = arith.andi %add3A_588, %and3A_607 : i32
      %dma_start3A_609 = arith.constant 0 : i32
      %dma_start3A_610 = tpu.memref_slice %arg13[%shift_right_arithmetic3A_606, %and3A_608, %dma_start3A_609] : memref<16x8x64xf32, #tpu.memory_space<vmem>> -> memref<1x1x64xf32, #tpu.memory_space<vmem>>
      %dma_start3A_611 = tpu.memref_squeeze %dma_start3A_610 : memref<1x1x64xf32, #tpu.memory_space<vmem>> -> memref<64xf32, #tpu.memory_space<vmem>>
      %dma_start3A_612 = arith.constant 0 : i32
      %dma_start3A_613 = tpu.memref_slice %arg5[%shift_right_arithmetic3A_582, %and3A_584, %dma_start3A_612] : memref<12500x8x64xf32, #tpu.memory_space<hbm>> -> memref<1x1x64xf32, #tpu.memory_space<hbm>>
      %dma_start3A_614 = tpu.memref_squeeze %dma_start3A_613 : memref<1x1x64xf32, #tpu.memory_space<hbm>> -> memref<64xf32, #tpu.memory_space<hbm>>
      %dma_start3A_615 = arith.constant 0 : i32
      %dma_start3A_616 = tpu.memref_slice %arg13[%shift_right_arithmetic3A_606, %and3A_608, %dma_start3A_615] : memref<16x8x64xf32, #tpu.memory_space<vmem>> -> memref<1x1x64xf32, #tpu.memory_space<vmem>>
      %dma_start3A_617 = tpu.memref_squeeze %dma_start3A_616 : memref<1x1x64xf32, #tpu.memory_space<vmem>> -> memref<64xf32, #tpu.memory_space<vmem>>
      %dma_start3A_618 = arith.constant 0 : i32
      %dma_start3A_619 = tpu.memref_slice %arg5[%shift_right_arithmetic3A_582, %and3A_584, %dma_start3A_618] : memref<12500x8x64xf32, #tpu.memory_space<hbm>> -> memref<1x1x64xf32, #tpu.memory_space<hbm>>
      %dma_start3A_620 = tpu.memref_squeeze %dma_start3A_619 : memref<1x1x64xf32, #tpu.memory_space<hbm>> -> memref<64xf32, #tpu.memory_space<hbm>>
      tpu.enqueue_dma source(%dma_start3A_620 : memref<64xf32, #tpu.memory_space<hbm>>) target(%dma_start3A_617 : memref<64xf32, #tpu.memory_space<vmem>>) target_semaphore(%arg15 : memref<!tpu.dma_semaphore, #tpu.memory_space<semaphore_mem>>)
      %slice3A_621 = vector.extract_strided_slice %get3A_204 {offsets = [10], sizes = [1], strides = [1]} : vector<16xi32> to vector<1xi32>
      %squeeze3A_622 = vector.extract %slice3A_621[0] : i32 from vector<1xi32>
      %shift_right_arithmetic3A_623 = arith.constant 3 : i32
      %shift_right_arithmetic3A_624 = arith.shrsi %squeeze3A_622, %shift_right_arithmetic3A_623 : i32
      %and3A_625 = arith.constant 7 : i32
      %and3A_626 = arith.andi %squeeze3A_622, %and3A_625 : i32
      %mul3A_627 = arith.constant 16 : i32
      %mul3A_628 = arith.muli %add3A_198, %mul3A_627 : i32
      %add3A_629 = arith.constant 10 : i32
      %add3A_630 = arith.addi %mul3A_628, %add3A_629 : i32
      %shift_right_arithmetic3A_631 = arith.constant 3 : i32
      %shift_right_arithmetic3A_632 = arith.shrsi %add3A_630, %shift_right_arithmetic3A_631 : i32
      %and3A_633 = arith.constant 7 : i32
      %and3A_634 = arith.andi %add3A_630, %and3A_633 : i32
      %dma_start3A_635 = arith.constant 0 : i32
      %dma_start3A_636 = tpu.memref_slice %arg11[%shift_right_arithmetic3A_632, %and3A_634, %dma_start3A_635] : memref<16x8x64xf32, #tpu.memory_space<vmem>> -> memref<1x1x64xf32, #tpu.memory_space<vmem>>
      %dma_start3A_637 = tpu.memref_squeeze %dma_start3A_636 : memref<1x1x64xf32, #tpu.memory_space<vmem>> -> memref<64xf32, #tpu.memory_space<vmem>>
      %dma_start3A_638 = arith.constant 0 : i32
      %dma_start3A_639 = tpu.memref_slice %arg4[%shift_right_arithmetic3A_624, %and3A_626, %dma_start3A_638] : memref<12500x8x64xf32, #tpu.memory_space<hbm>> -> memref<1x1x64xf32, #tpu.memory_space<hbm>>
      %dma_start3A_640 = tpu.memref_squeeze %dma_start3A_639 : memref<1x1x64xf32, #tpu.memory_space<hbm>> -> memref<64xf32, #tpu.memory_space<hbm>>
      %dma_start3A_641 = arith.constant 0 : i32
      %dma_start3A_642 = tpu.memref_slice %arg11[%shift_right_arithmetic3A_632, %and3A_634, %dma_start3A_641] : memref<16x8x64xf32, #tpu.memory_space<vmem>> -> memref<1x1x64xf32, #tpu.memory_space<vmem>>
      %dma_start3A_643 = tpu.memref_squeeze %dma_start3A_642 : memref<1x1x64xf32, #tpu.memory_space<vmem>> -> memref<64xf32, #tpu.memory_space<vmem>>
      %dma_start3A_644 = arith.constant 0 : i32
      %dma_start3A_645 = tpu.memref_slice %arg4[%shift_right_arithmetic3A_624, %and3A_626, %dma_start3A_644] : memref<12500x8x64xf32, #tpu.memory_space<hbm>> -> memref<1x1x64xf32, #tpu.memory_space<hbm>>
      %dma_start3A_646 = tpu.memref_squeeze %dma_start3A_645 : memref<1x1x64xf32, #tpu.memory_space<hbm>> -> memref<64xf32, #tpu.memory_space<hbm>>
      tpu.enqueue_dma source(%dma_start3A_646 : memref<64xf32, #tpu.memory_space<hbm>>) target(%dma_start3A_643 : memref<64xf32, #tpu.memory_space<vmem>>) target_semaphore(%arg15 : memref<!tpu.dma_semaphore, #tpu.memory_space<semaphore_mem>>)
      %shift_right_arithmetic3A_647 = arith.constant 3 : i32
      %shift_right_arithmetic3A_648 = arith.shrsi %add3A_630, %shift_right_arithmetic3A_647 : i32
      %and3A_649 = arith.constant 7 : i32
      %and3A_650 = arith.andi %add3A_630, %and3A_649 : i32
      %dma_start3A_651 = arith.constant 0 : i32
      %dma_start3A_652 = tpu.memref_slice %arg13[%shift_right_arithmetic3A_648, %and3A_650, %dma_start3A_651] : memref<16x8x64xf32, #tpu.memory_space<vmem>> -> memref<1x1x64xf32, #tpu.memory_space<vmem>>
      %dma_start3A_653 = tpu.memref_squeeze %dma_start3A_652 : memref<1x1x64xf32, #tpu.memory_space<vmem>> -> memref<64xf32, #tpu.memory_space<vmem>>
      %dma_start3A_654 = arith.constant 0 : i32
      %dma_start3A_655 = tpu.memref_slice %arg5[%shift_right_arithmetic3A_624, %and3A_626, %dma_start3A_654] : memref<12500x8x64xf32, #tpu.memory_space<hbm>> -> memref<1x1x64xf32, #tpu.memory_space<hbm>>
      %dma_start3A_656 = tpu.memref_squeeze %dma_start3A_655 : memref<1x1x64xf32, #tpu.memory_space<hbm>> -> memref<64xf32, #tpu.memory_space<hbm>>
      %dma_start3A_657 = arith.constant 0 : i32
      %dma_start3A_658 = tpu.memref_slice %arg13[%shift_right_arithmetic3A_648, %and3A_650, %dma_start3A_657] : memref<16x8x64xf32, #tpu.memory_space<vmem>> -> memref<1x1x64xf32, #tpu.memory_space<vmem>>
      %dma_start3A_659 = tpu.memref_squeeze %dma_start3A_658 : memref<1x1x64xf32, #tpu.memory_space<vmem>> -> memref<64xf32, #tpu.memory_space<vmem>>
      %dma_start3A_660 = arith.constant 0 : i32
      %dma_start3A_661 = tpu.memref_slice %arg5[%shift_right_arithmetic3A_624, %and3A_626, %dma_start3A_660] : memref<12500x8x64xf32, #tpu.memory_space<hbm>> -> memref<1x1x64xf32, #tpu.memory_space<hbm>>
      %dma_start3A_662 = tpu.memref_squeeze %dma_start3A_661 : memref<1x1x64xf32, #tpu.memory_space<hbm>> -> memref<64xf32, #tpu.memory_space<hbm>>
      tpu.enqueue_dma source(%dma_start3A_662 : memref<64xf32, #tpu.memory_space<hbm>>) target(%dma_start3A_659 : memref<64xf32, #tpu.memory_space<vmem>>) target_semaphore(%arg15 : memref<!tpu.dma_semaphore, #tpu.memory_space<semaphore_mem>>)
      %slice3A_663 = vector.extract_strided_slice %get3A_204 {offsets = [11], sizes = [1], strides = [1]} : vector<16xi32> to vector<1xi32>
      %squeeze3A_664 = vector.extract %slice3A_663[0] : i32 from vector<1xi32>
      %shift_right_arithmetic3A_665 = arith.constant 3 : i32
      %shift_right_arithmetic3A_666 = arith.shrsi %squeeze3A_664, %shift_right_arithmetic3A_665 : i32
      %and3A_667 = arith.constant 7 : i32
      %and3A_668 = arith.andi %squeeze3A_664, %and3A_667 : i32
      %mul3A_669 = arith.constant 16 : i32
      %mul3A_670 = arith.muli %add3A_198, %mul3A_669 : i32
      %add3A_671 = arith.constant 11 : i32
      %add3A_672 = arith.addi %mul3A_670, %add3A_671 : i32
      %shift_right_arithmetic3A_673 = arith.constant 3 : i32
      %shift_right_arithmetic3A_674 = arith.shrsi %add3A_672, %shift_right_arithmetic3A_673 : i32
      %and3A_675 = arith.constant 7 : i32
      %and3A_676 = arith.andi %add3A_672, %and3A_675 : i32
      %dma_start3A_677 = arith.constant 0 : i32
      %dma_start3A_678 = tpu.memref_slice %arg11[%shift_right_arithmetic3A_674, %and3A_676, %dma_start3A_677] : memref<16x8x64xf32, #tpu.memory_space<vmem>> -> memref<1x1x64xf32, #tpu.memory_space<vmem>>
      %dma_start3A_679 = tpu.memref_squeeze %dma_start3A_678 : memref<1x1x64xf32, #tpu.memory_space<vmem>> -> memref<64xf32, #tpu.memory_space<vmem>>
      %dma_start3A_680 = arith.constant 0 : i32
      %dma_start3A_681 = tpu.memref_slice %arg4[%shift_right_arithmetic3A_666, %and3A_668, %dma_start3A_680] : memref<12500x8x64xf32, #tpu.memory_space<hbm>> -> memref<1x1x64xf32, #tpu.memory_space<hbm>>
      %dma_start3A_682 = tpu.memref_squeeze %dma_start3A_681 : memref<1x1x64xf32, #tpu.memory_space<hbm>> -> memref<64xf32, #tpu.memory_space<hbm>>
      %dma_start3A_683 = arith.constant 0 : i32
      %dma_start3A_684 = tpu.memref_slice %arg11[%shift_right_arithmetic3A_674, %and3A_676, %dma_start3A_683] : memref<16x8x64xf32, #tpu.memory_space<vmem>> -> memref<1x1x64xf32, #tpu.memory_space<vmem>>
      %dma_start3A_685 = tpu.memref_squeeze %dma_start3A_684 : memref<1x1x64xf32, #tpu.memory_space<vmem>> -> memref<64xf32, #tpu.memory_space<vmem>>
      %dma_start3A_686 = arith.constant 0 : i32
      %dma_start3A_687 = tpu.memref_slice %arg4[%shift_right_arithmetic3A_666, %and3A_668, %dma_start3A_686] : memref<12500x8x64xf32, #tpu.memory_space<hbm>> -> memref<1x1x64xf32, #tpu.memory_space<hbm>>
      %dma_start3A_688 = tpu.memref_squeeze %dma_start3A_687 : memref<1x1x64xf32, #tpu.memory_space<hbm>> -> memref<64xf32, #tpu.memory_space<hbm>>
      tpu.enqueue_dma source(%dma_start3A_688 : memref<64xf32, #tpu.memory_space<hbm>>) target(%dma_start3A_685 : memref<64xf32, #tpu.memory_space<vmem>>) target_semaphore(%arg15 : memref<!tpu.dma_semaphore, #tpu.memory_space<semaphore_mem>>)
      %shift_right_arithmetic3A_689 = arith.constant 3 : i32
      %shift_right_arithmetic3A_690 = arith.shrsi %add3A_672, %shift_right_arithmetic3A_689 : i32
      %and3A_691 = arith.constant 7 : i32
      %and3A_692 = arith.andi %add3A_672, %and3A_691 : i32
      %dma_start3A_693 = arith.constant 0 : i32
      %dma_start3A_694 = tpu.memref_slice %arg13[%shift_right_arithmetic3A_690, %and3A_692, %dma_start3A_693] : memref<16x8x64xf32, #tpu.memory_space<vmem>> -> memref<1x1x64xf32, #tpu.memory_space<vmem>>
      %dma_start3A_695 = tpu.memref_squeeze %dma_start3A_694 : memref<1x1x64xf32, #tpu.memory_space<vmem>> -> memref<64xf32, #tpu.memory_space<vmem>>
      %dma_start3A_696 = arith.constant 0 : i32
      %dma_start3A_697 = tpu.memref_slice %arg5[%shift_right_arithmetic3A_666, %and3A_668, %dma_start3A_696] : memref<12500x8x64xf32, #tpu.memory_space<hbm>> -> memref<1x1x64xf32, #tpu.memory_space<hbm>>
      %dma_start3A_698 = tpu.memref_squeeze %dma_start3A_697 : memref<1x1x64xf32, #tpu.memory_space<hbm>> -> memref<64xf32, #tpu.memory_space<hbm>>
      %dma_start3A_699 = arith.constant 0 : i32
      %dma_start3A_700 = tpu.memref_slice %arg13[%shift_right_arithmetic3A_690, %and3A_692, %dma_start3A_699] : memref<16x8x64xf32, #tpu.memory_space<vmem>> -> memref<1x1x64xf32, #tpu.memory_space<vmem>>
      %dma_start3A_701 = tpu.memref_squeeze %dma_start3A_700 : memref<1x1x64xf32, #tpu.memory_space<vmem>> -> memref<64xf32, #tpu.memory_space<vmem>>
      %dma_start3A_702 = arith.constant 0 : i32
      %dma_start3A_703 = tpu.memref_slice %arg5[%shift_right_arithmetic3A_666, %and3A_668, %dma_start3A_702] : memref<12500x8x64xf32, #tpu.memory_space<hbm>> -> memref<1x1x64xf32, #tpu.memory_space<hbm>>
      %dma_start3A_704 = tpu.memref_squeeze %dma_start3A_703 : memref<1x1x64xf32, #tpu.memory_space<hbm>> -> memref<64xf32, #tpu.memory_space<hbm>>
      tpu.enqueue_dma source(%dma_start3A_704 : memref<64xf32, #tpu.memory_space<hbm>>) target(%dma_start3A_701 : memref<64xf32, #tpu.memory_space<vmem>>) target_semaphore(%arg15 : memref<!tpu.dma_semaphore, #tpu.memory_space<semaphore_mem>>)
      %slice3A_705 = vector.extract_strided_slice %get3A_204 {offsets = [12], sizes = [1], strides = [1]} : vector<16xi32> to vector<1xi32>
      %squeeze3A_706 = vector.extract %slice3A_705[0] : i32 from vector<1xi32>
      %shift_right_arithmetic3A_707 = arith.constant 3 : i32
      %shift_right_arithmetic3A_708 = arith.shrsi %squeeze3A_706, %shift_right_arithmetic3A_707 : i32
      %and3A_709 = arith.constant 7 : i32
      %and3A_710 = arith.andi %squeeze3A_706, %and3A_709 : i32
      %mul3A_711 = arith.constant 16 : i32
      %mul3A_712 = arith.muli %add3A_198, %mul3A_711 : i32
      %add3A_713 = arith.constant 12 : i32
      %add3A_714 = arith.addi %mul3A_712, %add3A_713 : i32
      %shift_right_arithmetic3A_715 = arith.constant 3 : i32
      %shift_right_arithmetic3A_716 = arith.shrsi %add3A_714, %shift_right_arithmetic3A_715 : i32
      %and3A_717 = arith.constant 7 : i32
      %and3A_718 = arith.andi %add3A_714, %and3A_717 : i32
      %dma_start3A_719 = arith.constant 0 : i32
      %dma_start3A_720 = tpu.memref_slice %arg11[%shift_right_arithmetic3A_716, %and3A_718, %dma_start3A_719] : memref<16x8x64xf32, #tpu.memory_space<vmem>> -> memref<1x1x64xf32, #tpu.memory_space<vmem>>
      %dma_start3A_721 = tpu.memref_squeeze %dma_start3A_720 : memref<1x1x64xf32, #tpu.memory_space<vmem>> -> memref<64xf32, #tpu.memory_space<vmem>>
      %dma_start3A_722 = arith.constant 0 : i32
      %dma_start3A_723 = tpu.memref_slice %arg4[%shift_right_arithmetic3A_708, %and3A_710, %dma_start3A_722] : memref<12500x8x64xf32, #tpu.memory_space<hbm>> -> memref<1x1x64xf32, #tpu.memory_space<hbm>>
      %dma_start3A_724 = tpu.memref_squeeze %dma_start3A_723 : memref<1x1x64xf32, #tpu.memory_space<hbm>> -> memref<64xf32, #tpu.memory_space<hbm>>
      %dma_start3A_725 = arith.constant 0 : i32
      %dma_start3A_726 = tpu.memref_slice %arg11[%shift_right_arithmetic3A_716, %and3A_718, %dma_start3A_725] : memref<16x8x64xf32, #tpu.memory_space<vmem>> -> memref<1x1x64xf32, #tpu.memory_space<vmem>>
      %dma_start3A_727 = tpu.memref_squeeze %dma_start3A_726 : memref<1x1x64xf32, #tpu.memory_space<vmem>> -> memref<64xf32, #tpu.memory_space<vmem>>
      %dma_start3A_728 = arith.constant 0 : i32
      %dma_start3A_729 = tpu.memref_slice %arg4[%shift_right_arithmetic3A_708, %and3A_710, %dma_start3A_728] : memref<12500x8x64xf32, #tpu.memory_space<hbm>> -> memref<1x1x64xf32, #tpu.memory_space<hbm>>
      %dma_start3A_730 = tpu.memref_squeeze %dma_start3A_729 : memref<1x1x64xf32, #tpu.memory_space<hbm>> -> memref<64xf32, #tpu.memory_space<hbm>>
      tpu.enqueue_dma source(%dma_start3A_730 : memref<64xf32, #tpu.memory_space<hbm>>) target(%dma_start3A_727 : memref<64xf32, #tpu.memory_space<vmem>>) target_semaphore(%arg15 : memref<!tpu.dma_semaphore, #tpu.memory_space<semaphore_mem>>)
      %shift_right_arithmetic3A_731 = arith.constant 3 : i32
      %shift_right_arithmetic3A_732 = arith.shrsi %add3A_714, %shift_right_arithmetic3A_731 : i32
      %and3A_733 = arith.constant 7 : i32
      %and3A_734 = arith.andi %add3A_714, %and3A_733 : i32
      %dma_start3A_735 = arith.constant 0 : i32
      %dma_start3A_736 = tpu.memref_slice %arg13[%shift_right_arithmetic3A_732, %and3A_734, %dma_start3A_735] : memref<16x8x64xf32, #tpu.memory_space<vmem>> -> memref<1x1x64xf32, #tpu.memory_space<vmem>>
      %dma_start3A_737 = tpu.memref_squeeze %dma_start3A_736 : memref<1x1x64xf32, #tpu.memory_space<vmem>> -> memref<64xf32, #tpu.memory_space<vmem>>
      %dma_start3A_738 = arith.constant 0 : i32
      %dma_start3A_739 = tpu.memref_slice %arg5[%shift_right_arithmetic3A_708, %and3A_710, %dma_start3A_738] : memref<12500x8x64xf32, #tpu.memory_space<hbm>> -> memref<1x1x64xf32, #tpu.memory_space<hbm>>
      %dma_start3A_740 = tpu.memref_squeeze %dma_start3A_739 : memref<1x1x64xf32, #tpu.memory_space<hbm>> -> memref<64xf32, #tpu.memory_space<hbm>>
      %dma_start3A_741 = arith.constant 0 : i32
      %dma_start3A_742 = tpu.memref_slice %arg13[%shift_right_arithmetic3A_732, %and3A_734, %dma_start3A_741] : memref<16x8x64xf32, #tpu.memory_space<vmem>> -> memref<1x1x64xf32, #tpu.memory_space<vmem>>
      %dma_start3A_743 = tpu.memref_squeeze %dma_start3A_742 : memref<1x1x64xf32, #tpu.memory_space<vmem>> -> memref<64xf32, #tpu.memory_space<vmem>>
      %dma_start3A_744 = arith.constant 0 : i32
      %dma_start3A_745 = tpu.memref_slice %arg5[%shift_right_arithmetic3A_708, %and3A_710, %dma_start3A_744] : memref<12500x8x64xf32, #tpu.memory_space<hbm>> -> memref<1x1x64xf32, #tpu.memory_space<hbm>>
      %dma_start3A_746 = tpu.memref_squeeze %dma_start3A_745 : memref<1x1x64xf32, #tpu.memory_space<hbm>> -> memref<64xf32, #tpu.memory_space<hbm>>
      tpu.enqueue_dma source(%dma_start3A_746 : memref<64xf32, #tpu.memory_space<hbm>>) target(%dma_start3A_743 : memref<64xf32, #tpu.memory_space<vmem>>) target_semaphore(%arg15 : memref<!tpu.dma_semaphore, #tpu.memory_space<semaphore_mem>>)
      %slice3A_747 = vector.extract_strided_slice %get3A_204 {offsets = [13], sizes = [1], strides = [1]} : vector<16xi32> to vector<1xi32>
      %squeeze3A_748 = vector.extract %slice3A_747[0] : i32 from vector<1xi32>
      %shift_right_arithmetic3A_749 = arith.constant 3 : i32
      %shift_right_arithmetic3A_750 = arith.shrsi %squeeze3A_748, %shift_right_arithmetic3A_749 : i32
      %and3A_751 = arith.constant 7 : i32
      %and3A_752 = arith.andi %squeeze3A_748, %and3A_751 : i32
      %mul3A_753 = arith.constant 16 : i32
      %mul3A_754 = arith.muli %add3A_198, %mul3A_753 : i32
      %add3A_755 = arith.constant 13 : i32
      %add3A_756 = arith.addi %mul3A_754, %add3A_755 : i32
      %shift_right_arithmetic3A_757 = arith.constant 3 : i32
      %shift_right_arithmetic3A_758 = arith.shrsi %add3A_756, %shift_right_arithmetic3A_757 : i32
      %and3A_759 = arith.constant 7 : i32
      %and3A_760 = arith.andi %add3A_756, %and3A_759 : i32
      %dma_start3A_761 = arith.constant 0 : i32
      %dma_start3A_762 = tpu.memref_slice %arg11[%shift_right_arithmetic3A_758, %and3A_760, %dma_start3A_761] : memref<16x8x64xf32, #tpu.memory_space<vmem>> -> memref<1x1x64xf32, #tpu.memory_space<vmem>>
      %dma_start3A_763 = tpu.memref_squeeze %dma_start3A_762 : memref<1x1x64xf32, #tpu.memory_space<vmem>> -> memref<64xf32, #tpu.memory_space<vmem>>
      %dma_start3A_764 = arith.constant 0 : i32
      %dma_start3A_765 = tpu.memref_slice %arg4[%shift_right_arithmetic3A_750, %and3A_752, %dma_start3A_764] : memref<12500x8x64xf32, #tpu.memory_space<hbm>> -> memref<1x1x64xf32, #tpu.memory_space<hbm>>
      %dma_start3A_766 = tpu.memref_squeeze %dma_start3A_765 : memref<1x1x64xf32, #tpu.memory_space<hbm>> -> memref<64xf32, #tpu.memory_space<hbm>>
      %dma_start3A_767 = arith.constant 0 : i32
      %dma_start3A_768 = tpu.memref_slice %arg11[%shift_right_arithmetic3A_758, %and3A_760, %dma_start3A_767] : memref<16x8x64xf32, #tpu.memory_space<vmem>> -> memref<1x1x64xf32, #tpu.memory_space<vmem>>
      %dma_start3A_769 = tpu.memref_squeeze %dma_start3A_768 : memref<1x1x64xf32, #tpu.memory_space<vmem>> -> memref<64xf32, #tpu.memory_space<vmem>>
      %dma_start3A_770 = arith.constant 0 : i32
      %dma_start3A_771 = tpu.memref_slice %arg4[%shift_right_arithmetic3A_750, %and3A_752, %dma_start3A_770] : memref<12500x8x64xf32, #tpu.memory_space<hbm>> -> memref<1x1x64xf32, #tpu.memory_space<hbm>>
      %dma_start3A_772 = tpu.memref_squeeze %dma_start3A_771 : memref<1x1x64xf32, #tpu.memory_space<hbm>> -> memref<64xf32, #tpu.memory_space<hbm>>
      tpu.enqueue_dma source(%dma_start3A_772 : memref<64xf32, #tpu.memory_space<hbm>>) target(%dma_start3A_769 : memref<64xf32, #tpu.memory_space<vmem>>) target_semaphore(%arg15 : memref<!tpu.dma_semaphore, #tpu.memory_space<semaphore_mem>>)
      %shift_right_arithmetic3A_773 = arith.constant 3 : i32
      %shift_right_arithmetic3A_774 = arith.shrsi %add3A_756, %shift_right_arithmetic3A_773 : i32
      %and3A_775 = arith.constant 7 : i32
      %and3A_776 = arith.andi %add3A_756, %and3A_775 : i32
      %dma_start3A_777 = arith.constant 0 : i32
      %dma_start3A_778 = tpu.memref_slice %arg13[%shift_right_arithmetic3A_774, %and3A_776, %dma_start3A_777] : memref<16x8x64xf32, #tpu.memory_space<vmem>> -> memref<1x1x64xf32, #tpu.memory_space<vmem>>
      %dma_start3A_779 = tpu.memref_squeeze %dma_start3A_778 : memref<1x1x64xf32, #tpu.memory_space<vmem>> -> memref<64xf32, #tpu.memory_space<vmem>>
      %dma_start3A_780 = arith.constant 0 : i32
      %dma_start3A_781 = tpu.memref_slice %arg5[%shift_right_arithmetic3A_750, %and3A_752, %dma_start3A_780] : memref<12500x8x64xf32, #tpu.memory_space<hbm>> -> memref<1x1x64xf32, #tpu.memory_space<hbm>>
      %dma_start3A_782 = tpu.memref_squeeze %dma_start3A_781 : memref<1x1x64xf32, #tpu.memory_space<hbm>> -> memref<64xf32, #tpu.memory_space<hbm>>
      %dma_start3A_783 = arith.constant 0 : i32
      %dma_start3A_784 = tpu.memref_slice %arg13[%shift_right_arithmetic3A_774, %and3A_776, %dma_start3A_783] : memref<16x8x64xf32, #tpu.memory_space<vmem>> -> memref<1x1x64xf32, #tpu.memory_space<vmem>>
      %dma_start3A_785 = tpu.memref_squeeze %dma_start3A_784 : memref<1x1x64xf32, #tpu.memory_space<vmem>> -> memref<64xf32, #tpu.memory_space<vmem>>
      %dma_start3A_786 = arith.constant 0 : i32
      %dma_start3A_787 = tpu.memref_slice %arg5[%shift_right_arithmetic3A_750, %and3A_752, %dma_start3A_786] : memref<12500x8x64xf32, #tpu.memory_space<hbm>> -> memref<1x1x64xf32, #tpu.memory_space<hbm>>
      %dma_start3A_788 = tpu.memref_squeeze %dma_start3A_787 : memref<1x1x64xf32, #tpu.memory_space<hbm>> -> memref<64xf32, #tpu.memory_space<hbm>>
      tpu.enqueue_dma source(%dma_start3A_788 : memref<64xf32, #tpu.memory_space<hbm>>) target(%dma_start3A_785 : memref<64xf32, #tpu.memory_space<vmem>>) target_semaphore(%arg15 : memref<!tpu.dma_semaphore, #tpu.memory_space<semaphore_mem>>)
      %slice3A_789 = vector.extract_strided_slice %get3A_204 {offsets = [14], sizes = [1], strides = [1]} : vector<16xi32> to vector<1xi32>
      %squeeze3A_790 = vector.extract %slice3A_789[0] : i32 from vector<1xi32>
      %shift_right_arithmetic3A_791 = arith.constant 3 : i32
      %shift_right_arithmetic3A_792 = arith.shrsi %squeeze3A_790, %shift_right_arithmetic3A_791 : i32
      %and3A_793 = arith.constant 7 : i32
      %and3A_794 = arith.andi %squeeze3A_790, %and3A_793 : i32
      %mul3A_795 = arith.constant 16 : i32
      %mul3A_796 = arith.muli %add3A_198, %mul3A_795 : i32
      %add3A_797 = arith.constant 14 : i32
      %add3A_798 = arith.addi %mul3A_796, %add3A_797 : i32
      %shift_right_arithmetic3A_799 = arith.constant 3 : i32
      %shift_right_arithmetic3A_800 = arith.shrsi %add3A_798, %shift_right_arithmetic3A_799 : i32
      %and3A_801 = arith.constant 7 : i32
      %and3A_802 = arith.andi %add3A_798, %and3A_801 : i32
      %dma_start3A_803 = arith.constant 0 : i32
      %dma_start3A_804 = tpu.memref_slice %arg11[%shift_right_arithmetic3A_800, %and3A_802, %dma_start3A_803] : memref<16x8x64xf32, #tpu.memory_space<vmem>> -> memref<1x1x64xf32, #tpu.memory_space<vmem>>
      %dma_start3A_805 = tpu.memref_squeeze %dma_start3A_804 : memref<1x1x64xf32, #tpu.memory_space<vmem>> -> memref<64xf32, #tpu.memory_space<vmem>>
      %dma_start3A_806 = arith.constant 0 : i32
      %dma_start3A_807 = tpu.memref_slice %arg4[%shift_right_arithmetic3A_792, %and3A_794, %dma_start3A_806] : memref<12500x8x64xf32, #tpu.memory_space<hbm>> -> memref<1x1x64xf32, #tpu.memory_space<hbm>>
      %dma_start3A_808 = tpu.memref_squeeze %dma_start3A_807 : memref<1x1x64xf32, #tpu.memory_space<hbm>> -> memref<64xf32, #tpu.memory_space<hbm>>
      %dma_start3A_809 = arith.constant 0 : i32
      %dma_start3A_810 = tpu.memref_slice %arg11[%shift_right_arithmetic3A_800, %and3A_802, %dma_start3A_809] : memref<16x8x64xf32, #tpu.memory_space<vmem>> -> memref<1x1x64xf32, #tpu.memory_space<vmem>>
      %dma_start3A_811 = tpu.memref_squeeze %dma_start3A_810 : memref<1x1x64xf32, #tpu.memory_space<vmem>> -> memref<64xf32, #tpu.memory_space<vmem>>
      %dma_start3A_812 = arith.constant 0 : i32
      %dma_start3A_813 = tpu.memref_slice %arg4[%shift_right_arithmetic3A_792, %and3A_794, %dma_start3A_812] : memref<12500x8x64xf32, #tpu.memory_space<hbm>> -> memref<1x1x64xf32, #tpu.memory_space<hbm>>
      %dma_start3A_814 = tpu.memref_squeeze %dma_start3A_813 : memref<1x1x64xf32, #tpu.memory_space<hbm>> -> memref<64xf32, #tpu.memory_space<hbm>>
      tpu.enqueue_dma source(%dma_start3A_814 : memref<64xf32, #tpu.memory_space<hbm>>) target(%dma_start3A_811 : memref<64xf32, #tpu.memory_space<vmem>>) target_semaphore(%arg15 : memref<!tpu.dma_semaphore, #tpu.memory_space<semaphore_mem>>)
      %shift_right_arithmetic3A_815 = arith.constant 3 : i32
      %shift_right_arithmetic3A_816 = arith.shrsi %add3A_798, %shift_right_arithmetic3A_815 : i32
      %and3A_817 = arith.constant 7 : i32
      %and3A_818 = arith.andi %add3A_798, %and3A_817 : i32
      %dma_start3A_819 = arith.constant 0 : i32
      %dma_start3A_820 = tpu.memref_slice %arg13[%shift_right_arithmetic3A_816, %and3A_818, %dma_start3A_819] : memref<16x8x64xf32, #tpu.memory_space<vmem>> -> memref<1x1x64xf32, #tpu.memory_space<vmem>>
      %dma_start3A_821 = tpu.memref_squeeze %dma_start3A_820 : memref<1x1x64xf32, #tpu.memory_space<vmem>> -> memref<64xf32, #tpu.memory_space<vmem>>
      %dma_start3A_822 = arith.constant 0 : i32
      %dma_start3A_823 = tpu.memref_slice %arg5[%shift_right_arithmetic3A_792, %and3A_794, %dma_start3A_822] : memref<12500x8x64xf32, #tpu.memory_space<hbm>> -> memref<1x1x64xf32, #tpu.memory_space<hbm>>
      %dma_start3A_824 = tpu.memref_squeeze %dma_start3A_823 : memref<1x1x64xf32, #tpu.memory_space<hbm>> -> memref<64xf32, #tpu.memory_space<hbm>>
      %dma_start3A_825 = arith.constant 0 : i32
      %dma_start3A_826 = tpu.memref_slice %arg13[%shift_right_arithmetic3A_816, %and3A_818, %dma_start3A_825] : memref<16x8x64xf32, #tpu.memory_space<vmem>> -> memref<1x1x64xf32, #tpu.memory_space<vmem>>
      %dma_start3A_827 = tpu.memref_squeeze %dma_start3A_826 : memref<1x1x64xf32, #tpu.memory_space<vmem>> -> memref<64xf32, #tpu.memory_space<vmem>>
      %dma_start3A_828 = arith.constant 0 : i32
      %dma_start3A_829 = tpu.memref_slice %arg5[%shift_right_arithmetic3A_792, %and3A_794, %dma_start3A_828] : memref<12500x8x64xf32, #tpu.memory_space<hbm>> -> memref<1x1x64xf32, #tpu.memory_space<hbm>>
      %dma_start3A_830 = tpu.memref_squeeze %dma_start3A_829 : memref<1x1x64xf32, #tpu.memory_space<hbm>> -> memref<64xf32, #tpu.memory_space<hbm>>
      tpu.enqueue_dma source(%dma_start3A_830 : memref<64xf32, #tpu.memory_space<hbm>>) target(%dma_start3A_827 : memref<64xf32, #tpu.memory_space<vmem>>) target_semaphore(%arg15 : memref<!tpu.dma_semaphore, #tpu.memory_space<semaphore_mem>>)
      %slice3A_831 = vector.extract_strided_slice %get3A_204 {offsets = [15], sizes = [1], strides = [1]} : vector<16xi32> to vector<1xi32>
      %squeeze3A_832 = vector.extract %slice3A_831[0] : i32 from vector<1xi32>
      %shift_right_arithmetic3A_833 = arith.constant 3 : i32
      %shift_right_arithmetic3A_834 = arith.shrsi %squeeze3A_832, %shift_right_arithmetic3A_833 : i32
      %and3A_835 = arith.constant 7 : i32
      %and3A_836 = arith.andi %squeeze3A_832, %and3A_835 : i32
      %mul3A_837 = arith.constant 16 : i32
      %mul3A_838 = arith.muli %add3A_198, %mul3A_837 : i32
      %add3A_839 = arith.constant 15 : i32
      %add3A_840 = arith.addi %mul3A_838, %add3A_839 : i32
      %shift_right_arithmetic3A_841 = arith.constant 3 : i32
      %shift_right_arithmetic3A_842 = arith.shrsi %add3A_840, %shift_right_arithmetic3A_841 : i32
      %and3A_843 = arith.constant 7 : i32
      %and3A_844 = arith.andi %add3A_840, %and3A_843 : i32
      %dma_start3A_845 = arith.constant 0 : i32
      %dma_start3A_846 = tpu.memref_slice %arg11[%shift_right_arithmetic3A_842, %and3A_844, %dma_start3A_845] : memref<16x8x64xf32, #tpu.memory_space<vmem>> -> memref<1x1x64xf32, #tpu.memory_space<vmem>>
      %dma_start3A_847 = tpu.memref_squeeze %dma_start3A_846 : memref<1x1x64xf32, #tpu.memory_space<vmem>> -> memref<64xf32, #tpu.memory_space<vmem>>
      %dma_start3A_848 = arith.constant 0 : i32
      %dma_start3A_849 = tpu.memref_slice %arg4[%shift_right_arithmetic3A_834, %and3A_836, %dma_start3A_848] : memref<12500x8x64xf32, #tpu.memory_space<hbm>> -> memref<1x1x64xf32, #tpu.memory_space<hbm>>
      %dma_start3A_850 = tpu.memref_squeeze %dma_start3A_849 : memref<1x1x64xf32, #tpu.memory_space<hbm>> -> memref<64xf32, #tpu.memory_space<hbm>>
      %dma_start3A_851 = arith.constant 0 : i32
      %dma_start3A_852 = tpu.memref_slice %arg11[%shift_right_arithmetic3A_842, %and3A_844, %dma_start3A_851] : memref<16x8x64xf32, #tpu.memory_space<vmem>> -> memref<1x1x64xf32, #tpu.memory_space<vmem>>
      %dma_start3A_853 = tpu.memref_squeeze %dma_start3A_852 : memref<1x1x64xf32, #tpu.memory_space<vmem>> -> memref<64xf32, #tpu.memory_space<vmem>>
      %dma_start3A_854 = arith.constant 0 : i32
      %dma_start3A_855 = tpu.memref_slice %arg4[%shift_right_arithmetic3A_834, %and3A_836, %dma_start3A_854] : memref<12500x8x64xf32, #tpu.memory_space<hbm>> -> memref<1x1x64xf32, #tpu.memory_space<hbm>>
      %dma_start3A_856 = tpu.memref_squeeze %dma_start3A_855 : memref<1x1x64xf32, #tpu.memory_space<hbm>> -> memref<64xf32, #tpu.memory_space<hbm>>
      tpu.enqueue_dma source(%dma_start3A_856 : memref<64xf32, #tpu.memory_space<hbm>>) target(%dma_start3A_853 : memref<64xf32, #tpu.memory_space<vmem>>) target_semaphore(%arg15 : memref<!tpu.dma_semaphore, #tpu.memory_space<semaphore_mem>>)
      %shift_right_arithmetic3A_857 = arith.constant 3 : i32
      %shift_right_arithmetic3A_858 = arith.shrsi %add3A_840, %shift_right_arithmetic3A_857 : i32
      %and3A_859 = arith.constant 7 : i32
      %and3A_860 = arith.andi %add3A_840, %and3A_859 : i32
      %dma_start3A_861 = arith.constant 0 : i32
      %dma_start3A_862 = tpu.memref_slice %arg13[%shift_right_arithmetic3A_858, %and3A_860, %dma_start3A_861] : memref<16x8x64xf32, #tpu.memory_space<vmem>> -> memref<1x1x64xf32, #tpu.memory_space<vmem>>
      %dma_start3A_863 = tpu.memref_squeeze %dma_start3A_862 : memref<1x1x64xf32, #tpu.memory_space<vmem>> -> memref<64xf32, #tpu.memory_space<vmem>>
      %dma_start3A_864 = arith.constant 0 : i32
      %dma_start3A_865 = tpu.memref_slice %arg5[%shift_right_arithmetic3A_834, %and3A_836, %dma_start3A_864] : memref<12500x8x64xf32, #tpu.memory_space<hbm>> -> memref<1x1x64xf32, #tpu.memory_space<hbm>>
      %dma_start3A_866 = tpu.memref_squeeze %dma_start3A_865 : memref<1x1x64xf32, #tpu.memory_space<hbm>> -> memref<64xf32, #tpu.memory_space<hbm>>
      %dma_start3A_867 = arith.constant 0 : i32
      %dma_start3A_868 = tpu.memref_slice %arg13[%shift_right_arithmetic3A_858, %and3A_860, %dma_start3A_867] : memref<16x8x64xf32, #tpu.memory_space<vmem>> -> memref<1x1x64xf32, #tpu.memory_space<vmem>>
      %dma_start3A_869 = tpu.memref_squeeze %dma_start3A_868 : memref<1x1x64xf32, #tpu.memory_space<vmem>> -> memref<64xf32, #tpu.memory_space<vmem>>
      %dma_start3A_870 = arith.constant 0 : i32
      %dma_start3A_871 = tpu.memref_slice %arg5[%shift_right_arithmetic3A_834, %and3A_836, %dma_start3A_870] : memref<12500x8x64xf32, #tpu.memory_space<hbm>> -> memref<1x1x64xf32, #tpu.memory_space<hbm>>
      %dma_start3A_872 = tpu.memref_squeeze %dma_start3A_871 : memref<1x1x64xf32, #tpu.memory_space<hbm>> -> memref<64xf32, #tpu.memory_space<hbm>>
      tpu.enqueue_dma source(%dma_start3A_872 : memref<64xf32, #tpu.memory_space<hbm>>) target(%dma_start3A_869 : memref<64xf32, #tpu.memory_space<vmem>>) target_semaphore(%arg15 : memref<!tpu.dma_semaphore, #tpu.memory_space<semaphore_mem>>)
    }
    %scan3A_11 = arith.constant 8 : i32
    %add3A_12 = arith.constant 128 : i32
    %add3A_13 = arith.addi %mul3A_2, %add3A_12 : i32
    %dma_start3A_14 = arith.constant 0 : i32
    %dma_start3A_15 = tpu.memref_slice %arg2[%add3A_13, %dma_start3A_14] : memref<16384x128xf32, #tpu.memory_space<hbm>> -> memref<128x128xf32, #tpu.memory_space<hbm>>
    %dma_start3A_16 = arith.constant 0 : i32
    %dma_start3A_17 = tpu.memref_slice %arg2[%add3A_13, %dma_start3A_16] : memref<16384x128xf32, #tpu.memory_space<hbm>> -> memref<128x128xf32, #tpu.memory_space<hbm>>
    tpu.enqueue_dma source(%dma_start3A_17 : memref<128x128xf32, #tpu.memory_space<hbm>>) target(%arg9 : memref<128x128xf32, #tpu.memory_space<vmem>>) target_semaphore(%arg16 : memref<!tpu.dma_semaphore, #tpu.memory_space<semaphore_mem>>)
    %scan3A_18 = arith.constant 0 : i32
    %scan3A_19 = arith.constant 8 : i32
    %scan3A_20 = arith.addi %scan3A_18, %scan3A_19 : i32
    %scan3A_21 = arith.constant 1 : i32
    scf.for %scan3A_194 = %scan3A_18 to %scan3A_20 step %scan3A_21  : i32 {
      %mul3A_195 = arith.constant 1 : i32
      %mul3A_196 = arith.muli %scan3A_194, %mul3A_195 : i32
      %add3A_197 = arith.constant 0 : i32
      %add3A_198 = arith.addi %add3A_197, %mul3A_196 : i32
      %mul3A_199 = arith.constant 16 : i32
      %mul3A_200 = arith.muli %add3A_198, %mul3A_199 : i32
      %add3A_201 = arith.constant 128 : i32
      %add3A_202 = arith.addi %add3A_201, %mul3A_200 : i32
      %get3A = arith.index_cast %add3A_202 : i32 to index
      %get3A_203 = tpu.vector_load %arg7[%get3A] {strides = array<i32>} : memref<528xi32, #tpu.memory_space<vmem>>, vector<16xi32>,
      %get3A_204 = vector.shape_cast %get3A_203 : vector<16xi32> to vector<16xi32>
      %slice3A = vector.extract_strided_slice %get3A_204 {offsets = [0], sizes = [1], strides = [1]} : vector<16xi32> to vector<1xi32>
      %squeeze3A = vector.extract %slice3A[0] : i32 from vector<1xi32>
      %shift_right_arithmetic3A = arith.constant 3 : i32
      %shift_right_arithmetic3A_205 = arith.shrsi %squeeze3A, %shift_right_arithmetic3A : i32
      %and3A = arith.constant 7 : i32
      %and3A_206 = arith.andi %squeeze3A, %and3A : i32
      %mul3A_207 = arith.constant 16 : i32
      %mul3A_208 = arith.muli %add3A_198, %mul3A_207 : i32
      %add3A_209 = arith.constant 0 : i32
      %add3A_210 = arith.addi %mul3A_208, %add3A_209 : i32
      %shift_right_arithmetic3A_211 = arith.constant 3 : i32
      %shift_right_arithmetic3A_212 = arith.shrsi %add3A_210, %shift_right_arithmetic3A_211 : i32
      %and3A_213 = arith.constant 7 : i32
      %and3A_214 = arith.andi %add3A_210, %and3A_213 : i32
      %dma_start3A_215 = arith.constant 0 : i32
      %dma_start3A_216 = tpu.memref_slice %arg12[%shift_right_arithmetic3A_212, %and3A_214, %dma_start3A_215] : memref<16x8x64xf32, #tpu.memory_space<vmem>> -> memref<1x1x64xf32, #tpu.memory_space<vmem>>
      %dma_start3A_217 = tpu.memref_squeeze %dma_start3A_216 : memref<1x1x64xf32, #tpu.memory_space<vmem>> -> memref<64xf32, #tpu.memory_space<vmem>>
      %dma_start3A_218 = arith.constant 0 : i32
      %dma_start3A_219 = tpu.memref_slice %arg4[%shift_right_arithmetic3A_205, %and3A_206, %dma_start3A_218] : memref<12500x8x64xf32, #tpu.memory_space<hbm>> -> memref<1x1x64xf32, #tpu.memory_space<hbm>>
      %dma_start3A_220 = tpu.memref_squeeze %dma_start3A_219 : memref<1x1x64xf32, #tpu.memory_space<hbm>> -> memref<64xf32, #tpu.memory_space<hbm>>
      %dma_start3A_221 = arith.constant 0 : i32
      %dma_start3A_222 = tpu.memref_slice %arg12[%shift_right_arithmetic3A_212, %and3A_214, %dma_start3A_221] : memref<16x8x64xf32, #tpu.memory_space<vmem>> -> memref<1x1x64xf32, #tpu.memory_space<vmem>>
      %dma_start3A_223 = tpu.memref_squeeze %dma_start3A_222 : memref<1x1x64xf32, #tpu.memory_space<vmem>> -> memref<64xf32, #tpu.memory_space<vmem>>
      %dma_start3A_224 = arith.constant 0 : i32
      %dma_start3A_225 = tpu.memref_slice %arg4[%shift_right_arithmetic3A_205, %and3A_206, %dma_start3A_224] : memref<12500x8x64xf32, #tpu.memory_space<hbm>> -> memref<1x1x64xf32, #tpu.memory_space<hbm>>
      %dma_start3A_226 = tpu.memref_squeeze %dma_start3A_225 : memref<1x1x64xf32, #tpu.memory_space<hbm>> -> memref<64xf32, #tpu.memory_space<hbm>>
      tpu.enqueue_dma source(%dma_start3A_226 : memref<64xf32, #tpu.memory_space<hbm>>) target(%dma_start3A_223 : memref<64xf32, #tpu.memory_space<vmem>>) target_semaphore(%arg16 : memref<!tpu.dma_semaphore, #tpu.memory_space<semaphore_mem>>)
      %shift_right_arithmetic3A_227 = arith.constant 3 : i32
      %shift_right_arithmetic3A_228 = arith.shrsi %add3A_210, %shift_right_arithmetic3A_227 : i32
      %and3A_229 = arith.constant 7 : i32
      %and3A_230 = arith.andi %add3A_210, %and3A_229 : i32
      %dma_start3A_231 = arith.constant 0 : i32
      %dma_start3A_232 = tpu.memref_slice %arg14[%shift_right_arithmetic3A_228, %and3A_230, %dma_start3A_231] : memref<16x8x64xf32, #tpu.memory_space<vmem>> -> memref<1x1x64xf32, #tpu.memory_space<vmem>>
      %dma_start3A_233 = tpu.memref_squeeze %dma_start3A_232 : memref<1x1x64xf32, #tpu.memory_space<vmem>> -> memref<64xf32, #tpu.memory_space<vmem>>
      %dma_start3A_234 = arith.constant 0 : i32
      %dma_start3A_235 = tpu.memref_slice %arg5[%shift_right_arithmetic3A_205, %and3A_206, %dma_start3A_234] : memref<12500x8x64xf32, #tpu.memory_space<hbm>> -> memref<1x1x64xf32, #tpu.memory_space<hbm>>
      %dma_start3A_236 = tpu.memref_squeeze %dma_start3A_235 : memref<1x1x64xf32, #tpu.memory_space<hbm>> -> memref<64xf32, #tpu.memory_space<hbm>>
      %dma_start3A_237 = arith.constant 0 : i32
      %dma_start3A_238 = tpu.memref_slice %arg14[%shift_right_arithmetic3A_228, %and3A_230, %dma_start3A_237] : memref<16x8x64xf32, #tpu.memory_space<vmem>> -> memref<1x1x64xf32, #tpu.memory_space<vmem>>
      %dma_start3A_239 = tpu.memref_squeeze %dma_start3A_238 : memref<1x1x64xf32, #tpu.memory_space<vmem>> -> memref<64xf32, #tpu.memory_space<vmem>>
      %dma_start3A_240 = arith.constant 0 : i32
      %dma_start3A_241 = tpu.memref_slice %arg5[%shift_right_arithmetic3A_205, %and3A_206, %dma_start3A_240] : memref<12500x8x64xf32, #tpu.memory_space<hbm>> -> memref<1x1x64xf32, #tpu.memory_space<hbm>>
      %dma_start3A_242 = tpu.memref_squeeze %dma_start3A_241 : memref<1x1x64xf32, #tpu.memory_space<hbm>> -> memref<64xf32, #tpu.memory_space<hbm>>
      tpu.enqueue_dma source(%dma_start3A_242 : memref<64xf32, #tpu.memory_space<hbm>>) target(%dma_start3A_239 : memref<64xf32, #tpu.memory_space<vmem>>) target_semaphore(%arg16 : memref<!tpu.dma_semaphore, #tpu.memory_space<semaphore_mem>>)
      %slice3A_243 = vector.extract_strided_slice %get3A_204 {offsets = [1], sizes = [1], strides = [1]} : vector<16xi32> to vector<1xi32>
      %squeeze3A_244 = vector.extract %slice3A_243[0] : i32 from vector<1xi32>
      %shift_right_arithmetic3A_245 = arith.constant 3 : i32
      %shift_right_arithmetic3A_246 = arith.shrsi %squeeze3A_244, %shift_right_arithmetic3A_245 : i32
      %and3A_247 = arith.constant 7 : i32
      %and3A_248 = arith.andi %squeeze3A_244, %and3A_247 : i32
      %mul3A_249 = arith.constant 16 : i32
      %mul3A_250 = arith.muli %add3A_198, %mul3A_249 : i32
      %add3A_251 = arith.constant 1 : i32
      %add3A_252 = arith.addi %mul3A_250, %add3A_251 : i32
      %shift_right_arithmetic3A_253 = arith.constant 3 : i32
      %shift_right_arithmetic3A_254 = arith.shrsi %add3A_252, %shift_right_arithmetic3A_253 : i32
      %and3A_255 = arith.constant 7 : i32
      %and3A_256 = arith.andi %add3A_252, %and3A_255 : i32
      %dma_start3A_257 = arith.constant 0 : i32
      %dma_start3A_258 = tpu.memref_slice %arg12[%shift_right_arithmetic3A_254, %and3A_256, %dma_start3A_257] : memref<16x8x64xf32, #tpu.memory_space<vmem>> -> memref<1x1x64xf32, #tpu.memory_space<vmem>>
      %dma_start3A_259 = tpu.memref_squeeze %dma_start3A_258 : memref<1x1x64xf32, #tpu.memory_space<vmem>> -> memref<64xf32, #tpu.memory_space<vmem>>
      %dma_start3A_260 = arith.constant 0 : i32
      %dma_start3A_261 = tpu.memref_slice %arg4[%shift_right_arithmetic3A_246, %and3A_248, %dma_start3A_260] : memref<12500x8x64xf32, #tpu.memory_space<hbm>> -> memref<1x1x64xf32, #tpu.memory_space<hbm>>
      %dma_start3A_262 = tpu.memref_squeeze %dma_start3A_261 : memref<1x1x64xf32, #tpu.memory_space<hbm>> -> memref<64xf32, #tpu.memory_space<hbm>>
      %dma_start3A_263 = arith.constant 0 : i32
      %dma_start3A_264 = tpu.memref_slice %arg12[%shift_right_arithmetic3A_254, %and3A_256, %dma_start3A_263] : memref<16x8x64xf32, #tpu.memory_space<vmem>> -> memref<1x1x64xf32, #tpu.memory_space<vmem>>
      %dma_start3A_265 = tpu.memref_squeeze %dma_start3A_264 : memref<1x1x64xf32, #tpu.memory_space<vmem>> -> memref<64xf32, #tpu.memory_space<vmem>>
      %dma_start3A_266 = arith.constant 0 : i32
      %dma_start3A_267 = tpu.memref_slice %arg4[%shift_right_arithmetic3A_246, %and3A_248, %dma_start3A_266] : memref<12500x8x64xf32, #tpu.memory_space<hbm>> -> memref<1x1x64xf32, #tpu.memory_space<hbm>>
      %dma_start3A_268 = tpu.memref_squeeze %dma_start3A_267 : memref<1x1x64xf32, #tpu.memory_space<hbm>> -> memref<64xf32, #tpu.memory_space<hbm>>
      tpu.enqueue_dma source(%dma_start3A_268 : memref<64xf32, #tpu.memory_space<hbm>>) target(%dma_start3A_265 : memref<64xf32, #tpu.memory_space<vmem>>) target_semaphore(%arg16 : memref<!tpu.dma_semaphore, #tpu.memory_space<semaphore_mem>>)
      %shift_right_arithmetic3A_269 = arith.constant 3 : i32
      %shift_right_arithmetic3A_270 = arith.shrsi %add3A_252, %shift_right_arithmetic3A_269 : i32
      %and3A_271 = arith.constant 7 : i32
      %and3A_272 = arith.andi %add3A_252, %and3A_271 : i32
      %dma_start3A_273 = arith.constant 0 : i32
      %dma_start3A_274 = tpu.memref_slice %arg14[%shift_right_arithmetic3A_270, %and3A_272, %dma_start3A_273] : memref<16x8x64xf32, #tpu.memory_space<vmem>> -> memref<1x1x64xf32, #tpu.memory_space<vmem>>
      %dma_start3A_275 = tpu.memref_squeeze %dma_start3A_274 : memref<1x1x64xf32, #tpu.memory_space<vmem>> -> memref<64xf32, #tpu.memory_space<vmem>>
      %dma_start3A_276 = arith.constant 0 : i32
      %dma_start3A_277 = tpu.memref_slice %arg5[%shift_right_arithmetic3A_246, %and3A_248, %dma_start3A_276] : memref<12500x8x64xf32, #tpu.memory_space<hbm>> -> memref<1x1x64xf32, #tpu.memory_space<hbm>>
      %dma_start3A_278 = tpu.memref_squeeze %dma_start3A_277 : memref<1x1x64xf32, #tpu.memory_space<hbm>> -> memref<64xf32, #tpu.memory_space<hbm>>
      %dma_start3A_279 = arith.constant 0 : i32
      %dma_start3A_280 = tpu.memref_slice %arg14[%shift_right_arithmetic3A_270, %and3A_272, %dma_start3A_279] : memref<16x8x64xf32, #tpu.memory_space<vmem>> -> memref<1x1x64xf32, #tpu.memory_space<vmem>>
      %dma_start3A_281 = tpu.memref_squeeze %dma_start3A_280 : memref<1x1x64xf32, #tpu.memory_space<vmem>> -> memref<64xf32, #tpu.memory_space<vmem>>
      %dma_start3A_282 = arith.constant 0 : i32
      %dma_start3A_283 = tpu.memref_slice %arg5[%shift_right_arithmetic3A_246, %and3A_248, %dma_start3A_282] : memref<12500x8x64xf32, #tpu.memory_space<hbm>> -> memref<1x1x64xf32, #tpu.memory_space<hbm>>
      %dma_start3A_284 = tpu.memref_squeeze %dma_start3A_283 : memref<1x1x64xf32, #tpu.memory_space<hbm>> -> memref<64xf32, #tpu.memory_space<hbm>>
      tpu.enqueue_dma source(%dma_start3A_284 : memref<64xf32, #tpu.memory_space<hbm>>) target(%dma_start3A_281 : memref<64xf32, #tpu.memory_space<vmem>>) target_semaphore(%arg16 : memref<!tpu.dma_semaphore, #tpu.memory_space<semaphore_mem>>)
      %slice3A_285 = vector.extract_strided_slice %get3A_204 {offsets = [2], sizes = [1], strides = [1]} : vector<16xi32> to vector<1xi32>
      %squeeze3A_286 = vector.extract %slice3A_285[0] : i32 from vector<1xi32>
      %shift_right_arithmetic3A_287 = arith.constant 3 : i32
      %shift_right_arithmetic3A_288 = arith.shrsi %squeeze3A_286, %shift_right_arithmetic3A_287 : i32
      %and3A_289 = arith.constant 7 : i32
      %and3A_290 = arith.andi %squeeze3A_286, %and3A_289 : i32
      %mul3A_291 = arith.constant 16 : i32
      %mul3A_292 = arith.muli %add3A_198, %mul3A_291 : i32
      %add3A_293 = arith.constant 2 : i32
      %add3A_294 = arith.addi %mul3A_292, %add3A_293 : i32
      %shift_right_arithmetic3A_295 = arith.constant 3 : i32
      %shift_right_arithmetic3A_296 = arith.shrsi %add3A_294, %shift_right_arithmetic3A_295 : i32
      %and3A_297 = arith.constant 7 : i32
      %and3A_298 = arith.andi %add3A_294, %and3A_297 : i32
      %dma_start3A_299 = arith.constant 0 : i32
      %dma_start3A_300 = tpu.memref_slice %arg12[%shift_right_arithmetic3A_296, %and3A_298, %dma_start3A_299] : memref<16x8x64xf32, #tpu.memory_space<vmem>> -> memref<1x1x64xf32, #tpu.memory_space<vmem>>
      %dma_start3A_301 = tpu.memref_squeeze %dma_start3A_300 : memref<1x1x64xf32, #tpu.memory_space<vmem>> -> memref<64xf32, #tpu.memory_space<vmem>>
      %dma_start3A_302 = arith.constant 0 : i32
      %dma_start3A_303 = tpu.memref_slice %arg4[%shift_right_arithmetic3A_288, %and3A_290, %dma_start3A_302] : memref<12500x8x64xf32, #tpu.memory_space<hbm>> -> memref<1x1x64xf32, #tpu.memory_space<hbm>>
      %dma_start3A_304 = tpu.memref_squeeze %dma_start3A_303 : memref<1x1x64xf32, #tpu.memory_space<hbm>> -> memref<64xf32, #tpu.memory_space<hbm>>
      %dma_start3A_305 = arith.constant 0 : i32
      %dma_start3A_306 = tpu.memref_slice %arg12[%shift_right_arithmetic3A_296, %and3A_298, %dma_start3A_305] : memref<16x8x64xf32, #tpu.memory_space<vmem>> -> memref<1x1x64xf32, #tpu.memory_space<vmem>>
      %dma_start3A_307 = tpu.memref_squeeze %dma_start3A_306 : memref<1x1x64xf32, #tpu.memory_space<vmem>> -> memref<64xf32, #tpu.memory_space<vmem>>
      %dma_start3A_308 = arith.constant 0 : i32
      %dma_start3A_309 = tpu.memref_slice %arg4[%shift_right_arithmetic3A_288, %and3A_290, %dma_start3A_308] : memref<12500x8x64xf32, #tpu.memory_space<hbm>> -> memref<1x1x64xf32, #tpu.memory_space<hbm>>
      %dma_start3A_310 = tpu.memref_squeeze %dma_start3A_309 : memref<1x1x64xf32, #tpu.memory_space<hbm>> -> memref<64xf32, #tpu.memory_space<hbm>>
      tpu.enqueue_dma source(%dma_start3A_310 : memref<64xf32, #tpu.memory_space<hbm>>) target(%dma_start3A_307 : memref<64xf32, #tpu.memory_space<vmem>>) target_semaphore(%arg16 : memref<!tpu.dma_semaphore, #tpu.memory_space<semaphore_mem>>)
      %shift_right_arithmetic3A_311 = arith.constant 3 : i32
      %shift_right_arithmetic3A_312 = arith.shrsi %add3A_294, %shift_right_arithmetic3A_311 : i32
      %and3A_313 = arith.constant 7 : i32
      %and3A_314 = arith.andi %add3A_294, %and3A_313 : i32
      %dma_start3A_315 = arith.constant 0 : i32
      %dma_start3A_316 = tpu.memref_slice %arg14[%shift_right_arithmetic3A_312, %and3A_314, %dma_start3A_315] : memref<16x8x64xf32, #tpu.memory_space<vmem>> -> memref<1x1x64xf32, #tpu.memory_space<vmem>>
      %dma_start3A_317 = tpu.memref_squeeze %dma_start3A_316 : memref<1x1x64xf32, #tpu.memory_space<vmem>> -> memref<64xf32, #tpu.memory_space<vmem>>
      %dma_start3A_318 = arith.constant 0 : i32
      %dma_start3A_319 = tpu.memref_slice %arg5[%shift_right_arithmetic3A_288, %and3A_290, %dma_start3A_318] : memref<12500x8x64xf32, #tpu.memory_space<hbm>> -> memref<1x1x64xf32, #tpu.memory_space<hbm>>
      %dma_start3A_320 = tpu.memref_squeeze %dma_start3A_319 : memref<1x1x64xf32, #tpu.memory_space<hbm>> -> memref<64xf32, #tpu.memory_space<hbm>>
      %dma_start3A_321 = arith.constant 0 : i32
      %dma_start3A_322 = tpu.memref_slice %arg14[%shift_right_arithmetic3A_312, %and3A_314, %dma_start3A_321] : memref<16x8x64xf32, #tpu.memory_space<vmem>> -> memref<1x1x64xf32, #tpu.memory_space<vmem>>
      %dma_start3A_323 = tpu.memref_squeeze %dma_start3A_322 : memref<1x1x64xf32, #tpu.memory_space<vmem>> -> memref<64xf32, #tpu.memory_space<vmem>>
      %dma_start3A_324 = arith.constant 0 : i32
      %dma_start3A_325 = tpu.memref_slice %arg5[%shift_right_arithmetic3A_288, %and3A_290, %dma_start3A_324] : memref<12500x8x64xf32, #tpu.memory_space<hbm>> -> memref<1x1x64xf32, #tpu.memory_space<hbm>>
      %dma_start3A_326 = tpu.memref_squeeze %dma_start3A_325 : memref<1x1x64xf32, #tpu.memory_space<hbm>> -> memref<64xf32, #tpu.memory_space<hbm>>
      tpu.enqueue_dma source(%dma_start3A_326 : memref<64xf32, #tpu.memory_space<hbm>>) target(%dma_start3A_323 : memref<64xf32, #tpu.memory_space<vmem>>) target_semaphore(%arg16 : memref<!tpu.dma_semaphore, #tpu.memory_space<semaphore_mem>>)
      %slice3A_327 = vector.extract_strided_slice %get3A_204 {offsets = [3], sizes = [1], strides = [1]} : vector<16xi32> to vector<1xi32>
      %squeeze3A_328 = vector.extract %slice3A_327[0] : i32 from vector<1xi32>
      %shift_right_arithmetic3A_329 = arith.constant 3 : i32
      %shift_right_arithmetic3A_330 = arith.shrsi %squeeze3A_328, %shift_right_arithmetic3A_329 : i32
      %and3A_331 = arith.constant 7 : i32
      %and3A_332 = arith.andi %squeeze3A_328, %and3A_331 : i32
      %mul3A_333 = arith.constant 16 : i32
      %mul3A_334 = arith.muli %add3A_198, %mul3A_333 : i32
      %add3A_335 = arith.constant 3 : i32
      %add3A_336 = arith.addi %mul3A_334, %add3A_335 : i32
      %shift_right_arithmetic3A_337 = arith.constant 3 : i32
      %shift_right_arithmetic3A_338 = arith.shrsi %add3A_336, %shift_right_arithmetic3A_337 : i32
      %and3A_339 = arith.constant 7 : i32
      %and3A_340 = arith.andi %add3A_336, %and3A_339 : i32
      %dma_start3A_341 = arith.constant 0 : i32
      %dma_start3A_342 = tpu.memref_slice %arg12[%shift_right_arithmetic3A_338, %and3A_340, %dma_start3A_341] : memref<16x8x64xf32, #tpu.memory_space<vmem>> -> memref<1x1x64xf32, #tpu.memory_space<vmem>>
      %dma_start3A_343 = tpu.memref_squeeze %dma_start3A_342 : memref<1x1x64xf32, #tpu.memory_space<vmem>> -> memref<64xf32, #tpu.memory_space<vmem>>
      %dma_start3A_344 = arith.constant 0 : i32
      %dma_start3A_345 = tpu.memref_slice %arg4[%shift_right_arithmetic3A_330, %and3A_332, %dma_start3A_344] : memref<12500x8x64xf32, #tpu.memory_space<hbm>> -> memref<1x1x64xf32, #tpu.memory_space<hbm>>
      %dma_start3A_346 = tpu.memref_squeeze %dma_start3A_345 : memref<1x1x64xf32, #tpu.memory_space<hbm>> -> memref<64xf32, #tpu.memory_space<hbm>>
      %dma_start3A_347 = arith.constant 0 : i32
      %dma_start3A_348 = tpu.memref_slice %arg12[%shift_right_arithmetic3A_338, %and3A_340, %dma_start3A_347] : memref<16x8x64xf32, #tpu.memory_space<vmem>> -> memref<1x1x64xf32, #tpu.memory_space<vmem>>
      %dma_start3A_349 = tpu.memref_squeeze %dma_start3A_348 : memref<1x1x64xf32, #tpu.memory_space<vmem>> -> memref<64xf32, #tpu.memory_space<vmem>>
      %dma_start3A_350 = arith.constant 0 : i32
      %dma_start3A_351 = tpu.memref_slice %arg4[%shift_right_arithmetic3A_330, %and3A_332, %dma_start3A_350] : memref<12500x8x64xf32, #tpu.memory_space<hbm>> -> memref<1x1x64xf32, #tpu.memory_space<hbm>>
      %dma_start3A_352 = tpu.memref_squeeze %dma_start3A_351 : memref<1x1x64xf32, #tpu.memory_space<hbm>> -> memref<64xf32, #tpu.memory_space<hbm>>
      tpu.enqueue_dma source(%dma_start3A_352 : memref<64xf32, #tpu.memory_space<hbm>>) target(%dma_start3A_349 : memref<64xf32, #tpu.memory_space<vmem>>) target_semaphore(%arg16 : memref<!tpu.dma_semaphore, #tpu.memory_space<semaphore_mem>>)
      %shift_right_arithmetic3A_353 = arith.constant 3 : i32
      %shift_right_arithmetic3A_354 = arith.shrsi %add3A_336, %shift_right_arithmetic3A_353 : i32
      %and3A_355 = arith.constant 7 : i32
      %and3A_356 = arith.andi %add3A_336, %and3A_355 : i32
      %dma_start3A_357 = arith.constant 0 : i32
      %dma_start3A_358 = tpu.memref_slice %arg14[%shift_right_arithmetic3A_354, %and3A_356, %dma_start3A_357] : memref<16x8x64xf32, #tpu.memory_space<vmem>> -> memref<1x1x64xf32, #tpu.memory_space<vmem>>
      %dma_start3A_359 = tpu.memref_squeeze %dma_start3A_358 : memref<1x1x64xf32, #tpu.memory_space<vmem>> -> memref<64xf32, #tpu.memory_space<vmem>>
      %dma_start3A_360 = arith.constant 0 : i32
      %dma_start3A_361 = tpu.memref_slice %arg5[%shift_right_arithmetic3A_330, %and3A_332, %dma_start3A_360] : memref<12500x8x64xf32, #tpu.memory_space<hbm>> -> memref<1x1x64xf32, #tpu.memory_space<hbm>>
      %dma_start3A_362 = tpu.memref_squeeze %dma_start3A_361 : memref<1x1x64xf32, #tpu.memory_space<hbm>> -> memref<64xf32, #tpu.memory_space<hbm>>
      %dma_start3A_363 = arith.constant 0 : i32
      %dma_start3A_364 = tpu.memref_slice %arg14[%shift_right_arithmetic3A_354, %and3A_356, %dma_start3A_363] : memref<16x8x64xf32, #tpu.memory_space<vmem>> -> memref<1x1x64xf32, #tpu.memory_space<vmem>>
      %dma_start3A_365 = tpu.memref_squeeze %dma_start3A_364 : memref<1x1x64xf32, #tpu.memory_space<vmem>> -> memref<64xf32, #tpu.memory_space<vmem>>
      %dma_start3A_366 = arith.constant 0 : i32
      %dma_start3A_367 = tpu.memref_slice %arg5[%shift_right_arithmetic3A_330, %and3A_332, %dma_start3A_366] : memref<12500x8x64xf32, #tpu.memory_space<hbm>> -> memref<1x1x64xf32, #tpu.memory_space<hbm>>
      %dma_start3A_368 = tpu.memref_squeeze %dma_start3A_367 : memref<1x1x64xf32, #tpu.memory_space<hbm>> -> memref<64xf32, #tpu.memory_space<hbm>>
      tpu.enqueue_dma source(%dma_start3A_368 : memref<64xf32, #tpu.memory_space<hbm>>) target(%dma_start3A_365 : memref<64xf32, #tpu.memory_space<vmem>>) target_semaphore(%arg16 : memref<!tpu.dma_semaphore, #tpu.memory_space<semaphore_mem>>)
      %slice3A_369 = vector.extract_strided_slice %get3A_204 {offsets = [4], sizes = [1], strides = [1]} : vector<16xi32> to vector<1xi32>
      %squeeze3A_370 = vector.extract %slice3A_369[0] : i32 from vector<1xi32>
      %shift_right_arithmetic3A_371 = arith.constant 3 : i32
      %shift_right_arithmetic3A_372 = arith.shrsi %squeeze3A_370, %shift_right_arithmetic3A_371 : i32
      %and3A_373 = arith.constant 7 : i32
      %and3A_374 = arith.andi %squeeze3A_370, %and3A_373 : i32
      %mul3A_375 = arith.constant 16 : i32
      %mul3A_376 = arith.muli %add3A_198, %mul3A_375 : i32
      %add3A_377 = arith.constant 4 : i32
      %add3A_378 = arith.addi %mul3A_376, %add3A_377 : i32
      %shift_right_arithmetic3A_379 = arith.constant 3 : i32
      %shift_right_arithmetic3A_380 = arith.shrsi %add3A_378, %shift_right_arithmetic3A_379 : i32
      %and3A_381 = arith.constant 7 : i32
      %and3A_382 = arith.andi %add3A_378, %and3A_381 : i32
      %dma_start3A_383 = arith.constant 0 : i32
      %dma_start3A_384 = tpu.memref_slice %arg12[%shift_right_arithmetic3A_380, %and3A_382, %dma_start3A_383] : memref<16x8x64xf32, #tpu.memory_space<vmem>> -> memref<1x1x64xf32, #tpu.memory_space<vmem>>
      %dma_start3A_385 = tpu.memref_squeeze %dma_start3A_384 : memref<1x1x64xf32, #tpu.memory_space<vmem>> -> memref<64xf32, #tpu.memory_space<vmem>>
      %dma_start3A_386 = arith.constant 0 : i32
      %dma_start3A_387 = tpu.memref_slice %arg4[%shift_right_arithmetic3A_372, %and3A_374, %dma_start3A_386] : memref<12500x8x64xf32, #tpu.memory_space<hbm>> -> memref<1x1x64xf32, #tpu.memory_space<hbm>>
      %dma_start3A_388 = tpu.memref_squeeze %dma_start3A_387 : memref<1x1x64xf32, #tpu.memory_space<hbm>> -> memref<64xf32, #tpu.memory_space<hbm>>
      %dma_start3A_389 = arith.constant 0 : i32
      %dma_start3A_390 = tpu.memref_slice %arg12[%shift_right_arithmetic3A_380, %and3A_382, %dma_start3A_389] : memref<16x8x64xf32, #tpu.memory_space<vmem>> -> memref<1x1x64xf32, #tpu.memory_space<vmem>>
      %dma_start3A_391 = tpu.memref_squeeze %dma_start3A_390 : memref<1x1x64xf32, #tpu.memory_space<vmem>> -> memref<64xf32, #tpu.memory_space<vmem>>
      %dma_start3A_392 = arith.constant 0 : i32
      %dma_start3A_393 = tpu.memref_slice %arg4[%shift_right_arithmetic3A_372, %and3A_374, %dma_start3A_392] : memref<12500x8x64xf32, #tpu.memory_space<hbm>> -> memref<1x1x64xf32, #tpu.memory_space<hbm>>
      %dma_start3A_394 = tpu.memref_squeeze %dma_start3A_393 : memref<1x1x64xf32, #tpu.memory_space<hbm>> -> memref<64xf32, #tpu.memory_space<hbm>>
      tpu.enqueue_dma source(%dma_start3A_394 : memref<64xf32, #tpu.memory_space<hbm>>) target(%dma_start3A_391 : memref<64xf32, #tpu.memory_space<vmem>>) target_semaphore(%arg16 : memref<!tpu.dma_semaphore, #tpu.memory_space<semaphore_mem>>)
      %shift_right_arithmetic3A_395 = arith.constant 3 : i32
      %shift_right_arithmetic3A_396 = arith.shrsi %add3A_378, %shift_right_arithmetic3A_395 : i32
      %and3A_397 = arith.constant 7 : i32
      %and3A_398 = arith.andi %add3A_378, %and3A_397 : i32
      %dma_start3A_399 = arith.constant 0 : i32
      %dma_start3A_400 = tpu.memref_slice %arg14[%shift_right_arithmetic3A_396, %and3A_398, %dma_start3A_399] : memref<16x8x64xf32, #tpu.memory_space<vmem>> -> memref<1x1x64xf32, #tpu.memory_space<vmem>>
      %dma_start3A_401 = tpu.memref_squeeze %dma_start3A_400 : memref<1x1x64xf32, #tpu.memory_space<vmem>> -> memref<64xf32, #tpu.memory_space<vmem>>
      %dma_start3A_402 = arith.constant 0 : i32
      %dma_start3A_403 = tpu.memref_slice %arg5[%shift_right_arithmetic3A_372, %and3A_374, %dma_start3A_402] : memref<12500x8x64xf32, #tpu.memory_space<hbm>> -> memref<1x1x64xf32, #tpu.memory_space<hbm>>
      %dma_start3A_404 = tpu.memref_squeeze %dma_start3A_403 : memref<1x1x64xf32, #tpu.memory_space<hbm>> -> memref<64xf32, #tpu.memory_space<hbm>>
      %dma_start3A_405 = arith.constant 0 : i32
      %dma_start3A_406 = tpu.memref_slice %arg14[%shift_right_arithmetic3A_396, %and3A_398, %dma_start3A_405] : memref<16x8x64xf32, #tpu.memory_space<vmem>> -> memref<1x1x64xf32, #tpu.memory_space<vmem>>
      %dma_start3A_407 = tpu.memref_squeeze %dma_start3A_406 : memref<1x1x64xf32, #tpu.memory_space<vmem>> -> memref<64xf32, #tpu.memory_space<vmem>>
      %dma_start3A_408 = arith.constant 0 : i32
      %dma_start3A_409 = tpu.memref_slice %arg5[%shift_right_arithmetic3A_372, %and3A_374, %dma_start3A_408] : memref<12500x8x64xf32, #tpu.memory_space<hbm>> -> memref<1x1x64xf32, #tpu.memory_space<hbm>>
      %dma_start3A_410 = tpu.memref_squeeze %dma_start3A_409 : memref<1x1x64xf32, #tpu.memory_space<hbm>> -> memref<64xf32, #tpu.memory_space<hbm>>
      tpu.enqueue_dma source(%dma_start3A_410 : memref<64xf32, #tpu.memory_space<hbm>>) target(%dma_start3A_407 : memref<64xf32, #tpu.memory_space<vmem>>) target_semaphore(%arg16 : memref<!tpu.dma_semaphore, #tpu.memory_space<semaphore_mem>>)
      %slice3A_411 = vector.extract_strided_slice %get3A_204 {offsets = [5], sizes = [1], strides = [1]} : vector<16xi32> to vector<1xi32>
      %squeeze3A_412 = vector.extract %slice3A_411[0] : i32 from vector<1xi32>
      %shift_right_arithmetic3A_413 = arith.constant 3 : i32
      %shift_right_arithmetic3A_414 = arith.shrsi %squeeze3A_412, %shift_right_arithmetic3A_413 : i32
      %and3A_415 = arith.constant 7 : i32
      %and3A_416 = arith.andi %squeeze3A_412, %and3A_415 : i32
      %mul3A_417 = arith.constant 16 : i32
      %mul3A_418 = arith.muli %add3A_198, %mul3A_417 : i32
      %add3A_419 = arith.constant 5 : i32
      %add3A_420 = arith.addi %mul3A_418, %add3A_419 : i32
      %shift_right_arithmetic3A_421 = arith.constant 3 : i32
      %shift_right_arithmetic3A_422 = arith.shrsi %add3A_420, %shift_right_arithmetic3A_421 : i32
      %and3A_423 = arith.constant 7 : i32
      %and3A_424 = arith.andi %add3A_420, %and3A_423 : i32
      %dma_start3A_425 = arith.constant 0 : i32
      %dma_start3A_426 = tpu.memref_slice %arg12[%shift_right_arithmetic3A_422, %and3A_424, %dma_start3A_425] : memref<16x8x64xf32, #tpu.memory_space<vmem>> -> memref<1x1x64xf32, #tpu.memory_space<vmem>>
      %dma_start3A_427 = tpu.memref_squeeze %dma_start3A_426 : memref<1x1x64xf32, #tpu.memory_space<vmem>> -> memref<64xf32, #tpu.memory_space<vmem>>
      %dma_start3A_428 = arith.constant 0 : i32
      %dma_start3A_429 = tpu.memref_slice %arg4[%shift_right_arithmetic3A_414, %and3A_416, %dma_start3A_428] : memref<12500x8x64xf32, #tpu.memory_space<hbm>> -> memref<1x1x64xf32, #tpu.memory_space<hbm>>
      %dma_start3A_430 = tpu.memref_squeeze %dma_start3A_429 : memref<1x1x64xf32, #tpu.memory_space<hbm>> -> memref<64xf32, #tpu.memory_space<hbm>>
      %dma_start3A_431 = arith.constant 0 : i32
      %dma_start3A_432 = tpu.memref_slice %arg12[%shift_right_arithmetic3A_422, %and3A_424, %dma_start3A_431] : memref<16x8x64xf32, #tpu.memory_space<vmem>> -> memref<1x1x64xf32, #tpu.memory_space<vmem>>
      %dma_start3A_433 = tpu.memref_squeeze %dma_start3A_432 : memref<1x1x64xf32, #tpu.memory_space<vmem>> -> memref<64xf32, #tpu.memory_space<vmem>>
      %dma_start3A_434 = arith.constant 0 : i32
      %dma_start3A_435 = tpu.memref_slice %arg4[%shift_right_arithmetic3A_414, %and3A_416, %dma_start3A_434] : memref<12500x8x64xf32, #tpu.memory_space<hbm>> -> memref<1x1x64xf32, #tpu.memory_space<hbm>>
      %dma_start3A_436 = tpu.memref_squeeze %dma_start3A_435 : memref<1x1x64xf32, #tpu.memory_space<hbm>> -> memref<64xf32, #tpu.memory_space<hbm>>
      tpu.enqueue_dma source(%dma_start3A_436 : memref<64xf32, #tpu.memory_space<hbm>>) target(%dma_start3A_433 : memref<64xf32, #tpu.memory_space<vmem>>) target_semaphore(%arg16 : memref<!tpu.dma_semaphore, #tpu.memory_space<semaphore_mem>>)
      %shift_right_arithmetic3A_437 = arith.constant 3 : i32
      %shift_right_arithmetic3A_438 = arith.shrsi %add3A_420, %shift_right_arithmetic3A_437 : i32
      %and3A_439 = arith.constant 7 : i32
      %and3A_440 = arith.andi %add3A_420, %and3A_439 : i32
      %dma_start3A_441 = arith.constant 0 : i32
      %dma_start3A_442 = tpu.memref_slice %arg14[%shift_right_arithmetic3A_438, %and3A_440, %dma_start3A_441] : memref<16x8x64xf32, #tpu.memory_space<vmem>> -> memref<1x1x64xf32, #tpu.memory_space<vmem>>
      %dma_start3A_443 = tpu.memref_squeeze %dma_start3A_442 : memref<1x1x64xf32, #tpu.memory_space<vmem>> -> memref<64xf32, #tpu.memory_space<vmem>>
      %dma_start3A_444 = arith.constant 0 : i32
      %dma_start3A_445 = tpu.memref_slice %arg5[%shift_right_arithmetic3A_414, %and3A_416, %dma_start3A_444] : memref<12500x8x64xf32, #tpu.memory_space<hbm>> -> memref<1x1x64xf32, #tpu.memory_space<hbm>>
      %dma_start3A_446 = tpu.memref_squeeze %dma_start3A_445 : memref<1x1x64xf32, #tpu.memory_space<hbm>> -> memref<64xf32, #tpu.memory_space<hbm>>
      %dma_start3A_447 = arith.constant 0 : i32
      %dma_start3A_448 = tpu.memref_slice %arg14[%shift_right_arithmetic3A_438, %and3A_440, %dma_start3A_447] : memref<16x8x64xf32, #tpu.memory_space<vmem>> -> memref<1x1x64xf32, #tpu.memory_space<vmem>>
      %dma_start3A_449 = tpu.memref_squeeze %dma_start3A_448 : memref<1x1x64xf32, #tpu.memory_space<vmem>> -> memref<64xf32, #tpu.memory_space<vmem>>
      %dma_start3A_450 = arith.constant 0 : i32
      %dma_start3A_451 = tpu.memref_slice %arg5[%shift_right_arithmetic3A_414, %and3A_416, %dma_start3A_450] : memref<12500x8x64xf32, #tpu.memory_space<hbm>> -> memref<1x1x64xf32, #tpu.memory_space<hbm>>
      %dma_start3A_452 = tpu.memref_squeeze %dma_start3A_451 : memref<1x1x64xf32, #tpu.memory_space<hbm>> -> memref<64xf32, #tpu.memory_space<hbm>>
      tpu.enqueue_dma source(%dma_start3A_452 : memref<64xf32, #tpu.memory_space<hbm>>) target(%dma_start3A_449 : memref<64xf32, #tpu.memory_space<vmem>>) target_semaphore(%arg16 : memref<!tpu.dma_semaphore, #tpu.memory_space<semaphore_mem>>)
      %slice3A_453 = vector.extract_strided_slice %get3A_204 {offsets = [6], sizes = [1], strides = [1]} : vector<16xi32> to vector<1xi32>
      %squeeze3A_454 = vector.extract %slice3A_453[0] : i32 from vector<1xi32>
      %shift_right_arithmetic3A_455 = arith.constant 3 : i32
      %shift_right_arithmetic3A_456 = arith.shrsi %squeeze3A_454, %shift_right_arithmetic3A_455 : i32
      %and3A_457 = arith.constant 7 : i32
      %and3A_458 = arith.andi %squeeze3A_454, %and3A_457 : i32
      %mul3A_459 = arith.constant 16 : i32
      %mul3A_460 = arith.muli %add3A_198, %mul3A_459 : i32
      %add3A_461 = arith.constant 6 : i32
      %add3A_462 = arith.addi %mul3A_460, %add3A_461 : i32
      %shift_right_arithmetic3A_463 = arith.constant 3 : i32
      %shift_right_arithmetic3A_464 = arith.shrsi %add3A_462, %shift_right_arithmetic3A_463 : i32
      %and3A_465 = arith.constant 7 : i32
      %and3A_466 = arith.andi %add3A_462, %and3A_465 : i32
      %dma_start3A_467 = arith.constant 0 : i32
      %dma_start3A_468 = tpu.memref_slice %arg12[%shift_right_arithmetic3A_464, %and3A_466, %dma_start3A_467] : memref<16x8x64xf32, #tpu.memory_space<vmem>> -> memref<1x1x64xf32, #tpu.memory_space<vmem>>
      %dma_start3A_469 = tpu.memref_squeeze %dma_start3A_468 : memref<1x1x64xf32, #tpu.memory_space<vmem>> -> memref<64xf32, #tpu.memory_space<vmem>>
      %dma_start3A_470 = arith.constant 0 : i32
      %dma_start3A_471 = tpu.memref_slice %arg4[%shift_right_arithmetic3A_456, %and3A_458, %dma_start3A_470] : memref<12500x8x64xf32, #tpu.memory_space<hbm>> -> memref<1x1x64xf32, #tpu.memory_space<hbm>>
      %dma_start3A_472 = tpu.memref_squeeze %dma_start3A_471 : memref<1x1x64xf32, #tpu.memory_space<hbm>> -> memref<64xf32, #tpu.memory_space<hbm>>
      %dma_start3A_473 = arith.constant 0 : i32
      %dma_start3A_474 = tpu.memref_slice %arg12[%shift_right_arithmetic3A_464, %and3A_466, %dma_start3A_473] : memref<16x8x64xf32, #tpu.memory_space<vmem>> -> memref<1x1x64xf32, #tpu.memory_space<vmem>>
      %dma_start3A_475 = tpu.memref_squeeze %dma_start3A_474 : memref<1x1x64xf32, #tpu.memory_space<vmem>> -> memref<64xf32, #tpu.memory_space<vmem>>
      %dma_start3A_476 = arith.constant 0 : i32
      %dma_start3A_477 = tpu.memref_slice %arg4[%shift_right_arithmetic3A_456, %and3A_458, %dma_start3A_476] : memref<12500x8x64xf32, #tpu.memory_space<hbm>> -> memref<1x1x64xf32, #tpu.memory_space<hbm>>
      %dma_start3A_478 = tpu.memref_squeeze %dma_start3A_477 : memref<1x1x64xf32, #tpu.memory_space<hbm>> -> memref<64xf32, #tpu.memory_space<hbm>>
      tpu.enqueue_dma source(%dma_start3A_478 : memref<64xf32, #tpu.memory_space<hbm>>) target(%dma_start3A_475 : memref<64xf32, #tpu.memory_space<vmem>>) target_semaphore(%arg16 : memref<!tpu.dma_semaphore, #tpu.memory_space<semaphore_mem>>)
      %shift_right_arithmetic3A_479 = arith.constant 3 : i32
      %shift_right_arithmetic3A_480 = arith.shrsi %add3A_462, %shift_right_arithmetic3A_479 : i32
      %and3A_481 = arith.constant 7 : i32
      %and3A_482 = arith.andi %add3A_462, %and3A_481 : i32
      %dma_start3A_483 = arith.constant 0 : i32
      %dma_start3A_484 = tpu.memref_slice %arg14[%shift_right_arithmetic3A_480, %and3A_482, %dma_start3A_483] : memref<16x8x64xf32, #tpu.memory_space<vmem>> -> memref<1x1x64xf32, #tpu.memory_space<vmem>>
      %dma_start3A_485 = tpu.memref_squeeze %dma_start3A_484 : memref<1x1x64xf32, #tpu.memory_space<vmem>> -> memref<64xf32, #tpu.memory_space<vmem>>
      %dma_start3A_486 = arith.constant 0 : i32
      %dma_start3A_487 = tpu.memref_slice %arg5[%shift_right_arithmetic3A_456, %and3A_458, %dma_start3A_486] : memref<12500x8x64xf32, #tpu.memory_space<hbm>> -> memref<1x1x64xf32, #tpu.memory_space<hbm>>
      %dma_start3A_488 = tpu.memref_squeeze %dma_start3A_487 : memref<1x1x64xf32, #tpu.memory_space<hbm>> -> memref<64xf32, #tpu.memory_space<hbm>>
      %dma_start3A_489 = arith.constant 0 : i32
      %dma_start3A_490 = tpu.memref_slice %arg14[%shift_right_arithmetic3A_480, %and3A_482, %dma_start3A_489] : memref<16x8x64xf32, #tpu.memory_space<vmem>> -> memref<1x1x64xf32, #tpu.memory_space<vmem>>
      %dma_start3A_491 = tpu.memref_squeeze %dma_start3A_490 : memref<1x1x64xf32, #tpu.memory_space<vmem>> -> memref<64xf32, #tpu.memory_space<vmem>>
      %dma_start3A_492 = arith.constant 0 : i32
      %dma_start3A_493 = tpu.memref_slice %arg5[%shift_right_arithmetic3A_456, %and3A_458, %dma_start3A_492] : memref<12500x8x64xf32, #tpu.memory_space<hbm>> -> memref<1x1x64xf32, #tpu.memory_space<hbm>>
      %dma_start3A_494 = tpu.memref_squeeze %dma_start3A_493 : memref<1x1x64xf32, #tpu.memory_space<hbm>> -> memref<64xf32, #tpu.memory_space<hbm>>
      tpu.enqueue_dma source(%dma_start3A_494 : memref<64xf32, #tpu.memory_space<hbm>>) target(%dma_start3A_491 : memref<64xf32, #tpu.memory_space<vmem>>) target_semaphore(%arg16 : memref<!tpu.dma_semaphore, #tpu.memory_space<semaphore_mem>>)
      %slice3A_495 = vector.extract_strided_slice %get3A_204 {offsets = [7], sizes = [1], strides = [1]} : vector<16xi32> to vector<1xi32>
      %squeeze3A_496 = vector.extract %slice3A_495[0] : i32 from vector<1xi32>
      %shift_right_arithmetic3A_497 = arith.constant 3 : i32
      %shift_right_arithmetic3A_498 = arith.shrsi %squeeze3A_496, %shift_right_arithmetic3A_497 : i32
      %and3A_499 = arith.constant 7 : i32
      %and3A_500 = arith.andi %squeeze3A_496, %and3A_499 : i32
      %mul3A_501 = arith.constant 16 : i32
      %mul3A_502 = arith.muli %add3A_198, %mul3A_501 : i32
      %add3A_503 = arith.constant 7 : i32
      %add3A_504 = arith.addi %mul3A_502, %add3A_503 : i32
      %shift_right_arithmetic3A_505 = arith.constant 3 : i32
      %shift_right_arithmetic3A_506 = arith.shrsi %add3A_504, %shift_right_arithmetic3A_505 : i32
      %and3A_507 = arith.constant 7 : i32
      %and3A_508 = arith.andi %add3A_504, %and3A_507 : i32
      %dma_start3A_509 = arith.constant 0 : i32
      %dma_start3A_510 = tpu.memref_slice %arg12[%shift_right_arithmetic3A_506, %and3A_508, %dma_start3A_509] : memref<16x8x64xf32, #tpu.memory_space<vmem>> -> memref<1x1x64xf32, #tpu.memory_space<vmem>>
      %dma_start3A_511 = tpu.memref_squeeze %dma_start3A_510 : memref<1x1x64xf32, #tpu.memory_space<vmem>> -> memref<64xf32, #tpu.memory_space<vmem>>
      %dma_start3A_512 = arith.constant 0 : i32
      %dma_start3A_513 = tpu.memref_slice %arg4[%shift_right_arithmetic3A_498, %and3A_500, %dma_start3A_512] : memref<12500x8x64xf32, #tpu.memory_space<hbm>> -> memref<1x1x64xf32, #tpu.memory_space<hbm>>
      %dma_start3A_514 = tpu.memref_squeeze %dma_start3A_513 : memref<1x1x64xf32, #tpu.memory_space<hbm>> -> memref<64xf32, #tpu.memory_space<hbm>>
      %dma_start3A_515 = arith.constant 0 : i32
      %dma_start3A_516 = tpu.memref_slice %arg12[%shift_right_arithmetic3A_506, %and3A_508, %dma_start3A_515] : memref<16x8x64xf32, #tpu.memory_space<vmem>> -> memref<1x1x64xf32, #tpu.memory_space<vmem>>
      %dma_start3A_517 = tpu.memref_squeeze %dma_start3A_516 : memref<1x1x64xf32, #tpu.memory_space<vmem>> -> memref<64xf32, #tpu.memory_space<vmem>>
      %dma_start3A_518 = arith.constant 0 : i32
      %dma_start3A_519 = tpu.memref_slice %arg4[%shift_right_arithmetic3A_498, %and3A_500, %dma_start3A_518] : memref<12500x8x64xf32, #tpu.memory_space<hbm>> -> memref<1x1x64xf32, #tpu.memory_space<hbm>>
      %dma_start3A_520 = tpu.memref_squeeze %dma_start3A_519 : memref<1x1x64xf32, #tpu.memory_space<hbm>> -> memref<64xf32, #tpu.memory_space<hbm>>
      tpu.enqueue_dma source(%dma_start3A_520 : memref<64xf32, #tpu.memory_space<hbm>>) target(%dma_start3A_517 : memref<64xf32, #tpu.memory_space<vmem>>) target_semaphore(%arg16 : memref<!tpu.dma_semaphore, #tpu.memory_space<semaphore_mem>>)
      %shift_right_arithmetic3A_521 = arith.constant 3 : i32
      %shift_right_arithmetic3A_522 = arith.shrsi %add3A_504, %shift_right_arithmetic3A_521 : i32
      %and3A_523 = arith.constant 7 : i32
      %and3A_524 = arith.andi %add3A_504, %and3A_523 : i32
      %dma_start3A_525 = arith.constant 0 : i32
      %dma_start3A_526 = tpu.memref_slice %arg14[%shift_right_arithmetic3A_522, %and3A_524, %dma_start3A_525] : memref<16x8x64xf32, #tpu.memory_space<vmem>> -> memref<1x1x64xf32, #tpu.memory_space<vmem>>
      %dma_start3A_527 = tpu.memref_squeeze %dma_start3A_526 : memref<1x1x64xf32, #tpu.memory_space<vmem>> -> memref<64xf32, #tpu.memory_space<vmem>>
      %dma_start3A_528 = arith.constant 0 : i32
      %dma_start3A_529 = tpu.memref_slice %arg5[%shift_right_arithmetic3A_498, %and3A_500, %dma_start3A_528] : memref<12500x8x64xf32, #tpu.memory_space<hbm>> -> memref<1x1x64xf32, #tpu.memory_space<hbm>>
      %dma_start3A_530 = tpu.memref_squeeze %dma_start3A_529 : memref<1x1x64xf32, #tpu.memory_space<hbm>> -> memref<64xf32, #tpu.memory_space<hbm>>
      %dma_start3A_531 = arith.constant 0 : i32
      %dma_start3A_532 = tpu.memref_slice %arg14[%shift_right_arithmetic3A_522, %and3A_524, %dma_start3A_531] : memref<16x8x64xf32, #tpu.memory_space<vmem>> -> memref<1x1x64xf32, #tpu.memory_space<vmem>>
      %dma_start3A_533 = tpu.memref_squeeze %dma_start3A_532 : memref<1x1x64xf32, #tpu.memory_space<vmem>> -> memref<64xf32, #tpu.memory_space<vmem>>
      %dma_start3A_534 = arith.constant 0 : i32
      %dma_start3A_535 = tpu.memref_slice %arg5[%shift_right_arithmetic3A_498, %and3A_500, %dma_start3A_534] : memref<12500x8x64xf32, #tpu.memory_space<hbm>> -> memref<1x1x64xf32, #tpu.memory_space<hbm>>
      %dma_start3A_536 = tpu.memref_squeeze %dma_start3A_535 : memref<1x1x64xf32, #tpu.memory_space<hbm>> -> memref<64xf32, #tpu.memory_space<hbm>>
      tpu.enqueue_dma source(%dma_start3A_536 : memref<64xf32, #tpu.memory_space<hbm>>) target(%dma_start3A_533 : memref<64xf32, #tpu.memory_space<vmem>>) target_semaphore(%arg16 : memref<!tpu.dma_semaphore, #tpu.memory_space<semaphore_mem>>)
      %slice3A_537 = vector.extract_strided_slice %get3A_204 {offsets = [8], sizes = [1], strides = [1]} : vector<16xi32> to vector<1xi32>
      %squeeze3A_538 = vector.extract %slice3A_537[0] : i32 from vector<1xi32>
      %shift_right_arithmetic3A_539 = arith.constant 3 : i32
      %shift_right_arithmetic3A_540 = arith.shrsi %squeeze3A_538, %shift_right_arithmetic3A_539 : i32
      %and3A_541 = arith.constant 7 : i32
      %and3A_542 = arith.andi %squeeze3A_538, %and3A_541 : i32
      %mul3A_543 = arith.constant 16 : i32
      %mul3A_544 = arith.muli %add3A_198, %mul3A_543 : i32
      %add3A_545 = arith.constant 8 : i32
      %add3A_546 = arith.addi %mul3A_544, %add3A_545 : i32
      %shift_right_arithmetic3A_547 = arith.constant 3 : i32
      %shift_right_arithmetic3A_548 = arith.shrsi %add3A_546, %shift_right_arithmetic3A_547 : i32
      %and3A_549 = arith.constant 7 : i32
      %and3A_550 = arith.andi %add3A_546, %and3A_549 : i32
      %dma_start3A_551 = arith.constant 0 : i32
      %dma_start3A_552 = tpu.memref_slice %arg12[%shift_right_arithmetic3A_548, %and3A_550, %dma_start3A_551] : memref<16x8x64xf32, #tpu.memory_space<vmem>> -> memref<1x1x64xf32, #tpu.memory_space<vmem>>
      %dma_start3A_553 = tpu.memref_squeeze %dma_start3A_552 : memref<1x1x64xf32, #tpu.memory_space<vmem>> -> memref<64xf32, #tpu.memory_space<vmem>>
      %dma_start3A_554 = arith.constant 0 : i32
      %dma_start3A_555 = tpu.memref_slice %arg4[%shift_right_arithmetic3A_540, %and3A_542, %dma_start3A_554] : memref<12500x8x64xf32, #tpu.memory_space<hbm>> -> memref<1x1x64xf32, #tpu.memory_space<hbm>>
      %dma_start3A_556 = tpu.memref_squeeze %dma_start3A_555 : memref<1x1x64xf32, #tpu.memory_space<hbm>> -> memref<64xf32, #tpu.memory_space<hbm>>
      %dma_start3A_557 = arith.constant 0 : i32
      %dma_start3A_558 = tpu.memref_slice %arg12[%shift_right_arithmetic3A_548, %and3A_550, %dma_start3A_557] : memref<16x8x64xf32, #tpu.memory_space<vmem>> -> memref<1x1x64xf32, #tpu.memory_space<vmem>>
      %dma_start3A_559 = tpu.memref_squeeze %dma_start3A_558 : memref<1x1x64xf32, #tpu.memory_space<vmem>> -> memref<64xf32, #tpu.memory_space<vmem>>
      %dma_start3A_560 = arith.constant 0 : i32
      %dma_start3A_561 = tpu.memref_slice %arg4[%shift_right_arithmetic3A_540, %and3A_542, %dma_start3A_560] : memref<12500x8x64xf32, #tpu.memory_space<hbm>> -> memref<1x1x64xf32, #tpu.memory_space<hbm>>
      %dma_start3A_562 = tpu.memref_squeeze %dma_start3A_561 : memref<1x1x64xf32, #tpu.memory_space<hbm>> -> memref<64xf32, #tpu.memory_space<hbm>>
      tpu.enqueue_dma source(%dma_start3A_562 : memref<64xf32, #tpu.memory_space<hbm>>) target(%dma_start3A_559 : memref<64xf32, #tpu.memory_space<vmem>>) target_semaphore(%arg16 : memref<!tpu.dma_semaphore, #tpu.memory_space<semaphore_mem>>)
      %shift_right_arithmetic3A_563 = arith.constant 3 : i32
      %shift_right_arithmetic3A_564 = arith.shrsi %add3A_546, %shift_right_arithmetic3A_563 : i32
      %and3A_565 = arith.constant 7 : i32
      %and3A_566 = arith.andi %add3A_546, %and3A_565 : i32
      %dma_start3A_567 = arith.constant 0 : i32
      %dma_start3A_568 = tpu.memref_slice %arg14[%shift_right_arithmetic3A_564, %and3A_566, %dma_start3A_567] : memref<16x8x64xf32, #tpu.memory_space<vmem>> -> memref<1x1x64xf32, #tpu.memory_space<vmem>>
      %dma_start3A_569 = tpu.memref_squeeze %dma_start3A_568 : memref<1x1x64xf32, #tpu.memory_space<vmem>> -> memref<64xf32, #tpu.memory_space<vmem>>
      %dma_start3A_570 = arith.constant 0 : i32
      %dma_start3A_571 = tpu.memref_slice %arg5[%shift_right_arithmetic3A_540, %and3A_542, %dma_start3A_570] : memref<12500x8x64xf32, #tpu.memory_space<hbm>> -> memref<1x1x64xf32, #tpu.memory_space<hbm>>
      %dma_start3A_572 = tpu.memref_squeeze %dma_start3A_571 : memref<1x1x64xf32, #tpu.memory_space<hbm>> -> memref<64xf32, #tpu.memory_space<hbm>>
      %dma_start3A_573 = arith.constant 0 : i32
      %dma_start3A_574 = tpu.memref_slice %arg14[%shift_right_arithmetic3A_564, %and3A_566, %dma_start3A_573] : memref<16x8x64xf32, #tpu.memory_space<vmem>> -> memref<1x1x64xf32, #tpu.memory_space<vmem>>
      %dma_start3A_575 = tpu.memref_squeeze %dma_start3A_574 : memref<1x1x64xf32, #tpu.memory_space<vmem>> -> memref<64xf32, #tpu.memory_space<vmem>>
      %dma_start3A_576 = arith.constant 0 : i32
      %dma_start3A_577 = tpu.memref_slice %arg5[%shift_right_arithmetic3A_540, %and3A_542, %dma_start3A_576] : memref<12500x8x64xf32, #tpu.memory_space<hbm>> -> memref<1x1x64xf32, #tpu.memory_space<hbm>>
      %dma_start3A_578 = tpu.memref_squeeze %dma_start3A_577 : memref<1x1x64xf32, #tpu.memory_space<hbm>> -> memref<64xf32, #tpu.memory_space<hbm>>
      tpu.enqueue_dma source(%dma_start3A_578 : memref<64xf32, #tpu.memory_space<hbm>>) target(%dma_start3A_575 : memref<64xf32, #tpu.memory_space<vmem>>) target_semaphore(%arg16 : memref<!tpu.dma_semaphore, #tpu.memory_space<semaphore_mem>>)
      %slice3A_579 = vector.extract_strided_slice %get3A_204 {offsets = [9], sizes = [1], strides = [1]} : vector<16xi32> to vector<1xi32>
      %squeeze3A_580 = vector.extract %slice3A_579[0] : i32 from vector<1xi32>
      %shift_right_arithmetic3A_581 = arith.constant 3 : i32
      %shift_right_arithmetic3A_582 = arith.shrsi %squeeze3A_580, %shift_right_arithmetic3A_581 : i32
      %and3A_583 = arith.constant 7 : i32
      %and3A_584 = arith.andi %squeeze3A_580, %and3A_583 : i32
      %mul3A_585 = arith.constant 16 : i32
      %mul3A_586 = arith.muli %add3A_198, %mul3A_585 : i32
      %add3A_587 = arith.constant 9 : i32
      %add3A_588 = arith.addi %mul3A_586, %add3A_587 : i32
      %shift_right_arithmetic3A_589 = arith.constant 3 : i32
      %shift_right_arithmetic3A_590 = arith.shrsi %add3A_588, %shift_right_arithmetic3A_589 : i32
      %and3A_591 = arith.constant 7 : i32
      %and3A_592 = arith.andi %add3A_588, %and3A_591 : i32
      %dma_start3A_593 = arith.constant 0 : i32
      %dma_start3A_594 = tpu.memref_slice %arg12[%shift_right_arithmetic3A_590, %and3A_592, %dma_start3A_593] : memref<16x8x64xf32, #tpu.memory_space<vmem>> -> memref<1x1x64xf32, #tpu.memory_space<vmem>>
      %dma_start3A_595 = tpu.memref_squeeze %dma_start3A_594 : memref<1x1x64xf32, #tpu.memory_space<vmem>> -> memref<64xf32, #tpu.memory_space<vmem>>
      %dma_start3A_596 = arith.constant 0 : i32
      %dma_start3A_597 = tpu.memref_slice %arg4[%shift_right_arithmetic3A_582, %and3A_584, %dma_start3A_596] : memref<12500x8x64xf32, #tpu.memory_space<hbm>> -> memref<1x1x64xf32, #tpu.memory_space<hbm>>
      %dma_start3A_598 = tpu.memref_squeeze %dma_start3A_597 : memref<1x1x64xf32, #tpu.memory_space<hbm>> -> memref<64xf32, #tpu.memory_space<hbm>>
      %dma_start3A_599 = arith.constant 0 : i32
      %dma_start3A_600 = tpu.memref_slice %arg12[%shift_right_arithmetic3A_590, %and3A_592, %dma_start3A_599] : memref<16x8x64xf32, #tpu.memory_space<vmem>> -> memref<1x1x64xf32, #tpu.memory_space<vmem>>
      %dma_start3A_601 = tpu.memref_squeeze %dma_start3A_600 : memref<1x1x64xf32, #tpu.memory_space<vmem>> -> memref<64xf32, #tpu.memory_space<vmem>>
      %dma_start3A_602 = arith.constant 0 : i32
      %dma_start3A_603 = tpu.memref_slice %arg4[%shift_right_arithmetic3A_582, %and3A_584, %dma_start3A_602] : memref<12500x8x64xf32, #tpu.memory_space<hbm>> -> memref<1x1x64xf32, #tpu.memory_space<hbm>>
      %dma_start3A_604 = tpu.memref_squeeze %dma_start3A_603 : memref<1x1x64xf32, #tpu.memory_space<hbm>> -> memref<64xf32, #tpu.memory_space<hbm>>
      tpu.enqueue_dma source(%dma_start3A_604 : memref<64xf32, #tpu.memory_space<hbm>>) target(%dma_start3A_601 : memref<64xf32, #tpu.memory_space<vmem>>) target_semaphore(%arg16 : memref<!tpu.dma_semaphore, #tpu.memory_space<semaphore_mem>>)
      %shift_right_arithmetic3A_605 = arith.constant 3 : i32
      %shift_right_arithmetic3A_606 = arith.shrsi %add3A_588, %shift_right_arithmetic3A_605 : i32
      %and3A_607 = arith.constant 7 : i32
      %and3A_608 = arith.andi %add3A_588, %and3A_607 : i32
      %dma_start3A_609 = arith.constant 0 : i32
      %dma_start3A_610 = tpu.memref_slice %arg14[%shift_right_arithmetic3A_606, %and3A_608, %dma_start3A_609] : memref<16x8x64xf32, #tpu.memory_space<vmem>> -> memref<1x1x64xf32, #tpu.memory_space<vmem>>
      %dma_start3A_611 = tpu.memref_squeeze %dma_start3A_610 : memref<1x1x64xf32, #tpu.memory_space<vmem>> -> memref<64xf32, #tpu.memory_space<vmem>>
      %dma_start3A_612 = arith.constant 0 : i32
      %dma_start3A_613 = tpu.memref_slice %arg5[%shift_right_arithmetic3A_582, %and3A_584, %dma_start3A_612] : memref<12500x8x64xf32, #tpu.memory_space<hbm>> -> memref<1x1x64xf32, #tpu.memory_space<hbm>>
      %dma_start3A_614 = tpu.memref_squeeze %dma_start3A_613 : memref<1x1x64xf32, #tpu.memory_space<hbm>> -> memref<64xf32, #tpu.memory_space<hbm>>
      %dma_start3A_615 = arith.constant 0 : i32
      %dma_start3A_616 = tpu.memref_slice %arg14[%shift_right_arithmetic3A_606, %and3A_608, %dma_start3A_615] : memref<16x8x64xf32, #tpu.memory_space<vmem>> -> memref<1x1x64xf32, #tpu.memory_space<vmem>>
      %dma_start3A_617 = tpu.memref_squeeze %dma_start3A_616 : memref<1x1x64xf32, #tpu.memory_space<vmem>> -> memref<64xf32, #tpu.memory_space<vmem>>
      %dma_start3A_618 = arith.constant 0 : i32
      %dma_start3A_619 = tpu.memref_slice %arg5[%shift_right_arithmetic3A_582, %and3A_584, %dma_start3A_618] : memref<12500x8x64xf32, #tpu.memory_space<hbm>> -> memref<1x1x64xf32, #tpu.memory_space<hbm>>
      %dma_start3A_620 = tpu.memref_squeeze %dma_start3A_619 : memref<1x1x64xf32, #tpu.memory_space<hbm>> -> memref<64xf32, #tpu.memory_space<hbm>>
      tpu.enqueue_dma source(%dma_start3A_620 : memref<64xf32, #tpu.memory_space<hbm>>) target(%dma_start3A_617 : memref<64xf32, #tpu.memory_space<vmem>>) target_semaphore(%arg16 : memref<!tpu.dma_semaphore, #tpu.memory_space<semaphore_mem>>)
      %slice3A_621 = vector.extract_strided_slice %get3A_204 {offsets = [10], sizes = [1], strides = [1]} : vector<16xi32> to vector<1xi32>
      %squeeze3A_622 = vector.extract %slice3A_621[0] : i32 from vector<1xi32>
      %shift_right_arithmetic3A_623 = arith.constant 3 : i32
      %shift_right_arithmetic3A_624 = arith.shrsi %squeeze3A_622, %shift_right_arithmetic3A_623 : i32
      %and3A_625 = arith.constant 7 : i32
      %and3A_626 = arith.andi %squeeze3A_622, %and3A_625 : i32
      %mul3A_627 = arith.constant 16 : i32
      %mul3A_628 = arith.muli %add3A_198, %mul3A_627 : i32
      %add3A_629 = arith.constant 10 : i32
      %add3A_630 = arith.addi %mul3A_628, %add3A_629 : i32
      %shift_right_arithmetic3A_631 = arith.constant 3 : i32
      %shift_right_arithmetic3A_632 = arith.shrsi %add3A_630, %shift_right_arithmetic3A_631 : i32
      %and3A_633 = arith.constant 7 : i32
      %and3A_634 = arith.andi %add3A_630, %and3A_633 : i32
      %dma_start3A_635 = arith.constant 0 : i32
      %dma_start3A_636 = tpu.memref_slice %arg12[%shift_right_arithmetic3A_632, %and3A_634, %dma_start3A_635] : memref<16x8x64xf32, #tpu.memory_space<vmem>> -> memref<1x1x64xf32, #tpu.memory_space<vmem>>
      %dma_start3A_637 = tpu.memref_squeeze %dma_start3A_636 : memref<1x1x64xf32, #tpu.memory_space<vmem>> -> memref<64xf32, #tpu.memory_space<vmem>>
      %dma_start3A_638 = arith.constant 0 : i32
      %dma_start3A_639 = tpu.memref_slice %arg4[%shift_right_arithmetic3A_624, %and3A_626, %dma_start3A_638] : memref<12500x8x64xf32, #tpu.memory_space<hbm>> -> memref<1x1x64xf32, #tpu.memory_space<hbm>>
      %dma_start3A_640 = tpu.memref_squeeze %dma_start3A_639 : memref<1x1x64xf32, #tpu.memory_space<hbm>> -> memref<64xf32, #tpu.memory_space<hbm>>
      %dma_start3A_641 = arith.constant 0 : i32
      %dma_start3A_642 = tpu.memref_slice %arg12[%shift_right_arithmetic3A_632, %and3A_634, %dma_start3A_641] : memref<16x8x64xf32, #tpu.memory_space<vmem>> -> memref<1x1x64xf32, #tpu.memory_space<vmem>>
      %dma_start3A_643 = tpu.memref_squeeze %dma_start3A_642 : memref<1x1x64xf32, #tpu.memory_space<vmem>> -> memref<64xf32, #tpu.memory_space<vmem>>
      %dma_start3A_644 = arith.constant 0 : i32
      %dma_start3A_645 = tpu.memref_slice %arg4[%shift_right_arithmetic3A_624, %and3A_626, %dma_start3A_644] : memref<12500x8x64xf32, #tpu.memory_space<hbm>> -> memref<1x1x64xf32, #tpu.memory_space<hbm>>
      %dma_start3A_646 = tpu.memref_squeeze %dma_start3A_645 : memref<1x1x64xf32, #tpu.memory_space<hbm>> -> memref<64xf32, #tpu.memory_space<hbm>>
      tpu.enqueue_dma source(%dma_start3A_646 : memref<64xf32, #tpu.memory_space<hbm>>) target(%dma_start3A_643 : memref<64xf32, #tpu.memory_space<vmem>>) target_semaphore(%arg16 : memref<!tpu.dma_semaphore, #tpu.memory_space<semaphore_mem>>)
      %shift_right_arithmetic3A_647 = arith.constant 3 : i32
      %shift_right_arithmetic3A_648 = arith.shrsi %add3A_630, %shift_right_arithmetic3A_647 : i32
      %and3A_649 = arith.constant 7 : i32
      %and3A_650 = arith.andi %add3A_630, %and3A_649 : i32
      %dma_start3A_651 = arith.constant 0 : i32
      %dma_start3A_652 = tpu.memref_slice %arg14[%shift_right_arithmetic3A_648, %and3A_650, %dma_start3A_651] : memref<16x8x64xf32, #tpu.memory_space<vmem>> -> memref<1x1x64xf32, #tpu.memory_space<vmem>>
      %dma_start3A_653 = tpu.memref_squeeze %dma_start3A_652 : memref<1x1x64xf32, #tpu.memory_space<vmem>> -> memref<64xf32, #tpu.memory_space<vmem>>
      %dma_start3A_654 = arith.constant 0 : i32
      %dma_start3A_655 = tpu.memref_slice %arg5[%shift_right_arithmetic3A_624, %and3A_626, %dma_start3A_654] : memref<12500x8x64xf32, #tpu.memory_space<hbm>> -> memref<1x1x64xf32, #tpu.memory_space<hbm>>
      %dma_start3A_656 = tpu.memref_squeeze %dma_start3A_655 : memref<1x1x64xf32, #tpu.memory_space<hbm>> -> memref<64xf32, #tpu.memory_space<hbm>>
      %dma_start3A_657 = arith.constant 0 : i32
      %dma_start3A_658 = tpu.memref_slice %arg14[%shift_right_arithmetic3A_648, %and3A_650, %dma_start3A_657] : memref<16x8x64xf32, #tpu.memory_space<vmem>> -> memref<1x1x64xf32, #tpu.memory_space<vmem>>
      %dma_start3A_659 = tpu.memref_squeeze %dma_start3A_658 : memref<1x1x64xf32, #tpu.memory_space<vmem>> -> memref<64xf32, #tpu.memory_space<vmem>>
      %dma_start3A_660 = arith.constant 0 : i32
      %dma_start3A_661 = tpu.memref_slice %arg5[%shift_right_arithmetic3A_624, %and3A_626, %dma_start3A_660] : memref<12500x8x64xf32, #tpu.memory_space<hbm>> -> memref<1x1x64xf32, #tpu.memory_space<hbm>>
      %dma_start3A_662 = tpu.memref_squeeze %dma_start3A_661 : memref<1x1x64xf32, #tpu.memory_space<hbm>> -> memref<64xf32, #tpu.memory_space<hbm>>
      tpu.enqueue_dma source(%dma_start3A_662 : memref<64xf32, #tpu.memory_space<hbm>>) target(%dma_start3A_659 : memref<64xf32, #tpu.memory_space<vmem>>) target_semaphore(%arg16 : memref<!tpu.dma_semaphore, #tpu.memory_space<semaphore_mem>>)
      %slice3A_663 = vector.extract_strided_slice %get3A_204 {offsets = [11], sizes = [1], strides = [1]} : vector<16xi32> to vector<1xi32>
      %squeeze3A_664 = vector.extract %slice3A_663[0] : i32 from vector<1xi32>
      %shift_right_arithmetic3A_665 = arith.constant 3 : i32
      %shift_right_arithmetic3A_666 = arith.shrsi %squeeze3A_664, %shift_right_arithmetic3A_665 : i32
      %and3A_667 = arith.constant 7 : i32
      %and3A_668 = arith.andi %squeeze3A_664, %and3A_667 : i32
      %mul3A_669 = arith.constant 16 : i32
      %mul3A_670 = arith.muli %add3A_198, %mul3A_669 : i32
      %add3A_671 = arith.constant 11 : i32
      %add3A_672 = arith.addi %mul3A_670, %add3A_671 : i32
      %shift_right_arithmetic3A_673 = arith.constant 3 : i32
      %shift_right_arithmetic3A_674 = arith.shrsi %add3A_672, %shift_right_arithmetic3A_673 : i32
      %and3A_675 = arith.constant 7 : i32
      %and3A_676 = arith.andi %add3A_672, %and3A_675 : i32
      %dma_start3A_677 = arith.constant 0 : i32
      %dma_start3A_678 = tpu.memref_slice %arg12[%shift_right_arithmetic3A_674, %and3A_676, %dma_start3A_677] : memref<16x8x64xf32, #tpu.memory_space<vmem>> -> memref<1x1x64xf32, #tpu.memory_space<vmem>>
      %dma_start3A_679 = tpu.memref_squeeze %dma_start3A_678 : memref<1x1x64xf32, #tpu.memory_space<vmem>> -> memref<64xf32, #tpu.memory_space<vmem>>
      %dma_start3A_680 = arith.constant 0 : i32
      %dma_start3A_681 = tpu.memref_slice %arg4[%shift_right_arithmetic3A_666, %and3A_668, %dma_start3A_680] : memref<12500x8x64xf32, #tpu.memory_space<hbm>> -> memref<1x1x64xf32, #tpu.memory_space<hbm>>
      %dma_start3A_682 = tpu.memref_squeeze %dma_start3A_681 : memref<1x1x64xf32, #tpu.memory_space<hbm>> -> memref<64xf32, #tpu.memory_space<hbm>>
      %dma_start3A_683 = arith.constant 0 : i32
      %dma_start3A_684 = tpu.memref_slice %arg12[%shift_right_arithmetic3A_674, %and3A_676, %dma_start3A_683] : memref<16x8x64xf32, #tpu.memory_space<vmem>> -> memref<1x1x64xf32, #tpu.memory_space<vmem>>
      %dma_start3A_685 = tpu.memref_squeeze %dma_start3A_684 : memref<1x1x64xf32, #tpu.memory_space<vmem>> -> memref<64xf32, #tpu.memory_space<vmem>>
      %dma_start3A_686 = arith.constant 0 : i32
      %dma_start3A_687 = tpu.memref_slice %arg4[%shift_right_arithmetic3A_666, %and3A_668, %dma_start3A_686] : memref<12500x8x64xf32, #tpu.memory_space<hbm>> -> memref<1x1x64xf32, #tpu.memory_space<hbm>>
      %dma_start3A_688 = tpu.memref_squeeze %dma_start3A_687 : memref<1x1x64xf32, #tpu.memory_space<hbm>> -> memref<64xf32, #tpu.memory_space<hbm>>
      tpu.enqueue_dma source(%dma_start3A_688 : memref<64xf32, #tpu.memory_space<hbm>>) target(%dma_start3A_685 : memref<64xf32, #tpu.memory_space<vmem>>) target_semaphore(%arg16 : memref<!tpu.dma_semaphore, #tpu.memory_space<semaphore_mem>>)
      %shift_right_arithmetic3A_689 = arith.constant 3 : i32
      %shift_right_arithmetic3A_690 = arith.shrsi %add3A_672, %shift_right_arithmetic3A_689 : i32
      %and3A_691 = arith.constant 7 : i32
      %and3A_692 = arith.andi %add3A_672, %and3A_691 : i32
      %dma_start3A_693 = arith.constant 0 : i32
      %dma_start3A_694 = tpu.memref_slice %arg14[%shift_right_arithmetic3A_690, %and3A_692, %dma_start3A_693] : memref<16x8x64xf32, #tpu.memory_space<vmem>> -> memref<1x1x64xf32, #tpu.memory_space<vmem>>
      %dma_start3A_695 = tpu.memref_squeeze %dma_start3A_694 : memref<1x1x64xf32, #tpu.memory_space<vmem>> -> memref<64xf32, #tpu.memory_space<vmem>>
      %dma_start3A_696 = arith.constant 0 : i32
      %dma_start3A_697 = tpu.memref_slice %arg5[%shift_right_arithmetic3A_666, %and3A_668, %dma_start3A_696] : memref<12500x8x64xf32, #tpu.memory_space<hbm>> -> memref<1x1x64xf32, #tpu.memory_space<hbm>>
      %dma_start3A_698 = tpu.memref_squeeze %dma_start3A_697 : memref<1x1x64xf32, #tpu.memory_space<hbm>> -> memref<64xf32, #tpu.memory_space<hbm>>
      %dma_start3A_699 = arith.constant 0 : i32
      %dma_start3A_700 = tpu.memref_slice %arg14[%shift_right_arithmetic3A_690, %and3A_692, %dma_start3A_699] : memref<16x8x64xf32, #tpu.memory_space<vmem>> -> memref<1x1x64xf32, #tpu.memory_space<vmem>>
      %dma_start3A_701 = tpu.memref_squeeze %dma_start3A_700 : memref<1x1x64xf32, #tpu.memory_space<vmem>> -> memref<64xf32, #tpu.memory_space<vmem>>
      %dma_start3A_702 = arith.constant 0 : i32
      %dma_start3A_703 = tpu.memref_slice %arg5[%shift_right_arithmetic3A_666, %and3A_668, %dma_start3A_702] : memref<12500x8x64xf32, #tpu.memory_space<hbm>> -> memref<1x1x64xf32, #tpu.memory_space<hbm>>
      %dma_start3A_704 = tpu.memref_squeeze %dma_start3A_703 : memref<1x1x64xf32, #tpu.memory_space<hbm>> -> memref<64xf32, #tpu.memory_space<hbm>>
      tpu.enqueue_dma source(%dma_start3A_704 : memref<64xf32, #tpu.memory_space<hbm>>) target(%dma_start3A_701 : memref<64xf32, #tpu.memory_space<vmem>>) target_semaphore(%arg16 : memref<!tpu.dma_semaphore, #tpu.memory_space<semaphore_mem>>)
      %slice3A_705 = vector.extract_strided_slice %get3A_204 {offsets = [12], sizes = [1], strides = [1]} : vector<16xi32> to vector<1xi32>
      %squeeze3A_706 = vector.extract %slice3A_705[0] : i32 from vector<1xi32>
      %shift_right_arithmetic3A_707 = arith.constant 3 : i32
      %shift_right_arithmetic3A_708 = arith.shrsi %squeeze3A_706, %shift_right_arithmetic3A_707 : i32
      %and3A_709 = arith.constant 7 : i32
      %and3A_710 = arith.andi %squeeze3A_706, %and3A_709 : i32
      %mul3A_711 = arith.constant 16 : i32
      %mul3A_712 = arith.muli %add3A_198, %mul3A_711 : i32
      %add3A_713 = arith.constant 12 : i32
      %add3A_714 = arith.addi %mul3A_712, %add3A_713 : i32
      %shift_right_arithmetic3A_715 = arith.constant 3 : i32
      %shift_right_arithmetic3A_716 = arith.shrsi %add3A_714, %shift_right_arithmetic3A_715 : i32
      %and3A_717 = arith.constant 7 : i32
      %and3A_718 = arith.andi %add3A_714, %and3A_717 : i32
      %dma_start3A_719 = arith.constant 0 : i32
      %dma_start3A_720 = tpu.memref_slice %arg12[%shift_right_arithmetic3A_716, %and3A_718, %dma_start3A_719] : memref<16x8x64xf32, #tpu.memory_space<vmem>> -> memref<1x1x64xf32, #tpu.memory_space<vmem>>
      %dma_start3A_721 = tpu.memref_squeeze %dma_start3A_720 : memref<1x1x64xf32, #tpu.memory_space<vmem>> -> memref<64xf32, #tpu.memory_space<vmem>>
      %dma_start3A_722 = arith.constant 0 : i32
      %dma_start3A_723 = tpu.memref_slice %arg4[%shift_right_arithmetic3A_708, %and3A_710, %dma_start3A_722] : memref<12500x8x64xf32, #tpu.memory_space<hbm>> -> memref<1x1x64xf32, #tpu.memory_space<hbm>>
      %dma_start3A_724 = tpu.memref_squeeze %dma_start3A_723 : memref<1x1x64xf32, #tpu.memory_space<hbm>> -> memref<64xf32, #tpu.memory_space<hbm>>
      %dma_start3A_725 = arith.constant 0 : i32
      %dma_start3A_726 = tpu.memref_slice %arg12[%shift_right_arithmetic3A_716, %and3A_718, %dma_start3A_725] : memref<16x8x64xf32, #tpu.memory_space<vmem>> -> memref<1x1x64xf32, #tpu.memory_space<vmem>>
      %dma_start3A_727 = tpu.memref_squeeze %dma_start3A_726 : memref<1x1x64xf32, #tpu.memory_space<vmem>> -> memref<64xf32, #tpu.memory_space<vmem>>
      %dma_start3A_728 = arith.constant 0 : i32
      %dma_start3A_729 = tpu.memref_slice %arg4[%shift_right_arithmetic3A_708, %and3A_710, %dma_start3A_728] : memref<12500x8x64xf32, #tpu.memory_space<hbm>> -> memref<1x1x64xf32, #tpu.memory_space<hbm>>
      %dma_start3A_730 = tpu.memref_squeeze %dma_start3A_729 : memref<1x1x64xf32, #tpu.memory_space<hbm>> -> memref<64xf32, #tpu.memory_space<hbm>>
      tpu.enqueue_dma source(%dma_start3A_730 : memref<64xf32, #tpu.memory_space<hbm>>) target(%dma_start3A_727 : memref<64xf32, #tpu.memory_space<vmem>>) target_semaphore(%arg16 : memref<!tpu.dma_semaphore, #tpu.memory_space<semaphore_mem>>)
      %shift_right_arithmetic3A_731 = arith.constant 3 : i32
      %shift_right_arithmetic3A_732 = arith.shrsi %add3A_714, %shift_right_arithmetic3A_731 : i32
      %and3A_733 = arith.constant 7 : i32
      %and3A_734 = arith.andi %add3A_714, %and3A_733 : i32
      %dma_start3A_735 = arith.constant 0 : i32
      %dma_start3A_736 = tpu.memref_slice %arg14[%shift_right_arithmetic3A_732, %and3A_734, %dma_start3A_735] : memref<16x8x64xf32, #tpu.memory_space<vmem>> -> memref<1x1x64xf32, #tpu.memory_space<vmem>>
      %dma_start3A_737 = tpu.memref_squeeze %dma_start3A_736 : memref<1x1x64xf32, #tpu.memory_space<vmem>> -> memref<64xf32, #tpu.memory_space<vmem>>
      %dma_start3A_738 = arith.constant 0 : i32
      %dma_start3A_739 = tpu.memref_slice %arg5[%shift_right_arithmetic3A_708, %and3A_710, %dma_start3A_738] : memref<12500x8x64xf32, #tpu.memory_space<hbm>> -> memref<1x1x64xf32, #tpu.memory_space<hbm>>
      %dma_start3A_740 = tpu.memref_squeeze %dma_start3A_739 : memref<1x1x64xf32, #tpu.memory_space<hbm>> -> memref<64xf32, #tpu.memory_space<hbm>>
      %dma_start3A_741 = arith.constant 0 : i32
      %dma_start3A_742 = tpu.memref_slice %arg14[%shift_right_arithmetic3A_732, %and3A_734, %dma_start3A_741] : memref<16x8x64xf32, #tpu.memory_space<vmem>> -> memref<1x1x64xf32, #tpu.memory_space<vmem>>
      %dma_start3A_743 = tpu.memref_squeeze %dma_start3A_742 : memref<1x1x64xf32, #tpu.memory_space<vmem>> -> memref<64xf32, #tpu.memory_space<vmem>>
      %dma_start3A_744 = arith.constant 0 : i32
      %dma_start3A_745 = tpu.memref_slice %arg5[%shift_right_arithmetic3A_708, %and3A_710, %dma_start3A_744] : memref<12500x8x64xf32, #tpu.memory_space<hbm>> -> memref<1x1x64xf32, #tpu.memory_space<hbm>>
      %dma_start3A_746 = tpu.memref_squeeze %dma_start3A_745 : memref<1x1x64xf32, #tpu.memory_space<hbm>> -> memref<64xf32, #tpu.memory_space<hbm>>
      tpu.enqueue_dma source(%dma_start3A_746 : memref<64xf32, #tpu.memory_space<hbm>>) target(%dma_start3A_743 : memref<64xf32, #tpu.memory_space<vmem>>) target_semaphore(%arg16 : memref<!tpu.dma_semaphore, #tpu.memory_space<semaphore_mem>>)
      %slice3A_747 = vector.extract_strided_slice %get3A_204 {offsets = [13], sizes = [1], strides = [1]} : vector<16xi32> to vector<1xi32>
      %squeeze3A_748 = vector.extract %slice3A_747[0] : i32 from vector<1xi32>
      %shift_right_arithmetic3A_749 = arith.constant 3 : i32
      %shift_right_arithmetic3A_750 = arith.shrsi %squeeze3A_748, %shift_right_arithmetic3A_749 : i32
      %and3A_751 = arith.constant 7 : i32
      %and3A_752 = arith.andi %squeeze3A_748, %and3A_751 : i32
      %mul3A_753 = arith.constant 16 : i32
      %mul3A_754 = arith.muli %add3A_198, %mul3A_753 : i32
      %add3A_755 = arith.constant 13 : i32
      %add3A_756 = arith.addi %mul3A_754, %add3A_755 : i32
      %shift_right_arithmetic3A_757 = arith.constant 3 : i32
      %shift_right_arithmetic3A_758 = arith.shrsi %add3A_756, %shift_right_arithmetic3A_757 : i32
      %and3A_759 = arith.constant 7 : i32
      %and3A_760 = arith.andi %add3A_756, %and3A_759 : i32
      %dma_start3A_761 = arith.constant 0 : i32
      %dma_start3A_762 = tpu.memref_slice %arg12[%shift_right_arithmetic3A_758, %and3A_760, %dma_start3A_761] : memref<16x8x64xf32, #tpu.memory_space<vmem>> -> memref<1x1x64xf32, #tpu.memory_space<vmem>>
      %dma_start3A_763 = tpu.memref_squeeze %dma_start3A_762 : memref<1x1x64xf32, #tpu.memory_space<vmem>> -> memref<64xf32, #tpu.memory_space<vmem>>
      %dma_start3A_764 = arith.constant 0 : i32
      %dma_start3A_765 = tpu.memref_slice %arg4[%shift_right_arithmetic3A_750, %and3A_752, %dma_start3A_764] : memref<12500x8x64xf32, #tpu.memory_space<hbm>> -> memref<1x1x64xf32, #tpu.memory_space<hbm>>
      %dma_start3A_766 = tpu.memref_squeeze %dma_start3A_765 : memref<1x1x64xf32, #tpu.memory_space<hbm>> -> memref<64xf32, #tpu.memory_space<hbm>>
      %dma_start3A_767 = arith.constant 0 : i32
      %dma_start3A_768 = tpu.memref_slice %arg12[%shift_right_arithmetic3A_758, %and3A_760, %dma_start3A_767] : memref<16x8x64xf32, #tpu.memory_space<vmem>> -> memref<1x1x64xf32, #tpu.memory_space<vmem>>
      %dma_start3A_769 = tpu.memref_squeeze %dma_start3A_768 : memref<1x1x64xf32, #tpu.memory_space<vmem>> -> memref<64xf32, #tpu.memory_space<vmem>>
      %dma_start3A_770 = arith.constant 0 : i32
      %dma_start3A_771 = tpu.memref_slice %arg4[%shift_right_arithmetic3A_750, %and3A_752, %dma_start3A_770] : memref<12500x8x64xf32, #tpu.memory_space<hbm>> -> memref<1x1x64xf32, #tpu.memory_space<hbm>>
      %dma_start3A_772 = tpu.memref_squeeze %dma_start3A_771 : memref<1x1x64xf32, #tpu.memory_space<hbm>> -> memref<64xf32, #tpu.memory_space<hbm>>
      tpu.enqueue_dma source(%dma_start3A_772 : memref<64xf32, #tpu.memory_space<hbm>>) target(%dma_start3A_769 : memref<64xf32, #tpu.memory_space<vmem>>) target_semaphore(%arg16 : memref<!tpu.dma_semaphore, #tpu.memory_space<semaphore_mem>>)
      %shift_right_arithmetic3A_773 = arith.constant 3 : i32
      %shift_right_arithmetic3A_774 = arith.shrsi %add3A_756, %shift_right_arithmetic3A_773 : i32
      %and3A_775 = arith.constant 7 : i32
      %and3A_776 = arith.andi %add3A_756, %and3A_775 : i32
      %dma_start3A_777 = arith.constant 0 : i32
      %dma_start3A_778 = tpu.memref_slice %arg14[%shift_right_arithmetic3A_774, %and3A_776, %dma_start3A_777] : memref<16x8x64xf32, #tpu.memory_space<vmem>> -> memref<1x1x64xf32, #tpu.memory_space<vmem>>
      %dma_start3A_779 = tpu.memref_squeeze %dma_start3A_778 : memref<1x1x64xf32, #tpu.memory_space<vmem>> -> memref<64xf32, #tpu.memory_space<vmem>>
      %dma_start3A_780 = arith.constant 0 : i32
      %dma_start3A_781 = tpu.memref_slice %arg5[%shift_right_arithmetic3A_750, %and3A_752, %dma_start3A_780] : memref<12500x8x64xf32, #tpu.memory_space<hbm>> -> memref<1x1x64xf32, #tpu.memory_space<hbm>>
      %dma_start3A_782 = tpu.memref_squeeze %dma_start3A_781 : memref<1x1x64xf32, #tpu.memory_space<hbm>> -> memref<64xf32, #tpu.memory_space<hbm>>
      %dma_start3A_783 = arith.constant 0 : i32
      %dma_start3A_784 = tpu.memref_slice %arg14[%shift_right_arithmetic3A_774, %and3A_776, %dma_start3A_783] : memref<16x8x64xf32, #tpu.memory_space<vmem>> -> memref<1x1x64xf32, #tpu.memory_space<vmem>>
      %dma_start3A_785 = tpu.memref_squeeze %dma_start3A_784 : memref<1x1x64xf32, #tpu.memory_space<vmem>> -> memref<64xf32, #tpu.memory_space<vmem>>
      %dma_start3A_786 = arith.constant 0 : i32
      %dma_start3A_787 = tpu.memref_slice %arg5[%shift_right_arithmetic3A_750, %and3A_752, %dma_start3A_786] : memref<12500x8x64xf32, #tpu.memory_space<hbm>> -> memref<1x1x64xf32, #tpu.memory_space<hbm>>
      %dma_start3A_788 = tpu.memref_squeeze %dma_start3A_787 : memref<1x1x64xf32, #tpu.memory_space<hbm>> -> memref<64xf32, #tpu.memory_space<hbm>>
      tpu.enqueue_dma source(%dma_start3A_788 : memref<64xf32, #tpu.memory_space<hbm>>) target(%dma_start3A_785 : memref<64xf32, #tpu.memory_space<vmem>>) target_semaphore(%arg16 : memref<!tpu.dma_semaphore, #tpu.memory_space<semaphore_mem>>)
      %slice3A_789 = vector.extract_strided_slice %get3A_204 {offsets = [14], sizes = [1], strides = [1]} : vector<16xi32> to vector<1xi32>
      %squeeze3A_790 = vector.extract %slice3A_789[0] : i32 from vector<1xi32>
      %shift_right_arithmetic3A_791 = arith.constant 3 : i32
      %shift_right_arithmetic3A_792 = arith.shrsi %squeeze3A_790, %shift_right_arithmetic3A_791 : i32
      %and3A_793 = arith.constant 7 : i32
      %and3A_794 = arith.andi %squeeze3A_790, %and3A_793 : i32
      %mul3A_795 = arith.constant 16 : i32
      %mul3A_796 = arith.muli %add3A_198, %mul3A_795 : i32
      %add3A_797 = arith.constant 14 : i32
      %add3A_798 = arith.addi %mul3A_796, %add3A_797 : i32
      %shift_right_arithmetic3A_799 = arith.constant 3 : i32
      %shift_right_arithmetic3A_800 = arith.shrsi %add3A_798, %shift_right_arithmetic3A_799 : i32
      %and3A_801 = arith.constant 7 : i32
      %and3A_802 = arith.andi %add3A_798, %and3A_801 : i32
      %dma_start3A_803 = arith.constant 0 : i32
      %dma_start3A_804 = tpu.memref_slice %arg12[%shift_right_arithmetic3A_800, %and3A_802, %dma_start3A_803] : memref<16x8x64xf32, #tpu.memory_space<vmem>> -> memref<1x1x64xf32, #tpu.memory_space<vmem>>
      %dma_start3A_805 = tpu.memref_squeeze %dma_start3A_804 : memref<1x1x64xf32, #tpu.memory_space<vmem>> -> memref<64xf32, #tpu.memory_space<vmem>>
      %dma_start3A_806 = arith.constant 0 : i32
      %dma_start3A_807 = tpu.memref_slice %arg4[%shift_right_arithmetic3A_792, %and3A_794, %dma_start3A_806] : memref<12500x8x64xf32, #tpu.memory_space<hbm>> -> memref<1x1x64xf32, #tpu.memory_space<hbm>>
      %dma_start3A_808 = tpu.memref_squeeze %dma_start3A_807 : memref<1x1x64xf32, #tpu.memory_space<hbm>> -> memref<64xf32, #tpu.memory_space<hbm>>
      %dma_start3A_809 = arith.constant 0 : i32
      %dma_start3A_810 = tpu.memref_slice %arg12[%shift_right_arithmetic3A_800, %and3A_802, %dma_start3A_809] : memref<16x8x64xf32, #tpu.memory_space<vmem>> -> memref<1x1x64xf32, #tpu.memory_space<vmem>>
      %dma_start3A_811 = tpu.memref_squeeze %dma_start3A_810 : memref<1x1x64xf32, #tpu.memory_space<vmem>> -> memref<64xf32, #tpu.memory_space<vmem>>
      %dma_start3A_812 = arith.constant 0 : i32
      %dma_start3A_813 = tpu.memref_slice %arg4[%shift_right_arithmetic3A_792, %and3A_794, %dma_start3A_812] : memref<12500x8x64xf32, #tpu.memory_space<hbm>> -> memref<1x1x64xf32, #tpu.memory_space<hbm>>
      %dma_start3A_814 = tpu.memref_squeeze %dma_start3A_813 : memref<1x1x64xf32, #tpu.memory_space<hbm>> -> memref<64xf32, #tpu.memory_space<hbm>>
      tpu.enqueue_dma source(%dma_start3A_814 : memref<64xf32, #tpu.memory_space<hbm>>) target(%dma_start3A_811 : memref<64xf32, #tpu.memory_space<vmem>>) target_semaphore(%arg16 : memref<!tpu.dma_semaphore, #tpu.memory_space<semaphore_mem>>)
      %shift_right_arithmetic3A_815 = arith.constant 3 : i32
      %shift_right_arithmetic3A_816 = arith.shrsi %add3A_798, %shift_right_arithmetic3A_815 : i32
      %and3A_817 = arith.constant 7 : i32
      %and3A_818 = arith.andi %add3A_798, %and3A_817 : i32
      %dma_start3A_819 = arith.constant 0 : i32
      %dma_start3A_820 = tpu.memref_slice %arg14[%shift_right_arithmetic3A_816, %and3A_818, %dma_start3A_819] : memref<16x8x64xf32, #tpu.memory_space<vmem>> -> memref<1x1x64xf32, #tpu.memory_space<vmem>>
      %dma_start3A_821 = tpu.memref_squeeze %dma_start3A_820 : memref<1x1x64xf32, #tpu.memory_space<vmem>> -> memref<64xf32, #tpu.memory_space<vmem>>
      %dma_start3A_822 = arith.constant 0 : i32
      %dma_start3A_823 = tpu.memref_slice %arg5[%shift_right_arithmetic3A_792, %and3A_794, %dma_start3A_822] : memref<12500x8x64xf32, #tpu.memory_space<hbm>> -> memref<1x1x64xf32, #tpu.memory_space<hbm>>
      %dma_start3A_824 = tpu.memref_squeeze %dma_start3A_823 : memref<1x1x64xf32, #tpu.memory_space<hbm>> -> memref<64xf32, #tpu.memory_space<hbm>>
      %dma_start3A_825 = arith.constant 0 : i32
      %dma_start3A_826 = tpu.memref_slice %arg14[%shift_right_arithmetic3A_816, %and3A_818, %dma_start3A_825] : memref<16x8x64xf32, #tpu.memory_space<vmem>> -> memref<1x1x64xf32, #tpu.memory_space<vmem>>
      %dma_start3A_827 = tpu.memref_squeeze %dma_start3A_826 : memref<1x1x64xf32, #tpu.memory_space<vmem>> -> memref<64xf32, #tpu.memory_space<vmem>>
      %dma_start3A_828 = arith.constant 0 : i32
      %dma_start3A_829 = tpu.memref_slice %arg5[%shift_right_arithmetic3A_792, %and3A_794, %dma_start3A_828] : memref<12500x8x64xf32, #tpu.memory_space<hbm>> -> memref<1x1x64xf32, #tpu.memory_space<hbm>>
      %dma_start3A_830 = tpu.memref_squeeze %dma_start3A_829 : memref<1x1x64xf32, #tpu.memory_space<hbm>> -> memref<64xf32, #tpu.memory_space<hbm>>
      tpu.enqueue_dma source(%dma_start3A_830 : memref<64xf32, #tpu.memory_space<hbm>>) target(%dma_start3A_827 : memref<64xf32, #tpu.memory_space<vmem>>) target_semaphore(%arg16 : memref<!tpu.dma_semaphore, #tpu.memory_space<semaphore_mem>>)
      %slice3A_831 = vector.extract_strided_slice %get3A_204 {offsets = [15], sizes = [1], strides = [1]} : vector<16xi32> to vector<1xi32>
      %squeeze3A_832 = vector.extract %slice3A_831[0] : i32 from vector<1xi32>
      %shift_right_arithmetic3A_833 = arith.constant 3 : i32
      %shift_right_arithmetic3A_834 = arith.shrsi %squeeze3A_832, %shift_right_arithmetic3A_833 : i32
      %and3A_835 = arith.constant 7 : i32
      %and3A_836 = arith.andi %squeeze3A_832, %and3A_835 : i32
      %mul3A_837 = arith.constant 16 : i32
      %mul3A_838 = arith.muli %add3A_198, %mul3A_837 : i32
      %add3A_839 = arith.constant 15 : i32
      %add3A_840 = arith.addi %mul3A_838, %add3A_839 : i32
      %shift_right_arithmetic3A_841 = arith.constant 3 : i32
      %shift_right_arithmetic3A_842 = arith.shrsi %add3A_840, %shift_right_arithmetic3A_841 : i32
      %and3A_843 = arith.constant 7 : i32
      %and3A_844 = arith.andi %add3A_840, %and3A_843 : i32
      %dma_start3A_845 = arith.constant 0 : i32
      %dma_start3A_846 = tpu.memref_slice %arg12[%shift_right_arithmetic3A_842, %and3A_844, %dma_start3A_845] : memref<16x8x64xf32, #tpu.memory_space<vmem>> -> memref<1x1x64xf32, #tpu.memory_space<vmem>>
      %dma_start3A_847 = tpu.memref_squeeze %dma_start3A_846 : memref<1x1x64xf32, #tpu.memory_space<vmem>> -> memref<64xf32, #tpu.memory_space<vmem>>
      %dma_start3A_848 = arith.constant 0 : i32
      %dma_start3A_849 = tpu.memref_slice %arg4[%shift_right_arithmetic3A_834, %and3A_836, %dma_start3A_848] : memref<12500x8x64xf32, #tpu.memory_space<hbm>> -> memref<1x1x64xf32, #tpu.memory_space<hbm>>
      %dma_start3A_850 = tpu.memref_squeeze %dma_start3A_849 : memref<1x1x64xf32, #tpu.memory_space<hbm>> -> memref<64xf32, #tpu.memory_space<hbm>>
      %dma_start3A_851 = arith.constant 0 : i32
      %dma_start3A_852 = tpu.memref_slice %arg12[%shift_right_arithmetic3A_842, %and3A_844, %dma_start3A_851] : memref<16x8x64xf32, #tpu.memory_space<vmem>> -> memref<1x1x64xf32, #tpu.memory_space<vmem>>
      %dma_start3A_853 = tpu.memref_squeeze %dma_start3A_852 : memref<1x1x64xf32, #tpu.memory_space<vmem>> -> memref<64xf32, #tpu.memory_space<vmem>>
      %dma_start3A_854 = arith.constant 0 : i32
      %dma_start3A_855 = tpu.memref_slice %arg4[%shift_right_arithmetic3A_834, %and3A_836, %dma_start3A_854] : memref<12500x8x64xf32, #tpu.memory_space<hbm>> -> memref<1x1x64xf32, #tpu.memory_space<hbm>>
      %dma_start3A_856 = tpu.memref_squeeze %dma_start3A_855 : memref<1x1x64xf32, #tpu.memory_space<hbm>> -> memref<64xf32, #tpu.memory_space<hbm>>
      tpu.enqueue_dma source(%dma_start3A_856 : memref<64xf32, #tpu.memory_space<hbm>>) target(%dma_start3A_853 : memref<64xf32, #tpu.memory_space<vmem>>) target_semaphore(%arg16 : memref<!tpu.dma_semaphore, #tpu.memory_space<semaphore_mem>>)
      %shift_right_arithmetic3A_857 = arith.constant 3 : i32
      %shift_right_arithmetic3A_858 = arith.shrsi %add3A_840, %shift_right_arithmetic3A_857 : i32
      %and3A_859 = arith.constant 7 : i32
      %and3A_860 = arith.andi %add3A_840, %and3A_859 : i32
      %dma_start3A_861 = arith.constant 0 : i32
      %dma_start3A_862 = tpu.memref_slice %arg14[%shift_right_arithmetic3A_858, %and3A_860, %dma_start3A_861] : memref<16x8x64xf32, #tpu.memory_space<vmem>> -> memref<1x1x64xf32, #tpu.memory_space<vmem>>
      %dma_start3A_863 = tpu.memref_squeeze %dma_start3A_862 : memref<1x1x64xf32, #tpu.memory_space<vmem>> -> memref<64xf32, #tpu.memory_space<vmem>>
      %dma_start3A_864 = arith.constant 0 : i32
      %dma_start3A_865 = tpu.memref_slice %arg5[%shift_right_arithmetic3A_834, %and3A_836, %dma_start3A_864] : memref<12500x8x64xf32, #tpu.memory_space<hbm>> -> memref<1x1x64xf32, #tpu.memory_space<hbm>>
      %dma_start3A_866 = tpu.memref_squeeze %dma_start3A_865 : memref<1x1x64xf32, #tpu.memory_space<hbm>> -> memref<64xf32, #tpu.memory_space<hbm>>
      %dma_start3A_867 = arith.constant 0 : i32
      %dma_start3A_868 = tpu.memref_slice %arg14[%shift_right_arithmetic3A_858, %and3A_860, %dma_start3A_867] : memref<16x8x64xf32, #tpu.memory_space<vmem>> -> memref<1x1x64xf32, #tpu.memory_space<vmem>>
      %dma_start3A_869 = tpu.memref_squeeze %dma_start3A_868 : memref<1x1x64xf32, #tpu.memory_space<vmem>> -> memref<64xf32, #tpu.memory_space<vmem>>
      %dma_start3A_870 = arith.constant 0 : i32
      %dma_start3A_871 = tpu.memref_slice %arg5[%shift_right_arithmetic3A_834, %and3A_836, %dma_start3A_870] : memref<12500x8x64xf32, #tpu.memory_space<hbm>> -> memref<1x1x64xf32, #tpu.memory_space<hbm>>
      %dma_start3A_872 = tpu.memref_squeeze %dma_start3A_871 : memref<1x1x64xf32, #tpu.memory_space<hbm>> -> memref<64xf32, #tpu.memory_space<hbm>>
      tpu.enqueue_dma source(%dma_start3A_872 : memref<64xf32, #tpu.memory_space<hbm>>) target(%dma_start3A_869 : memref<64xf32, #tpu.memory_space<vmem>>) target_semaphore(%arg16 : memref<!tpu.dma_semaphore, #tpu.memory_space<semaphore_mem>>)
    }
    %scan3A_22 = arith.constant 8 : i32
    %dma_wait3A = arith.constant 0 : i32
    %dma_wait3A_23 = arith.constant 0 : i32
    %dma_wait3A_24 = arith.constant 0 : i32
    %dma_wait3A_25 = tpu.memref_slice %arg4[%dma_wait3A, %dma_wait3A_23, %dma_wait3A_24] : memref<12500x8x64xf32, #tpu.memory_space<hbm>> -> memref<16x8x64xf32, #tpu.memory_space<hbm>>
    %dma_wait3A_26 = arith.constant 0 : i32
    %dma_wait3A_27 = arith.constant 0 : i32
    %dma_wait3A_28 = arith.constant 0 : i32
    %dma_wait3A_29 = tpu.memref_slice %arg4[%dma_wait3A_26, %dma_wait3A_27, %dma_wait3A_28] : memref<12500x8x64xf32, #tpu.memory_space<hbm>> -> memref<16x8x64xf32, #tpu.memory_space<hbm>>
    tpu.wait_dma2 semaphore(%arg15 : memref<!tpu.dma_semaphore, #tpu.memory_space<semaphore_mem>>) src(%dma_wait3A_29 : memref<16x8x64xf32, #tpu.memory_space<hbm>>) dst(%arg11 : memref<16x8x64xf32, #tpu.memory_space<vmem>>)
    %dma_wait3A_30 = arith.constant 0 : i32
    %dma_wait3A_31 = arith.constant 0 : i32
    %dma_wait3A_32 = arith.constant 0 : i32
    %dma_wait3A_33 = tpu.memref_slice %arg4[%dma_wait3A_30, %dma_wait3A_31, %dma_wait3A_32] : memref<12500x8x64xf32, #tpu.memory_space<hbm>> -> memref<16x8x64xf32, #tpu.memory_space<hbm>>
    %dma_wait3A_34 = arith.constant 0 : i32
    %dma_wait3A_35 = arith.constant 0 : i32
    %dma_wait3A_36 = arith.constant 0 : i32
    %dma_wait3A_37 = tpu.memref_slice %arg4[%dma_wait3A_34, %dma_wait3A_35, %dma_wait3A_36] : memref<12500x8x64xf32, #tpu.memory_space<hbm>> -> memref<16x8x64xf32, #tpu.memory_space<hbm>>
    tpu.wait_dma2 semaphore(%arg15 : memref<!tpu.dma_semaphore, #tpu.memory_space<semaphore_mem>>) src(%dma_wait3A_37 : memref<16x8x64xf32, #tpu.memory_space<hbm>>) dst(%arg13 : memref<16x8x64xf32, #tpu.memory_space<vmem>>)
    %dma_wait3A_38 = arith.constant 0 : i32
    %dma_wait3A_39 = arith.constant 0 : i32
    %dma_wait3A_40 = tpu.memref_slice %arg2[%dma_wait3A_38, %dma_wait3A_39] : memref<16384x128xf32, #tpu.memory_space<hbm>> -> memref<128x128xf32, #tpu.memory_space<hbm>>
    %dma_wait3A_41 = arith.constant 0 : i32
    %dma_wait3A_42 = arith.constant 0 : i32
    %dma_wait3A_43 = tpu.memref_slice %arg2[%dma_wait3A_41, %dma_wait3A_42] : memref<16384x128xf32, #tpu.memory_space<hbm>> -> memref<128x128xf32, #tpu.memory_space<hbm>>
    tpu.wait_dma2 semaphore(%arg15 : memref<!tpu.dma_semaphore, #tpu.memory_space<semaphore_mem>>) src(%dma_wait3A_43 : memref<128x128xf32, #tpu.memory_space<hbm>>) dst(%arg8 : memref<128x128xf32, #tpu.memory_space<vmem>>)
    %add3A_44 = arith.constant 0 : i32
    %add3A_45 = arith.addi %mul3A_2, %add3A_44 : i32
    %scan3A_46 = arith.constant 0 : i32
    %scan3A_47 = arith.constant 128 : i32
    %scan3A_48 = arith.addi %scan3A_46, %scan3A_47 : i32
    %scan3A_49 = arith.constant 1 : i32
    scf.for %scan3A_194 = %scan3A_46 to %scan3A_48 step %scan3A_49  : i32 {
      %mul3A_195 = arith.constant 1 : i32
      %mul3A_196 = arith.muli %scan3A_194, %mul3A_195 : i32
      %add3A_197 = arith.constant 0 : i32
      %add3A_198 = arith.addi %add3A_197, %mul3A_196 : i32
      %get3A = arith.index_cast %add3A_198 : i32 to index
      %get3A_199 = arith.constant 0 : index
      %get3A_200 = tpu.vector_load %arg8[%get3A, %get3A_199] {strides = array<i32>} : memref<128x128xf32, #tpu.memory_space<vmem>>, vector<1x16xf32>,
      %get3A_201 = vector.shape_cast %get3A_200 : vector<1x16xf32> to vector<16xf32>
      %get3A_202 = arith.index_cast %add3A_198 : i32 to index
      %get3A_203 = arith.constant 64 : index
      %get3A_204 = tpu.vector_load %arg8[%get3A_202, %get3A_203] {strides = array<i32>} : memref<128x128xf32, #tpu.memory_space<vmem>>, vector<1x16xf32>,
      %get3A_205 = vector.shape_cast %get3A_204 : vector<1x16xf32> to vector<16xf32>
      %shift_right_arithmetic3A = arith.constant 3 : i32
      %shift_right_arithmetic3A_206 = arith.shrsi %add3A_198, %shift_right_arithmetic3A : i32
      %and3A = arith.constant 7 : i32
      %and3A_207 = arith.andi %add3A_198, %and3A : i32
      %get3A_208 = arith.index_cast %shift_right_arithmetic3A_206 : i32 to index
      %get3A_209 = arith.index_cast %and3A_207 : i32 to index
      %get3A_210 = arith.constant 0 : index
      %get3A_211 = tpu.vector_load %arg11[%get3A_208, %get3A_209, %get3A_210] {strides = array<i32>} : memref<16x8x64xf32, #tpu.memory_space<vmem>>, vector<1x1x16xf32>,
      %get3A_212 = vector.shape_cast %get3A_211 : vector<1x1x16xf32> to vector<16xf32>
      %shift_right_arithmetic3A_213 = arith.constant 3 : i32
      %shift_right_arithmetic3A_214 = arith.shrsi %add3A_198, %shift_right_arithmetic3A_213 : i32
      %and3A_215 = arith.constant 7 : i32
      %and3A_216 = arith.andi %add3A_198, %and3A_215 : i32
      %get3A_217 = arith.index_cast %shift_right_arithmetic3A_214 : i32 to index
      %get3A_218 = arith.index_cast %and3A_216 : i32 to index
      %get3A_219 = arith.constant 0 : index
      %get3A_220 = tpu.vector_load %arg13[%get3A_217, %get3A_218, %get3A_219] {strides = array<i32>} : memref<16x8x64xf32, #tpu.memory_space<vmem>>, vector<1x1x16xf32>,
      %get3A_221 = vector.shape_cast %get3A_220 : vector<1x1x16xf32> to vector<16xf32>
      %mul3A_222 = arith.mulf %get3A_201, %get3A_212 : vector<16xf32>
      %mul3A_223 = arith.mulf %get3A_205, %get3A_221 : vector<16xf32>
      %sub3A = arith.subf %mul3A_222, %mul3A_223 : vector<16xf32>
      %swap3A = arith.index_cast %add3A_198 : i32 to index
      %swap3A_224 = arith.constant 0 : index
      %swap3A_225 = tpu.vector_load %arg8[%swap3A, %swap3A_224] {strides = array<i32>} : memref<128x128xf32, #tpu.memory_space<vmem>>, vector<1x16xf32>,
      %swap3A_226 = vector.shape_cast %swap3A_225 : vector<1x16xf32> to vector<16xf32>
      %swap3A_227 = vector.shape_cast %sub3A : vector<16xf32> to vector<1x16xf32>
      tpu.vector_store %arg8[%swap3A, %swap3A_224], %swap3A_227 {strides = array<i32>} : memref<128x128xf32, #tpu.memory_space<vmem>>, vector<1x16xf32>,
      %mul3A_228 = arith.mulf %get3A_201, %get3A_221 : vector<16xf32>
      %mul3A_229 = arith.mulf %get3A_205, %get3A_212 : vector<16xf32>
      %add3A_230 = arith.addf %mul3A_228, %mul3A_229 : vector<16xf32>
      %swap3A_231 = arith.index_cast %add3A_198 : i32 to index
      %swap3A_232 = arith.constant 64 : index
      %swap3A_233 = tpu.vector_load %arg8[%swap3A_231, %swap3A_232] {strides = array<i32>} : memref<128x128xf32, #tpu.memory_space<vmem>>, vector<1x16xf32>,
      %swap3A_234 = vector.shape_cast %swap3A_233 : vector<1x16xf32> to vector<16xf32>
      %swap3A_235 = vector.shape_cast %add3A_230 : vector<16xf32> to vector<1x16xf32>
      tpu.vector_store %arg8[%swap3A_231, %swap3A_232], %swap3A_235 {strides = array<i32>} : memref<128x128xf32, #tpu.memory_space<vmem>>, vector<1x16xf32>,
      %get3A_236 = arith.index_cast %add3A_198 : i32 to index
      %get3A_237 = arith.constant 16 : index
      %get3A_238 = tpu.vector_load %arg8[%get3A_236, %get3A_237] {strides = array<i32>} : memref<128x128xf32, #tpu.memory_space<vmem>>, vector<1x16xf32>,
      %get3A_239 = vector.shape_cast %get3A_238 : vector<1x16xf32> to vector<16xf32>
      %get3A_240 = arith.index_cast %add3A_198 : i32 to index
      %get3A_241 = arith.constant 80 : index
      %get3A_242 = tpu.vector_load %arg8[%get3A_240, %get3A_241] {strides = array<i32>} : memref<128x128xf32, #tpu.memory_space<vmem>>, vector<1x16xf32>,
      %get3A_243 = vector.shape_cast %get3A_242 : vector<1x16xf32> to vector<16xf32>
      %shift_right_arithmetic3A_244 = arith.constant 3 : i32
      %shift_right_arithmetic3A_245 = arith.shrsi %add3A_198, %shift_right_arithmetic3A_244 : i32
      %and3A_246 = arith.constant 7 : i32
      %and3A_247 = arith.andi %add3A_198, %and3A_246 : i32
      %get3A_248 = arith.index_cast %shift_right_arithmetic3A_245 : i32 to index
      %get3A_249 = arith.index_cast %and3A_247 : i32 to index
      %get3A_250 = arith.constant 16 : index
      %get3A_251 = tpu.vector_load %arg11[%get3A_248, %get3A_249, %get3A_250] {strides = array<i32>} : memref<16x8x64xf32, #tpu.memory_space<vmem>>, vector<1x1x16xf32>,
      %get3A_252 = vector.shape_cast %get3A_251 : vector<1x1x16xf32> to vector<16xf32>
      %shift_right_arithmetic3A_253 = arith.constant 3 : i32
      %shift_right_arithmetic3A_254 = arith.shrsi %add3A_198, %shift_right_arithmetic3A_253 : i32
      %and3A_255 = arith.constant 7 : i32
      %and3A_256 = arith.andi %add3A_198, %and3A_255 : i32
      %get3A_257 = arith.index_cast %shift_right_arithmetic3A_254 : i32 to index
      %get3A_258 = arith.index_cast %and3A_256 : i32 to index
      %get3A_259 = arith.constant 16 : index
      %get3A_260 = tpu.vector_load %arg13[%get3A_257, %get3A_258, %get3A_259] {strides = array<i32>} : memref<16x8x64xf32, #tpu.memory_space<vmem>>, vector<1x1x16xf32>,
      %get3A_261 = vector.shape_cast %get3A_260 : vector<1x1x16xf32> to vector<16xf32>
      %mul3A_262 = arith.mulf %get3A_239, %get3A_252 : vector<16xf32>
      %mul3A_263 = arith.mulf %get3A_243, %get3A_261 : vector<16xf32>
      %sub3A_264 = arith.subf %mul3A_262, %mul3A_263 : vector<16xf32>
      %swap3A_265 = arith.index_cast %add3A_198 : i32 to index
      %swap3A_266 = arith.constant 16 : index
      %swap3A_267 = tpu.vector_load %arg8[%swap3A_265, %swap3A_266] {strides = array<i32>} : memref<128x128xf32, #tpu.memory_space<vmem>>, vector<1x16xf32>,
      %swap3A_268 = vector.shape_cast %swap3A_267 : vector<1x16xf32> to vector<16xf32>
      %swap3A_269 = vector.shape_cast %sub3A_264 : vector<16xf32> to vector<1x16xf32>
      tpu.vector_store %arg8[%swap3A_265, %swap3A_266], %swap3A_269 {strides = array<i32>} : memref<128x128xf32, #tpu.memory_space<vmem>>, vector<1x16xf32>,
      %mul3A_270 = arith.mulf %get3A_239, %get3A_261 : vector<16xf32>
      %mul3A_271 = arith.mulf %get3A_243, %get3A_252 : vector<16xf32>
      %add3A_272 = arith.addf %mul3A_270, %mul3A_271 : vector<16xf32>
      %swap3A_273 = arith.index_cast %add3A_198 : i32 to index
      %swap3A_274 = arith.constant 80 : index
      %swap3A_275 = tpu.vector_load %arg8[%swap3A_273, %swap3A_274] {strides = array<i32>} : memref<128x128xf32, #tpu.memory_space<vmem>>, vector<1x16xf32>,
      %swap3A_276 = vector.shape_cast %swap3A_275 : vector<1x16xf32> to vector<16xf32>
      %swap3A_277 = vector.shape_cast %add3A_272 : vector<16xf32> to vector<1x16xf32>
      tpu.vector_store %arg8[%swap3A_273, %swap3A_274], %swap3A_277 {strides = array<i32>} : memref<128x128xf32, #tpu.memory_space<vmem>>, vector<1x16xf32>,
      %get3A_278 = arith.index_cast %add3A_198 : i32 to index
      %get3A_279 = arith.constant 32 : index
      %get3A_280 = tpu.vector_load %arg8[%get3A_278, %get3A_279] {strides = array<i32>} : memref<128x128xf32, #tpu.memory_space<vmem>>, vector<1x16xf32>,
      %get3A_281 = vector.shape_cast %get3A_280 : vector<1x16xf32> to vector<16xf32>
      %get3A_282 = arith.index_cast %add3A_198 : i32 to index
      %get3A_283 = arith.constant 96 : index
      %get3A_284 = tpu.vector_load %arg8[%get3A_282, %get3A_283] {strides = array<i32>} : memref<128x128xf32, #tpu.memory_space<vmem>>, vector<1x16xf32>,
      %get3A_285 = vector.shape_cast %get3A_284 : vector<1x16xf32> to vector<16xf32>
      %shift_right_arithmetic3A_286 = arith.constant 3 : i32
      %shift_right_arithmetic3A_287 = arith.shrsi %add3A_198, %shift_right_arithmetic3A_286 : i32
      %and3A_288 = arith.constant 7 : i32
      %and3A_289 = arith.andi %add3A_198, %and3A_288 : i32
      %get3A_290 = arith.index_cast %shift_right_arithmetic3A_287 : i32 to index
      %get3A_291 = arith.index_cast %and3A_289 : i32 to index
      %get3A_292 = arith.constant 32 : index
      %get3A_293 = tpu.vector_load %arg11[%get3A_290, %get3A_291, %get3A_292] {strides = array<i32>} : memref<16x8x64xf32, #tpu.memory_space<vmem>>, vector<1x1x16xf32>,
      %get3A_294 = vector.shape_cast %get3A_293 : vector<1x1x16xf32> to vector<16xf32>
      %shift_right_arithmetic3A_295 = arith.constant 3 : i32
      %shift_right_arithmetic3A_296 = arith.shrsi %add3A_198, %shift_right_arithmetic3A_295 : i32
      %and3A_297 = arith.constant 7 : i32
      %and3A_298 = arith.andi %add3A_198, %and3A_297 : i32
      %get3A_299 = arith.index_cast %shift_right_arithmetic3A_296 : i32 to index
      %get3A_300 = arith.index_cast %and3A_298 : i32 to index
      %get3A_301 = arith.constant 32 : index
      %get3A_302 = tpu.vector_load %arg13[%get3A_299, %get3A_300, %get3A_301] {strides = array<i32>} : memref<16x8x64xf32, #tpu.memory_space<vmem>>, vector<1x1x16xf32>,
      %get3A_303 = vector.shape_cast %get3A_302 : vector<1x1x16xf32> to vector<16xf32>
      %mul3A_304 = arith.mulf %get3A_281, %get3A_294 : vector<16xf32>
      %mul3A_305 = arith.mulf %get3A_285, %get3A_303 : vector<16xf32>
      %sub3A_306 = arith.subf %mul3A_304, %mul3A_305 : vector<16xf32>
      %swap3A_307 = arith.index_cast %add3A_198 : i32 to index
      %swap3A_308 = arith.constant 32 : index
      %swap3A_309 = tpu.vector_load %arg8[%swap3A_307, %swap3A_308] {strides = array<i32>} : memref<128x128xf32, #tpu.memory_space<vmem>>, vector<1x16xf32>,
      %swap3A_310 = vector.shape_cast %swap3A_309 : vector<1x16xf32> to vector<16xf32>
      %swap3A_311 = vector.shape_cast %sub3A_306 : vector<16xf32> to vector<1x16xf32>
      tpu.vector_store %arg8[%swap3A_307, %swap3A_308], %swap3A_311 {strides = array<i32>} : memref<128x128xf32, #tpu.memory_space<vmem>>, vector<1x16xf32>,
      %mul3A_312 = arith.mulf %get3A_281, %get3A_303 : vector<16xf32>
      %mul3A_313 = arith.mulf %get3A_285, %get3A_294 : vector<16xf32>
      %add3A_314 = arith.addf %mul3A_312, %mul3A_313 : vector<16xf32>
      %swap3A_315 = arith.index_cast %add3A_198 : i32 to index
      %swap3A_316 = arith.constant 96 : index
      %swap3A_317 = tpu.vector_load %arg8[%swap3A_315, %swap3A_316] {strides = array<i32>} : memref<128x128xf32, #tpu.memory_space<vmem>>, vector<1x16xf32>,
      %swap3A_318 = vector.shape_cast %swap3A_317 : vector<1x16xf32> to vector<16xf32>
      %swap3A_319 = vector.shape_cast %add3A_314 : vector<16xf32> to vector<1x16xf32>
      tpu.vector_store %arg8[%swap3A_315, %swap3A_316], %swap3A_319 {strides = array<i32>} : memref<128x128xf32, #tpu.memory_space<vmem>>, vector<1x16xf32>,
      %get3A_320 = arith.index_cast %add3A_198 : i32 to index
      %get3A_321 = arith.constant 48 : index
      %get3A_322 = tpu.vector_load %arg8[%get3A_320, %get3A_321] {strides = array<i32>} : memref<128x128xf32, #tpu.memory_space<vmem>>, vector<1x16xf32>,
      %get3A_323 = vector.shape_cast %get3A_322 : vector<1x16xf32> to vector<16xf32>
      %get3A_324 = arith.index_cast %add3A_198 : i32 to index
      %get3A_325 = arith.constant 112 : index
      %get3A_326 = tpu.vector_load %arg8[%get3A_324, %get3A_325] {strides = array<i32>} : memref<128x128xf32, #tpu.memory_space<vmem>>, vector<1x16xf32>,
      %get3A_327 = vector.shape_cast %get3A_326 : vector<1x16xf32> to vector<16xf32>
      %shift_right_arithmetic3A_328 = arith.constant 3 : i32
      %shift_right_arithmetic3A_329 = arith.shrsi %add3A_198, %shift_right_arithmetic3A_328 : i32
      %and3A_330 = arith.constant 7 : i32
      %and3A_331 = arith.andi %add3A_198, %and3A_330 : i32
      %get3A_332 = arith.index_cast %shift_right_arithmetic3A_329 : i32 to index
      %get3A_333 = arith.index_cast %and3A_331 : i32 to index
      %get3A_334 = arith.constant 48 : index
      %get3A_335 = tpu.vector_load %arg11[%get3A_332, %get3A_333, %get3A_334] {strides = array<i32>} : memref<16x8x64xf32, #tpu.memory_space<vmem>>, vector<1x1x16xf32>,
      %get3A_336 = vector.shape_cast %get3A_335 : vector<1x1x16xf32> to vector<16xf32>
      %shift_right_arithmetic3A_337 = arith.constant 3 : i32
      %shift_right_arithmetic3A_338 = arith.shrsi %add3A_198, %shift_right_arithmetic3A_337 : i32
      %and3A_339 = arith.constant 7 : i32
      %and3A_340 = arith.andi %add3A_198, %and3A_339 : i32
      %get3A_341 = arith.index_cast %shift_right_arithmetic3A_338 : i32 to index
      %get3A_342 = arith.index_cast %and3A_340 : i32 to index
      %get3A_343 = arith.constant 48 : index
      %get3A_344 = tpu.vector_load %arg13[%get3A_341, %get3A_342, %get3A_343] {strides = array<i32>} : memref<16x8x64xf32, #tpu.memory_space<vmem>>, vector<1x1x16xf32>,
      %get3A_345 = vector.shape_cast %get3A_344 : vector<1x1x16xf32> to vector<16xf32>
      %mul3A_346 = arith.mulf %get3A_323, %get3A_336 : vector<16xf32>
      %mul3A_347 = arith.mulf %get3A_327, %get3A_345 : vector<16xf32>
      %sub3A_348 = arith.subf %mul3A_346, %mul3A_347 : vector<16xf32>
      %swap3A_349 = arith.index_cast %add3A_198 : i32 to index
      %swap3A_350 = arith.constant 48 : index
      %swap3A_351 = tpu.vector_load %arg8[%swap3A_349, %swap3A_350] {strides = array<i32>} : memref<128x128xf32, #tpu.memory_space<vmem>>, vector<1x16xf32>,
      %swap3A_352 = vector.shape_cast %swap3A_351 : vector<1x16xf32> to vector<16xf32>
      %swap3A_353 = vector.shape_cast %sub3A_348 : vector<16xf32> to vector<1x16xf32>
      tpu.vector_store %arg8[%swap3A_349, %swap3A_350], %swap3A_353 {strides = array<i32>} : memref<128x128xf32, #tpu.memory_space<vmem>>, vector<1x16xf32>,
      %mul3A_354 = arith.mulf %get3A_323, %get3A_345 : vector<16xf32>
      %mul3A_355 = arith.mulf %get3A_327, %get3A_336 : vector<16xf32>
      %add3A_356 = arith.addf %mul3A_354, %mul3A_355 : vector<16xf32>
      %swap3A_357 = arith.index_cast %add3A_198 : i32 to index
      %swap3A_358 = arith.constant 112 : index
      %swap3A_359 = tpu.vector_load %arg8[%swap3A_357, %swap3A_358] {strides = array<i32>} : memref<128x128xf32, #tpu.memory_space<vmem>>, vector<1x16xf32>,
      %swap3A_360 = vector.shape_cast %swap3A_359 : vector<1x16xf32> to vector<16xf32>
      %swap3A_361 = vector.shape_cast %add3A_356 : vector<16xf32> to vector<1x16xf32>
      tpu.vector_store %arg8[%swap3A_357, %swap3A_358], %swap3A_361 {strides = array<i32>} : memref<128x128xf32, #tpu.memory_space<vmem>>, vector<1x16xf32>,
    }
    %scan3A_50 = arith.constant 128 : i32
    %dma_start3A_51 = arith.constant 0 : i32
    %dma_start3A_52 = tpu.memref_slice %arg6[%add3A_45, %dma_start3A_51] : memref<16384x128xf32, #tpu.memory_space<hbm>> -> memref<128x128xf32, #tpu.memory_space<hbm>>
    %dma_start3A_53 = arith.constant 0 : i32
    %dma_start3A_54 = tpu.memref_slice %arg6[%add3A_45, %dma_start3A_53] : memref<16384x128xf32, #tpu.memory_space<hbm>> -> memref<128x128xf32, #tpu.memory_space<hbm>>
    tpu.enqueue_dma source(%arg8 : memref<128x128xf32, #tpu.memory_space<vmem>>) target(%dma_start3A_54 : memref<128x128xf32, #tpu.memory_space<hbm>>) target_semaphore(%arg17 : memref<!tpu.dma_semaphore, #tpu.memory_space<semaphore_mem>>)
    %add3A_55 = arith.constant 256 : i32
    %add3A_56 = arith.addi %mul3A_2, %add3A_55 : i32
    %dma_start3A_57 = arith.constant 0 : i32
    %dma_start3A_58 = tpu.memref_slice %arg2[%add3A_56, %dma_start3A_57] : memref<16384x128xf32, #tpu.memory_space<hbm>> -> memref<128x128xf32, #tpu.memory_space<hbm>>
    %dma_start3A_59 = arith.constant 0 : i32
    %dma_start3A_60 = tpu.memref_slice %arg2[%add3A_56, %dma_start3A_59] : memref<16384x128xf32, #tpu.memory_space<hbm>> -> memref<128x128xf32, #tpu.memory_space<hbm>>
    tpu.enqueue_dma source(%dma_start3A_60 : memref<128x128xf32, #tpu.memory_space<hbm>>) target(%arg10 : memref<128x128xf32, #tpu.memory_space<vmem>>) target_semaphore(%arg15 : memref<!tpu.dma_semaphore, #tpu.memory_space<semaphore_mem>>)
    %scan3A_61 = arith.constant 0 : i32
    %scan3A_62 = arith.constant 8 : i32
    %scan3A_63 = arith.addi %scan3A_61, %scan3A_62 : i32
    %scan3A_64 = arith.constant 1 : i32
    scf.for %scan3A_194 = %scan3A_61 to %scan3A_63 step %scan3A_64  : i32 {
      %mul3A_195 = arith.constant 1 : i32
      %mul3A_196 = arith.muli %scan3A_194, %mul3A_195 : i32
      %add3A_197 = arith.constant 0 : i32
      %add3A_198 = arith.addi %add3A_197, %mul3A_196 : i32
      %mul3A_199 = arith.constant 16 : i32
      %mul3A_200 = arith.muli %add3A_198, %mul3A_199 : i32
      %add3A_201 = arith.constant 256 : i32
      %add3A_202 = arith.addi %add3A_201, %mul3A_200 : i32
      %get3A = arith.index_cast %add3A_202 : i32 to index
      %get3A_203 = tpu.vector_load %arg7[%get3A] {strides = array<i32>} : memref<528xi32, #tpu.memory_space<vmem>>, vector<16xi32>,
      %get3A_204 = vector.shape_cast %get3A_203 : vector<16xi32> to vector<16xi32>
      %slice3A = vector.extract_strided_slice %get3A_204 {offsets = [0], sizes = [1], strides = [1]} : vector<16xi32> to vector<1xi32>
      %squeeze3A = vector.extract %slice3A[0] : i32 from vector<1xi32>
      %shift_right_arithmetic3A = arith.constant 3 : i32
      %shift_right_arithmetic3A_205 = arith.shrsi %squeeze3A, %shift_right_arithmetic3A : i32
      %and3A = arith.constant 7 : i32
      %and3A_206 = arith.andi %squeeze3A, %and3A : i32
      %mul3A_207 = arith.constant 16 : i32
      %mul3A_208 = arith.muli %add3A_198, %mul3A_207 : i32
      %add3A_209 = arith.constant 0 : i32
      %add3A_210 = arith.addi %mul3A_208, %add3A_209 : i32
      %shift_right_arithmetic3A_211 = arith.constant 3 : i32
      %shift_right_arithmetic3A_212 = arith.shrsi %add3A_210, %shift_right_arithmetic3A_211 : i32
      %and3A_213 = arith.constant 7 : i32
      %and3A_214 = arith.andi %add3A_210, %and3A_213 : i32
      %dma_start3A_215 = arith.constant 0 : i32
      %dma_start3A_216 = tpu.memref_slice %arg11[%shift_right_arithmetic3A_212, %and3A_214, %dma_start3A_215] : memref<16x8x64xf32, #tpu.memory_space<vmem>> -> memref<1x1x64xf32, #tpu.memory_space<vmem>>
      %dma_start3A_217 = tpu.memref_squeeze %dma_start3A_216 : memref<1x1x64xf32, #tpu.memory_space<vmem>> -> memref<64xf32, #tpu.memory_space<vmem>>
      %dma_start3A_218 = arith.constant 0 : i32
      %dma_start3A_219 = tpu.memref_slice %arg4[%shift_right_arithmetic3A_205, %and3A_206, %dma_start3A_218] : memref<12500x8x64xf32, #tpu.memory_space<hbm>> -> memref<1x1x64xf32, #tpu.memory_space<hbm>>
      %dma_start3A_220 = tpu.memref_squeeze %dma_start3A_219 : memref<1x1x64xf32, #tpu.memory_space<hbm>> -> memref<64xf32, #tpu.memory_space<hbm>>
      %dma_start3A_221 = arith.constant 0 : i32
      %dma_start3A_222 = tpu.memref_slice %arg11[%shift_right_arithmetic3A_212, %and3A_214, %dma_start3A_221] : memref<16x8x64xf32, #tpu.memory_space<vmem>> -> memref<1x1x64xf32, #tpu.memory_space<vmem>>
      %dma_start3A_223 = tpu.memref_squeeze %dma_start3A_222 : memref<1x1x64xf32, #tpu.memory_space<vmem>> -> memref<64xf32, #tpu.memory_space<vmem>>
      %dma_start3A_224 = arith.constant 0 : i32
      %dma_start3A_225 = tpu.memref_slice %arg4[%shift_right_arithmetic3A_205, %and3A_206, %dma_start3A_224] : memref<12500x8x64xf32, #tpu.memory_space<hbm>> -> memref<1x1x64xf32, #tpu.memory_space<hbm>>
      %dma_start3A_226 = tpu.memref_squeeze %dma_start3A_225 : memref<1x1x64xf32, #tpu.memory_space<hbm>> -> memref<64xf32, #tpu.memory_space<hbm>>
      tpu.enqueue_dma source(%dma_start3A_226 : memref<64xf32, #tpu.memory_space<hbm>>) target(%dma_start3A_223 : memref<64xf32, #tpu.memory_space<vmem>>) target_semaphore(%arg15 : memref<!tpu.dma_semaphore, #tpu.memory_space<semaphore_mem>>)
      %shift_right_arithmetic3A_227 = arith.constant 3 : i32
      %shift_right_arithmetic3A_228 = arith.shrsi %add3A_210, %shift_right_arithmetic3A_227 : i32
      %and3A_229 = arith.constant 7 : i32
      %and3A_230 = arith.andi %add3A_210, %and3A_229 : i32
      %dma_start3A_231 = arith.constant 0 : i32
      %dma_start3A_232 = tpu.memref_slice %arg13[%shift_right_arithmetic3A_228, %and3A_230, %dma_start3A_231] : memref<16x8x64xf32, #tpu.memory_space<vmem>> -> memref<1x1x64xf32, #tpu.memory_space<vmem>>
      %dma_start3A_233 = tpu.memref_squeeze %dma_start3A_232 : memref<1x1x64xf32, #tpu.memory_space<vmem>> -> memref<64xf32, #tpu.memory_space<vmem>>
      %dma_start3A_234 = arith.constant 0 : i32
      %dma_start3A_235 = tpu.memref_slice %arg5[%shift_right_arithmetic3A_205, %and3A_206, %dma_start3A_234] : memref<12500x8x64xf32, #tpu.memory_space<hbm>> -> memref<1x1x64xf32, #tpu.memory_space<hbm>>
      %dma_start3A_236 = tpu.memref_squeeze %dma_start3A_235 : memref<1x1x64xf32, #tpu.memory_space<hbm>> -> memref<64xf32, #tpu.memory_space<hbm>>
      %dma_start3A_237 = arith.constant 0 : i32
      %dma_start3A_238 = tpu.memref_slice %arg13[%shift_right_arithmetic3A_228, %and3A_230, %dma_start3A_237] : memref<16x8x64xf32, #tpu.memory_space<vmem>> -> memref<1x1x64xf32, #tpu.memory_space<vmem>>
      %dma_start3A_239 = tpu.memref_squeeze %dma_start3A_238 : memref<1x1x64xf32, #tpu.memory_space<vmem>> -> memref<64xf32, #tpu.memory_space<vmem>>
      %dma_start3A_240 = arith.constant 0 : i32
      %dma_start3A_241 = tpu.memref_slice %arg5[%shift_right_arithmetic3A_205, %and3A_206, %dma_start3A_240] : memref<12500x8x64xf32, #tpu.memory_space<hbm>> -> memref<1x1x64xf32, #tpu.memory_space<hbm>>
      %dma_start3A_242 = tpu.memref_squeeze %dma_start3A_241 : memref<1x1x64xf32, #tpu.memory_space<hbm>> -> memref<64xf32, #tpu.memory_space<hbm>>
      tpu.enqueue_dma source(%dma_start3A_242 : memref<64xf32, #tpu.memory_space<hbm>>) target(%dma_start3A_239 : memref<64xf32, #tpu.memory_space<vmem>>) target_semaphore(%arg15 : memref<!tpu.dma_semaphore, #tpu.memory_space<semaphore_mem>>)
      %slice3A_243 = vector.extract_strided_slice %get3A_204 {offsets = [1], sizes = [1], strides = [1]} : vector<16xi32> to vector<1xi32>
      %squeeze3A_244 = vector.extract %slice3A_243[0] : i32 from vector<1xi32>
      %shift_right_arithmetic3A_245 = arith.constant 3 : i32
      %shift_right_arithmetic3A_246 = arith.shrsi %squeeze3A_244, %shift_right_arithmetic3A_245 : i32
      %and3A_247 = arith.constant 7 : i32
      %and3A_248 = arith.andi %squeeze3A_244, %and3A_247 : i32
      %mul3A_249 = arith.constant 16 : i32
      %mul3A_250 = arith.muli %add3A_198, %mul3A_249 : i32
      %add3A_251 = arith.constant 1 : i32
      %add3A_252 = arith.addi %mul3A_250, %add3A_251 : i32
      %shift_right_arithmetic3A_253 = arith.constant 3 : i32
      %shift_right_arithmetic3A_254 = arith.shrsi %add3A_252, %shift_right_arithmetic3A_253 : i32
      %and3A_255 = arith.constant 7 : i32
      %and3A_256 = arith.andi %add3A_252, %and3A_255 : i32
      %dma_start3A_257 = arith.constant 0 : i32
      %dma_start3A_258 = tpu.memref_slice %arg11[%shift_right_arithmetic3A_254, %and3A_256, %dma_start3A_257] : memref<16x8x64xf32, #tpu.memory_space<vmem>> -> memref<1x1x64xf32, #tpu.memory_space<vmem>>
      %dma_start3A_259 = tpu.memref_squeeze %dma_start3A_258 : memref<1x1x64xf32, #tpu.memory_space<vmem>> -> memref<64xf32, #tpu.memory_space<vmem>>
      %dma_start3A_260 = arith.constant 0 : i32
      %dma_start3A_261 = tpu.memref_slice %arg4[%shift_right_arithmetic3A_246, %and3A_248, %dma_start3A_260] : memref<12500x8x64xf32, #tpu.memory_space<hbm>> -> memref<1x1x64xf32, #tpu.memory_space<hbm>>
      %dma_start3A_262 = tpu.memref_squeeze %dma_start3A_261 : memref<1x1x64xf32, #tpu.memory_space<hbm>> -> memref<64xf32, #tpu.memory_space<hbm>>
      %dma_start3A_263 = arith.constant 0 : i32
      %dma_start3A_264 = tpu.memref_slice %arg11[%shift_right_arithmetic3A_254, %and3A_256, %dma_start3A_263] : memref<16x8x64xf32, #tpu.memory_space<vmem>> -> memref<1x1x64xf32, #tpu.memory_space<vmem>>
      %dma_start3A_265 = tpu.memref_squeeze %dma_start3A_264 : memref<1x1x64xf32, #tpu.memory_space<vmem>> -> memref<64xf32, #tpu.memory_space<vmem>>
      %dma_start3A_266 = arith.constant 0 : i32
      %dma_start3A_267 = tpu.memref_slice %arg4[%shift_right_arithmetic3A_246, %and3A_248, %dma_start3A_266] : memref<12500x8x64xf32, #tpu.memory_space<hbm>> -> memref<1x1x64xf32, #tpu.memory_space<hbm>>
      %dma_start3A_268 = tpu.memref_squeeze %dma_start3A_267 : memref<1x1x64xf32, #tpu.memory_space<hbm>> -> memref<64xf32, #tpu.memory_space<hbm>>
      tpu.enqueue_dma source(%dma_start3A_268 : memref<64xf32, #tpu.memory_space<hbm>>) target(%dma_start3A_265 : memref<64xf32, #tpu.memory_space<vmem>>) target_semaphore(%arg15 : memref<!tpu.dma_semaphore, #tpu.memory_space<semaphore_mem>>)
      %shift_right_arithmetic3A_269 = arith.constant 3 : i32
      %shift_right_arithmetic3A_270 = arith.shrsi %add3A_252, %shift_right_arithmetic3A_269 : i32
      %and3A_271 = arith.constant 7 : i32
      %and3A_272 = arith.andi %add3A_252, %and3A_271 : i32
      %dma_start3A_273 = arith.constant 0 : i32
      %dma_start3A_274 = tpu.memref_slice %arg13[%shift_right_arithmetic3A_270, %and3A_272, %dma_start3A_273] : memref<16x8x64xf32, #tpu.memory_space<vmem>> -> memref<1x1x64xf32, #tpu.memory_space<vmem>>
      %dma_start3A_275 = tpu.memref_squeeze %dma_start3A_274 : memref<1x1x64xf32, #tpu.memory_space<vmem>> -> memref<64xf32, #tpu.memory_space<vmem>>
      %dma_start3A_276 = arith.constant 0 : i32
      %dma_start3A_277 = tpu.memref_slice %arg5[%shift_right_arithmetic3A_246, %and3A_248, %dma_start3A_276] : memref<12500x8x64xf32, #tpu.memory_space<hbm>> -> memref<1x1x64xf32, #tpu.memory_space<hbm>>
      %dma_start3A_278 = tpu.memref_squeeze %dma_start3A_277 : memref<1x1x64xf32, #tpu.memory_space<hbm>> -> memref<64xf32, #tpu.memory_space<hbm>>
      %dma_start3A_279 = arith.constant 0 : i32
      %dma_start3A_280 = tpu.memref_slice %arg13[%shift_right_arithmetic3A_270, %and3A_272, %dma_start3A_279] : memref<16x8x64xf32, #tpu.memory_space<vmem>> -> memref<1x1x64xf32, #tpu.memory_space<vmem>>
      %dma_start3A_281 = tpu.memref_squeeze %dma_start3A_280 : memref<1x1x64xf32, #tpu.memory_space<vmem>> -> memref<64xf32, #tpu.memory_space<vmem>>
      %dma_start3A_282 = arith.constant 0 : i32
      %dma_start3A_283 = tpu.memref_slice %arg5[%shift_right_arithmetic3A_246, %and3A_248, %dma_start3A_282] : memref<12500x8x64xf32, #tpu.memory_space<hbm>> -> memref<1x1x64xf32, #tpu.memory_space<hbm>>
      %dma_start3A_284 = tpu.memref_squeeze %dma_start3A_283 : memref<1x1x64xf32, #tpu.memory_space<hbm>> -> memref<64xf32, #tpu.memory_space<hbm>>
      tpu.enqueue_dma source(%dma_start3A_284 : memref<64xf32, #tpu.memory_space<hbm>>) target(%dma_start3A_281 : memref<64xf32, #tpu.memory_space<vmem>>) target_semaphore(%arg15 : memref<!tpu.dma_semaphore, #tpu.memory_space<semaphore_mem>>)
      %slice3A_285 = vector.extract_strided_slice %get3A_204 {offsets = [2], sizes = [1], strides = [1]} : vector<16xi32> to vector<1xi32>
      %squeeze3A_286 = vector.extract %slice3A_285[0] : i32 from vector<1xi32>
      %shift_right_arithmetic3A_287 = arith.constant 3 : i32
      %shift_right_arithmetic3A_288 = arith.shrsi %squeeze3A_286, %shift_right_arithmetic3A_287 : i32
      %and3A_289 = arith.constant 7 : i32
      %and3A_290 = arith.andi %squeeze3A_286, %and3A_289 : i32
      %mul3A_291 = arith.constant 16 : i32
      %mul3A_292 = arith.muli %add3A_198, %mul3A_291 : i32
      %add3A_293 = arith.constant 2 : i32
      %add3A_294 = arith.addi %mul3A_292, %add3A_293 : i32
      %shift_right_arithmetic3A_295 = arith.constant 3 : i32
      %shift_right_arithmetic3A_296 = arith.shrsi %add3A_294, %shift_right_arithmetic3A_295 : i32
      %and3A_297 = arith.constant 7 : i32
      %and3A_298 = arith.andi %add3A_294, %and3A_297 : i32
      %dma_start3A_299 = arith.constant 0 : i32
      %dma_start3A_300 = tpu.memref_slice %arg11[%shift_right_arithmetic3A_296, %and3A_298, %dma_start3A_299] : memref<16x8x64xf32, #tpu.memory_space<vmem>> -> memref<1x1x64xf32, #tpu.memory_space<vmem>>
      %dma_start3A_301 = tpu.memref_squeeze %dma_start3A_300 : memref<1x1x64xf32, #tpu.memory_space<vmem>> -> memref<64xf32, #tpu.memory_space<vmem>>
      %dma_start3A_302 = arith.constant 0 : i32
      %dma_start3A_303 = tpu.memref_slice %arg4[%shift_right_arithmetic3A_288, %and3A_290, %dma_start3A_302] : memref<12500x8x64xf32, #tpu.memory_space<hbm>> -> memref<1x1x64xf32, #tpu.memory_space<hbm>>
      %dma_start3A_304 = tpu.memref_squeeze %dma_start3A_303 : memref<1x1x64xf32, #tpu.memory_space<hbm>> -> memref<64xf32, #tpu.memory_space<hbm>>
      %dma_start3A_305 = arith.constant 0 : i32
      %dma_start3A_306 = tpu.memref_slice %arg11[%shift_right_arithmetic3A_296, %and3A_298, %dma_start3A_305] : memref<16x8x64xf32, #tpu.memory_space<vmem>> -> memref<1x1x64xf32, #tpu.memory_space<vmem>>
      %dma_start3A_307 = tpu.memref_squeeze %dma_start3A_306 : memref<1x1x64xf32, #tpu.memory_space<vmem>> -> memref<64xf32, #tpu.memory_space<vmem>>
      %dma_start3A_308 = arith.constant 0 : i32
      %dma_start3A_309 = tpu.memref_slice %arg4[%shift_right_arithmetic3A_288, %and3A_290, %dma_start3A_308] : memref<12500x8x64xf32, #tpu.memory_space<hbm>> -> memref<1x1x64xf32, #tpu.memory_space<hbm>>
      %dma_start3A_310 = tpu.memref_squeeze %dma_start3A_309 : memref<1x1x64xf32, #tpu.memory_space<hbm>> -> memref<64xf32, #tpu.memory_space<hbm>>
      tpu.enqueue_dma source(%dma_start3A_310 : memref<64xf32, #tpu.memory_space<hbm>>) target(%dma_start3A_307 : memref<64xf32, #tpu.memory_space<vmem>>) target_semaphore(%arg15 : memref<!tpu.dma_semaphore, #tpu.memory_space<semaphore_mem>>)
      %shift_right_arithmetic3A_311 = arith.constant 3 : i32
      %shift_right_arithmetic3A_312 = arith.shrsi %add3A_294, %shift_right_arithmetic3A_311 : i32
      %and3A_313 = arith.constant 7 : i32
      %and3A_314 = arith.andi %add3A_294, %and3A_313 : i32
      %dma_start3A_315 = arith.constant 0 : i32
      %dma_start3A_316 = tpu.memref_slice %arg13[%shift_right_arithmetic3A_312, %and3A_314, %dma_start3A_315] : memref<16x8x64xf32, #tpu.memory_space<vmem>> -> memref<1x1x64xf32, #tpu.memory_space<vmem>>
      %dma_start3A_317 = tpu.memref_squeeze %dma_start3A_316 : memref<1x1x64xf32, #tpu.memory_space<vmem>> -> memref<64xf32, #tpu.memory_space<vmem>>
      %dma_start3A_318 = arith.constant 0 : i32
      %dma_start3A_319 = tpu.memref_slice %arg5[%shift_right_arithmetic3A_288, %and3A_290, %dma_start3A_318] : memref<12500x8x64xf32, #tpu.memory_space<hbm>> -> memref<1x1x64xf32, #tpu.memory_space<hbm>>
      %dma_start3A_320 = tpu.memref_squeeze %dma_start3A_319 : memref<1x1x64xf32, #tpu.memory_space<hbm>> -> memref<64xf32, #tpu.memory_space<hbm>>
      %dma_start3A_321 = arith.constant 0 : i32
      %dma_start3A_322 = tpu.memref_slice %arg13[%shift_right_arithmetic3A_312, %and3A_314, %dma_start3A_321] : memref<16x8x64xf32, #tpu.memory_space<vmem>> -> memref<1x1x64xf32, #tpu.memory_space<vmem>>
      %dma_start3A_323 = tpu.memref_squeeze %dma_start3A_322 : memref<1x1x64xf32, #tpu.memory_space<vmem>> -> memref<64xf32, #tpu.memory_space<vmem>>
      %dma_start3A_324 = arith.constant 0 : i32
      %dma_start3A_325 = tpu.memref_slice %arg5[%shift_right_arithmetic3A_288, %and3A_290, %dma_start3A_324] : memref<12500x8x64xf32, #tpu.memory_space<hbm>> -> memref<1x1x64xf32, #tpu.memory_space<hbm>>
      %dma_start3A_326 = tpu.memref_squeeze %dma_start3A_325 : memref<1x1x64xf32, #tpu.memory_space<hbm>> -> memref<64xf32, #tpu.memory_space<hbm>>
      tpu.enqueue_dma source(%dma_start3A_326 : memref<64xf32, #tpu.memory_space<hbm>>) target(%dma_start3A_323 : memref<64xf32, #tpu.memory_space<vmem>>) target_semaphore(%arg15 : memref<!tpu.dma_semaphore, #tpu.memory_space<semaphore_mem>>)
      %slice3A_327 = vector.extract_strided_slice %get3A_204 {offsets = [3], sizes = [1], strides = [1]} : vector<16xi32> to vector<1xi32>
      %squeeze3A_328 = vector.extract %slice3A_327[0] : i32 from vector<1xi32>
      %shift_right_arithmetic3A_329 = arith.constant 3 : i32
      %shift_right_arithmetic3A_330 = arith.shrsi %squeeze3A_328, %shift_right_arithmetic3A_329 : i32
      %and3A_331 = arith.constant 7 : i32
      %and3A_332 = arith.andi %squeeze3A_328, %and3A_331 : i32
      %mul3A_333 = arith.constant 16 : i32
      %mul3A_334 = arith.muli %add3A_198, %mul3A_333 : i32
      %add3A_335 = arith.constant 3 : i32
      %add3A_336 = arith.addi %mul3A_334, %add3A_335 : i32
      %shift_right_arithmetic3A_337 = arith.constant 3 : i32
      %shift_right_arithmetic3A_338 = arith.shrsi %add3A_336, %shift_right_arithmetic3A_337 : i32
      %and3A_339 = arith.constant 7 : i32
      %and3A_340 = arith.andi %add3A_336, %and3A_339 : i32
      %dma_start3A_341 = arith.constant 0 : i32
      %dma_start3A_342 = tpu.memref_slice %arg11[%shift_right_arithmetic3A_338, %and3A_340, %dma_start3A_341] : memref<16x8x64xf32, #tpu.memory_space<vmem>> -> memref<1x1x64xf32, #tpu.memory_space<vmem>>
      %dma_start3A_343 = tpu.memref_squeeze %dma_start3A_342 : memref<1x1x64xf32, #tpu.memory_space<vmem>> -> memref<64xf32, #tpu.memory_space<vmem>>
      %dma_start3A_344 = arith.constant 0 : i32
      %dma_start3A_345 = tpu.memref_slice %arg4[%shift_right_arithmetic3A_330, %and3A_332, %dma_start3A_344] : memref<12500x8x64xf32, #tpu.memory_space<hbm>> -> memref<1x1x64xf32, #tpu.memory_space<hbm>>
      %dma_start3A_346 = tpu.memref_squeeze %dma_start3A_345 : memref<1x1x64xf32, #tpu.memory_space<hbm>> -> memref<64xf32, #tpu.memory_space<hbm>>
      %dma_start3A_347 = arith.constant 0 : i32
      %dma_start3A_348 = tpu.memref_slice %arg11[%shift_right_arithmetic3A_338, %and3A_340, %dma_start3A_347] : memref<16x8x64xf32, #tpu.memory_space<vmem>> -> memref<1x1x64xf32, #tpu.memory_space<vmem>>
      %dma_start3A_349 = tpu.memref_squeeze %dma_start3A_348 : memref<1x1x64xf32, #tpu.memory_space<vmem>> -> memref<64xf32, #tpu.memory_space<vmem>>
      %dma_start3A_350 = arith.constant 0 : i32
      %dma_start3A_351 = tpu.memref_slice %arg4[%shift_right_arithmetic3A_330, %and3A_332, %dma_start3A_350] : memref<12500x8x64xf32, #tpu.memory_space<hbm>> -> memref<1x1x64xf32, #tpu.memory_space<hbm>>
      %dma_start3A_352 = tpu.memref_squeeze %dma_start3A_351 : memref<1x1x64xf32, #tpu.memory_space<hbm>> -> memref<64xf32, #tpu.memory_space<hbm>>
      tpu.enqueue_dma source(%dma_start3A_352 : memref<64xf32, #tpu.memory_space<hbm>>) target(%dma_start3A_349 : memref<64xf32, #tpu.memory_space<vmem>>) target_semaphore(%arg15 : memref<!tpu.dma_semaphore, #tpu.memory_space<semaphore_mem>>)
      %shift_right_arithmetic3A_353 = arith.constant 3 : i32
      %shift_right_arithmetic3A_354 = arith.shrsi %add3A_336, %shift_right_arithmetic3A_353 : i32
      %and3A_355 = arith.constant 7 : i32
      %and3A_356 = arith.andi %add3A_336, %and3A_355 : i32
      %dma_start3A_357 = arith.constant 0 : i32
      %dma_start3A_358 = tpu.memref_slice %arg13[%shift_right_arithmetic3A_354, %and3A_356, %dma_start3A_357] : memref<16x8x64xf32, #tpu.memory_space<vmem>> -> memref<1x1x64xf32, #tpu.memory_space<vmem>>
      %dma_start3A_359 = tpu.memref_squeeze %dma_start3A_358 : memref<1x1x64xf32, #tpu.memory_space<vmem>> -> memref<64xf32, #tpu.memory_space<vmem>>
      %dma_start3A_360 = arith.constant 0 : i32
      %dma_start3A_361 = tpu.memref_slice %arg5[%shift_right_arithmetic3A_330, %and3A_332, %dma_start3A_360] : memref<12500x8x64xf32, #tpu.memory_space<hbm>> -> memref<1x1x64xf32, #tpu.memory_space<hbm>>
      %dma_start3A_362 = tpu.memref_squeeze %dma_start3A_361 : memref<1x1x64xf32, #tpu.memory_space<hbm>> -> memref<64xf32, #tpu.memory_space<hbm>>
      %dma_start3A_363 = arith.constant 0 : i32
      %dma_start3A_364 = tpu.memref_slice %arg13[%shift_right_arithmetic3A_354, %and3A_356, %dma_start3A_363] : memref<16x8x64xf32, #tpu.memory_space<vmem>> -> memref<1x1x64xf32, #tpu.memory_space<vmem>>
      %dma_start3A_365 = tpu.memref_squeeze %dma_start3A_364 : memref<1x1x64xf32, #tpu.memory_space<vmem>> -> memref<64xf32, #tpu.memory_space<vmem>>
      %dma_start3A_366 = arith.constant 0 : i32
      %dma_start3A_367 = tpu.memref_slice %arg5[%shift_right_arithmetic3A_330, %and3A_332, %dma_start3A_366] : memref<12500x8x64xf32, #tpu.memory_space<hbm>> -> memref<1x1x64xf32, #tpu.memory_space<hbm>>
      %dma_start3A_368 = tpu.memref_squeeze %dma_start3A_367 : memref<1x1x64xf32, #tpu.memory_space<hbm>> -> memref<64xf32, #tpu.memory_space<hbm>>
      tpu.enqueue_dma source(%dma_start3A_368 : memref<64xf32, #tpu.memory_space<hbm>>) target(%dma_start3A_365 : memref<64xf32, #tpu.memory_space<vmem>>) target_semaphore(%arg15 : memref<!tpu.dma_semaphore, #tpu.memory_space<semaphore_mem>>)
      %slice3A_369 = vector.extract_strided_slice %get3A_204 {offsets = [4], sizes = [1], strides = [1]} : vector<16xi32> to vector<1xi32>
      %squeeze3A_370 = vector.extract %slice3A_369[0] : i32 from vector<1xi32>
      %shift_right_arithmetic3A_371 = arith.constant 3 : i32
      %shift_right_arithmetic3A_372 = arith.shrsi %squeeze3A_370, %shift_right_arithmetic3A_371 : i32
      %and3A_373 = arith.constant 7 : i32
      %and3A_374 = arith.andi %squeeze3A_370, %and3A_373 : i32
      %mul3A_375 = arith.constant 16 : i32
      %mul3A_376 = arith.muli %add3A_198, %mul3A_375 : i32
      %add3A_377 = arith.constant 4 : i32
      %add3A_378 = arith.addi %mul3A_376, %add3A_377 : i32
      %shift_right_arithmetic3A_379 = arith.constant 3 : i32
      %shift_right_arithmetic3A_380 = arith.shrsi %add3A_378, %shift_right_arithmetic3A_379 : i32
      %and3A_381 = arith.constant 7 : i32
      %and3A_382 = arith.andi %add3A_378, %and3A_381 : i32
      %dma_start3A_383 = arith.constant 0 : i32
      %dma_start3A_384 = tpu.memref_slice %arg11[%shift_right_arithmetic3A_380, %and3A_382, %dma_start3A_383] : memref<16x8x64xf32, #tpu.memory_space<vmem>> -> memref<1x1x64xf32, #tpu.memory_space<vmem>>
      %dma_start3A_385 = tpu.memref_squeeze %dma_start3A_384 : memref<1x1x64xf32, #tpu.memory_space<vmem>> -> memref<64xf32, #tpu.memory_space<vmem>>
      %dma_start3A_386 = arith.constant 0 : i32
      %dma_start3A_387 = tpu.memref_slice %arg4[%shift_right_arithmetic3A_372, %and3A_374, %dma_start3A_386] : memref<12500x8x64xf32, #tpu.memory_space<hbm>> -> memref<1x1x64xf32, #tpu.memory_space<hbm>>
      %dma_start3A_388 = tpu.memref_squeeze %dma_start3A_387 : memref<1x1x64xf32, #tpu.memory_space<hbm>> -> memref<64xf32, #tpu.memory_space<hbm>>
      %dma_start3A_389 = arith.constant 0 : i32
      %dma_start3A_390 = tpu.memref_slice %arg11[%shift_right_arithmetic3A_380, %and3A_382, %dma_start3A_389] : memref<16x8x64xf32, #tpu.memory_space<vmem>> -> memref<1x1x64xf32, #tpu.memory_space<vmem>>
      %dma_start3A_391 = tpu.memref_squeeze %dma_start3A_390 : memref<1x1x64xf32, #tpu.memory_space<vmem>> -> memref<64xf32, #tpu.memory_space<vmem>>
      %dma_start3A_392 = arith.constant 0 : i32
      %dma_start3A_393 = tpu.memref_slice %arg4[%shift_right_arithmetic3A_372, %and3A_374, %dma_start3A_392] : memref<12500x8x64xf32, #tpu.memory_space<hbm>> -> memref<1x1x64xf32, #tpu.memory_space<hbm>>
      %dma_start3A_394 = tpu.memref_squeeze %dma_start3A_393 : memref<1x1x64xf32, #tpu.memory_space<hbm>> -> memref<64xf32, #tpu.memory_space<hbm>>
      tpu.enqueue_dma source(%dma_start3A_394 : memref<64xf32, #tpu.memory_space<hbm>>) target(%dma_start3A_391 : memref<64xf32, #tpu.memory_space<vmem>>) target_semaphore(%arg15 : memref<!tpu.dma_semaphore, #tpu.memory_space<semaphore_mem>>)
      %shift_right_arithmetic3A_395 = arith.constant 3 : i32
      %shift_right_arithmetic3A_396 = arith.shrsi %add3A_378, %shift_right_arithmetic3A_395 : i32
      %and3A_397 = arith.constant 7 : i32
      %and3A_398 = arith.andi %add3A_378, %and3A_397 : i32
      %dma_start3A_399 = arith.constant 0 : i32
      %dma_start3A_400 = tpu.memref_slice %arg13[%shift_right_arithmetic3A_396, %and3A_398, %dma_start3A_399] : memref<16x8x64xf32, #tpu.memory_space<vmem>> -> memref<1x1x64xf32, #tpu.memory_space<vmem>>
      %dma_start3A_401 = tpu.memref_squeeze %dma_start3A_400 : memref<1x1x64xf32, #tpu.memory_space<vmem>> -> memref<64xf32, #tpu.memory_space<vmem>>
      %dma_start3A_402 = arith.constant 0 : i32
      %dma_start3A_403 = tpu.memref_slice %arg5[%shift_right_arithmetic3A_372, %and3A_374, %dma_start3A_402] : memref<12500x8x64xf32, #tpu.memory_space<hbm>> -> memref<1x1x64xf32, #tpu.memory_space<hbm>>
      %dma_start3A_404 = tpu.memref_squeeze %dma_start3A_403 : memref<1x1x64xf32, #tpu.memory_space<hbm>> -> memref<64xf32, #tpu.memory_space<hbm>>
      %dma_start3A_405 = arith.constant 0 : i32
      %dma_start3A_406 = tpu.memref_slice %arg13[%shift_right_arithmetic3A_396, %and3A_398, %dma_start3A_405] : memref<16x8x64xf32, #tpu.memory_space<vmem>> -> memref<1x1x64xf32, #tpu.memory_space<vmem>>
      %dma_start3A_407 = tpu.memref_squeeze %dma_start3A_406 : memref<1x1x64xf32, #tpu.memory_space<vmem>> -> memref<64xf32, #tpu.memory_space<vmem>>
      %dma_start3A_408 = arith.constant 0 : i32
      %dma_start3A_409 = tpu.memref_slice %arg5[%shift_right_arithmetic3A_372, %and3A_374, %dma_start3A_408] : memref<12500x8x64xf32, #tpu.memory_space<hbm>> -> memref<1x1x64xf32, #tpu.memory_space<hbm>>
      %dma_start3A_410 = tpu.memref_squeeze %dma_start3A_409 : memref<1x1x64xf32, #tpu.memory_space<hbm>> -> memref<64xf32, #tpu.memory_space<hbm>>
      tpu.enqueue_dma source(%dma_start3A_410 : memref<64xf32, #tpu.memory_space<hbm>>) target(%dma_start3A_407 : memref<64xf32, #tpu.memory_space<vmem>>) target_semaphore(%arg15 : memref<!tpu.dma_semaphore, #tpu.memory_space<semaphore_mem>>)
      %slice3A_411 = vector.extract_strided_slice %get3A_204 {offsets = [5], sizes = [1], strides = [1]} : vector<16xi32> to vector<1xi32>
      %squeeze3A_412 = vector.extract %slice3A_411[0] : i32 from vector<1xi32>
      %shift_right_arithmetic3A_413 = arith.constant 3 : i32
      %shift_right_arithmetic3A_414 = arith.shrsi %squeeze3A_412, %shift_right_arithmetic3A_413 : i32
      %and3A_415 = arith.constant 7 : i32
      %and3A_416 = arith.andi %squeeze3A_412, %and3A_415 : i32
      %mul3A_417 = arith.constant 16 : i32
      %mul3A_418 = arith.muli %add3A_198, %mul3A_417 : i32
      %add3A_419 = arith.constant 5 : i32
      %add3A_420 = arith.addi %mul3A_418, %add3A_419 : i32
      %shift_right_arithmetic3A_421 = arith.constant 3 : i32
      %shift_right_arithmetic3A_422 = arith.shrsi %add3A_420, %shift_right_arithmetic3A_421 : i32
      %and3A_423 = arith.constant 7 : i32
      %and3A_424 = arith.andi %add3A_420, %and3A_423 : i32
      %dma_start3A_425 = arith.constant 0 : i32
      %dma_start3A_426 = tpu.memref_slice %arg11[%shift_right_arithmetic3A_422, %and3A_424, %dma_start3A_425] : memref<16x8x64xf32, #tpu.memory_space<vmem>> -> memref<1x1x64xf32, #tpu.memory_space<vmem>>
      %dma_start3A_427 = tpu.memref_squeeze %dma_start3A_426 : memref<1x1x64xf32, #tpu.memory_space<vmem>> -> memref<64xf32, #tpu.memory_space<vmem>>
      %dma_start3A_428 = arith.constant 0 : i32
      %dma_start3A_429 = tpu.memref_slice %arg4[%shift_right_arithmetic3A_414, %and3A_416, %dma_start3A_428] : memref<12500x8x64xf32, #tpu.memory_space<hbm>> -> memref<1x1x64xf32, #tpu.memory_space<hbm>>
      %dma_start3A_430 = tpu.memref_squeeze %dma_start3A_429 : memref<1x1x64xf32, #tpu.memory_space<hbm>> -> memref<64xf32, #tpu.memory_space<hbm>>
      %dma_start3A_431 = arith.constant 0 : i32
      %dma_start3A_432 = tpu.memref_slice %arg11[%shift_right_arithmetic3A_422, %and3A_424, %dma_start3A_431] : memref<16x8x64xf32, #tpu.memory_space<vmem>> -> memref<1x1x64xf32, #tpu.memory_space<vmem>>
      %dma_start3A_433 = tpu.memref_squeeze %dma_start3A_432 : memref<1x1x64xf32, #tpu.memory_space<vmem>> -> memref<64xf32, #tpu.memory_space<vmem>>
      %dma_start3A_434 = arith.constant 0 : i32
      %dma_start3A_435 = tpu.memref_slice %arg4[%shift_right_arithmetic3A_414, %and3A_416, %dma_start3A_434] : memref<12500x8x64xf32, #tpu.memory_space<hbm>> -> memref<1x1x64xf32, #tpu.memory_space<hbm>>
      %dma_start3A_436 = tpu.memref_squeeze %dma_start3A_435 : memref<1x1x64xf32, #tpu.memory_space<hbm>> -> memref<64xf32, #tpu.memory_space<hbm>>
      tpu.enqueue_dma source(%dma_start3A_436 : memref<64xf32, #tpu.memory_space<hbm>>) target(%dma_start3A_433 : memref<64xf32, #tpu.memory_space<vmem>>) target_semaphore(%arg15 : memref<!tpu.dma_semaphore, #tpu.memory_space<semaphore_mem>>)
      %shift_right_arithmetic3A_437 = arith.constant 3 : i32
      %shift_right_arithmetic3A_438 = arith.shrsi %add3A_420, %shift_right_arithmetic3A_437 : i32
      %and3A_439 = arith.constant 7 : i32
      %and3A_440 = arith.andi %add3A_420, %and3A_439 : i32
      %dma_start3A_441 = arith.constant 0 : i32
      %dma_start3A_442 = tpu.memref_slice %arg13[%shift_right_arithmetic3A_438, %and3A_440, %dma_start3A_441] : memref<16x8x64xf32, #tpu.memory_space<vmem>> -> memref<1x1x64xf32, #tpu.memory_space<vmem>>
      %dma_start3A_443 = tpu.memref_squeeze %dma_start3A_442 : memref<1x1x64xf32, #tpu.memory_space<vmem>> -> memref<64xf32, #tpu.memory_space<vmem>>
      %dma_start3A_444 = arith.constant 0 : i32
      %dma_start3A_445 = tpu.memref_slice %arg5[%shift_right_arithmetic3A_414, %and3A_416, %dma_start3A_444] : memref<12500x8x64xf32, #tpu.memory_space<hbm>> -> memref<1x1x64xf32, #tpu.memory_space<hbm>>
      %dma_start3A_446 = tpu.memref_squeeze %dma_start3A_445 : memref<1x1x64xf32, #tpu.memory_space<hbm>> -> memref<64xf32, #tpu.memory_space<hbm>>
      %dma_start3A_447 = arith.constant 0 : i32
      %dma_start3A_448 = tpu.memref_slice %arg13[%shift_right_arithmetic3A_438, %and3A_440, %dma_start3A_447] : memref<16x8x64xf32, #tpu.memory_space<vmem>> -> memref<1x1x64xf32, #tpu.memory_space<vmem>>
      %dma_start3A_449 = tpu.memref_squeeze %dma_start3A_448 : memref<1x1x64xf32, #tpu.memory_space<vmem>> -> memref<64xf32, #tpu.memory_space<vmem>>
      %dma_start3A_450 = arith.constant 0 : i32
      %dma_start3A_451 = tpu.memref_slice %arg5[%shift_right_arithmetic3A_414, %and3A_416, %dma_start3A_450] : memref<12500x8x64xf32, #tpu.memory_space<hbm>> -> memref<1x1x64xf32, #tpu.memory_space<hbm>>
      %dma_start3A_452 = tpu.memref_squeeze %dma_start3A_451 : memref<1x1x64xf32, #tpu.memory_space<hbm>> -> memref<64xf32, #tpu.memory_space<hbm>>
      tpu.enqueue_dma source(%dma_start3A_452 : memref<64xf32, #tpu.memory_space<hbm>>) target(%dma_start3A_449 : memref<64xf32, #tpu.memory_space<vmem>>) target_semaphore(%arg15 : memref<!tpu.dma_semaphore, #tpu.memory_space<semaphore_mem>>)
      %slice3A_453 = vector.extract_strided_slice %get3A_204 {offsets = [6], sizes = [1], strides = [1]} : vector<16xi32> to vector<1xi32>
      %squeeze3A_454 = vector.extract %slice3A_453[0] : i32 from vector<1xi32>
      %shift_right_arithmetic3A_455 = arith.constant 3 : i32
      %shift_right_arithmetic3A_456 = arith.shrsi %squeeze3A_454, %shift_right_arithmetic3A_455 : i32
      %and3A_457 = arith.constant 7 : i32
      %and3A_458 = arith.andi %squeeze3A_454, %and3A_457 : i32
      %mul3A_459 = arith.constant 16 : i32
      %mul3A_460 = arith.muli %add3A_198, %mul3A_459 : i32
      %add3A_461 = arith.constant 6 : i32
      %add3A_462 = arith.addi %mul3A_460, %add3A_461 : i32
      %shift_right_arithmetic3A_463 = arith.constant 3 : i32
      %shift_right_arithmetic3A_464 = arith.shrsi %add3A_462, %shift_right_arithmetic3A_463 : i32
      %and3A_465 = arith.constant 7 : i32
      %and3A_466 = arith.andi %add3A_462, %and3A_465 : i32
      %dma_start3A_467 = arith.constant 0 : i32
      %dma_start3A_468 = tpu.memref_slice %arg11[%shift_right_arithmetic3A_464, %and3A_466, %dma_start3A_467] : memref<16x8x64xf32, #tpu.memory_space<vmem>> -> memref<1x1x64xf32, #tpu.memory_space<vmem>>
      %dma_start3A_469 = tpu.memref_squeeze %dma_start3A_468 : memref<1x1x64xf32, #tpu.memory_space<vmem>> -> memref<64xf32, #tpu.memory_space<vmem>>
      %dma_start3A_470 = arith.constant 0 : i32
      %dma_start3A_471 = tpu.memref_slice %arg4[%shift_right_arithmetic3A_456, %and3A_458, %dma_start3A_470] : memref<12500x8x64xf32, #tpu.memory_space<hbm>> -> memref<1x1x64xf32, #tpu.memory_space<hbm>>
      %dma_start3A_472 = tpu.memref_squeeze %dma_start3A_471 : memref<1x1x64xf32, #tpu.memory_space<hbm>> -> memref<64xf32, #tpu.memory_space<hbm>>
      %dma_start3A_473 = arith.constant 0 : i32
      %dma_start3A_474 = tpu.memref_slice %arg11[%shift_right_arithmetic3A_464, %and3A_466, %dma_start3A_473] : memref<16x8x64xf32, #tpu.memory_space<vmem>> -> memref<1x1x64xf32, #tpu.memory_space<vmem>>
      %dma_start3A_475 = tpu.memref_squeeze %dma_start3A_474 : memref<1x1x64xf32, #tpu.memory_space<vmem>> -> memref<64xf32, #tpu.memory_space<vmem>>
      %dma_start3A_476 = arith.constant 0 : i32
      %dma_start3A_477 = tpu.memref_slice %arg4[%shift_right_arithmetic3A_456, %and3A_458, %dma_start3A_476] : memref<12500x8x64xf32, #tpu.memory_space<hbm>> -> memref<1x1x64xf32, #tpu.memory_space<hbm>>
      %dma_start3A_478 = tpu.memref_squeeze %dma_start3A_477 : memref<1x1x64xf32, #tpu.memory_space<hbm>> -> memref<64xf32, #tpu.memory_space<hbm>>
      tpu.enqueue_dma source(%dma_start3A_478 : memref<64xf32, #tpu.memory_space<hbm>>) target(%dma_start3A_475 : memref<64xf32, #tpu.memory_space<vmem>>) target_semaphore(%arg15 : memref<!tpu.dma_semaphore, #tpu.memory_space<semaphore_mem>>)
      %shift_right_arithmetic3A_479 = arith.constant 3 : i32
      %shift_right_arithmetic3A_480 = arith.shrsi %add3A_462, %shift_right_arithmetic3A_479 : i32
      %and3A_481 = arith.constant 7 : i32
      %and3A_482 = arith.andi %add3A_462, %and3A_481 : i32
      %dma_start3A_483 = arith.constant 0 : i32
      %dma_start3A_484 = tpu.memref_slice %arg13[%shift_right_arithmetic3A_480, %and3A_482, %dma_start3A_483] : memref<16x8x64xf32, #tpu.memory_space<vmem>> -> memref<1x1x64xf32, #tpu.memory_space<vmem>>
      %dma_start3A_485 = tpu.memref_squeeze %dma_start3A_484 : memref<1x1x64xf32, #tpu.memory_space<vmem>> -> memref<64xf32, #tpu.memory_space<vmem>>
      %dma_start3A_486 = arith.constant 0 : i32
      %dma_start3A_487 = tpu.memref_slice %arg5[%shift_right_arithmetic3A_456, %and3A_458, %dma_start3A_486] : memref<12500x8x64xf32, #tpu.memory_space<hbm>> -> memref<1x1x64xf32, #tpu.memory_space<hbm>>
      %dma_start3A_488 = tpu.memref_squeeze %dma_start3A_487 : memref<1x1x64xf32, #tpu.memory_space<hbm>> -> memref<64xf32, #tpu.memory_space<hbm>>
      %dma_start3A_489 = arith.constant 0 : i32
      %dma_start3A_490 = tpu.memref_slice %arg13[%shift_right_arithmetic3A_480, %and3A_482, %dma_start3A_489] : memref<16x8x64xf32, #tpu.memory_space<vmem>> -> memref<1x1x64xf32, #tpu.memory_space<vmem>>
      %dma_start3A_491 = tpu.memref_squeeze %dma_start3A_490 : memref<1x1x64xf32, #tpu.memory_space<vmem>> -> memref<64xf32, #tpu.memory_space<vmem>>
      %dma_start3A_492 = arith.constant 0 : i32
      %dma_start3A_493 = tpu.memref_slice %arg5[%shift_right_arithmetic3A_456, %and3A_458, %dma_start3A_492] : memref<12500x8x64xf32, #tpu.memory_space<hbm>> -> memref<1x1x64xf32, #tpu.memory_space<hbm>>
      %dma_start3A_494 = tpu.memref_squeeze %dma_start3A_493 : memref<1x1x64xf32, #tpu.memory_space<hbm>> -> memref<64xf32, #tpu.memory_space<hbm>>
      tpu.enqueue_dma source(%dma_start3A_494 : memref<64xf32, #tpu.memory_space<hbm>>) target(%dma_start3A_491 : memref<64xf32, #tpu.memory_space<vmem>>) target_semaphore(%arg15 : memref<!tpu.dma_semaphore, #tpu.memory_space<semaphore_mem>>)
      %slice3A_495 = vector.extract_strided_slice %get3A_204 {offsets = [7], sizes = [1], strides = [1]} : vector<16xi32> to vector<1xi32>
      %squeeze3A_496 = vector.extract %slice3A_495[0] : i32 from vector<1xi32>
      %shift_right_arithmetic3A_497 = arith.constant 3 : i32
      %shift_right_arithmetic3A_498 = arith.shrsi %squeeze3A_496, %shift_right_arithmetic3A_497 : i32
      %and3A_499 = arith.constant 7 : i32
      %and3A_500 = arith.andi %squeeze3A_496, %and3A_499 : i32
      %mul3A_501 = arith.constant 16 : i32
      %mul3A_502 = arith.muli %add3A_198, %mul3A_501 : i32
      %add3A_503 = arith.constant 7 : i32
      %add3A_504 = arith.addi %mul3A_502, %add3A_503 : i32
      %shift_right_arithmetic3A_505 = arith.constant 3 : i32
      %shift_right_arithmetic3A_506 = arith.shrsi %add3A_504, %shift_right_arithmetic3A_505 : i32
      %and3A_507 = arith.constant 7 : i32
      %and3A_508 = arith.andi %add3A_504, %and3A_507 : i32
      %dma_start3A_509 = arith.constant 0 : i32
      %dma_start3A_510 = tpu.memref_slice %arg11[%shift_right_arithmetic3A_506, %and3A_508, %dma_start3A_509] : memref<16x8x64xf32, #tpu.memory_space<vmem>> -> memref<1x1x64xf32, #tpu.memory_space<vmem>>
      %dma_start3A_511 = tpu.memref_squeeze %dma_start3A_510 : memref<1x1x64xf32, #tpu.memory_space<vmem>> -> memref<64xf32, #tpu.memory_space<vmem>>
      %dma_start3A_512 = arith.constant 0 : i32
      %dma_start3A_513 = tpu.memref_slice %arg4[%shift_right_arithmetic3A_498, %and3A_500, %dma_start3A_512] : memref<12500x8x64xf32, #tpu.memory_space<hbm>> -> memref<1x1x64xf32, #tpu.memory_space<hbm>>
      %dma_start3A_514 = tpu.memref_squeeze %dma_start3A_513 : memref<1x1x64xf32, #tpu.memory_space<hbm>> -> memref<64xf32, #tpu.memory_space<hbm>>
      %dma_start3A_515 = arith.constant 0 : i32
      %dma_start3A_516 = tpu.memref_slice %arg11[%shift_right_arithmetic3A_506, %and3A_508, %dma_start3A_515] : memref<16x8x64xf32, #tpu.memory_space<vmem>> -> memref<1x1x64xf32, #tpu.memory_space<vmem>>
      %dma_start3A_517 = tpu.memref_squeeze %dma_start3A_516 : memref<1x1x64xf32, #tpu.memory_space<vmem>> -> memref<64xf32, #tpu.memory_space<vmem>>
      %dma_start3A_518 = arith.constant 0 : i32
      %dma_start3A_519 = tpu.memref_slice %arg4[%shift_right_arithmetic3A_498, %and3A_500, %dma_start3A_518] : memref<12500x8x64xf32, #tpu.memory_space<hbm>> -> memref<1x1x64xf32, #tpu.memory_space<hbm>>
      %dma_start3A_520 = tpu.memref_squeeze %dma_start3A_519 : memref<1x1x64xf32, #tpu.memory_space<hbm>> -> memref<64xf32, #tpu.memory_space<hbm>>
      tpu.enqueue_dma source(%dma_start3A_520 : memref<64xf32, #tpu.memory_space<hbm>>) target(%dma_start3A_517 : memref<64xf32, #tpu.memory_space<vmem>>) target_semaphore(%arg15 : memref<!tpu.dma_semaphore, #tpu.memory_space<semaphore_mem>>)
      %shift_right_arithmetic3A_521 = arith.constant 3 : i32
      %shift_right_arithmetic3A_522 = arith.shrsi %add3A_504, %shift_right_arithmetic3A_521 : i32
      %and3A_523 = arith.constant 7 : i32
      %and3A_524 = arith.andi %add3A_504, %and3A_523 : i32
      %dma_start3A_525 = arith.constant 0 : i32
      %dma_start3A_526 = tpu.memref_slice %arg13[%shift_right_arithmetic3A_522, %and3A_524, %dma_start3A_525] : memref<16x8x64xf32, #tpu.memory_space<vmem>> -> memref<1x1x64xf32, #tpu.memory_space<vmem>>
      %dma_start3A_527 = tpu.memref_squeeze %dma_start3A_526 : memref<1x1x64xf32, #tpu.memory_space<vmem>> -> memref<64xf32, #tpu.memory_space<vmem>>
      %dma_start3A_528 = arith.constant 0 : i32
      %dma_start3A_529 = tpu.memref_slice %arg5[%shift_right_arithmetic3A_498, %and3A_500, %dma_start3A_528] : memref<12500x8x64xf32, #tpu.memory_space<hbm>> -> memref<1x1x64xf32, #tpu.memory_space<hbm>>
      %dma_start3A_530 = tpu.memref_squeeze %dma_start3A_529 : memref<1x1x64xf32, #tpu.memory_space<hbm>> -> memref<64xf32, #tpu.memory_space<hbm>>
      %dma_start3A_531 = arith.constant 0 : i32
      %dma_start3A_532 = tpu.memref_slice %arg13[%shift_right_arithmetic3A_522, %and3A_524, %dma_start3A_531] : memref<16x8x64xf32, #tpu.memory_space<vmem>> -> memref<1x1x64xf32, #tpu.memory_space<vmem>>
      %dma_start3A_533 = tpu.memref_squeeze %dma_start3A_532 : memref<1x1x64xf32, #tpu.memory_space<vmem>> -> memref<64xf32, #tpu.memory_space<vmem>>
      %dma_start3A_534 = arith.constant 0 : i32
      %dma_start3A_535 = tpu.memref_slice %arg5[%shift_right_arithmetic3A_498, %and3A_500, %dma_start3A_534] : memref<12500x8x64xf32, #tpu.memory_space<hbm>> -> memref<1x1x64xf32, #tpu.memory_space<hbm>>
      %dma_start3A_536 = tpu.memref_squeeze %dma_start3A_535 : memref<1x1x64xf32, #tpu.memory_space<hbm>> -> memref<64xf32, #tpu.memory_space<hbm>>
      tpu.enqueue_dma source(%dma_start3A_536 : memref<64xf32, #tpu.memory_space<hbm>>) target(%dma_start3A_533 : memref<64xf32, #tpu.memory_space<vmem>>) target_semaphore(%arg15 : memref<!tpu.dma_semaphore, #tpu.memory_space<semaphore_mem>>)
      %slice3A_537 = vector.extract_strided_slice %get3A_204 {offsets = [8], sizes = [1], strides = [1]} : vector<16xi32> to vector<1xi32>
      %squeeze3A_538 = vector.extract %slice3A_537[0] : i32 from vector<1xi32>
      %shift_right_arithmetic3A_539 = arith.constant 3 : i32
      %shift_right_arithmetic3A_540 = arith.shrsi %squeeze3A_538, %shift_right_arithmetic3A_539 : i32
      %and3A_541 = arith.constant 7 : i32
      %and3A_542 = arith.andi %squeeze3A_538, %and3A_541 : i32
      %mul3A_543 = arith.constant 16 : i32
      %mul3A_544 = arith.muli %add3A_198, %mul3A_543 : i32
      %add3A_545 = arith.constant 8 : i32
      %add3A_546 = arith.addi %mul3A_544, %add3A_545 : i32
      %shift_right_arithmetic3A_547 = arith.constant 3 : i32
      %shift_right_arithmetic3A_548 = arith.shrsi %add3A_546, %shift_right_arithmetic3A_547 : i32
      %and3A_549 = arith.constant 7 : i32
      %and3A_550 = arith.andi %add3A_546, %and3A_549 : i32
      %dma_start3A_551 = arith.constant 0 : i32
      %dma_start3A_552 = tpu.memref_slice %arg11[%shift_right_arithmetic3A_548, %and3A_550, %dma_start3A_551] : memref<16x8x64xf32, #tpu.memory_space<vmem>> -> memref<1x1x64xf32, #tpu.memory_space<vmem>>
      %dma_start3A_553 = tpu.memref_squeeze %dma_start3A_552 : memref<1x1x64xf32, #tpu.memory_space<vmem>> -> memref<64xf32, #tpu.memory_space<vmem>>
      %dma_start3A_554 = arith.constant 0 : i32
      %dma_start3A_555 = tpu.memref_slice %arg4[%shift_right_arithmetic3A_540, %and3A_542, %dma_start3A_554] : memref<12500x8x64xf32, #tpu.memory_space<hbm>> -> memref<1x1x64xf32, #tpu.memory_space<hbm>>
      %dma_start3A_556 = tpu.memref_squeeze %dma_start3A_555 : memref<1x1x64xf32, #tpu.memory_space<hbm>> -> memref<64xf32, #tpu.memory_space<hbm>>
      %dma_start3A_557 = arith.constant 0 : i32
      %dma_start3A_558 = tpu.memref_slice %arg11[%shift_right_arithmetic3A_548, %and3A_550, %dma_start3A_557] : memref<16x8x64xf32, #tpu.memory_space<vmem>> -> memref<1x1x64xf32, #tpu.memory_space<vmem>>
      %dma_start3A_559 = tpu.memref_squeeze %dma_start3A_558 : memref<1x1x64xf32, #tpu.memory_space<vmem>> -> memref<64xf32, #tpu.memory_space<vmem>>
      %dma_start3A_560 = arith.constant 0 : i32
      %dma_start3A_561 = tpu.memref_slice %arg4[%shift_right_arithmetic3A_540, %and3A_542, %dma_start3A_560] : memref<12500x8x64xf32, #tpu.memory_space<hbm>> -> memref<1x1x64xf32, #tpu.memory_space<hbm>>
      %dma_start3A_562 = tpu.memref_squeeze %dma_start3A_561 : memref<1x1x64xf32, #tpu.memory_space<hbm>> -> memref<64xf32, #tpu.memory_space<hbm>>
      tpu.enqueue_dma source(%dma_start3A_562 : memref<64xf32, #tpu.memory_space<hbm>>) target(%dma_start3A_559 : memref<64xf32, #tpu.memory_space<vmem>>) target_semaphore(%arg15 : memref<!tpu.dma_semaphore, #tpu.memory_space<semaphore_mem>>)
      %shift_right_arithmetic3A_563 = arith.constant 3 : i32
      %shift_right_arithmetic3A_564 = arith.shrsi %add3A_546, %shift_right_arithmetic3A_563 : i32
      %and3A_565 = arith.constant 7 : i32
      %and3A_566 = arith.andi %add3A_546, %and3A_565 : i32
      %dma_start3A_567 = arith.constant 0 : i32
      %dma_start3A_568 = tpu.memref_slice %arg13[%shift_right_arithmetic3A_564, %and3A_566, %dma_start3A_567] : memref<16x8x64xf32, #tpu.memory_space<vmem>> -> memref<1x1x64xf32, #tpu.memory_space<vmem>>
      %dma_start3A_569 = tpu.memref_squeeze %dma_start3A_568 : memref<1x1x64xf32, #tpu.memory_space<vmem>> -> memref<64xf32, #tpu.memory_space<vmem>>
      %dma_start3A_570 = arith.constant 0 : i32
      %dma_start3A_571 = tpu.memref_slice %arg5[%shift_right_arithmetic3A_540, %and3A_542, %dma_start3A_570] : memref<12500x8x64xf32, #tpu.memory_space<hbm>> -> memref<1x1x64xf32, #tpu.memory_space<hbm>>
      %dma_start3A_572 = tpu.memref_squeeze %dma_start3A_571 : memref<1x1x64xf32, #tpu.memory_space<hbm>> -> memref<64xf32, #tpu.memory_space<hbm>>
      %dma_start3A_573 = arith.constant 0 : i32
      %dma_start3A_574 = tpu.memref_slice %arg13[%shift_right_arithmetic3A_564, %and3A_566, %dma_start3A_573] : memref<16x8x64xf32, #tpu.memory_space<vmem>> -> memref<1x1x64xf32, #tpu.memory_space<vmem>>
      %dma_start3A_575 = tpu.memref_squeeze %dma_start3A_574 : memref<1x1x64xf32, #tpu.memory_space<vmem>> -> memref<64xf32, #tpu.memory_space<vmem>>
      %dma_start3A_576 = arith.constant 0 : i32
      %dma_start3A_577 = tpu.memref_slice %arg5[%shift_right_arithmetic3A_540, %and3A_542, %dma_start3A_576] : memref<12500x8x64xf32, #tpu.memory_space<hbm>> -> memref<1x1x64xf32, #tpu.memory_space<hbm>>
      %dma_start3A_578 = tpu.memref_squeeze %dma_start3A_577 : memref<1x1x64xf32, #tpu.memory_space<hbm>> -> memref<64xf32, #tpu.memory_space<hbm>>
      tpu.enqueue_dma source(%dma_start3A_578 : memref<64xf32, #tpu.memory_space<hbm>>) target(%dma_start3A_575 : memref<64xf32, #tpu.memory_space<vmem>>) target_semaphore(%arg15 : memref<!tpu.dma_semaphore, #tpu.memory_space<semaphore_mem>>)
      %slice3A_579 = vector.extract_strided_slice %get3A_204 {offsets = [9], sizes = [1], strides = [1]} : vector<16xi32> to vector<1xi32>
      %squeeze3A_580 = vector.extract %slice3A_579[0] : i32 from vector<1xi32>
      %shift_right_arithmetic3A_581 = arith.constant 3 : i32
      %shift_right_arithmetic3A_582 = arith.shrsi %squeeze3A_580, %shift_right_arithmetic3A_581 : i32
      %and3A_583 = arith.constant 7 : i32
      %and3A_584 = arith.andi %squeeze3A_580, %and3A_583 : i32
      %mul3A_585 = arith.constant 16 : i32
      %mul3A_586 = arith.muli %add3A_198, %mul3A_585 : i32
      %add3A_587 = arith.constant 9 : i32
      %add3A_588 = arith.addi %mul3A_586, %add3A_587 : i32
      %shift_right_arithmetic3A_589 = arith.constant 3 : i32
      %shift_right_arithmetic3A_590 = arith.shrsi %add3A_588, %shift_right_arithmetic3A_589 : i32
      %and3A_591 = arith.constant 7 : i32
      %and3A_592 = arith.andi %add3A_588, %and3A_591 : i32
      %dma_start3A_593 = arith.constant 0 : i32
      %dma_start3A_594 = tpu.memref_slice %arg11[%shift_right_arithmetic3A_590, %and3A_592, %dma_start3A_593] : memref<16x8x64xf32, #tpu.memory_space<vmem>> -> memref<1x1x64xf32, #tpu.memory_space<vmem>>
      %dma_start3A_595 = tpu.memref_squeeze %dma_start3A_594 : memref<1x1x64xf32, #tpu.memory_space<vmem>> -> memref<64xf32, #tpu.memory_space<vmem>>
      %dma_start3A_596 = arith.constant 0 : i32
      %dma_start3A_597 = tpu.memref_slice %arg4[%shift_right_arithmetic3A_582, %and3A_584, %dma_start3A_596] : memref<12500x8x64xf32, #tpu.memory_space<hbm>> -> memref<1x1x64xf32, #tpu.memory_space<hbm>>
      %dma_start3A_598 = tpu.memref_squeeze %dma_start3A_597 : memref<1x1x64xf32, #tpu.memory_space<hbm>> -> memref<64xf32, #tpu.memory_space<hbm>>
      %dma_start3A_599 = arith.constant 0 : i32
      %dma_start3A_600 = tpu.memref_slice %arg11[%shift_right_arithmetic3A_590, %and3A_592, %dma_start3A_599] : memref<16x8x64xf32, #tpu.memory_space<vmem>> -> memref<1x1x64xf32, #tpu.memory_space<vmem>>
      %dma_start3A_601 = tpu.memref_squeeze %dma_start3A_600 : memref<1x1x64xf32, #tpu.memory_space<vmem>> -> memref<64xf32, #tpu.memory_space<vmem>>
      %dma_start3A_602 = arith.constant 0 : i32
      %dma_start3A_603 = tpu.memref_slice %arg4[%shift_right_arithmetic3A_582, %and3A_584, %dma_start3A_602] : memref<12500x8x64xf32, #tpu.memory_space<hbm>> -> memref<1x1x64xf32, #tpu.memory_space<hbm>>
      %dma_start3A_604 = tpu.memref_squeeze %dma_start3A_603 : memref<1x1x64xf32, #tpu.memory_space<hbm>> -> memref<64xf32, #tpu.memory_space<hbm>>
      tpu.enqueue_dma source(%dma_start3A_604 : memref<64xf32, #tpu.memory_space<hbm>>) target(%dma_start3A_601 : memref<64xf32, #tpu.memory_space<vmem>>) target_semaphore(%arg15 : memref<!tpu.dma_semaphore, #tpu.memory_space<semaphore_mem>>)
      %shift_right_arithmetic3A_605 = arith.constant 3 : i32
      %shift_right_arithmetic3A_606 = arith.shrsi %add3A_588, %shift_right_arithmetic3A_605 : i32
      %and3A_607 = arith.constant 7 : i32
      %and3A_608 = arith.andi %add3A_588, %and3A_607 : i32
      %dma_start3A_609 = arith.constant 0 : i32
      %dma_start3A_610 = tpu.memref_slice %arg13[%shift_right_arithmetic3A_606, %and3A_608, %dma_start3A_609] : memref<16x8x64xf32, #tpu.memory_space<vmem>> -> memref<1x1x64xf32, #tpu.memory_space<vmem>>
      %dma_start3A_611 = tpu.memref_squeeze %dma_start3A_610 : memref<1x1x64xf32, #tpu.memory_space<vmem>> -> memref<64xf32, #tpu.memory_space<vmem>>
      %dma_start3A_612 = arith.constant 0 : i32
      %dma_start3A_613 = tpu.memref_slice %arg5[%shift_right_arithmetic3A_582, %and3A_584, %dma_start3A_612] : memref<12500x8x64xf32, #tpu.memory_space<hbm>> -> memref<1x1x64xf32, #tpu.memory_space<hbm>>
      %dma_start3A_614 = tpu.memref_squeeze %dma_start3A_613 : memref<1x1x64xf32, #tpu.memory_space<hbm>> -> memref<64xf32, #tpu.memory_space<hbm>>
      %dma_start3A_615 = arith.constant 0 : i32
      %dma_start3A_616 = tpu.memref_slice %arg13[%shift_right_arithmetic3A_606, %and3A_608, %dma_start3A_615] : memref<16x8x64xf32, #tpu.memory_space<vmem>> -> memref<1x1x64xf32, #tpu.memory_space<vmem>>
      %dma_start3A_617 = tpu.memref_squeeze %dma_start3A_616 : memref<1x1x64xf32, #tpu.memory_space<vmem>> -> memref<64xf32, #tpu.memory_space<vmem>>
      %dma_start3A_618 = arith.constant 0 : i32
      %dma_start3A_619 = tpu.memref_slice %arg5[%shift_right_arithmetic3A_582, %and3A_584, %dma_start3A_618] : memref<12500x8x64xf32, #tpu.memory_space<hbm>> -> memref<1x1x64xf32, #tpu.memory_space<hbm>>
      %dma_start3A_620 = tpu.memref_squeeze %dma_start3A_619 : memref<1x1x64xf32, #tpu.memory_space<hbm>> -> memref<64xf32, #tpu.memory_space<hbm>>
      tpu.enqueue_dma source(%dma_start3A_620 : memref<64xf32, #tpu.memory_space<hbm>>) target(%dma_start3A_617 : memref<64xf32, #tpu.memory_space<vmem>>) target_semaphore(%arg15 : memref<!tpu.dma_semaphore, #tpu.memory_space<semaphore_mem>>)
      %slice3A_621 = vector.extract_strided_slice %get3A_204 {offsets = [10], sizes = [1], strides = [1]} : vector<16xi32> to vector<1xi32>
      %squeeze3A_622 = vector.extract %slice3A_621[0] : i32 from vector<1xi32>
      %shift_right_arithmetic3A_623 = arith.constant 3 : i32
      %shift_right_arithmetic3A_624 = arith.shrsi %squeeze3A_622, %shift_right_arithmetic3A_623 : i32
      %and3A_625 = arith.constant 7 : i32
      %and3A_626 = arith.andi %squeeze3A_622, %and3A_625 : i32
      %mul3A_627 = arith.constant 16 : i32
      %mul3A_628 = arith.muli %add3A_198, %mul3A_627 : i32
      %add3A_629 = arith.constant 10 : i32
      %add3A_630 = arith.addi %mul3A_628, %add3A_629 : i32
      %shift_right_arithmetic3A_631 = arith.constant 3 : i32
      %shift_right_arithmetic3A_632 = arith.shrsi %add3A_630, %shift_right_arithmetic3A_631 : i32
      %and3A_633 = arith.constant 7 : i32
      %and3A_634 = arith.andi %add3A_630, %and3A_633 : i32
      %dma_start3A_635 = arith.constant 0 : i32
      %dma_start3A_636 = tpu.memref_slice %arg11[%shift_right_arithmetic3A_632, %and3A_634, %dma_start3A_635] : memref<16x8x64xf32, #tpu.memory_space<vmem>> -> memref<1x1x64xf32, #tpu.memory_space<vmem>>
      %dma_start3A_637 = tpu.memref_squeeze %dma_start3A_636 : memref<1x1x64xf32, #tpu.memory_space<vmem>> -> memref<64xf32, #tpu.memory_space<vmem>>
      %dma_start3A_638 = arith.constant 0 : i32
      %dma_start3A_639 = tpu.memref_slice %arg4[%shift_right_arithmetic3A_624, %and3A_626, %dma_start3A_638] : memref<12500x8x64xf32, #tpu.memory_space<hbm>> -> memref<1x1x64xf32, #tpu.memory_space<hbm>>
      %dma_start3A_640 = tpu.memref_squeeze %dma_start3A_639 : memref<1x1x64xf32, #tpu.memory_space<hbm>> -> memref<64xf32, #tpu.memory_space<hbm>>
      %dma_start3A_641 = arith.constant 0 : i32
      %dma_start3A_642 = tpu.memref_slice %arg11[%shift_right_arithmetic3A_632, %and3A_634, %dma_start3A_641] : memref<16x8x64xf32, #tpu.memory_space<vmem>> -> memref<1x1x64xf32, #tpu.memory_space<vmem>>
      %dma_start3A_643 = tpu.memref_squeeze %dma_start3A_642 : memref<1x1x64xf32, #tpu.memory_space<vmem>> -> memref<64xf32, #tpu.memory_space<vmem>>
      %dma_start3A_644 = arith.constant 0 : i32
      %dma_start3A_645 = tpu.memref_slice %arg4[%shift_right_arithmetic3A_624, %and3A_626, %dma_start3A_644] : memref<12500x8x64xf32, #tpu.memory_space<hbm>> -> memref<1x1x64xf32, #tpu.memory_space<hbm>>
      %dma_start3A_646 = tpu.memref_squeeze %dma_start3A_645 : memref<1x1x64xf32, #tpu.memory_space<hbm>> -> memref<64xf32, #tpu.memory_space<hbm>>
      tpu.enqueue_dma source(%dma_start3A_646 : memref<64xf32, #tpu.memory_space<hbm>>) target(%dma_start3A_643 : memref<64xf32, #tpu.memory_space<vmem>>) target_semaphore(%arg15 : memref<!tpu.dma_semaphore, #tpu.memory_space<semaphore_mem>>)
      %shift_right_arithmetic3A_647 = arith.constant 3 : i32
      %shift_right_arithmetic3A_648 = arith.shrsi %add3A_630, %shift_right_arithmetic3A_647 : i32
      %and3A_649 = arith.constant 7 : i32
      %and3A_650 = arith.andi %add3A_630, %and3A_649 : i32
      %dma_start3A_651 = arith.constant 0 : i32
      %dma_start3A_652 = tpu.memref_slice %arg13[%shift_right_arithmetic3A_648, %and3A_650, %dma_start3A_651] : memref<16x8x64xf32, #tpu.memory_space<vmem>> -> memref<1x1x64xf32, #tpu.memory_space<vmem>>
      %dma_start3A_653 = tpu.memref_squeeze %dma_start3A_652 : memref<1x1x64xf32, #tpu.memory_space<vmem>> -> memref<64xf32, #tpu.memory_space<vmem>>
      %dma_start3A_654 = arith.constant 0 : i32
      %dma_start3A_655 = tpu.memref_slice %arg5[%shift_right_arithmetic3A_624, %and3A_626, %dma_start3A_654] : memref<12500x8x64xf32, #tpu.memory_space<hbm>> -> memref<1x1x64xf32, #tpu.memory_space<hbm>>
      %dma_start3A_656 = tpu.memref_squeeze %dma_start3A_655 : memref<1x1x64xf32, #tpu.memory_space<hbm>> -> memref<64xf32, #tpu.memory_space<hbm>>
      %dma_start3A_657 = arith.constant 0 : i32
      %dma_start3A_658 = tpu.memref_slice %arg13[%shift_right_arithmetic3A_648, %and3A_650, %dma_start3A_657] : memref<16x8x64xf32, #tpu.memory_space<vmem>> -> memref<1x1x64xf32, #tpu.memory_space<vmem>>
      %dma_start3A_659 = tpu.memref_squeeze %dma_start3A_658 : memref<1x1x64xf32, #tpu.memory_space<vmem>> -> memref<64xf32, #tpu.memory_space<vmem>>
      %dma_start3A_660 = arith.constant 0 : i32
      %dma_start3A_661 = tpu.memref_slice %arg5[%shift_right_arithmetic3A_624, %and3A_626, %dma_start3A_660] : memref<12500x8x64xf32, #tpu.memory_space<hbm>> -> memref<1x1x64xf32, #tpu.memory_space<hbm>>
      %dma_start3A_662 = tpu.memref_squeeze %dma_start3A_661 : memref<1x1x64xf32, #tpu.memory_space<hbm>> -> memref<64xf32, #tpu.memory_space<hbm>>
      tpu.enqueue_dma source(%dma_start3A_662 : memref<64xf32, #tpu.memory_space<hbm>>) target(%dma_start3A_659 : memref<64xf32, #tpu.memory_space<vmem>>) target_semaphore(%arg15 : memref<!tpu.dma_semaphore, #tpu.memory_space<semaphore_mem>>)
      %slice3A_663 = vector.extract_strided_slice %get3A_204 {offsets = [11], sizes = [1], strides = [1]} : vector<16xi32> to vector<1xi32>
      %squeeze3A_664 = vector.extract %slice3A_663[0] : i32 from vector<1xi32>
      %shift_right_arithmetic3A_665 = arith.constant 3 : i32
      %shift_right_arithmetic3A_666 = arith.shrsi %squeeze3A_664, %shift_right_arithmetic3A_665 : i32
      %and3A_667 = arith.constant 7 : i32
      %and3A_668 = arith.andi %squeeze3A_664, %and3A_667 : i32
      %mul3A_669 = arith.constant 16 : i32
      %mul3A_670 = arith.muli %add3A_198, %mul3A_669 : i32
      %add3A_671 = arith.constant 11 : i32
      %add3A_672 = arith.addi %mul3A_670, %add3A_671 : i32
      %shift_right_arithmetic3A_673 = arith.constant 3 : i32
      %shift_right_arithmetic3A_674 = arith.shrsi %add3A_672, %shift_right_arithmetic3A_673 : i32
      %and3A_675 = arith.constant 7 : i32
      %and3A_676 = arith.andi %add3A_672, %and3A_675 : i32
      %dma_start3A_677 = arith.constant 0 : i32
      %dma_start3A_678 = tpu.memref_slice %arg11[%shift_right_arithmetic3A_674, %and3A_676, %dma_start3A_677] : memref<16x8x64xf32, #tpu.memory_space<vmem>> -> memref<1x1x64xf32, #tpu.memory_space<vmem>>
      %dma_start3A_679 = tpu.memref_squeeze %dma_start3A_678 : memref<1x1x64xf32, #tpu.memory_space<vmem>> -> memref<64xf32, #tpu.memory_space<vmem>>
      %dma_start3A_680 = arith.constant 0 : i32
      %dma_start3A_681 = tpu.memref_slice %arg4[%shift_right_arithmetic3A_666, %and3A_668, %dma_start3A_680] : memref<12500x8x64xf32, #tpu.memory_space<hbm>> -> memref<1x1x64xf32, #tpu.memory_space<hbm>>
      %dma_start3A_682 = tpu.memref_squeeze %dma_start3A_681 : memref<1x1x64xf32, #tpu.memory_space<hbm>> -> memref<64xf32, #tpu.memory_space<hbm>>
      %dma_start3A_683 = arith.constant 0 : i32
      %dma_start3A_684 = tpu.memref_slice %arg11[%shift_right_arithmetic3A_674, %and3A_676, %dma_start3A_683] : memref<16x8x64xf32, #tpu.memory_space<vmem>> -> memref<1x1x64xf32, #tpu.memory_space<vmem>>
      %dma_start3A_685 = tpu.memref_squeeze %dma_start3A_684 : memref<1x1x64xf32, #tpu.memory_space<vmem>> -> memref<64xf32, #tpu.memory_space<vmem>>
      %dma_start3A_686 = arith.constant 0 : i32
      %dma_start3A_687 = tpu.memref_slice %arg4[%shift_right_arithmetic3A_666, %and3A_668, %dma_start3A_686] : memref<12500x8x64xf32, #tpu.memory_space<hbm>> -> memref<1x1x64xf32, #tpu.memory_space<hbm>>
      %dma_start3A_688 = tpu.memref_squeeze %dma_start3A_687 : memref<1x1x64xf32, #tpu.memory_space<hbm>> -> memref<64xf32, #tpu.memory_space<hbm>>
      tpu.enqueue_dma source(%dma_start3A_688 : memref<64xf32, #tpu.memory_space<hbm>>) target(%dma_start3A_685 : memref<64xf32, #tpu.memory_space<vmem>>) target_semaphore(%arg15 : memref<!tpu.dma_semaphore, #tpu.memory_space<semaphore_mem>>)
      %shift_right_arithmetic3A_689 = arith.constant 3 : i32
      %shift_right_arithmetic3A_690 = arith.shrsi %add3A_672, %shift_right_arithmetic3A_689 : i32
      %and3A_691 = arith.constant 7 : i32
      %and3A_692 = arith.andi %add3A_672, %and3A_691 : i32
      %dma_start3A_693 = arith.constant 0 : i32
      %dma_start3A_694 = tpu.memref_slice %arg13[%shift_right_arithmetic3A_690, %and3A_692, %dma_start3A_693] : memref<16x8x64xf32, #tpu.memory_space<vmem>> -> memref<1x1x64xf32, #tpu.memory_space<vmem>>
      %dma_start3A_695 = tpu.memref_squeeze %dma_start3A_694 : memref<1x1x64xf32, #tpu.memory_space<vmem>> -> memref<64xf32, #tpu.memory_space<vmem>>
      %dma_start3A_696 = arith.constant 0 : i32
      %dma_start3A_697 = tpu.memref_slice %arg5[%shift_right_arithmetic3A_666, %and3A_668, %dma_start3A_696] : memref<12500x8x64xf32, #tpu.memory_space<hbm>> -> memref<1x1x64xf32, #tpu.memory_space<hbm>>
      %dma_start3A_698 = tpu.memref_squeeze %dma_start3A_697 : memref<1x1x64xf32, #tpu.memory_space<hbm>> -> memref<64xf32, #tpu.memory_space<hbm>>
      %dma_start3A_699 = arith.constant 0 : i32
      %dma_start3A_700 = tpu.memref_slice %arg13[%shift_right_arithmetic3A_690, %and3A_692, %dma_start3A_699] : memref<16x8x64xf32, #tpu.memory_space<vmem>> -> memref<1x1x64xf32, #tpu.memory_space<vmem>>
      %dma_start3A_701 = tpu.memref_squeeze %dma_start3A_700 : memref<1x1x64xf32, #tpu.memory_space<vmem>> -> memref<64xf32, #tpu.memory_space<vmem>>
      %dma_start3A_702 = arith.constant 0 : i32
      %dma_start3A_703 = tpu.memref_slice %arg5[%shift_right_arithmetic3A_666, %and3A_668, %dma_start3A_702] : memref<12500x8x64xf32, #tpu.memory_space<hbm>> -> memref<1x1x64xf32, #tpu.memory_space<hbm>>
      %dma_start3A_704 = tpu.memref_squeeze %dma_start3A_703 : memref<1x1x64xf32, #tpu.memory_space<hbm>> -> memref<64xf32, #tpu.memory_space<hbm>>
      tpu.enqueue_dma source(%dma_start3A_704 : memref<64xf32, #tpu.memory_space<hbm>>) target(%dma_start3A_701 : memref<64xf32, #tpu.memory_space<vmem>>) target_semaphore(%arg15 : memref<!tpu.dma_semaphore, #tpu.memory_space<semaphore_mem>>)
      %slice3A_705 = vector.extract_strided_slice %get3A_204 {offsets = [12], sizes = [1], strides = [1]} : vector<16xi32> to vector<1xi32>
      %squeeze3A_706 = vector.extract %slice3A_705[0] : i32 from vector<1xi32>
      %shift_right_arithmetic3A_707 = arith.constant 3 : i32
      %shift_right_arithmetic3A_708 = arith.shrsi %squeeze3A_706, %shift_right_arithmetic3A_707 : i32
      %and3A_709 = arith.constant 7 : i32
      %and3A_710 = arith.andi %squeeze3A_706, %and3A_709 : i32
      %mul3A_711 = arith.constant 16 : i32
      %mul3A_712 = arith.muli %add3A_198, %mul3A_711 : i32
      %add3A_713 = arith.constant 12 : i32
      %add3A_714 = arith.addi %mul3A_712, %add3A_713 : i32
      %shift_right_arithmetic3A_715 = arith.constant 3 : i32
      %shift_right_arithmetic3A_716 = arith.shrsi %add3A_714, %shift_right_arithmetic3A_715 : i32
      %and3A_717 = arith.constant 7 : i32
      %and3A_718 = arith.andi %add3A_714, %and3A_717 : i32
      %dma_start3A_719 = arith.constant 0 : i32
      %dma_start3A_720 = tpu.memref_slice %arg11[%shift_right_arithmetic3A_716, %and3A_718, %dma_start3A_719] : memref<16x8x64xf32, #tpu.memory_space<vmem>> -> memref<1x1x64xf32, #tpu.memory_space<vmem>>
      %dma_start3A_721 = tpu.memref_squeeze %dma_start3A_720 : memref<1x1x64xf32, #tpu.memory_space<vmem>> -> memref<64xf32, #tpu.memory_space<vmem>>
      %dma_start3A_722 = arith.constant 0 : i32
      %dma_start3A_723 = tpu.memref_slice %arg4[%shift_right_arithmetic3A_708, %and3A_710, %dma_start3A_722] : memref<12500x8x64xf32, #tpu.memory_space<hbm>> -> memref<1x1x64xf32, #tpu.memory_space<hbm>>
      %dma_start3A_724 = tpu.memref_squeeze %dma_start3A_723 : memref<1x1x64xf32, #tpu.memory_space<hbm>> -> memref<64xf32, #tpu.memory_space<hbm>>
      %dma_start3A_725 = arith.constant 0 : i32
      %dma_start3A_726 = tpu.memref_slice %arg11[%shift_right_arithmetic3A_716, %and3A_718, %dma_start3A_725] : memref<16x8x64xf32, #tpu.memory_space<vmem>> -> memref<1x1x64xf32, #tpu.memory_space<vmem>>
      %dma_start3A_727 = tpu.memref_squeeze %dma_start3A_726 : memref<1x1x64xf32, #tpu.memory_space<vmem>> -> memref<64xf32, #tpu.memory_space<vmem>>
      %dma_start3A_728 = arith.constant 0 : i32
      %dma_start3A_729 = tpu.memref_slice %arg4[%shift_right_arithmetic3A_708, %and3A_710, %dma_start3A_728] : memref<12500x8x64xf32, #tpu.memory_space<hbm>> -> memref<1x1x64xf32, #tpu.memory_space<hbm>>
      %dma_start3A_730 = tpu.memref_squeeze %dma_start3A_729 : memref<1x1x64xf32, #tpu.memory_space<hbm>> -> memref<64xf32, #tpu.memory_space<hbm>>
      tpu.enqueue_dma source(%dma_start3A_730 : memref<64xf32, #tpu.memory_space<hbm>>) target(%dma_start3A_727 : memref<64xf32, #tpu.memory_space<vmem>>) target_semaphore(%arg15 : memref<!tpu.dma_semaphore, #tpu.memory_space<semaphore_mem>>)
      %shift_right_arithmetic3A_731 = arith.constant 3 : i32
      %shift_right_arithmetic3A_732 = arith.shrsi %add3A_714, %shift_right_arithmetic3A_731 : i32
      %and3A_733 = arith.constant 7 : i32
      %and3A_734 = arith.andi %add3A_714, %and3A_733 : i32
      %dma_start3A_735 = arith.constant 0 : i32
      %dma_start3A_736 = tpu.memref_slice %arg13[%shift_right_arithmetic3A_732, %and3A_734, %dma_start3A_735] : memref<16x8x64xf32, #tpu.memory_space<vmem>> -> memref<1x1x64xf32, #tpu.memory_space<vmem>>
      %dma_start3A_737 = tpu.memref_squeeze %dma_start3A_736 : memref<1x1x64xf32, #tpu.memory_space<vmem>> -> memref<64xf32, #tpu.memory_space<vmem>>
      %dma_start3A_738 = arith.constant 0 : i32
      %dma_start3A_739 = tpu.memref_slice %arg5[%shift_right_arithmetic3A_708, %and3A_710, %dma_start3A_738] : memref<12500x8x64xf32, #tpu.memory_space<hbm>> -> memref<1x1x64xf32, #tpu.memory_space<hbm>>
      %dma_start3A_740 = tpu.memref_squeeze %dma_start3A_739 : memref<1x1x64xf32, #tpu.memory_space<hbm>> -> memref<64xf32, #tpu.memory_space<hbm>>
      %dma_start3A_741 = arith.constant 0 : i32
      %dma_start3A_742 = tpu.memref_slice %arg13[%shift_right_arithmetic3A_732, %and3A_734, %dma_start3A_741] : memref<16x8x64xf32, #tpu.memory_space<vmem>> -> memref<1x1x64xf32, #tpu.memory_space<vmem>>
      %dma_start3A_743 = tpu.memref_squeeze %dma_start3A_742 : memref<1x1x64xf32, #tpu.memory_space<vmem>> -> memref<64xf32, #tpu.memory_space<vmem>>
      %dma_start3A_744 = arith.constant 0 : i32
      %dma_start3A_745 = tpu.memref_slice %arg5[%shift_right_arithmetic3A_708, %and3A_710, %dma_start3A_744] : memref<12500x8x64xf32, #tpu.memory_space<hbm>> -> memref<1x1x64xf32, #tpu.memory_space<hbm>>
      %dma_start3A_746 = tpu.memref_squeeze %dma_start3A_745 : memref<1x1x64xf32, #tpu.memory_space<hbm>> -> memref<64xf32, #tpu.memory_space<hbm>>
      tpu.enqueue_dma source(%dma_start3A_746 : memref<64xf32, #tpu.memory_space<hbm>>) target(%dma_start3A_743 : memref<64xf32, #tpu.memory_space<vmem>>) target_semaphore(%arg15 : memref<!tpu.dma_semaphore, #tpu.memory_space<semaphore_mem>>)
      %slice3A_747 = vector.extract_strided_slice %get3A_204 {offsets = [13], sizes = [1], strides = [1]} : vector<16xi32> to vector<1xi32>
      %squeeze3A_748 = vector.extract %slice3A_747[0] : i32 from vector<1xi32>
      %shift_right_arithmetic3A_749 = arith.constant 3 : i32
      %shift_right_arithmetic3A_750 = arith.shrsi %squeeze3A_748, %shift_right_arithmetic3A_749 : i32
      %and3A_751 = arith.constant 7 : i32
      %and3A_752 = arith.andi %squeeze3A_748, %and3A_751 : i32
      %mul3A_753 = arith.constant 16 : i32
      %mul3A_754 = arith.muli %add3A_198, %mul3A_753 : i32
      %add3A_755 = arith.constant 13 : i32
      %add3A_756 = arith.addi %mul3A_754, %add3A_755 : i32
      %shift_right_arithmetic3A_757 = arith.constant 3 : i32
      %shift_right_arithmetic3A_758 = arith.shrsi %add3A_756, %shift_right_arithmetic3A_757 : i32
      %and3A_759 = arith.constant 7 : i32
      %and3A_760 = arith.andi %add3A_756, %and3A_759 : i32
      %dma_start3A_761 = arith.constant 0 : i32
      %dma_start3A_762 = tpu.memref_slice %arg11[%shift_right_arithmetic3A_758, %and3A_760, %dma_start3A_761] : memref<16x8x64xf32, #tpu.memory_space<vmem>> -> memref<1x1x64xf32, #tpu.memory_space<vmem>>
      %dma_start3A_763 = tpu.memref_squeeze %dma_start3A_762 : memref<1x1x64xf32, #tpu.memory_space<vmem>> -> memref<64xf32, #tpu.memory_space<vmem>>
      %dma_start3A_764 = arith.constant 0 : i32
      %dma_start3A_765 = tpu.memref_slice %arg4[%shift_right_arithmetic3A_750, %and3A_752, %dma_start3A_764] : memref<12500x8x64xf32, #tpu.memory_space<hbm>> -> memref<1x1x64xf32, #tpu.memory_space<hbm>>
      %dma_start3A_766 = tpu.memref_squeeze %dma_start3A_765 : memref<1x1x64xf32, #tpu.memory_space<hbm>> -> memref<64xf32, #tpu.memory_space<hbm>>
      %dma_start3A_767 = arith.constant 0 : i32
      %dma_start3A_768 = tpu.memref_slice %arg11[%shift_right_arithmetic3A_758, %and3A_760, %dma_start3A_767] : memref<16x8x64xf32, #tpu.memory_space<vmem>> -> memref<1x1x64xf32, #tpu.memory_space<vmem>>
      %dma_start3A_769 = tpu.memref_squeeze %dma_start3A_768 : memref<1x1x64xf32, #tpu.memory_space<vmem>> -> memref<64xf32, #tpu.memory_space<vmem>>
      %dma_start3A_770 = arith.constant 0 : i32
      %dma_start3A_771 = tpu.memref_slice %arg4[%shift_right_arithmetic3A_750, %and3A_752, %dma_start3A_770] : memref<12500x8x64xf32, #tpu.memory_space<hbm>> -> memref<1x1x64xf32, #tpu.memory_space<hbm>>
      %dma_start3A_772 = tpu.memref_squeeze %dma_start3A_771 : memref<1x1x64xf32, #tpu.memory_space<hbm>> -> memref<64xf32, #tpu.memory_space<hbm>>
      tpu.enqueue_dma source(%dma_start3A_772 : memref<64xf32, #tpu.memory_space<hbm>>) target(%dma_start3A_769 : memref<64xf32, #tpu.memory_space<vmem>>) target_semaphore(%arg15 : memref<!tpu.dma_semaphore, #tpu.memory_space<semaphore_mem>>)
      %shift_right_arithmetic3A_773 = arith.constant 3 : i32
      %shift_right_arithmetic3A_774 = arith.shrsi %add3A_756, %shift_right_arithmetic3A_773 : i32
      %and3A_775 = arith.constant 7 : i32
      %and3A_776 = arith.andi %add3A_756, %and3A_775 : i32
      %dma_start3A_777 = arith.constant 0 : i32
      %dma_start3A_778 = tpu.memref_slice %arg13[%shift_right_arithmetic3A_774, %and3A_776, %dma_start3A_777] : memref<16x8x64xf32, #tpu.memory_space<vmem>> -> memref<1x1x64xf32, #tpu.memory_space<vmem>>
      %dma_start3A_779 = tpu.memref_squeeze %dma_start3A_778 : memref<1x1x64xf32, #tpu.memory_space<vmem>> -> memref<64xf32, #tpu.memory_space<vmem>>
      %dma_start3A_780 = arith.constant 0 : i32
      %dma_start3A_781 = tpu.memref_slice %arg5[%shift_right_arithmetic3A_750, %and3A_752, %dma_start3A_780] : memref<12500x8x64xf32, #tpu.memory_space<hbm>> -> memref<1x1x64xf32, #tpu.memory_space<hbm>>
      %dma_start3A_782 = tpu.memref_squeeze %dma_start3A_781 : memref<1x1x64xf32, #tpu.memory_space<hbm>> -> memref<64xf32, #tpu.memory_space<hbm>>
      %dma_start3A_783 = arith.constant 0 : i32
      %dma_start3A_784 = tpu.memref_slice %arg13[%shift_right_arithmetic3A_774, %and3A_776, %dma_start3A_783] : memref<16x8x64xf32, #tpu.memory_space<vmem>> -> memref<1x1x64xf32, #tpu.memory_space<vmem>>
      %dma_start3A_785 = tpu.memref_squeeze %dma_start3A_784 : memref<1x1x64xf32, #tpu.memory_space<vmem>> -> memref<64xf32, #tpu.memory_space<vmem>>
      %dma_start3A_786 = arith.constant 0 : i32
      %dma_start3A_787 = tpu.memref_slice %arg5[%shift_right_arithmetic3A_750, %and3A_752, %dma_start3A_786] : memref<12500x8x64xf32, #tpu.memory_space<hbm>> -> memref<1x1x64xf32, #tpu.memory_space<hbm>>
      %dma_start3A_788 = tpu.memref_squeeze %dma_start3A_787 : memref<1x1x64xf32, #tpu.memory_space<hbm>> -> memref<64xf32, #tpu.memory_space<hbm>>
      tpu.enqueue_dma source(%dma_start3A_788 : memref<64xf32, #tpu.memory_space<hbm>>) target(%dma_start3A_785 : memref<64xf32, #tpu.memory_space<vmem>>) target_semaphore(%arg15 : memref<!tpu.dma_semaphore, #tpu.memory_space<semaphore_mem>>)
      %slice3A_789 = vector.extract_strided_slice %get3A_204 {offsets = [14], sizes = [1], strides = [1]} : vector<16xi32> to vector<1xi32>
      %squeeze3A_790 = vector.extract %slice3A_789[0] : i32 from vector<1xi32>
      %shift_right_arithmetic3A_791 = arith.constant 3 : i32
      %shift_right_arithmetic3A_792 = arith.shrsi %squeeze3A_790, %shift_right_arithmetic3A_791 : i32
      %and3A_793 = arith.constant 7 : i32
      %and3A_794 = arith.andi %squeeze3A_790, %and3A_793 : i32
      %mul3A_795 = arith.constant 16 : i32
      %mul3A_796 = arith.muli %add3A_198, %mul3A_795 : i32
      %add3A_797 = arith.constant 14 : i32
      %add3A_798 = arith.addi %mul3A_796, %add3A_797 : i32
      %shift_right_arithmetic3A_799 = arith.constant 3 : i32
      %shift_right_arithmetic3A_800 = arith.shrsi %add3A_798, %shift_right_arithmetic3A_799 : i32
      %and3A_801 = arith.constant 7 : i32
      %and3A_802 = arith.andi %add3A_798, %and3A_801 : i32
      %dma_start3A_803 = arith.constant 0 : i32
      %dma_start3A_804 = tpu.memref_slice %arg11[%shift_right_arithmetic3A_800, %and3A_802, %dma_start3A_803] : memref<16x8x64xf32, #tpu.memory_space<vmem>> -> memref<1x1x64xf32, #tpu.memory_space<vmem>>
      %dma_start3A_805 = tpu.memref_squeeze %dma_start3A_804 : memref<1x1x64xf32, #tpu.memory_space<vmem>> -> memref<64xf32, #tpu.memory_space<vmem>>
      %dma_start3A_806 = arith.constant 0 : i32
      %dma_start3A_807 = tpu.memref_slice %arg4[%shift_right_arithmetic3A_792, %and3A_794, %dma_start3A_806] : memref<12500x8x64xf32, #tpu.memory_space<hbm>> -> memref<1x1x64xf32, #tpu.memory_space<hbm>>
      %dma_start3A_808 = tpu.memref_squeeze %dma_start3A_807 : memref<1x1x64xf32, #tpu.memory_space<hbm>> -> memref<64xf32, #tpu.memory_space<hbm>>
      %dma_start3A_809 = arith.constant 0 : i32
      %dma_start3A_810 = tpu.memref_slice %arg11[%shift_right_arithmetic3A_800, %and3A_802, %dma_start3A_809] : memref<16x8x64xf32, #tpu.memory_space<vmem>> -> memref<1x1x64xf32, #tpu.memory_space<vmem>>
      %dma_start3A_811 = tpu.memref_squeeze %dma_start3A_810 : memref<1x1x64xf32, #tpu.memory_space<vmem>> -> memref<64xf32, #tpu.memory_space<vmem>>
      %dma_start3A_812 = arith.constant 0 : i32
      %dma_start3A_813 = tpu.memref_slice %arg4[%shift_right_arithmetic3A_792, %and3A_794, %dma_start3A_812] : memref<12500x8x64xf32, #tpu.memory_space<hbm>> -> memref<1x1x64xf32, #tpu.memory_space<hbm>>
      %dma_start3A_814 = tpu.memref_squeeze %dma_start3A_813 : memref<1x1x64xf32, #tpu.memory_space<hbm>> -> memref<64xf32, #tpu.memory_space<hbm>>
      tpu.enqueue_dma source(%dma_start3A_814 : memref<64xf32, #tpu.memory_space<hbm>>) target(%dma_start3A_811 : memref<64xf32, #tpu.memory_space<vmem>>) target_semaphore(%arg15 : memref<!tpu.dma_semaphore, #tpu.memory_space<semaphore_mem>>)
      %shift_right_arithmetic3A_815 = arith.constant 3 : i32
      %shift_right_arithmetic3A_816 = arith.shrsi %add3A_798, %shift_right_arithmetic3A_815 : i32
      %and3A_817 = arith.constant 7 : i32
      %and3A_818 = arith.andi %add3A_798, %and3A_817 : i32
      %dma_start3A_819 = arith.constant 0 : i32
      %dma_start3A_820 = tpu.memref_slice %arg13[%shift_right_arithmetic3A_816, %and3A_818, %dma_start3A_819] : memref<16x8x64xf32, #tpu.memory_space<vmem>> -> memref<1x1x64xf32, #tpu.memory_space<vmem>>
      %dma_start3A_821 = tpu.memref_squeeze %dma_start3A_820 : memref<1x1x64xf32, #tpu.memory_space<vmem>> -> memref<64xf32, #tpu.memory_space<vmem>>
      %dma_start3A_822 = arith.constant 0 : i32
      %dma_start3A_823 = tpu.memref_slice %arg5[%shift_right_arithmetic3A_792, %and3A_794, %dma_start3A_822] : memref<12500x8x64xf32, #tpu.memory_space<hbm>> -> memref<1x1x64xf32, #tpu.memory_space<hbm>>
      %dma_start3A_824 = tpu.memref_squeeze %dma_start3A_823 : memref<1x1x64xf32, #tpu.memory_space<hbm>> -> memref<64xf32, #tpu.memory_space<hbm>>
      %dma_start3A_825 = arith.constant 0 : i32
      %dma_start3A_826 = tpu.memref_slice %arg13[%shift_right_arithmetic3A_816, %and3A_818, %dma_start3A_825] : memref<16x8x64xf32, #tpu.memory_space<vmem>> -> memref<1x1x64xf32, #tpu.memory_space<vmem>>
      %dma_start3A_827 = tpu.memref_squeeze %dma_start3A_826 : memref<1x1x64xf32, #tpu.memory_space<vmem>> -> memref<64xf32, #tpu.memory_space<vmem>>
      %dma_start3A_828 = arith.constant 0 : i32
      %dma_start3A_829 = tpu.memref_slice %arg5[%shift_right_arithmetic3A_792, %and3A_794, %dma_start3A_828] : memref<12500x8x64xf32, #tpu.memory_space<hbm>> -> memref<1x1x64xf32, #tpu.memory_space<hbm>>
      %dma_start3A_830 = tpu.memref_squeeze %dma_start3A_829 : memref<1x1x64xf32, #tpu.memory_space<hbm>> -> memref<64xf32, #tpu.memory_space<hbm>>
      tpu.enqueue_dma source(%dma_start3A_830 : memref<64xf32, #tpu.memory_space<hbm>>) target(%dma_start3A_827 : memref<64xf32, #tpu.memory_space<vmem>>) target_semaphore(%arg15 : memref<!tpu.dma_semaphore, #tpu.memory_space<semaphore_mem>>)
      %slice3A_831 = vector.extract_strided_slice %get3A_204 {offsets = [15], sizes = [1], strides = [1]} : vector<16xi32> to vector<1xi32>
      %squeeze3A_832 = vector.extract %slice3A_831[0] : i32 from vector<1xi32>
      %shift_right_arithmetic3A_833 = arith.constant 3 : i32
      %shift_right_arithmetic3A_834 = arith.shrsi %squeeze3A_832, %shift_right_arithmetic3A_833 : i32
      %and3A_835 = arith.constant 7 : i32
      %and3A_836 = arith.andi %squeeze3A_832, %and3A_835 : i32
      %mul3A_837 = arith.constant 16 : i32
      %mul3A_838 = arith.muli %add3A_198, %mul3A_837 : i32
      %add3A_839 = arith.constant 15 : i32
      %add3A_840 = arith.addi %mul3A_838, %add3A_839 : i32
      %shift_right_arithmetic3A_841 = arith.constant 3 : i32
      %shift_right_arithmetic3A_842 = arith.shrsi %add3A_840, %shift_right_arithmetic3A_841 : i32
      %and3A_843 = arith.constant 7 : i32
      %and3A_844 = arith.andi %add3A_840, %and3A_843 : i32
      %dma_start3A_845 = arith.constant 0 : i32
      %dma_start3A_846 = tpu.memref_slice %arg11[%shift_right_arithmetic3A_842, %and3A_844, %dma_start3A_845] : memref<16x8x64xf32, #tpu.memory_space<vmem>> -> memref<1x1x64xf32, #tpu.memory_space<vmem>>
      %dma_start3A_847 = tpu.memref_squeeze %dma_start3A_846 : memref<1x1x64xf32, #tpu.memory_space<vmem>> -> memref<64xf32, #tpu.memory_space<vmem>>
      %dma_start3A_848 = arith.constant 0 : i32
      %dma_start3A_849 = tpu.memref_slice %arg4[%shift_right_arithmetic3A_834, %and3A_836, %dma_start3A_848] : memref<12500x8x64xf32, #tpu.memory_space<hbm>> -> memref<1x1x64xf32, #tpu.memory_space<hbm>>
      %dma_start3A_850 = tpu.memref_squeeze %dma_start3A_849 : memref<1x1x64xf32, #tpu.memory_space<hbm>> -> memref<64xf32, #tpu.memory_space<hbm>>
      %dma_start3A_851 = arith.constant 0 : i32
      %dma_start3A_852 = tpu.memref_slice %arg11[%shift_right_arithmetic3A_842, %and3A_844, %dma_start3A_851] : memref<16x8x64xf32, #tpu.memory_space<vmem>> -> memref<1x1x64xf32, #tpu.memory_space<vmem>>
      %dma_start3A_853 = tpu.memref_squeeze %dma_start3A_852 : memref<1x1x64xf32, #tpu.memory_space<vmem>> -> memref<64xf32, #tpu.memory_space<vmem>>
      %dma_start3A_854 = arith.constant 0 : i32
      %dma_start3A_855 = tpu.memref_slice %arg4[%shift_right_arithmetic3A_834, %and3A_836, %dma_start3A_854] : memref<12500x8x64xf32, #tpu.memory_space<hbm>> -> memref<1x1x64xf32, #tpu.memory_space<hbm>>
      %dma_start3A_856 = tpu.memref_squeeze %dma_start3A_855 : memref<1x1x64xf32, #tpu.memory_space<hbm>> -> memref<64xf32, #tpu.memory_space<hbm>>
      tpu.enqueue_dma source(%dma_start3A_856 : memref<64xf32, #tpu.memory_space<hbm>>) target(%dma_start3A_853 : memref<64xf32, #tpu.memory_space<vmem>>) target_semaphore(%arg15 : memref<!tpu.dma_semaphore, #tpu.memory_space<semaphore_mem>>)
      %shift_right_arithmetic3A_857 = arith.constant 3 : i32
      %shift_right_arithmetic3A_858 = arith.shrsi %add3A_840, %shift_right_arithmetic3A_857 : i32
      %and3A_859 = arith.constant 7 : i32
      %and3A_860 = arith.andi %add3A_840, %and3A_859 : i32
      %dma_start3A_861 = arith.constant 0 : i32
      %dma_start3A_862 = tpu.memref_slice %arg13[%shift_right_arithmetic3A_858, %and3A_860, %dma_start3A_861] : memref<16x8x64xf32, #tpu.memory_space<vmem>> -> memref<1x1x64xf32, #tpu.memory_space<vmem>>
      %dma_start3A_863 = tpu.memref_squeeze %dma_start3A_862 : memref<1x1x64xf32, #tpu.memory_space<vmem>> -> memref<64xf32, #tpu.memory_space<vmem>>
      %dma_start3A_864 = arith.constant 0 : i32
      %dma_start3A_865 = tpu.memref_slice %arg5[%shift_right_arithmetic3A_834, %and3A_836, %dma_start3A_864] : memref<12500x8x64xf32, #tpu.memory_space<hbm>> -> memref<1x1x64xf32, #tpu.memory_space<hbm>>
      %dma_start3A_866 = tpu.memref_squeeze %dma_start3A_865 : memref<1x1x64xf32, #tpu.memory_space<hbm>> -> memref<64xf32, #tpu.memory_space<hbm>>
      %dma_start3A_867 = arith.constant 0 : i32
      %dma_start3A_868 = tpu.memref_slice %arg13[%shift_right_arithmetic3A_858, %and3A_860, %dma_start3A_867] : memref<16x8x64xf32, #tpu.memory_space<vmem>> -> memref<1x1x64xf32, #tpu.memory_space<vmem>>
      %dma_start3A_869 = tpu.memref_squeeze %dma_start3A_868 : memref<1x1x64xf32, #tpu.memory_space<vmem>> -> memref<64xf32, #tpu.memory_space<vmem>>
      %dma_start3A_870 = arith.constant 0 : i32
      %dma_start3A_871 = tpu.memref_slice %arg5[%shift_right_arithmetic3A_834, %and3A_836, %dma_start3A_870] : memref<12500x8x64xf32, #tpu.memory_space<hbm>> -> memref<1x1x64xf32, #tpu.memory_space<hbm>>
      %dma_start3A_872 = tpu.memref_squeeze %dma_start3A_871 : memref<1x1x64xf32, #tpu.memory_space<hbm>> -> memref<64xf32, #tpu.memory_space<hbm>>
      tpu.enqueue_dma source(%dma_start3A_872 : memref<64xf32, #tpu.memory_space<hbm>>) target(%dma_start3A_869 : memref<64xf32, #tpu.memory_space<vmem>>) target_semaphore(%arg15 : memref<!tpu.dma_semaphore, #tpu.memory_space<semaphore_mem>>)
    }
    %scan3A_65 = arith.constant 8 : i32
    %dma_wait3A_66 = arith.constant 0 : i32
    %dma_wait3A_67 = arith.constant 0 : i32
    %dma_wait3A_68 = arith.constant 0 : i32
    %dma_wait3A_69 = tpu.memref_slice %arg4[%dma_wait3A_66, %dma_wait3A_67, %dma_wait3A_68] : memref<12500x8x64xf32, #tpu.memory_space<hbm>> -> memref<16x8x64xf32, #tpu.memory_space<hbm>>
    %dma_wait3A_70 = arith.constant 0 : i32
    %dma_wait3A_71 = arith.constant 0 : i32
    %dma_wait3A_72 = arith.constant 0 : i32
    %dma_wait3A_73 = tpu.memref_slice %arg4[%dma_wait3A_70, %dma_wait3A_71, %dma_wait3A_72] : memref<12500x8x64xf32, #tpu.memory_space<hbm>> -> memref<16x8x64xf32, #tpu.memory_space<hbm>>
    tpu.wait_dma2 semaphore(%arg16 : memref<!tpu.dma_semaphore, #tpu.memory_space<semaphore_mem>>) src(%dma_wait3A_73 : memref<16x8x64xf32, #tpu.memory_space<hbm>>) dst(%arg12 : memref<16x8x64xf32, #tpu.memory_space<vmem>>)
    %dma_wait3A_74 = arith.constant 0 : i32
    %dma_wait3A_75 = arith.constant 0 : i32
    %dma_wait3A_76 = arith.constant 0 : i32
    %dma_wait3A_77 = tpu.memref_slice %arg4[%dma_wait3A_74, %dma_wait3A_75, %dma_wait3A_76] : memref<12500x8x64xf32, #tpu.memory_space<hbm>> -> memref<16x8x64xf32, #tpu.memory_space<hbm>>
    %dma_wait3A_78 = arith.constant 0 : i32
    %dma_wait3A_79 = arith.constant 0 : i32
    %dma_wait3A_80 = arith.constant 0 : i32
    %dma_wait3A_81 = tpu.memref_slice %arg4[%dma_wait3A_78, %dma_wait3A_79, %dma_wait3A_80] : memref<12500x8x64xf32, #tpu.memory_space<hbm>> -> memref<16x8x64xf32, #tpu.memory_space<hbm>>
    tpu.wait_dma2 semaphore(%arg16 : memref<!tpu.dma_semaphore, #tpu.memory_space<semaphore_mem>>) src(%dma_wait3A_81 : memref<16x8x64xf32, #tpu.memory_space<hbm>>) dst(%arg14 : memref<16x8x64xf32, #tpu.memory_space<vmem>>)
    %dma_wait3A_82 = arith.constant 0 : i32
    %dma_wait3A_83 = arith.constant 0 : i32
    %dma_wait3A_84 = tpu.memref_slice %arg2[%dma_wait3A_82, %dma_wait3A_83] : memref<16384x128xf32, #tpu.memory_space<hbm>> -> memref<128x128xf32, #tpu.memory_space<hbm>>
    %dma_wait3A_85 = arith.constant 0 : i32
    %dma_wait3A_86 = arith.constant 0 : i32
    %dma_wait3A_87 = tpu.memref_slice %arg2[%dma_wait3A_85, %dma_wait3A_86] : memref<16384x128xf32, #tpu.memory_space<hbm>> -> memref<128x128xf32, #tpu.memory_space<hbm>>
    tpu.wait_dma2 semaphore(%arg16 : memref<!tpu.dma_semaphore, #tpu.memory_space<semaphore_mem>>) src(%dma_wait3A_87 : memref<128x128xf32, #tpu.memory_space<hbm>>) dst(%arg9 : memref<128x128xf32, #tpu.memory_space<vmem>>)
    %add3A_88 = arith.constant 128 : i32
    %add3A_89 = arith.addi %mul3A_2, %add3A_88 : i32
    %scan3A_90 = arith.constant 0 : i32
    %scan3A_91 = arith.constant 128 : i32
    %scan3A_92 = arith.addi %scan3A_90, %scan3A_91 : i32
    %scan3A_93 = arith.constant 1 : i32
    scf.for %scan3A_194 = %scan3A_90 to %scan3A_92 step %scan3A_93  : i32 {
      %mul3A_195 = arith.constant 1 : i32
      %mul3A_196 = arith.muli %scan3A_194, %mul3A_195 : i32
      %add3A_197 = arith.constant 0 : i32
      %add3A_198 = arith.addi %add3A_197, %mul3A_196 : i32
      %get3A = arith.index_cast %add3A_198 : i32 to index
      %get3A_199 = arith.constant 0 : index
      %get3A_200 = tpu.vector_load %arg9[%get3A, %get3A_199] {strides = array<i32>} : memref<128x128xf32, #tpu.memory_space<vmem>>, vector<1x16xf32>,
      %get3A_201 = vector.shape_cast %get3A_200 : vector<1x16xf32> to vector<16xf32>
      %get3A_202 = arith.index_cast %add3A_198 : i32 to index
      %get3A_203 = arith.constant 64 : index
      %get3A_204 = tpu.vector_load %arg9[%get3A_202, %get3A_203] {strides = array<i32>} : memref<128x128xf32, #tpu.memory_space<vmem>>, vector<1x16xf32>,
      %get3A_205 = vector.shape_cast %get3A_204 : vector<1x16xf32> to vector<16xf32>
      %shift_right_arithmetic3A = arith.constant 3 : i32
      %shift_right_arithmetic3A_206 = arith.shrsi %add3A_198, %shift_right_arithmetic3A : i32
      %and3A = arith.constant 7 : i32
      %and3A_207 = arith.andi %add3A_198, %and3A : i32
      %get3A_208 = arith.index_cast %shift_right_arithmetic3A_206 : i32 to index
      %get3A_209 = arith.index_cast %and3A_207 : i32 to index
      %get3A_210 = arith.constant 0 : index
      %get3A_211 = tpu.vector_load %arg12[%get3A_208, %get3A_209, %get3A_210] {strides = array<i32>} : memref<16x8x64xf32, #tpu.memory_space<vmem>>, vector<1x1x16xf32>,
      %get3A_212 = vector.shape_cast %get3A_211 : vector<1x1x16xf32> to vector<16xf32>
      %shift_right_arithmetic3A_213 = arith.constant 3 : i32
      %shift_right_arithmetic3A_214 = arith.shrsi %add3A_198, %shift_right_arithmetic3A_213 : i32
      %and3A_215 = arith.constant 7 : i32
      %and3A_216 = arith.andi %add3A_198, %and3A_215 : i32
      %get3A_217 = arith.index_cast %shift_right_arithmetic3A_214 : i32 to index
      %get3A_218 = arith.index_cast %and3A_216 : i32 to index
      %get3A_219 = arith.constant 0 : index
      %get3A_220 = tpu.vector_load %arg14[%get3A_217, %get3A_218, %get3A_219] {strides = array<i32>} : memref<16x8x64xf32, #tpu.memory_space<vmem>>, vector<1x1x16xf32>,
      %get3A_221 = vector.shape_cast %get3A_220 : vector<1x1x16xf32> to vector<16xf32>
      %mul3A_222 = arith.mulf %get3A_201, %get3A_212 : vector<16xf32>
      %mul3A_223 = arith.mulf %get3A_205, %get3A_221 : vector<16xf32>
      %sub3A = arith.subf %mul3A_222, %mul3A_223 : vector<16xf32>
      %swap3A = arith.index_cast %add3A_198 : i32 to index
      %swap3A_224 = arith.constant 0 : index
      %swap3A_225 = tpu.vector_load %arg9[%swap3A, %swap3A_224] {strides = array<i32>} : memref<128x128xf32, #tpu.memory_space<vmem>>, vector<1x16xf32>,
      %swap3A_226 = vector.shape_cast %swap3A_225 : vector<1x16xf32> to vector<16xf32>
      %swap3A_227 = vector.shape_cast %sub3A : vector<16xf32> to vector<1x16xf32>
      tpu.vector_store %arg9[%swap3A, %swap3A_224], %swap3A_227 {strides = array<i32>} : memref<128x128xf32, #tpu.memory_space<vmem>>, vector<1x16xf32>,
      %mul3A_228 = arith.mulf %get3A_201, %get3A_221 : vector<16xf32>
      %mul3A_229 = arith.mulf %get3A_205, %get3A_212 : vector<16xf32>
      %add3A_230 = arith.addf %mul3A_228, %mul3A_229 : vector<16xf32>
      %swap3A_231 = arith.index_cast %add3A_198 : i32 to index
      %swap3A_232 = arith.constant 64 : index
      %swap3A_233 = tpu.vector_load %arg9[%swap3A_231, %swap3A_232] {strides = array<i32>} : memref<128x128xf32, #tpu.memory_space<vmem>>, vector<1x16xf32>,
      %swap3A_234 = vector.shape_cast %swap3A_233 : vector<1x16xf32> to vector<16xf32>
      %swap3A_235 = vector.shape_cast %add3A_230 : vector<16xf32> to vector<1x16xf32>
      tpu.vector_store %arg9[%swap3A_231, %swap3A_232], %swap3A_235 {strides = array<i32>} : memref<128x128xf32, #tpu.memory_space<vmem>>, vector<1x16xf32>,
      %get3A_236 = arith.index_cast %add3A_198 : i32 to index
      %get3A_237 = arith.constant 16 : index
      %get3A_238 = tpu.vector_load %arg9[%get3A_236, %get3A_237] {strides = array<i32>} : memref<128x128xf32, #tpu.memory_space<vmem>>, vector<1x16xf32>,
      %get3A_239 = vector.shape_cast %get3A_238 : vector<1x16xf32> to vector<16xf32>
      %get3A_240 = arith.index_cast %add3A_198 : i32 to index
      %get3A_241 = arith.constant 80 : index
      %get3A_242 = tpu.vector_load %arg9[%get3A_240, %get3A_241] {strides = array<i32>} : memref<128x128xf32, #tpu.memory_space<vmem>>, vector<1x16xf32>,
      %get3A_243 = vector.shape_cast %get3A_242 : vector<1x16xf32> to vector<16xf32>
      %shift_right_arithmetic3A_244 = arith.constant 3 : i32
      %shift_right_arithmetic3A_245 = arith.shrsi %add3A_198, %shift_right_arithmetic3A_244 : i32
      %and3A_246 = arith.constant 7 : i32
      %and3A_247 = arith.andi %add3A_198, %and3A_246 : i32
      %get3A_248 = arith.index_cast %shift_right_arithmetic3A_245 : i32 to index
      %get3A_249 = arith.index_cast %and3A_247 : i32 to index
      %get3A_250 = arith.constant 16 : index
      %get3A_251 = tpu.vector_load %arg12[%get3A_248, %get3A_249, %get3A_250] {strides = array<i32>} : memref<16x8x64xf32, #tpu.memory_space<vmem>>, vector<1x1x16xf32>,
      %get3A_252 = vector.shape_cast %get3A_251 : vector<1x1x16xf32> to vector<16xf32>
      %shift_right_arithmetic3A_253 = arith.constant 3 : i32
      %shift_right_arithmetic3A_254 = arith.shrsi %add3A_198, %shift_right_arithmetic3A_253 : i32
      %and3A_255 = arith.constant 7 : i32
      %and3A_256 = arith.andi %add3A_198, %and3A_255 : i32
      %get3A_257 = arith.index_cast %shift_right_arithmetic3A_254 : i32 to index
      %get3A_258 = arith.index_cast %and3A_256 : i32 to index
      %get3A_259 = arith.constant 16 : index
      %get3A_260 = tpu.vector_load %arg14[%get3A_257, %get3A_258, %get3A_259] {strides = array<i32>} : memref<16x8x64xf32, #tpu.memory_space<vmem>>, vector<1x1x16xf32>,
      %get3A_261 = vector.shape_cast %get3A_260 : vector<1x1x16xf32> to vector<16xf32>
      %mul3A_262 = arith.mulf %get3A_239, %get3A_252 : vector<16xf32>
      %mul3A_263 = arith.mulf %get3A_243, %get3A_261 : vector<16xf32>
      %sub3A_264 = arith.subf %mul3A_262, %mul3A_263 : vector<16xf32>
      %swap3A_265 = arith.index_cast %add3A_198 : i32 to index
      %swap3A_266 = arith.constant 16 : index
      %swap3A_267 = tpu.vector_load %arg9[%swap3A_265, %swap3A_266] {strides = array<i32>} : memref<128x128xf32, #tpu.memory_space<vmem>>, vector<1x16xf32>,
      %swap3A_268 = vector.shape_cast %swap3A_267 : vector<1x16xf32> to vector<16xf32>
      %swap3A_269 = vector.shape_cast %sub3A_264 : vector<16xf32> to vector<1x16xf32>
      tpu.vector_store %arg9[%swap3A_265, %swap3A_266], %swap3A_269 {strides = array<i32>} : memref<128x128xf32, #tpu.memory_space<vmem>>, vector<1x16xf32>,
      %mul3A_270 = arith.mulf %get3A_239, %get3A_261 : vector<16xf32>
      %mul3A_271 = arith.mulf %get3A_243, %get3A_252 : vector<16xf32>
      %add3A_272 = arith.addf %mul3A_270, %mul3A_271 : vector<16xf32>
      %swap3A_273 = arith.index_cast %add3A_198 : i32 to index
      %swap3A_274 = arith.constant 80 : index
      %swap3A_275 = tpu.vector_load %arg9[%swap3A_273, %swap3A_274] {strides = array<i32>} : memref<128x128xf32, #tpu.memory_space<vmem>>, vector<1x16xf32>,
      %swap3A_276 = vector.shape_cast %swap3A_275 : vector<1x16xf32> to vector<16xf32>
      %swap3A_277 = vector.shape_cast %add3A_272 : vector<16xf32> to vector<1x16xf32>
      tpu.vector_store %arg9[%swap3A_273, %swap3A_274], %swap3A_277 {strides = array<i32>} : memref<128x128xf32, #tpu.memory_space<vmem>>, vector<1x16xf32>,
      %get3A_278 = arith.index_cast %add3A_198 : i32 to index
      %get3A_279 = arith.constant 32 : index
      %get3A_280 = tpu.vector_load %arg9[%get3A_278, %get3A_279] {strides = array<i32>} : memref<128x128xf32, #tpu.memory_space<vmem>>, vector<1x16xf32>,
      %get3A_281 = vector.shape_cast %get3A_280 : vector<1x16xf32> to vector<16xf32>
      %get3A_282 = arith.index_cast %add3A_198 : i32 to index
      %get3A_283 = arith.constant 96 : index
      %get3A_284 = tpu.vector_load %arg9[%get3A_282, %get3A_283] {strides = array<i32>} : memref<128x128xf32, #tpu.memory_space<vmem>>, vector<1x16xf32>,
      %get3A_285 = vector.shape_cast %get3A_284 : vector<1x16xf32> to vector<16xf32>
      %shift_right_arithmetic3A_286 = arith.constant 3 : i32
      %shift_right_arithmetic3A_287 = arith.shrsi %add3A_198, %shift_right_arithmetic3A_286 : i32
      %and3A_288 = arith.constant 7 : i32
      %and3A_289 = arith.andi %add3A_198, %and3A_288 : i32
      %get3A_290 = arith.index_cast %shift_right_arithmetic3A_287 : i32 to index
      %get3A_291 = arith.index_cast %and3A_289 : i32 to index
      %get3A_292 = arith.constant 32 : index
      %get3A_293 = tpu.vector_load %arg12[%get3A_290, %get3A_291, %get3A_292] {strides = array<i32>} : memref<16x8x64xf32, #tpu.memory_space<vmem>>, vector<1x1x16xf32>,
      %get3A_294 = vector.shape_cast %get3A_293 : vector<1x1x16xf32> to vector<16xf32>
      %shift_right_arithmetic3A_295 = arith.constant 3 : i32
      %shift_right_arithmetic3A_296 = arith.shrsi %add3A_198, %shift_right_arithmetic3A_295 : i32
      %and3A_297 = arith.constant 7 : i32
      %and3A_298 = arith.andi %add3A_198, %and3A_297 : i32
      %get3A_299 = arith.index_cast %shift_right_arithmetic3A_296 : i32 to index
      %get3A_300 = arith.index_cast %and3A_298 : i32 to index
      %get3A_301 = arith.constant 32 : index
      %get3A_302 = tpu.vector_load %arg14[%get3A_299, %get3A_300, %get3A_301] {strides = array<i32>} : memref<16x8x64xf32, #tpu.memory_space<vmem>>, vector<1x1x16xf32>,
      %get3A_303 = vector.shape_cast %get3A_302 : vector<1x1x16xf32> to vector<16xf32>
      %mul3A_304 = arith.mulf %get3A_281, %get3A_294 : vector<16xf32>
      %mul3A_305 = arith.mulf %get3A_285, %get3A_303 : vector<16xf32>
      %sub3A_306 = arith.subf %mul3A_304, %mul3A_305 : vector<16xf32>
      %swap3A_307 = arith.index_cast %add3A_198 : i32 to index
      %swap3A_308 = arith.constant 32 : index
      %swap3A_309 = tpu.vector_load %arg9[%swap3A_307, %swap3A_308] {strides = array<i32>} : memref<128x128xf32, #tpu.memory_space<vmem>>, vector<1x16xf32>,
      %swap3A_310 = vector.shape_cast %swap3A_309 : vector<1x16xf32> to vector<16xf32>
      %swap3A_311 = vector.shape_cast %sub3A_306 : vector<16xf32> to vector<1x16xf32>
      tpu.vector_store %arg9[%swap3A_307, %swap3A_308], %swap3A_311 {strides = array<i32>} : memref<128x128xf32, #tpu.memory_space<vmem>>, vector<1x16xf32>,
      %mul3A_312 = arith.mulf %get3A_281, %get3A_303 : vector<16xf32>
      %mul3A_313 = arith.mulf %get3A_285, %get3A_294 : vector<16xf32>
      %add3A_314 = arith.addf %mul3A_312, %mul3A_313 : vector<16xf32>
      %swap3A_315 = arith.index_cast %add3A_198 : i32 to index
      %swap3A_316 = arith.constant 96 : index
      %swap3A_317 = tpu.vector_load %arg9[%swap3A_315, %swap3A_316] {strides = array<i32>} : memref<128x128xf32, #tpu.memory_space<vmem>>, vector<1x16xf32>,
      %swap3A_318 = vector.shape_cast %swap3A_317 : vector<1x16xf32> to vector<16xf32>
      %swap3A_319 = vector.shape_cast %add3A_314 : vector<16xf32> to vector<1x16xf32>
      tpu.vector_store %arg9[%swap3A_315, %swap3A_316], %swap3A_319 {strides = array<i32>} : memref<128x128xf32, #tpu.memory_space<vmem>>, vector<1x16xf32>,
      %get3A_320 = arith.index_cast %add3A_198 : i32 to index
      %get3A_321 = arith.constant 48 : index
      %get3A_322 = tpu.vector_load %arg9[%get3A_320, %get3A_321] {strides = array<i32>} : memref<128x128xf32, #tpu.memory_space<vmem>>, vector<1x16xf32>,
      %get3A_323 = vector.shape_cast %get3A_322 : vector<1x16xf32> to vector<16xf32>
      %get3A_324 = arith.index_cast %add3A_198 : i32 to index
      %get3A_325 = arith.constant 112 : index
      %get3A_326 = tpu.vector_load %arg9[%get3A_324, %get3A_325] {strides = array<i32>} : memref<128x128xf32, #tpu.memory_space<vmem>>, vector<1x16xf32>,
      %get3A_327 = vector.shape_cast %get3A_326 : vector<1x16xf32> to vector<16xf32>
      %shift_right_arithmetic3A_328 = arith.constant 3 : i32
      %shift_right_arithmetic3A_329 = arith.shrsi %add3A_198, %shift_right_arithmetic3A_328 : i32
      %and3A_330 = arith.constant 7 : i32
      %and3A_331 = arith.andi %add3A_198, %and3A_330 : i32
      %get3A_332 = arith.index_cast %shift_right_arithmetic3A_329 : i32 to index
      %get3A_333 = arith.index_cast %and3A_331 : i32 to index
      %get3A_334 = arith.constant 48 : index
      %get3A_335 = tpu.vector_load %arg12[%get3A_332, %get3A_333, %get3A_334] {strides = array<i32>} : memref<16x8x64xf32, #tpu.memory_space<vmem>>, vector<1x1x16xf32>,
      %get3A_336 = vector.shape_cast %get3A_335 : vector<1x1x16xf32> to vector<16xf32>
      %shift_right_arithmetic3A_337 = arith.constant 3 : i32
      %shift_right_arithmetic3A_338 = arith.shrsi %add3A_198, %shift_right_arithmetic3A_337 : i32
      %and3A_339 = arith.constant 7 : i32
      %and3A_340 = arith.andi %add3A_198, %and3A_339 : i32
      %get3A_341 = arith.index_cast %shift_right_arithmetic3A_338 : i32 to index
      %get3A_342 = arith.index_cast %and3A_340 : i32 to index
      %get3A_343 = arith.constant 48 : index
      %get3A_344 = tpu.vector_load %arg14[%get3A_341, %get3A_342, %get3A_343] {strides = array<i32>} : memref<16x8x64xf32, #tpu.memory_space<vmem>>, vector<1x1x16xf32>,
      %get3A_345 = vector.shape_cast %get3A_344 : vector<1x1x16xf32> to vector<16xf32>
      %mul3A_346 = arith.mulf %get3A_323, %get3A_336 : vector<16xf32>
      %mul3A_347 = arith.mulf %get3A_327, %get3A_345 : vector<16xf32>
      %sub3A_348 = arith.subf %mul3A_346, %mul3A_347 : vector<16xf32>
      %swap3A_349 = arith.index_cast %add3A_198 : i32 to index
      %swap3A_350 = arith.constant 48 : index
      %swap3A_351 = tpu.vector_load %arg9[%swap3A_349, %swap3A_350] {strides = array<i32>} : memref<128x128xf32, #tpu.memory_space<vmem>>, vector<1x16xf32>,
      %swap3A_352 = vector.shape_cast %swap3A_351 : vector<1x16xf32> to vector<16xf32>
      %swap3A_353 = vector.shape_cast %sub3A_348 : vector<16xf32> to vector<1x16xf32>
      tpu.vector_store %arg9[%swap3A_349, %swap3A_350], %swap3A_353 {strides = array<i32>} : memref<128x128xf32, #tpu.memory_space<vmem>>, vector<1x16xf32>,
      %mul3A_354 = arith.mulf %get3A_323, %get3A_345 : vector<16xf32>
      %mul3A_355 = arith.mulf %get3A_327, %get3A_336 : vector<16xf32>
      %add3A_356 = arith.addf %mul3A_354, %mul3A_355 : vector<16xf32>
      %swap3A_357 = arith.index_cast %add3A_198 : i32 to index
      %swap3A_358 = arith.constant 112 : index
      %swap3A_359 = tpu.vector_load %arg9[%swap3A_357, %swap3A_358] {strides = array<i32>} : memref<128x128xf32, #tpu.memory_space<vmem>>, vector<1x16xf32>,
      %swap3A_360 = vector.shape_cast %swap3A_359 : vector<1x16xf32> to vector<16xf32>
      %swap3A_361 = vector.shape_cast %add3A_356 : vector<16xf32> to vector<1x16xf32>
      tpu.vector_store %arg9[%swap3A_357, %swap3A_358], %swap3A_361 {strides = array<i32>} : memref<128x128xf32, #tpu.memory_space<vmem>>, vector<1x16xf32>,
    }
    %scan3A_94 = arith.constant 128 : i32
    %dma_start3A_95 = arith.constant 0 : i32
    %dma_start3A_96 = tpu.memref_slice %arg6[%add3A_89, %dma_start3A_95] : memref<16384x128xf32, #tpu.memory_space<hbm>> -> memref<128x128xf32, #tpu.memory_space<hbm>>
    %dma_start3A_97 = arith.constant 0 : i32
    %dma_start3A_98 = tpu.memref_slice %arg6[%add3A_89, %dma_start3A_97] : memref<16384x128xf32, #tpu.memory_space<hbm>> -> memref<128x128xf32, #tpu.memory_space<hbm>>
    tpu.enqueue_dma source(%arg9 : memref<128x128xf32, #tpu.memory_space<vmem>>) target(%dma_start3A_98 : memref<128x128xf32, #tpu.memory_space<hbm>>) target_semaphore(%arg18 : memref<!tpu.dma_semaphore, #tpu.memory_space<semaphore_mem>>)
    %dma_wait3A_99 = arith.constant 0 : i32
    %dma_wait3A_100 = arith.constant 0 : i32
    %dma_wait3A_101 = tpu.memref_slice %arg2[%dma_wait3A_99, %dma_wait3A_100] : memref<16384x128xf32, #tpu.memory_space<hbm>> -> memref<128x128xf32, #tpu.memory_space<hbm>>
    %dma_wait3A_102 = arith.constant 0 : i32
    %dma_wait3A_103 = arith.constant 0 : i32
    %dma_wait3A_104 = tpu.memref_slice %arg2[%dma_wait3A_102, %dma_wait3A_103] : memref<16384x128xf32, #tpu.memory_space<hbm>> -> memref<128x128xf32, #tpu.memory_space<hbm>>
    tpu.wait_dma2 semaphore(%arg17 : memref<!tpu.dma_semaphore, #tpu.memory_space<semaphore_mem>>) src(%dma_wait3A_104 : memref<128x128xf32, #tpu.memory_space<hbm>>) dst(%arg8 : memref<128x128xf32, #tpu.memory_space<vmem>>)
    %add3A_105 = arith.constant 384 : i32
    %add3A_106 = arith.addi %mul3A_2, %add3A_105 : i32
    %dma_start3A_107 = arith.constant 0 : i32
    %dma_start3A_108 = tpu.memref_slice %arg2[%add3A_106, %dma_start3A_107] : memref<16384x128xf32, #tpu.memory_space<hbm>> -> memref<128x128xf32, #tpu.memory_space<hbm>>
    %dma_start3A_109 = arith.constant 0 : i32
    %dma_start3A_110 = tpu.memref_slice %arg2[%add3A_106, %dma_start3A_109] : memref<16384x128xf32, #tpu.memory_space<hbm>> -> memref<128x128xf32, #tpu.memory_space<hbm>>
    tpu.enqueue_dma source(%dma_start3A_110 : memref<128x128xf32, #tpu.memory_space<hbm>>) target(%arg8 : memref<128x128xf32, #tpu.memory_space<vmem>>) target_semaphore(%arg16 : memref<!tpu.dma_semaphore, #tpu.memory_space<semaphore_mem>>)
    %scan3A_111 = arith.constant 0 : i32
    %scan3A_112 = arith.constant 8 : i32
    %scan3A_113 = arith.addi %scan3A_111, %scan3A_112 : i32
    %scan3A_114 = arith.constant 1 : i32
    scf.for %scan3A_194 = %scan3A_111 to %scan3A_113 step %scan3A_114  : i32 {
      %mul3A_195 = arith.constant 1 : i32
      %mul3A_196 = arith.muli %scan3A_194, %mul3A_195 : i32
      %add3A_197 = arith.constant 0 : i32
      %add3A_198 = arith.addi %add3A_197, %mul3A_196 : i32
      %mul3A_199 = arith.constant 16 : i32
      %mul3A_200 = arith.muli %add3A_198, %mul3A_199 : i32
      %add3A_201 = arith.constant 384 : i32
      %add3A_202 = arith.addi %add3A_201, %mul3A_200 : i32
      %get3A = arith.index_cast %add3A_202 : i32 to index
      %get3A_203 = tpu.vector_load %arg7[%get3A] {strides = array<i32>} : memref<528xi32, #tpu.memory_space<vmem>>, vector<16xi32>,
      %get3A_204 = vector.shape_cast %get3A_203 : vector<16xi32> to vector<16xi32>
      %slice3A = vector.extract_strided_slice %get3A_204 {offsets = [0], sizes = [1], strides = [1]} : vector<16xi32> to vector<1xi32>
      %squeeze3A = vector.extract %slice3A[0] : i32 from vector<1xi32>
      %shift_right_arithmetic3A = arith.constant 3 : i32
      %shift_right_arithmetic3A_205 = arith.shrsi %squeeze3A, %shift_right_arithmetic3A : i32
      %and3A = arith.constant 7 : i32
      %and3A_206 = arith.andi %squeeze3A, %and3A : i32
      %mul3A_207 = arith.constant 16 : i32
      %mul3A_208 = arith.muli %add3A_198, %mul3A_207 : i32
      %add3A_209 = arith.constant 0 : i32
      %add3A_210 = arith.addi %mul3A_208, %add3A_209 : i32
      %shift_right_arithmetic3A_211 = arith.constant 3 : i32
      %shift_right_arithmetic3A_212 = arith.shrsi %add3A_210, %shift_right_arithmetic3A_211 : i32
      %and3A_213 = arith.constant 7 : i32
      %and3A_214 = arith.andi %add3A_210, %and3A_213 : i32
      %dma_start3A_215 = arith.constant 0 : i32
      %dma_start3A_216 = tpu.memref_slice %arg12[%shift_right_arithmetic3A_212, %and3A_214, %dma_start3A_215] : memref<16x8x64xf32, #tpu.memory_space<vmem>> -> memref<1x1x64xf32, #tpu.memory_space<vmem>>
      %dma_start3A_217 = tpu.memref_squeeze %dma_start3A_216 : memref<1x1x64xf32, #tpu.memory_space<vmem>> -> memref<64xf32, #tpu.memory_space<vmem>>
      %dma_start3A_218 = arith.constant 0 : i32
      %dma_start3A_219 = tpu.memref_slice %arg4[%shift_right_arithmetic3A_205, %and3A_206, %dma_start3A_218] : memref<12500x8x64xf32, #tpu.memory_space<hbm>> -> memref<1x1x64xf32, #tpu.memory_space<hbm>>
      %dma_start3A_220 = tpu.memref_squeeze %dma_start3A_219 : memref<1x1x64xf32, #tpu.memory_space<hbm>> -> memref<64xf32, #tpu.memory_space<hbm>>
      %dma_start3A_221 = arith.constant 0 : i32
      %dma_start3A_222 = tpu.memref_slice %arg12[%shift_right_arithmetic3A_212, %and3A_214, %dma_start3A_221] : memref<16x8x64xf32, #tpu.memory_space<vmem>> -> memref<1x1x64xf32, #tpu.memory_space<vmem>>
      %dma_start3A_223 = tpu.memref_squeeze %dma_start3A_222 : memref<1x1x64xf32, #tpu.memory_space<vmem>> -> memref<64xf32, #tpu.memory_space<vmem>>
      %dma_start3A_224 = arith.constant 0 : i32
      %dma_start3A_225 = tpu.memref_slice %arg4[%shift_right_arithmetic3A_205, %and3A_206, %dma_start3A_224] : memref<12500x8x64xf32, #tpu.memory_space<hbm>> -> memref<1x1x64xf32, #tpu.memory_space<hbm>>
      %dma_start3A_226 = tpu.memref_squeeze %dma_start3A_225 : memref<1x1x64xf32, #tpu.memory_space<hbm>> -> memref<64xf32, #tpu.memory_space<hbm>>
      tpu.enqueue_dma source(%dma_start3A_226 : memref<64xf32, #tpu.memory_space<hbm>>) target(%dma_start3A_223 : memref<64xf32, #tpu.memory_space<vmem>>) target_semaphore(%arg16 : memref<!tpu.dma_semaphore, #tpu.memory_space<semaphore_mem>>)
      %shift_right_arithmetic3A_227 = arith.constant 3 : i32
      %shift_right_arithmetic3A_228 = arith.shrsi %add3A_210, %shift_right_arithmetic3A_227 : i32
      %and3A_229 = arith.constant 7 : i32
      %and3A_230 = arith.andi %add3A_210, %and3A_229 : i32
      %dma_start3A_231 = arith.constant 0 : i32
      %dma_start3A_232 = tpu.memref_slice %arg14[%shift_right_arithmetic3A_228, %and3A_230, %dma_start3A_231] : memref<16x8x64xf32, #tpu.memory_space<vmem>> -> memref<1x1x64xf32, #tpu.memory_space<vmem>>
      %dma_start3A_233 = tpu.memref_squeeze %dma_start3A_232 : memref<1x1x64xf32, #tpu.memory_space<vmem>> -> memref<64xf32, #tpu.memory_space<vmem>>
      %dma_start3A_234 = arith.constant 0 : i32
      %dma_start3A_235 = tpu.memref_slice %arg5[%shift_right_arithmetic3A_205, %and3A_206, %dma_start3A_234] : memref<12500x8x64xf32, #tpu.memory_space<hbm>> -> memref<1x1x64xf32, #tpu.memory_space<hbm>>
      %dma_start3A_236 = tpu.memref_squeeze %dma_start3A_235 : memref<1x1x64xf32, #tpu.memory_space<hbm>> -> memref<64xf32, #tpu.memory_space<hbm>>
      %dma_start3A_237 = arith.constant 0 : i32
      %dma_start3A_238 = tpu.memref_slice %arg14[%shift_right_arithmetic3A_228, %and3A_230, %dma_start3A_237] : memref<16x8x64xf32, #tpu.memory_space<vmem>> -> memref<1x1x64xf32, #tpu.memory_space<vmem>>
      %dma_start3A_239 = tpu.memref_squeeze %dma_start3A_238 : memref<1x1x64xf32, #tpu.memory_space<vmem>> -> memref<64xf32, #tpu.memory_space<vmem>>
      %dma_start3A_240 = arith.constant 0 : i32
      %dma_start3A_241 = tpu.memref_slice %arg5[%shift_right_arithmetic3A_205, %and3A_206, %dma_start3A_240] : memref<12500x8x64xf32, #tpu.memory_space<hbm>> -> memref<1x1x64xf32, #tpu.memory_space<hbm>>
      %dma_start3A_242 = tpu.memref_squeeze %dma_start3A_241 : memref<1x1x64xf32, #tpu.memory_space<hbm>> -> memref<64xf32, #tpu.memory_space<hbm>>
      tpu.enqueue_dma source(%dma_start3A_242 : memref<64xf32, #tpu.memory_space<hbm>>) target(%dma_start3A_239 : memref<64xf32, #tpu.memory_space<vmem>>) target_semaphore(%arg16 : memref<!tpu.dma_semaphore, #tpu.memory_space<semaphore_mem>>)
      %slice3A_243 = vector.extract_strided_slice %get3A_204 {offsets = [1], sizes = [1], strides = [1]} : vector<16xi32> to vector<1xi32>
      %squeeze3A_244 = vector.extract %slice3A_243[0] : i32 from vector<1xi32>
      %shift_right_arithmetic3A_245 = arith.constant 3 : i32
      %shift_right_arithmetic3A_246 = arith.shrsi %squeeze3A_244, %shift_right_arithmetic3A_245 : i32
      %and3A_247 = arith.constant 7 : i32
      %and3A_248 = arith.andi %squeeze3A_244, %and3A_247 : i32
      %mul3A_249 = arith.constant 16 : i32
      %mul3A_250 = arith.muli %add3A_198, %mul3A_249 : i32
      %add3A_251 = arith.constant 1 : i32
      %add3A_252 = arith.addi %mul3A_250, %add3A_251 : i32
      %shift_right_arithmetic3A_253 = arith.constant 3 : i32
      %shift_right_arithmetic3A_254 = arith.shrsi %add3A_252, %shift_right_arithmetic3A_253 : i32
      %and3A_255 = arith.constant 7 : i32
      %and3A_256 = arith.andi %add3A_252, %and3A_255 : i32
      %dma_start3A_257 = arith.constant 0 : i32
      %dma_start3A_258 = tpu.memref_slice %arg12[%shift_right_arithmetic3A_254, %and3A_256, %dma_start3A_257] : memref<16x8x64xf32, #tpu.memory_space<vmem>> -> memref<1x1x64xf32, #tpu.memory_space<vmem>>
      %dma_start3A_259 = tpu.memref_squeeze %dma_start3A_258 : memref<1x1x64xf32, #tpu.memory_space<vmem>> -> memref<64xf32, #tpu.memory_space<vmem>>
      %dma_start3A_260 = arith.constant 0 : i32
      %dma_start3A_261 = tpu.memref_slice %arg4[%shift_right_arithmetic3A_246, %and3A_248, %dma_start3A_260] : memref<12500x8x64xf32, #tpu.memory_space<hbm>> -> memref<1x1x64xf32, #tpu.memory_space<hbm>>
      %dma_start3A_262 = tpu.memref_squeeze %dma_start3A_261 : memref<1x1x64xf32, #tpu.memory_space<hbm>> -> memref<64xf32, #tpu.memory_space<hbm>>
      %dma_start3A_263 = arith.constant 0 : i32
      %dma_start3A_264 = tpu.memref_slice %arg12[%shift_right_arithmetic3A_254, %and3A_256, %dma_start3A_263] : memref<16x8x64xf32, #tpu.memory_space<vmem>> -> memref<1x1x64xf32, #tpu.memory_space<vmem>>
      %dma_start3A_265 = tpu.memref_squeeze %dma_start3A_264 : memref<1x1x64xf32, #tpu.memory_space<vmem>> -> memref<64xf32, #tpu.memory_space<vmem>>
      %dma_start3A_266 = arith.constant 0 : i32
      %dma_start3A_267 = tpu.memref_slice %arg4[%shift_right_arithmetic3A_246, %and3A_248, %dma_start3A_266] : memref<12500x8x64xf32, #tpu.memory_space<hbm>> -> memref<1x1x64xf32, #tpu.memory_space<hbm>>
      %dma_start3A_268 = tpu.memref_squeeze %dma_start3A_267 : memref<1x1x64xf32, #tpu.memory_space<hbm>> -> memref<64xf32, #tpu.memory_space<hbm>>
      tpu.enqueue_dma source(%dma_start3A_268 : memref<64xf32, #tpu.memory_space<hbm>>) target(%dma_start3A_265 : memref<64xf32, #tpu.memory_space<vmem>>) target_semaphore(%arg16 : memref<!tpu.dma_semaphore, #tpu.memory_space<semaphore_mem>>)
      %shift_right_arithmetic3A_269 = arith.constant 3 : i32
      %shift_right_arithmetic3A_270 = arith.shrsi %add3A_252, %shift_right_arithmetic3A_269 : i32
      %and3A_271 = arith.constant 7 : i32
      %and3A_272 = arith.andi %add3A_252, %and3A_271 : i32
      %dma_start3A_273 = arith.constant 0 : i32
      %dma_start3A_274 = tpu.memref_slice %arg14[%shift_right_arithmetic3A_270, %and3A_272, %dma_start3A_273] : memref<16x8x64xf32, #tpu.memory_space<vmem>> -> memref<1x1x64xf32, #tpu.memory_space<vmem>>
      %dma_start3A_275 = tpu.memref_squeeze %dma_start3A_274 : memref<1x1x64xf32, #tpu.memory_space<vmem>> -> memref<64xf32, #tpu.memory_space<vmem>>
      %dma_start3A_276 = arith.constant 0 : i32
      %dma_start3A_277 = tpu.memref_slice %arg5[%shift_right_arithmetic3A_246, %and3A_248, %dma_start3A_276] : memref<12500x8x64xf32, #tpu.memory_space<hbm>> -> memref<1x1x64xf32, #tpu.memory_space<hbm>>
      %dma_start3A_278 = tpu.memref_squeeze %dma_start3A_277 : memref<1x1x64xf32, #tpu.memory_space<hbm>> -> memref<64xf32, #tpu.memory_space<hbm>>
      %dma_start3A_279 = arith.constant 0 : i32
      %dma_start3A_280 = tpu.memref_slice %arg14[%shift_right_arithmetic3A_270, %and3A_272, %dma_start3A_279] : memref<16x8x64xf32, #tpu.memory_space<vmem>> -> memref<1x1x64xf32, #tpu.memory_space<vmem>>
      %dma_start3A_281 = tpu.memref_squeeze %dma_start3A_280 : memref<1x1x64xf32, #tpu.memory_space<vmem>> -> memref<64xf32, #tpu.memory_space<vmem>>
      %dma_start3A_282 = arith.constant 0 : i32
      %dma_start3A_283 = tpu.memref_slice %arg5[%shift_right_arithmetic3A_246, %and3A_248, %dma_start3A_282] : memref<12500x8x64xf32, #tpu.memory_space<hbm>> -> memref<1x1x64xf32, #tpu.memory_space<hbm>>
      %dma_start3A_284 = tpu.memref_squeeze %dma_start3A_283 : memref<1x1x64xf32, #tpu.memory_space<hbm>> -> memref<64xf32, #tpu.memory_space<hbm>>
      tpu.enqueue_dma source(%dma_start3A_284 : memref<64xf32, #tpu.memory_space<hbm>>) target(%dma_start3A_281 : memref<64xf32, #tpu.memory_space<vmem>>) target_semaphore(%arg16 : memref<!tpu.dma_semaphore, #tpu.memory_space<semaphore_mem>>)
      %slice3A_285 = vector.extract_strided_slice %get3A_204 {offsets = [2], sizes = [1], strides = [1]} : vector<16xi32> to vector<1xi32>
      %squeeze3A_286 = vector.extract %slice3A_285[0] : i32 from vector<1xi32>
      %shift_right_arithmetic3A_287 = arith.constant 3 : i32
      %shift_right_arithmetic3A_288 = arith.shrsi %squeeze3A_286, %shift_right_arithmetic3A_287 : i32
      %and3A_289 = arith.constant 7 : i32
      %and3A_290 = arith.andi %squeeze3A_286, %and3A_289 : i32
      %mul3A_291 = arith.constant 16 : i32
      %mul3A_292 = arith.muli %add3A_198, %mul3A_291 : i32
      %add3A_293 = arith.constant 2 : i32
      %add3A_294 = arith.addi %mul3A_292, %add3A_293 : i32
      %shift_right_arithmetic3A_295 = arith.constant 3 : i32
      %shift_right_arithmetic3A_296 = arith.shrsi %add3A_294, %shift_right_arithmetic3A_295 : i32
      %and3A_297 = arith.constant 7 : i32
      %and3A_298 = arith.andi %add3A_294, %and3A_297 : i32
      %dma_start3A_299 = arith.constant 0 : i32
      %dma_start3A_300 = tpu.memref_slice %arg12[%shift_right_arithmetic3A_296, %and3A_298, %dma_start3A_299] : memref<16x8x64xf32, #tpu.memory_space<vmem>> -> memref<1x1x64xf32, #tpu.memory_space<vmem>>
      %dma_start3A_301 = tpu.memref_squeeze %dma_start3A_300 : memref<1x1x64xf32, #tpu.memory_space<vmem>> -> memref<64xf32, #tpu.memory_space<vmem>>
      %dma_start3A_302 = arith.constant 0 : i32
      %dma_start3A_303 = tpu.memref_slice %arg4[%shift_right_arithmetic3A_288, %and3A_290, %dma_start3A_302] : memref<12500x8x64xf32, #tpu.memory_space<hbm>> -> memref<1x1x64xf32, #tpu.memory_space<hbm>>
      %dma_start3A_304 = tpu.memref_squeeze %dma_start3A_303 : memref<1x1x64xf32, #tpu.memory_space<hbm>> -> memref<64xf32, #tpu.memory_space<hbm>>
      %dma_start3A_305 = arith.constant 0 : i32
      %dma_start3A_306 = tpu.memref_slice %arg12[%shift_right_arithmetic3A_296, %and3A_298, %dma_start3A_305] : memref<16x8x64xf32, #tpu.memory_space<vmem>> -> memref<1x1x64xf32, #tpu.memory_space<vmem>>
      %dma_start3A_307 = tpu.memref_squeeze %dma_start3A_306 : memref<1x1x64xf32, #tpu.memory_space<vmem>> -> memref<64xf32, #tpu.memory_space<vmem>>
      %dma_start3A_308 = arith.constant 0 : i32
      %dma_start3A_309 = tpu.memref_slice %arg4[%shift_right_arithmetic3A_288, %and3A_290, %dma_start3A_308] : memref<12500x8x64xf32, #tpu.memory_space<hbm>> -> memref<1x1x64xf32, #tpu.memory_space<hbm>>
      %dma_start3A_310 = tpu.memref_squeeze %dma_start3A_309 : memref<1x1x64xf32, #tpu.memory_space<hbm>> -> memref<64xf32, #tpu.memory_space<hbm>>
      tpu.enqueue_dma source(%dma_start3A_310 : memref<64xf32, #tpu.memory_space<hbm>>) target(%dma_start3A_307 : memref<64xf32, #tpu.memory_space<vmem>>) target_semaphore(%arg16 : memref<!tpu.dma_semaphore, #tpu.memory_space<semaphore_mem>>)
      %shift_right_arithmetic3A_311 = arith.constant 3 : i32
      %shift_right_arithmetic3A_312 = arith.shrsi %add3A_294, %shift_right_arithmetic3A_311 : i32
      %and3A_313 = arith.constant 7 : i32
      %and3A_314 = arith.andi %add3A_294, %and3A_313 : i32
      %dma_start3A_315 = arith.constant 0 : i32
      %dma_start3A_316 = tpu.memref_slice %arg14[%shift_right_arithmetic3A_312, %and3A_314, %dma_start3A_315] : memref<16x8x64xf32, #tpu.memory_space<vmem>> -> memref<1x1x64xf32, #tpu.memory_space<vmem>>
      %dma_start3A_317 = tpu.memref_squeeze %dma_start3A_316 : memref<1x1x64xf32, #tpu.memory_space<vmem>> -> memref<64xf32, #tpu.memory_space<vmem>>
      %dma_start3A_318 = arith.constant 0 : i32
      %dma_start3A_319 = tpu.memref_slice %arg5[%shift_right_arithmetic3A_288, %and3A_290, %dma_start3A_318] : memref<12500x8x64xf32, #tpu.memory_space<hbm>> -> memref<1x1x64xf32, #tpu.memory_space<hbm>>
      %dma_start3A_320 = tpu.memref_squeeze %dma_start3A_319 : memref<1x1x64xf32, #tpu.memory_space<hbm>> -> memref<64xf32, #tpu.memory_space<hbm>>
      %dma_start3A_321 = arith.constant 0 : i32
      %dma_start3A_322 = tpu.memref_slice %arg14[%shift_right_arithmetic3A_312, %and3A_314, %dma_start3A_321] : memref<16x8x64xf32, #tpu.memory_space<vmem>> -> memref<1x1x64xf32, #tpu.memory_space<vmem>>
      %dma_start3A_323 = tpu.memref_squeeze %dma_start3A_322 : memref<1x1x64xf32, #tpu.memory_space<vmem>> -> memref<64xf32, #tpu.memory_space<vmem>>
      %dma_start3A_324 = arith.constant 0 : i32
      %dma_start3A_325 = tpu.memref_slice %arg5[%shift_right_arithmetic3A_288, %and3A_290, %dma_start3A_324] : memref<12500x8x64xf32, #tpu.memory_space<hbm>> -> memref<1x1x64xf32, #tpu.memory_space<hbm>>
      %dma_start3A_326 = tpu.memref_squeeze %dma_start3A_325 : memref<1x1x64xf32, #tpu.memory_space<hbm>> -> memref<64xf32, #tpu.memory_space<hbm>>
      tpu.enqueue_dma source(%dma_start3A_326 : memref<64xf32, #tpu.memory_space<hbm>>) target(%dma_start3A_323 : memref<64xf32, #tpu.memory_space<vmem>>) target_semaphore(%arg16 : memref<!tpu.dma_semaphore, #tpu.memory_space<semaphore_mem>>)
      %slice3A_327 = vector.extract_strided_slice %get3A_204 {offsets = [3], sizes = [1], strides = [1]} : vector<16xi32> to vector<1xi32>
      %squeeze3A_328 = vector.extract %slice3A_327[0] : i32 from vector<1xi32>
      %shift_right_arithmetic3A_329 = arith.constant 3 : i32
      %shift_right_arithmetic3A_330 = arith.shrsi %squeeze3A_328, %shift_right_arithmetic3A_329 : i32
      %and3A_331 = arith.constant 7 : i32
      %and3A_332 = arith.andi %squeeze3A_328, %and3A_331 : i32
      %mul3A_333 = arith.constant 16 : i32
      %mul3A_334 = arith.muli %add3A_198, %mul3A_333 : i32
      %add3A_335 = arith.constant 3 : i32
      %add3A_336 = arith.addi %mul3A_334, %add3A_335 : i32
      %shift_right_arithmetic3A_337 = arith.constant 3 : i32
      %shift_right_arithmetic3A_338 = arith.shrsi %add3A_336, %shift_right_arithmetic3A_337 : i32
      %and3A_339 = arith.constant 7 : i32
      %and3A_340 = arith.andi %add3A_336, %and3A_339 : i32
      %dma_start3A_341 = arith.constant 0 : i32
      %dma_start3A_342 = tpu.memref_slice %arg12[%shift_right_arithmetic3A_338, %and3A_340, %dma_start3A_341] : memref<16x8x64xf32, #tpu.memory_space<vmem>> -> memref<1x1x64xf32, #tpu.memory_space<vmem>>
      %dma_start3A_343 = tpu.memref_squeeze %dma_start3A_342 : memref<1x1x64xf32, #tpu.memory_space<vmem>> -> memref<64xf32, #tpu.memory_space<vmem>>
      %dma_start3A_344 = arith.constant 0 : i32
      %dma_start3A_345 = tpu.memref_slice %arg4[%shift_right_arithmetic3A_330, %and3A_332, %dma_start3A_344] : memref<12500x8x64xf32, #tpu.memory_space<hbm>> -> memref<1x1x64xf32, #tpu.memory_space<hbm>>
      %dma_start3A_346 = tpu.memref_squeeze %dma_start3A_345 : memref<1x1x64xf32, #tpu.memory_space<hbm>> -> memref<64xf32, #tpu.memory_space<hbm>>
      %dma_start3A_347 = arith.constant 0 : i32
      %dma_start3A_348 = tpu.memref_slice %arg12[%shift_right_arithmetic3A_338, %and3A_340, %dma_start3A_347] : memref<16x8x64xf32, #tpu.memory_space<vmem>> -> memref<1x1x64xf32, #tpu.memory_space<vmem>>
      %dma_start3A_349 = tpu.memref_squeeze %dma_start3A_348 : memref<1x1x64xf32, #tpu.memory_space<vmem>> -> memref<64xf32, #tpu.memory_space<vmem>>
      %dma_start3A_350 = arith.constant 0 : i32
      %dma_start3A_351 = tpu.memref_slice %arg4[%shift_right_arithmetic3A_330, %and3A_332, %dma_start3A_350] : memref<12500x8x64xf32, #tpu.memory_space<hbm>> -> memref<1x1x64xf32, #tpu.memory_space<hbm>>
      %dma_start3A_352 = tpu.memref_squeeze %dma_start3A_351 : memref<1x1x64xf32, #tpu.memory_space<hbm>> -> memref<64xf32, #tpu.memory_space<hbm>>
      tpu.enqueue_dma source(%dma_start3A_352 : memref<64xf32, #tpu.memory_space<hbm>>) target(%dma_start3A_349 : memref<64xf32, #tpu.memory_space<vmem>>) target_semaphore(%arg16 : memref<!tpu.dma_semaphore, #tpu.memory_space<semaphore_mem>>)
      %shift_right_arithmetic3A_353 = arith.constant 3 : i32
      %shift_right_arithmetic3A_354 = arith.shrsi %add3A_336, %shift_right_arithmetic3A_353 : i32
      %and3A_355 = arith.constant 7 : i32
      %and3A_356 = arith.andi %add3A_336, %and3A_355 : i32
      %dma_start3A_357 = arith.constant 0 : i32
      %dma_start3A_358 = tpu.memref_slice %arg14[%shift_right_arithmetic3A_354, %and3A_356, %dma_start3A_357] : memref<16x8x64xf32, #tpu.memory_space<vmem>> -> memref<1x1x64xf32, #tpu.memory_space<vmem>>
      %dma_start3A_359 = tpu.memref_squeeze %dma_start3A_358 : memref<1x1x64xf32, #tpu.memory_space<vmem>> -> memref<64xf32, #tpu.memory_space<vmem>>
      %dma_start3A_360 = arith.constant 0 : i32
      %dma_start3A_361 = tpu.memref_slice %arg5[%shift_right_arithmetic3A_330, %and3A_332, %dma_start3A_360] : memref<12500x8x64xf32, #tpu.memory_space<hbm>> -> memref<1x1x64xf32, #tpu.memory_space<hbm>>
      %dma_start3A_362 = tpu.memref_squeeze %dma_start3A_361 : memref<1x1x64xf32, #tpu.memory_space<hbm>> -> memref<64xf32, #tpu.memory_space<hbm>>
      %dma_start3A_363 = arith.constant 0 : i32
      %dma_start3A_364 = tpu.memref_slice %arg14[%shift_right_arithmetic3A_354, %and3A_356, %dma_start3A_363] : memref<16x8x64xf32, #tpu.memory_space<vmem>> -> memref<1x1x64xf32, #tpu.memory_space<vmem>>
      %dma_start3A_365 = tpu.memref_squeeze %dma_start3A_364 : memref<1x1x64xf32, #tpu.memory_space<vmem>> -> memref<64xf32, #tpu.memory_space<vmem>>
      %dma_start3A_366 = arith.constant 0 : i32
      %dma_start3A_367 = tpu.memref_slice %arg5[%shift_right_arithmetic3A_330, %and3A_332, %dma_start3A_366] : memref<12500x8x64xf32, #tpu.memory_space<hbm>> -> memref<1x1x64xf32, #tpu.memory_space<hbm>>
      %dma_start3A_368 = tpu.memref_squeeze %dma_start3A_367 : memref<1x1x64xf32, #tpu.memory_space<hbm>> -> memref<64xf32, #tpu.memory_space<hbm>>
      tpu.enqueue_dma source(%dma_start3A_368 : memref<64xf32, #tpu.memory_space<hbm>>) target(%dma_start3A_365 : memref<64xf32, #tpu.memory_space<vmem>>) target_semaphore(%arg16 : memref<!tpu.dma_semaphore, #tpu.memory_space<semaphore_mem>>)
      %slice3A_369 = vector.extract_strided_slice %get3A_204 {offsets = [4], sizes = [1], strides = [1]} : vector<16xi32> to vector<1xi32>
      %squeeze3A_370 = vector.extract %slice3A_369[0] : i32 from vector<1xi32>
      %shift_right_arithmetic3A_371 = arith.constant 3 : i32
      %shift_right_arithmetic3A_372 = arith.shrsi %squeeze3A_370, %shift_right_arithmetic3A_371 : i32
      %and3A_373 = arith.constant 7 : i32
      %and3A_374 = arith.andi %squeeze3A_370, %and3A_373 : i32
      %mul3A_375 = arith.constant 16 : i32
      %mul3A_376 = arith.muli %add3A_198, %mul3A_375 : i32
      %add3A_377 = arith.constant 4 : i32
      %add3A_378 = arith.addi %mul3A_376, %add3A_377 : i32
      %shift_right_arithmetic3A_379 = arith.constant 3 : i32
      %shift_right_arithmetic3A_380 = arith.shrsi %add3A_378, %shift_right_arithmetic3A_379 : i32
      %and3A_381 = arith.constant 7 : i32
      %and3A_382 = arith.andi %add3A_378, %and3A_381 : i32
      %dma_start3A_383 = arith.constant 0 : i32
      %dma_start3A_384 = tpu.memref_slice %arg12[%shift_right_arithmetic3A_380, %and3A_382, %dma_start3A_383] : memref<16x8x64xf32, #tpu.memory_space<vmem>> -> memref<1x1x64xf32, #tpu.memory_space<vmem>>
      %dma_start3A_385 = tpu.memref_squeeze %dma_start3A_384 : memref<1x1x64xf32, #tpu.memory_space<vmem>> -> memref<64xf32, #tpu.memory_space<vmem>>
      %dma_start3A_386 = arith.constant 0 : i32
      %dma_start3A_387 = tpu.memref_slice %arg4[%shift_right_arithmetic3A_372, %and3A_374, %dma_start3A_386] : memref<12500x8x64xf32, #tpu.memory_space<hbm>> -> memref<1x1x64xf32, #tpu.memory_space<hbm>>
      %dma_start3A_388 = tpu.memref_squeeze %dma_start3A_387 : memref<1x1x64xf32, #tpu.memory_space<hbm>> -> memref<64xf32, #tpu.memory_space<hbm>>
      %dma_start3A_389 = arith.constant 0 : i32
      %dma_start3A_390 = tpu.memref_slice %arg12[%shift_right_arithmetic3A_380, %and3A_382, %dma_start3A_389] : memref<16x8x64xf32, #tpu.memory_space<vmem>> -> memref<1x1x64xf32, #tpu.memory_space<vmem>>
      %dma_start3A_391 = tpu.memref_squeeze %dma_start3A_390 : memref<1x1x64xf32, #tpu.memory_space<vmem>> -> memref<64xf32, #tpu.memory_space<vmem>>
      %dma_start3A_392 = arith.constant 0 : i32
      %dma_start3A_393 = tpu.memref_slice %arg4[%shift_right_arithmetic3A_372, %and3A_374, %dma_start3A_392] : memref<12500x8x64xf32, #tpu.memory_space<hbm>> -> memref<1x1x64xf32, #tpu.memory_space<hbm>>
      %dma_start3A_394 = tpu.memref_squeeze %dma_start3A_393 : memref<1x1x64xf32, #tpu.memory_space<hbm>> -> memref<64xf32, #tpu.memory_space<hbm>>
      tpu.enqueue_dma source(%dma_start3A_394 : memref<64xf32, #tpu.memory_space<hbm>>) target(%dma_start3A_391 : memref<64xf32, #tpu.memory_space<vmem>>) target_semaphore(%arg16 : memref<!tpu.dma_semaphore, #tpu.memory_space<semaphore_mem>>)
      %shift_right_arithmetic3A_395 = arith.constant 3 : i32
      %shift_right_arithmetic3A_396 = arith.shrsi %add3A_378, %shift_right_arithmetic3A_395 : i32
      %and3A_397 = arith.constant 7 : i32
      %and3A_398 = arith.andi %add3A_378, %and3A_397 : i32
      %dma_start3A_399 = arith.constant 0 : i32
      %dma_start3A_400 = tpu.memref_slice %arg14[%shift_right_arithmetic3A_396, %and3A_398, %dma_start3A_399] : memref<16x8x64xf32, #tpu.memory_space<vmem>> -> memref<1x1x64xf32, #tpu.memory_space<vmem>>
      %dma_start3A_401 = tpu.memref_squeeze %dma_start3A_400 : memref<1x1x64xf32, #tpu.memory_space<vmem>> -> memref<64xf32, #tpu.memory_space<vmem>>
      %dma_start3A_402 = arith.constant 0 : i32
      %dma_start3A_403 = tpu.memref_slice %arg5[%shift_right_arithmetic3A_372, %and3A_374, %dma_start3A_402] : memref<12500x8x64xf32, #tpu.memory_space<hbm>> -> memref<1x1x64xf32, #tpu.memory_space<hbm>>
      %dma_start3A_404 = tpu.memref_squeeze %dma_start3A_403 : memref<1x1x64xf32, #tpu.memory_space<hbm>> -> memref<64xf32, #tpu.memory_space<hbm>>
      %dma_start3A_405 = arith.constant 0 : i32
      %dma_start3A_406 = tpu.memref_slice %arg14[%shift_right_arithmetic3A_396, %and3A_398, %dma_start3A_405] : memref<16x8x64xf32, #tpu.memory_space<vmem>> -> memref<1x1x64xf32, #tpu.memory_space<vmem>>
      %dma_start3A_407 = tpu.memref_squeeze %dma_start3A_406 : memref<1x1x64xf32, #tpu.memory_space<vmem>> -> memref<64xf32, #tpu.memory_space<vmem>>
      %dma_start3A_408 = arith.constant 0 : i32
      %dma_start3A_409 = tpu.memref_slice %arg5[%shift_right_arithmetic3A_372, %and3A_374, %dma_start3A_408] : memref<12500x8x64xf32, #tpu.memory_space<hbm>> -> memref<1x1x64xf32, #tpu.memory_space<hbm>>
      %dma_start3A_410 = tpu.memref_squeeze %dma_start3A_409 : memref<1x1x64xf32, #tpu.memory_space<hbm>> -> memref<64xf32, #tpu.memory_space<hbm>>
      tpu.enqueue_dma source(%dma_start3A_410 : memref<64xf32, #tpu.memory_space<hbm>>) target(%dma_start3A_407 : memref<64xf32, #tpu.memory_space<vmem>>) target_semaphore(%arg16 : memref<!tpu.dma_semaphore, #tpu.memory_space<semaphore_mem>>)
      %slice3A_411 = vector.extract_strided_slice %get3A_204 {offsets = [5], sizes = [1], strides = [1]} : vector<16xi32> to vector<1xi32>
      %squeeze3A_412 = vector.extract %slice3A_411[0] : i32 from vector<1xi32>
      %shift_right_arithmetic3A_413 = arith.constant 3 : i32
      %shift_right_arithmetic3A_414 = arith.shrsi %squeeze3A_412, %shift_right_arithmetic3A_413 : i32
      %and3A_415 = arith.constant 7 : i32
      %and3A_416 = arith.andi %squeeze3A_412, %and3A_415 : i32
      %mul3A_417 = arith.constant 16 : i32
      %mul3A_418 = arith.muli %add3A_198, %mul3A_417 : i32
      %add3A_419 = arith.constant 5 : i32
      %add3A_420 = arith.addi %mul3A_418, %add3A_419 : i32
      %shift_right_arithmetic3A_421 = arith.constant 3 : i32
      %shift_right_arithmetic3A_422 = arith.shrsi %add3A_420, %shift_right_arithmetic3A_421 : i32
      %and3A_423 = arith.constant 7 : i32
      %and3A_424 = arith.andi %add3A_420, %and3A_423 : i32
      %dma_start3A_425 = arith.constant 0 : i32
      %dma_start3A_426 = tpu.memref_slice %arg12[%shift_right_arithmetic3A_422, %and3A_424, %dma_start3A_425] : memref<16x8x64xf32, #tpu.memory_space<vmem>> -> memref<1x1x64xf32, #tpu.memory_space<vmem>>
      %dma_start3A_427 = tpu.memref_squeeze %dma_start3A_426 : memref<1x1x64xf32, #tpu.memory_space<vmem>> -> memref<64xf32, #tpu.memory_space<vmem>>
      %dma_start3A_428 = arith.constant 0 : i32
      %dma_start3A_429 = tpu.memref_slice %arg4[%shift_right_arithmetic3A_414, %and3A_416, %dma_start3A_428] : memref<12500x8x64xf32, #tpu.memory_space<hbm>> -> memref<1x1x64xf32, #tpu.memory_space<hbm>>
      %dma_start3A_430 = tpu.memref_squeeze %dma_start3A_429 : memref<1x1x64xf32, #tpu.memory_space<hbm>> -> memref<64xf32, #tpu.memory_space<hbm>>
      %dma_start3A_431 = arith.constant 0 : i32
      %dma_start3A_432 = tpu.memref_slice %arg12[%shift_right_arithmetic3A_422, %and3A_424, %dma_start3A_431] : memref<16x8x64xf32, #tpu.memory_space<vmem>> -> memref<1x1x64xf32, #tpu.memory_space<vmem>>
      %dma_start3A_433 = tpu.memref_squeeze %dma_start3A_432 : memref<1x1x64xf32, #tpu.memory_space<vmem>> -> memref<64xf32, #tpu.memory_space<vmem>>
      %dma_start3A_434 = arith.constant 0 : i32
      %dma_start3A_435 = tpu.memref_slice %arg4[%shift_right_arithmetic3A_414, %and3A_416, %dma_start3A_434] : memref<12500x8x64xf32, #tpu.memory_space<hbm>> -> memref<1x1x64xf32, #tpu.memory_space<hbm>>
      %dma_start3A_436 = tpu.memref_squeeze %dma_start3A_435 : memref<1x1x64xf32, #tpu.memory_space<hbm>> -> memref<64xf32, #tpu.memory_space<hbm>>
      tpu.enqueue_dma source(%dma_start3A_436 : memref<64xf32, #tpu.memory_space<hbm>>) target(%dma_start3A_433 : memref<64xf32, #tpu.memory_space<vmem>>) target_semaphore(%arg16 : memref<!tpu.dma_semaphore, #tpu.memory_space<semaphore_mem>>)
      %shift_right_arithmetic3A_437 = arith.constant 3 : i32
      %shift_right_arithmetic3A_438 = arith.shrsi %add3A_420, %shift_right_arithmetic3A_437 : i32
      %and3A_439 = arith.constant 7 : i32
      %and3A_440 = arith.andi %add3A_420, %and3A_439 : i32
      %dma_start3A_441 = arith.constant 0 : i32
      %dma_start3A_442 = tpu.memref_slice %arg14[%shift_right_arithmetic3A_438, %and3A_440, %dma_start3A_441] : memref<16x8x64xf32, #tpu.memory_space<vmem>> -> memref<1x1x64xf32, #tpu.memory_space<vmem>>
      %dma_start3A_443 = tpu.memref_squeeze %dma_start3A_442 : memref<1x1x64xf32, #tpu.memory_space<vmem>> -> memref<64xf32, #tpu.memory_space<vmem>>
      %dma_start3A_444 = arith.constant 0 : i32
      %dma_start3A_445 = tpu.memref_slice %arg5[%shift_right_arithmetic3A_414, %and3A_416, %dma_start3A_444] : memref<12500x8x64xf32, #tpu.memory_space<hbm>> -> memref<1x1x64xf32, #tpu.memory_space<hbm>>
      %dma_start3A_446 = tpu.memref_squeeze %dma_start3A_445 : memref<1x1x64xf32, #tpu.memory_space<hbm>> -> memref<64xf32, #tpu.memory_space<hbm>>
      %dma_start3A_447 = arith.constant 0 : i32
      %dma_start3A_448 = tpu.memref_slice %arg14[%shift_right_arithmetic3A_438, %and3A_440, %dma_start3A_447] : memref<16x8x64xf32, #tpu.memory_space<vmem>> -> memref<1x1x64xf32, #tpu.memory_space<vmem>>
      %dma_start3A_449 = tpu.memref_squeeze %dma_start3A_448 : memref<1x1x64xf32, #tpu.memory_space<vmem>> -> memref<64xf32, #tpu.memory_space<vmem>>
      %dma_start3A_450 = arith.constant 0 : i32
      %dma_start3A_451 = tpu.memref_slice %arg5[%shift_right_arithmetic3A_414, %and3A_416, %dma_start3A_450] : memref<12500x8x64xf32, #tpu.memory_space<hbm>> -> memref<1x1x64xf32, #tpu.memory_space<hbm>>
      %dma_start3A_452 = tpu.memref_squeeze %dma_start3A_451 : memref<1x1x64xf32, #tpu.memory_space<hbm>> -> memref<64xf32, #tpu.memory_space<hbm>>
      tpu.enqueue_dma source(%dma_start3A_452 : memref<64xf32, #tpu.memory_space<hbm>>) target(%dma_start3A_449 : memref<64xf32, #tpu.memory_space<vmem>>) target_semaphore(%arg16 : memref<!tpu.dma_semaphore, #tpu.memory_space<semaphore_mem>>)
      %slice3A_453 = vector.extract_strided_slice %get3A_204 {offsets = [6], sizes = [1], strides = [1]} : vector<16xi32> to vector<1xi32>
      %squeeze3A_454 = vector.extract %slice3A_453[0] : i32 from vector<1xi32>
      %shift_right_arithmetic3A_455 = arith.constant 3 : i32
      %shift_right_arithmetic3A_456 = arith.shrsi %squeeze3A_454, %shift_right_arithmetic3A_455 : i32
      %and3A_457 = arith.constant 7 : i32
      %and3A_458 = arith.andi %squeeze3A_454, %and3A_457 : i32
      %mul3A_459 = arith.constant 16 : i32
      %mul3A_460 = arith.muli %add3A_198, %mul3A_459 : i32
      %add3A_461 = arith.constant 6 : i32
      %add3A_462 = arith.addi %mul3A_460, %add3A_461 : i32
      %shift_right_arithmetic3A_463 = arith.constant 3 : i32
      %shift_right_arithmetic3A_464 = arith.shrsi %add3A_462, %shift_right_arithmetic3A_463 : i32
      %and3A_465 = arith.constant 7 : i32
      %and3A_466 = arith.andi %add3A_462, %and3A_465 : i32
      %dma_start3A_467 = arith.constant 0 : i32
      %dma_start3A_468 = tpu.memref_slice %arg12[%shift_right_arithmetic3A_464, %and3A_466, %dma_start3A_467] : memref<16x8x64xf32, #tpu.memory_space<vmem>> -> memref<1x1x64xf32, #tpu.memory_space<vmem>>
      %dma_start3A_469 = tpu.memref_squeeze %dma_start3A_468 : memref<1x1x64xf32, #tpu.memory_space<vmem>> -> memref<64xf32, #tpu.memory_space<vmem>>
      %dma_start3A_470 = arith.constant 0 : i32
      %dma_start3A_471 = tpu.memref_slice %arg4[%shift_right_arithmetic3A_456, %and3A_458, %dma_start3A_470] : memref<12500x8x64xf32, #tpu.memory_space<hbm>> -> memref<1x1x64xf32, #tpu.memory_space<hbm>>
      %dma_start3A_472 = tpu.memref_squeeze %dma_start3A_471 : memref<1x1x64xf32, #tpu.memory_space<hbm>> -> memref<64xf32, #tpu.memory_space<hbm>>
      %dma_start3A_473 = arith.constant 0 : i32
      %dma_start3A_474 = tpu.memref_slice %arg12[%shift_right_arithmetic3A_464, %and3A_466, %dma_start3A_473] : memref<16x8x64xf32, #tpu.memory_space<vmem>> -> memref<1x1x64xf32, #tpu.memory_space<vmem>>
      %dma_start3A_475 = tpu.memref_squeeze %dma_start3A_474 : memref<1x1x64xf32, #tpu.memory_space<vmem>> -> memref<64xf32, #tpu.memory_space<vmem>>
      %dma_start3A_476 = arith.constant 0 : i32
      %dma_start3A_477 = tpu.memref_slice %arg4[%shift_right_arithmetic3A_456, %and3A_458, %dma_start3A_476] : memref<12500x8x64xf32, #tpu.memory_space<hbm>> -> memref<1x1x64xf32, #tpu.memory_space<hbm>>
      %dma_start3A_478 = tpu.memref_squeeze %dma_start3A_477 : memref<1x1x64xf32, #tpu.memory_space<hbm>> -> memref<64xf32, #tpu.memory_space<hbm>>
      tpu.enqueue_dma source(%dma_start3A_478 : memref<64xf32, #tpu.memory_space<hbm>>) target(%dma_start3A_475 : memref<64xf32, #tpu.memory_space<vmem>>) target_semaphore(%arg16 : memref<!tpu.dma_semaphore, #tpu.memory_space<semaphore_mem>>)
      %shift_right_arithmetic3A_479 = arith.constant 3 : i32
      %shift_right_arithmetic3A_480 = arith.shrsi %add3A_462, %shift_right_arithmetic3A_479 : i32
      %and3A_481 = arith.constant 7 : i32
      %and3A_482 = arith.andi %add3A_462, %and3A_481 : i32
      %dma_start3A_483 = arith.constant 0 : i32
      %dma_start3A_484 = tpu.memref_slice %arg14[%shift_right_arithmetic3A_480, %and3A_482, %dma_start3A_483] : memref<16x8x64xf32, #tpu.memory_space<vmem>> -> memref<1x1x64xf32, #tpu.memory_space<vmem>>
      %dma_start3A_485 = tpu.memref_squeeze %dma_start3A_484 : memref<1x1x64xf32, #tpu.memory_space<vmem>> -> memref<64xf32, #tpu.memory_space<vmem>>
      %dma_start3A_486 = arith.constant 0 : i32
      %dma_start3A_487 = tpu.memref_slice %arg5[%shift_right_arithmetic3A_456, %and3A_458, %dma_start3A_486] : memref<12500x8x64xf32, #tpu.memory_space<hbm>> -> memref<1x1x64xf32, #tpu.memory_space<hbm>>
      %dma_start3A_488 = tpu.memref_squeeze %dma_start3A_487 : memref<1x1x64xf32, #tpu.memory_space<hbm>> -> memref<64xf32, #tpu.memory_space<hbm>>
      %dma_start3A_489 = arith.constant 0 : i32
      %dma_start3A_490 = tpu.memref_slice %arg14[%shift_right_arithmetic3A_480, %and3A_482, %dma_start3A_489] : memref<16x8x64xf32, #tpu.memory_space<vmem>> -> memref<1x1x64xf32, #tpu.memory_space<vmem>>
      %dma_start3A_491 = tpu.memref_squeeze %dma_start3A_490 : memref<1x1x64xf32, #tpu.memory_space<vmem>> -> memref<64xf32, #tpu.memory_space<vmem>>
      %dma_start3A_492 = arith.constant 0 : i32
      %dma_start3A_493 = tpu.memref_slice %arg5[%shift_right_arithmetic3A_456, %and3A_458, %dma_start3A_492] : memref<12500x8x64xf32, #tpu.memory_space<hbm>> -> memref<1x1x64xf32, #tpu.memory_space<hbm>>
      %dma_start3A_494 = tpu.memref_squeeze %dma_start3A_493 : memref<1x1x64xf32, #tpu.memory_space<hbm>> -> memref<64xf32, #tpu.memory_space<hbm>>
      tpu.enqueue_dma source(%dma_start3A_494 : memref<64xf32, #tpu.memory_space<hbm>>) target(%dma_start3A_491 : memref<64xf32, #tpu.memory_space<vmem>>) target_semaphore(%arg16 : memref<!tpu.dma_semaphore, #tpu.memory_space<semaphore_mem>>)
      %slice3A_495 = vector.extract_strided_slice %get3A_204 {offsets = [7], sizes = [1], strides = [1]} : vector<16xi32> to vector<1xi32>
      %squeeze3A_496 = vector.extract %slice3A_495[0] : i32 from vector<1xi32>
      %shift_right_arithmetic3A_497 = arith.constant 3 : i32
      %shift_right_arithmetic3A_498 = arith.shrsi %squeeze3A_496, %shift_right_arithmetic3A_497 : i32
      %and3A_499 = arith.constant 7 : i32
      %and3A_500 = arith.andi %squeeze3A_496, %and3A_499 : i32
      %mul3A_501 = arith.constant 16 : i32
      %mul3A_502 = arith.muli %add3A_198, %mul3A_501 : i32
      %add3A_503 = arith.constant 7 : i32
      %add3A_504 = arith.addi %mul3A_502, %add3A_503 : i32
      %shift_right_arithmetic3A_505 = arith.constant 3 : i32
      %shift_right_arithmetic3A_506 = arith.shrsi %add3A_504, %shift_right_arithmetic3A_505 : i32
      %and3A_507 = arith.constant 7 : i32
      %and3A_508 = arith.andi %add3A_504, %and3A_507 : i32
      %dma_start3A_509 = arith.constant 0 : i32
      %dma_start3A_510 = tpu.memref_slice %arg12[%shift_right_arithmetic3A_506, %and3A_508, %dma_start3A_509] : memref<16x8x64xf32, #tpu.memory_space<vmem>> -> memref<1x1x64xf32, #tpu.memory_space<vmem>>
      %dma_start3A_511 = tpu.memref_squeeze %dma_start3A_510 : memref<1x1x64xf32, #tpu.memory_space<vmem>> -> memref<64xf32, #tpu.memory_space<vmem>>
      %dma_start3A_512 = arith.constant 0 : i32
      %dma_start3A_513 = tpu.memref_slice %arg4[%shift_right_arithmetic3A_498, %and3A_500, %dma_start3A_512] : memref<12500x8x64xf32, #tpu.memory_space<hbm>> -> memref<1x1x64xf32, #tpu.memory_space<hbm>>
      %dma_start3A_514 = tpu.memref_squeeze %dma_start3A_513 : memref<1x1x64xf32, #tpu.memory_space<hbm>> -> memref<64xf32, #tpu.memory_space<hbm>>
      %dma_start3A_515 = arith.constant 0 : i32
      %dma_start3A_516 = tpu.memref_slice %arg12[%shift_right_arithmetic3A_506, %and3A_508, %dma_start3A_515] : memref<16x8x64xf32, #tpu.memory_space<vmem>> -> memref<1x1x64xf32, #tpu.memory_space<vmem>>
      %dma_start3A_517 = tpu.memref_squeeze %dma_start3A_516 : memref<1x1x64xf32, #tpu.memory_space<vmem>> -> memref<64xf32, #tpu.memory_space<vmem>>
      %dma_start3A_518 = arith.constant 0 : i32
      %dma_start3A_519 = tpu.memref_slice %arg4[%shift_right_arithmetic3A_498, %and3A_500, %dma_start3A_518] : memref<12500x8x64xf32, #tpu.memory_space<hbm>> -> memref<1x1x64xf32, #tpu.memory_space<hbm>>
      %dma_start3A_520 = tpu.memref_squeeze %dma_start3A_519 : memref<1x1x64xf32, #tpu.memory_space<hbm>> -> memref<64xf32, #tpu.memory_space<hbm>>
      tpu.enqueue_dma source(%dma_start3A_520 : memref<64xf32, #tpu.memory_space<hbm>>) target(%dma_start3A_517 : memref<64xf32, #tpu.memory_space<vmem>>) target_semaphore(%arg16 : memref<!tpu.dma_semaphore, #tpu.memory_space<semaphore_mem>>)
      %shift_right_arithmetic3A_521 = arith.constant 3 : i32
      %shift_right_arithmetic3A_522 = arith.shrsi %add3A_504, %shift_right_arithmetic3A_521 : i32
      %and3A_523 = arith.constant 7 : i32
      %and3A_524 = arith.andi %add3A_504, %and3A_523 : i32
      %dma_start3A_525 = arith.constant 0 : i32
      %dma_start3A_526 = tpu.memref_slice %arg14[%shift_right_arithmetic3A_522, %and3A_524, %dma_start3A_525] : memref<16x8x64xf32, #tpu.memory_space<vmem>> -> memref<1x1x64xf32, #tpu.memory_space<vmem>>
      %dma_start3A_527 = tpu.memref_squeeze %dma_start3A_526 : memref<1x1x64xf32, #tpu.memory_space<vmem>> -> memref<64xf32, #tpu.memory_space<vmem>>
      %dma_start3A_528 = arith.constant 0 : i32
      %dma_start3A_529 = tpu.memref_slice %arg5[%shift_right_arithmetic3A_498, %and3A_500, %dma_start3A_528] : memref<12500x8x64xf32, #tpu.memory_space<hbm>> -> memref<1x1x64xf32, #tpu.memory_space<hbm>>
      %dma_start3A_530 = tpu.memref_squeeze %dma_start3A_529 : memref<1x1x64xf32, #tpu.memory_space<hbm>> -> memref<64xf32, #tpu.memory_space<hbm>>
      %dma_start3A_531 = arith.constant 0 : i32
      %dma_start3A_532 = tpu.memref_slice %arg14[%shift_right_arithmetic3A_522, %and3A_524, %dma_start3A_531] : memref<16x8x64xf32, #tpu.memory_space<vmem>> -> memref<1x1x64xf32, #tpu.memory_space<vmem>>
      %dma_start3A_533 = tpu.memref_squeeze %dma_start3A_532 : memref<1x1x64xf32, #tpu.memory_space<vmem>> -> memref<64xf32, #tpu.memory_space<vmem>>
      %dma_start3A_534 = arith.constant 0 : i32
      %dma_start3A_535 = tpu.memref_slice %arg5[%shift_right_arithmetic3A_498, %and3A_500, %dma_start3A_534] : memref<12500x8x64xf32, #tpu.memory_space<hbm>> -> memref<1x1x64xf32, #tpu.memory_space<hbm>>
      %dma_start3A_536 = tpu.memref_squeeze %dma_start3A_535 : memref<1x1x64xf32, #tpu.memory_space<hbm>> -> memref<64xf32, #tpu.memory_space<hbm>>
      tpu.enqueue_dma source(%dma_start3A_536 : memref<64xf32, #tpu.memory_space<hbm>>) target(%dma_start3A_533 : memref<64xf32, #tpu.memory_space<vmem>>) target_semaphore(%arg16 : memref<!tpu.dma_semaphore, #tpu.memory_space<semaphore_mem>>)
      %slice3A_537 = vector.extract_strided_slice %get3A_204 {offsets = [8], sizes = [1], strides = [1]} : vector<16xi32> to vector<1xi32>
      %squeeze3A_538 = vector.extract %slice3A_537[0] : i32 from vector<1xi32>
      %shift_right_arithmetic3A_539 = arith.constant 3 : i32
      %shift_right_arithmetic3A_540 = arith.shrsi %squeeze3A_538, %shift_right_arithmetic3A_539 : i32
      %and3A_541 = arith.constant 7 : i32
      %and3A_542 = arith.andi %squeeze3A_538, %and3A_541 : i32
      %mul3A_543 = arith.constant 16 : i32
      %mul3A_544 = arith.muli %add3A_198, %mul3A_543 : i32
      %add3A_545 = arith.constant 8 : i32
      %add3A_546 = arith.addi %mul3A_544, %add3A_545 : i32
      %shift_right_arithmetic3A_547 = arith.constant 3 : i32
      %shift_right_arithmetic3A_548 = arith.shrsi %add3A_546, %shift_right_arithmetic3A_547 : i32
      %and3A_549 = arith.constant 7 : i32
      %and3A_550 = arith.andi %add3A_546, %and3A_549 : i32
      %dma_start3A_551 = arith.constant 0 : i32
      %dma_start3A_552 = tpu.memref_slice %arg12[%shift_right_arithmetic3A_548, %and3A_550, %dma_start3A_551] : memref<16x8x64xf32, #tpu.memory_space<vmem>> -> memref<1x1x64xf32, #tpu.memory_space<vmem>>
      %dma_start3A_553 = tpu.memref_squeeze %dma_start3A_552 : memref<1x1x64xf32, #tpu.memory_space<vmem>> -> memref<64xf32, #tpu.memory_space<vmem>>
      %dma_start3A_554 = arith.constant 0 : i32
      %dma_start3A_555 = tpu.memref_slice %arg4[%shift_right_arithmetic3A_540, %and3A_542, %dma_start3A_554] : memref<12500x8x64xf32, #tpu.memory_space<hbm>> -> memref<1x1x64xf32, #tpu.memory_space<hbm>>
      %dma_start3A_556 = tpu.memref_squeeze %dma_start3A_555 : memref<1x1x64xf32, #tpu.memory_space<hbm>> -> memref<64xf32, #tpu.memory_space<hbm>>
      %dma_start3A_557 = arith.constant 0 : i32
      %dma_start3A_558 = tpu.memref_slice %arg12[%shift_right_arithmetic3A_548, %and3A_550, %dma_start3A_557] : memref<16x8x64xf32, #tpu.memory_space<vmem>> -> memref<1x1x64xf32, #tpu.memory_space<vmem>>
      %dma_start3A_559 = tpu.memref_squeeze %dma_start3A_558 : memref<1x1x64xf32, #tpu.memory_space<vmem>> -> memref<64xf32, #tpu.memory_space<vmem>>
      %dma_start3A_560 = arith.constant 0 : i32
      %dma_start3A_561 = tpu.memref_slice %arg4[%shift_right_arithmetic3A_540, %and3A_542, %dma_start3A_560] : memref<12500x8x64xf32, #tpu.memory_space<hbm>> -> memref<1x1x64xf32, #tpu.memory_space<hbm>>
      %dma_start3A_562 = tpu.memref_squeeze %dma_start3A_561 : memref<1x1x64xf32, #tpu.memory_space<hbm>> -> memref<64xf32, #tpu.memory_space<hbm>>
      tpu.enqueue_dma source(%dma_start3A_562 : memref<64xf32, #tpu.memory_space<hbm>>) target(%dma_start3A_559 : memref<64xf32, #tpu.memory_space<vmem>>) target_semaphore(%arg16 : memref<!tpu.dma_semaphore, #tpu.memory_space<semaphore_mem>>)
      %shift_right_arithmetic3A_563 = arith.constant 3 : i32
      %shift_right_arithmetic3A_564 = arith.shrsi %add3A_546, %shift_right_arithmetic3A_563 : i32
      %and3A_565 = arith.constant 7 : i32
      %and3A_566 = arith.andi %add3A_546, %and3A_565 : i32
      %dma_start3A_567 = arith.constant 0 : i32
      %dma_start3A_568 = tpu.memref_slice %arg14[%shift_right_arithmetic3A_564, %and3A_566, %dma_start3A_567] : memref<16x8x64xf32, #tpu.memory_space<vmem>> -> memref<1x1x64xf32, #tpu.memory_space<vmem>>
      %dma_start3A_569 = tpu.memref_squeeze %dma_start3A_568 : memref<1x1x64xf32, #tpu.memory_space<vmem>> -> memref<64xf32, #tpu.memory_space<vmem>>
      %dma_start3A_570 = arith.constant 0 : i32
      %dma_start3A_571 = tpu.memref_slice %arg5[%shift_right_arithmetic3A_540, %and3A_542, %dma_start3A_570] : memref<12500x8x64xf32, #tpu.memory_space<hbm>> -> memref<1x1x64xf32, #tpu.memory_space<hbm>>
      %dma_start3A_572 = tpu.memref_squeeze %dma_start3A_571 : memref<1x1x64xf32, #tpu.memory_space<hbm>> -> memref<64xf32, #tpu.memory_space<hbm>>
      %dma_start3A_573 = arith.constant 0 : i32
      %dma_start3A_574 = tpu.memref_slice %arg14[%shift_right_arithmetic3A_564, %and3A_566, %dma_start3A_573] : memref<16x8x64xf32, #tpu.memory_space<vmem>> -> memref<1x1x64xf32, #tpu.memory_space<vmem>>
      %dma_start3A_575 = tpu.memref_squeeze %dma_start3A_574 : memref<1x1x64xf32, #tpu.memory_space<vmem>> -> memref<64xf32, #tpu.memory_space<vmem>>
      %dma_start3A_576 = arith.constant 0 : i32
      %dma_start3A_577 = tpu.memref_slice %arg5[%shift_right_arithmetic3A_540, %and3A_542, %dma_start3A_576] : memref<12500x8x64xf32, #tpu.memory_space<hbm>> -> memref<1x1x64xf32, #tpu.memory_space<hbm>>
      %dma_start3A_578 = tpu.memref_squeeze %dma_start3A_577 : memref<1x1x64xf32, #tpu.memory_space<hbm>> -> memref<64xf32, #tpu.memory_space<hbm>>
      tpu.enqueue_dma source(%dma_start3A_578 : memref<64xf32, #tpu.memory_space<hbm>>) target(%dma_start3A_575 : memref<64xf32, #tpu.memory_space<vmem>>) target_semaphore(%arg16 : memref<!tpu.dma_semaphore, #tpu.memory_space<semaphore_mem>>)
      %slice3A_579 = vector.extract_strided_slice %get3A_204 {offsets = [9], sizes = [1], strides = [1]} : vector<16xi32> to vector<1xi32>
      %squeeze3A_580 = vector.extract %slice3A_579[0] : i32 from vector<1xi32>
      %shift_right_arithmetic3A_581 = arith.constant 3 : i32
      %shift_right_arithmetic3A_582 = arith.shrsi %squeeze3A_580, %shift_right_arithmetic3A_581 : i32
      %and3A_583 = arith.constant 7 : i32
      %and3A_584 = arith.andi %squeeze3A_580, %and3A_583 : i32
      %mul3A_585 = arith.constant 16 : i32
      %mul3A_586 = arith.muli %add3A_198, %mul3A_585 : i32
      %add3A_587 = arith.constant 9 : i32
      %add3A_588 = arith.addi %mul3A_586, %add3A_587 : i32
      %shift_right_arithmetic3A_589 = arith.constant 3 : i32
      %shift_right_arithmetic3A_590 = arith.shrsi %add3A_588, %shift_right_arithmetic3A_589 : i32
      %and3A_591 = arith.constant 7 : i32
      %and3A_592 = arith.andi %add3A_588, %and3A_591 : i32
      %dma_start3A_593 = arith.constant 0 : i32
      %dma_start3A_594 = tpu.memref_slice %arg12[%shift_right_arithmetic3A_590, %and3A_592, %dma_start3A_593] : memref<16x8x64xf32, #tpu.memory_space<vmem>> -> memref<1x1x64xf32, #tpu.memory_space<vmem>>
      %dma_start3A_595 = tpu.memref_squeeze %dma_start3A_594 : memref<1x1x64xf32, #tpu.memory_space<vmem>> -> memref<64xf32, #tpu.memory_space<vmem>>
      %dma_start3A_596 = arith.constant 0 : i32
      %dma_start3A_597 = tpu.memref_slice %arg4[%shift_right_arithmetic3A_582, %and3A_584, %dma_start3A_596] : memref<12500x8x64xf32, #tpu.memory_space<hbm>> -> memref<1x1x64xf32, #tpu.memory_space<hbm>>
      %dma_start3A_598 = tpu.memref_squeeze %dma_start3A_597 : memref<1x1x64xf32, #tpu.memory_space<hbm>> -> memref<64xf32, #tpu.memory_space<hbm>>
      %dma_start3A_599 = arith.constant 0 : i32
      %dma_start3A_600 = tpu.memref_slice %arg12[%shift_right_arithmetic3A_590, %and3A_592, %dma_start3A_599] : memref<16x8x64xf32, #tpu.memory_space<vmem>> -> memref<1x1x64xf32, #tpu.memory_space<vmem>>
      %dma_start3A_601 = tpu.memref_squeeze %dma_start3A_600 : memref<1x1x64xf32, #tpu.memory_space<vmem>> -> memref<64xf32, #tpu.memory_space<vmem>>
      %dma_start3A_602 = arith.constant 0 : i32
      %dma_start3A_603 = tpu.memref_slice %arg4[%shift_right_arithmetic3A_582, %and3A_584, %dma_start3A_602] : memref<12500x8x64xf32, #tpu.memory_space<hbm>> -> memref<1x1x64xf32, #tpu.memory_space<hbm>>
      %dma_start3A_604 = tpu.memref_squeeze %dma_start3A_603 : memref<1x1x64xf32, #tpu.memory_space<hbm>> -> memref<64xf32, #tpu.memory_space<hbm>>
      tpu.enqueue_dma source(%dma_start3A_604 : memref<64xf32, #tpu.memory_space<hbm>>) target(%dma_start3A_601 : memref<64xf32, #tpu.memory_space<vmem>>) target_semaphore(%arg16 : memref<!tpu.dma_semaphore, #tpu.memory_space<semaphore_mem>>)
      %shift_right_arithmetic3A_605 = arith.constant 3 : i32
      %shift_right_arithmetic3A_606 = arith.shrsi %add3A_588, %shift_right_arithmetic3A_605 : i32
      %and3A_607 = arith.constant 7 : i32
      %and3A_608 = arith.andi %add3A_588, %and3A_607 : i32
      %dma_start3A_609 = arith.constant 0 : i32
      %dma_start3A_610 = tpu.memref_slice %arg14[%shift_right_arithmetic3A_606, %and3A_608, %dma_start3A_609] : memref<16x8x64xf32, #tpu.memory_space<vmem>> -> memref<1x1x64xf32, #tpu.memory_space<vmem>>
      %dma_start3A_611 = tpu.memref_squeeze %dma_start3A_610 : memref<1x1x64xf32, #tpu.memory_space<vmem>> -> memref<64xf32, #tpu.memory_space<vmem>>
      %dma_start3A_612 = arith.constant 0 : i32
      %dma_start3A_613 = tpu.memref_slice %arg5[%shift_right_arithmetic3A_582, %and3A_584, %dma_start3A_612] : memref<12500x8x64xf32, #tpu.memory_space<hbm>> -> memref<1x1x64xf32, #tpu.memory_space<hbm>>
      %dma_start3A_614 = tpu.memref_squeeze %dma_start3A_613 : memref<1x1x64xf32, #tpu.memory_space<hbm>> -> memref<64xf32, #tpu.memory_space<hbm>>
      %dma_start3A_615 = arith.constant 0 : i32
      %dma_start3A_616 = tpu.memref_slice %arg14[%shift_right_arithmetic3A_606, %and3A_608, %dma_start3A_615] : memref<16x8x64xf32, #tpu.memory_space<vmem>> -> memref<1x1x64xf32, #tpu.memory_space<vmem>>
      %dma_start3A_617 = tpu.memref_squeeze %dma_start3A_616 : memref<1x1x64xf32, #tpu.memory_space<vmem>> -> memref<64xf32, #tpu.memory_space<vmem>>
      %dma_start3A_618 = arith.constant 0 : i32
      %dma_start3A_619 = tpu.memref_slice %arg5[%shift_right_arithmetic3A_582, %and3A_584, %dma_start3A_618] : memref<12500x8x64xf32, #tpu.memory_space<hbm>> -> memref<1x1x64xf32, #tpu.memory_space<hbm>>
      %dma_start3A_620 = tpu.memref_squeeze %dma_start3A_619 : memref<1x1x64xf32, #tpu.memory_space<hbm>> -> memref<64xf32, #tpu.memory_space<hbm>>
      tpu.enqueue_dma source(%dma_start3A_620 : memref<64xf32, #tpu.memory_space<hbm>>) target(%dma_start3A_617 : memref<64xf32, #tpu.memory_space<vmem>>) target_semaphore(%arg16 : memref<!tpu.dma_semaphore, #tpu.memory_space<semaphore_mem>>)
      %slice3A_621 = vector.extract_strided_slice %get3A_204 {offsets = [10], sizes = [1], strides = [1]} : vector<16xi32> to vector<1xi32>
      %squeeze3A_622 = vector.extract %slice3A_621[0] : i32 from vector<1xi32>
      %shift_right_arithmetic3A_623 = arith.constant 3 : i32
      %shift_right_arithmetic3A_624 = arith.shrsi %squeeze3A_622, %shift_right_arithmetic3A_623 : i32
      %and3A_625 = arith.constant 7 : i32
      %and3A_626 = arith.andi %squeeze3A_622, %and3A_625 : i32
      %mul3A_627 = arith.constant 16 : i32
      %mul3A_628 = arith.muli %add3A_198, %mul3A_627 : i32
      %add3A_629 = arith.constant 10 : i32
      %add3A_630 = arith.addi %mul3A_628, %add3A_629 : i32
      %shift_right_arithmetic3A_631 = arith.constant 3 : i32
      %shift_right_arithmetic3A_632 = arith.shrsi %add3A_630, %shift_right_arithmetic3A_631 : i32
      %and3A_633 = arith.constant 7 : i32
      %and3A_634 = arith.andi %add3A_630, %and3A_633 : i32
      %dma_start3A_635 = arith.constant 0 : i32
      %dma_start3A_636 = tpu.memref_slice %arg12[%shift_right_arithmetic3A_632, %and3A_634, %dma_start3A_635] : memref<16x8x64xf32, #tpu.memory_space<vmem>> -> memref<1x1x64xf32, #tpu.memory_space<vmem>>
      %dma_start3A_637 = tpu.memref_squeeze %dma_start3A_636 : memref<1x1x64xf32, #tpu.memory_space<vmem>> -> memref<64xf32, #tpu.memory_space<vmem>>
      %dma_start3A_638 = arith.constant 0 : i32
      %dma_start3A_639 = tpu.memref_slice %arg4[%shift_right_arithmetic3A_624, %and3A_626, %dma_start3A_638] : memref<12500x8x64xf32, #tpu.memory_space<hbm>> -> memref<1x1x64xf32, #tpu.memory_space<hbm>>
      %dma_start3A_640 = tpu.memref_squeeze %dma_start3A_639 : memref<1x1x64xf32, #tpu.memory_space<hbm>> -> memref<64xf32, #tpu.memory_space<hbm>>
      %dma_start3A_641 = arith.constant 0 : i32
      %dma_start3A_642 = tpu.memref_slice %arg12[%shift_right_arithmetic3A_632, %and3A_634, %dma_start3A_641] : memref<16x8x64xf32, #tpu.memory_space<vmem>> -> memref<1x1x64xf32, #tpu.memory_space<vmem>>
      %dma_start3A_643 = tpu.memref_squeeze %dma_start3A_642 : memref<1x1x64xf32, #tpu.memory_space<vmem>> -> memref<64xf32, #tpu.memory_space<vmem>>
      %dma_start3A_644 = arith.constant 0 : i32
      %dma_start3A_645 = tpu.memref_slice %arg4[%shift_right_arithmetic3A_624, %and3A_626, %dma_start3A_644] : memref<12500x8x64xf32, #tpu.memory_space<hbm>> -> memref<1x1x64xf32, #tpu.memory_space<hbm>>
      %dma_start3A_646 = tpu.memref_squeeze %dma_start3A_645 : memref<1x1x64xf32, #tpu.memory_space<hbm>> -> memref<64xf32, #tpu.memory_space<hbm>>
      tpu.enqueue_dma source(%dma_start3A_646 : memref<64xf32, #tpu.memory_space<hbm>>) target(%dma_start3A_643 : memref<64xf32, #tpu.memory_space<vmem>>) target_semaphore(%arg16 : memref<!tpu.dma_semaphore, #tpu.memory_space<semaphore_mem>>)
      %shift_right_arithmetic3A_647 = arith.constant 3 : i32
      %shift_right_arithmetic3A_648 = arith.shrsi %add3A_630, %shift_right_arithmetic3A_647 : i32
      %and3A_649 = arith.constant 7 : i32
      %and3A_650 = arith.andi %add3A_630, %and3A_649 : i32
      %dma_start3A_651 = arith.constant 0 : i32
      %dma_start3A_652 = tpu.memref_slice %arg14[%shift_right_arithmetic3A_648, %and3A_650, %dma_start3A_651] : memref<16x8x64xf32, #tpu.memory_space<vmem>> -> memref<1x1x64xf32, #tpu.memory_space<vmem>>
      %dma_start3A_653 = tpu.memref_squeeze %dma_start3A_652 : memref<1x1x64xf32, #tpu.memory_space<vmem>> -> memref<64xf32, #tpu.memory_space<vmem>>
      %dma_start3A_654 = arith.constant 0 : i32
      %dma_start3A_655 = tpu.memref_slice %arg5[%shift_right_arithmetic3A_624, %and3A_626, %dma_start3A_654] : memref<12500x8x64xf32, #tpu.memory_space<hbm>> -> memref<1x1x64xf32, #tpu.memory_space<hbm>>
      %dma_start3A_656 = tpu.memref_squeeze %dma_start3A_655 : memref<1x1x64xf32, #tpu.memory_space<hbm>> -> memref<64xf32, #tpu.memory_space<hbm>>
      %dma_start3A_657 = arith.constant 0 : i32
      %dma_start3A_658 = tpu.memref_slice %arg14[%shift_right_arithmetic3A_648, %and3A_650, %dma_start3A_657] : memref<16x8x64xf32, #tpu.memory_space<vmem>> -> memref<1x1x64xf32, #tpu.memory_space<vmem>>
      %dma_start3A_659 = tpu.memref_squeeze %dma_start3A_658 : memref<1x1x64xf32, #tpu.memory_space<vmem>> -> memref<64xf32, #tpu.memory_space<vmem>>
      %dma_start3A_660 = arith.constant 0 : i32
      %dma_start3A_661 = tpu.memref_slice %arg5[%shift_right_arithmetic3A_624, %and3A_626, %dma_start3A_660] : memref<12500x8x64xf32, #tpu.memory_space<hbm>> -> memref<1x1x64xf32, #tpu.memory_space<hbm>>
      %dma_start3A_662 = tpu.memref_squeeze %dma_start3A_661 : memref<1x1x64xf32, #tpu.memory_space<hbm>> -> memref<64xf32, #tpu.memory_space<hbm>>
      tpu.enqueue_dma source(%dma_start3A_662 : memref<64xf32, #tpu.memory_space<hbm>>) target(%dma_start3A_659 : memref<64xf32, #tpu.memory_space<vmem>>) target_semaphore(%arg16 : memref<!tpu.dma_semaphore, #tpu.memory_space<semaphore_mem>>)
      %slice3A_663 = vector.extract_strided_slice %get3A_204 {offsets = [11], sizes = [1], strides = [1]} : vector<16xi32> to vector<1xi32>
      %squeeze3A_664 = vector.extract %slice3A_663[0] : i32 from vector<1xi32>
      %shift_right_arithmetic3A_665 = arith.constant 3 : i32
      %shift_right_arithmetic3A_666 = arith.shrsi %squeeze3A_664, %shift_right_arithmetic3A_665 : i32
      %and3A_667 = arith.constant 7 : i32
      %and3A_668 = arith.andi %squeeze3A_664, %and3A_667 : i32
      %mul3A_669 = arith.constant 16 : i32
      %mul3A_670 = arith.muli %add3A_198, %mul3A_669 : i32
      %add3A_671 = arith.constant 11 : i32
      %add3A_672 = arith.addi %mul3A_670, %add3A_671 : i32
      %shift_right_arithmetic3A_673 = arith.constant 3 : i32
      %shift_right_arithmetic3A_674 = arith.shrsi %add3A_672, %shift_right_arithmetic3A_673 : i32
      %and3A_675 = arith.constant 7 : i32
      %and3A_676 = arith.andi %add3A_672, %and3A_675 : i32
      %dma_start3A_677 = arith.constant 0 : i32
      %dma_start3A_678 = tpu.memref_slice %arg12[%shift_right_arithmetic3A_674, %and3A_676, %dma_start3A_677] : memref<16x8x64xf32, #tpu.memory_space<vmem>> -> memref<1x1x64xf32, #tpu.memory_space<vmem>>
      %dma_start3A_679 = tpu.memref_squeeze %dma_start3A_678 : memref<1x1x64xf32, #tpu.memory_space<vmem>> -> memref<64xf32, #tpu.memory_space<vmem>>
      %dma_start3A_680 = arith.constant 0 : i32
      %dma_start3A_681 = tpu.memref_slice %arg4[%shift_right_arithmetic3A_666, %and3A_668, %dma_start3A_680] : memref<12500x8x64xf32, #tpu.memory_space<hbm>> -> memref<1x1x64xf32, #tpu.memory_space<hbm>>
      %dma_start3A_682 = tpu.memref_squeeze %dma_start3A_681 : memref<1x1x64xf32, #tpu.memory_space<hbm>> -> memref<64xf32, #tpu.memory_space<hbm>>
      %dma_start3A_683 = arith.constant 0 : i32
      %dma_start3A_684 = tpu.memref_slice %arg12[%shift_right_arithmetic3A_674, %and3A_676, %dma_start3A_683] : memref<16x8x64xf32, #tpu.memory_space<vmem>> -> memref<1x1x64xf32, #tpu.memory_space<vmem>>
      %dma_start3A_685 = tpu.memref_squeeze %dma_start3A_684 : memref<1x1x64xf32, #tpu.memory_space<vmem>> -> memref<64xf32, #tpu.memory_space<vmem>>
      %dma_start3A_686 = arith.constant 0 : i32
      %dma_start3A_687 = tpu.memref_slice %arg4[%shift_right_arithmetic3A_666, %and3A_668, %dma_start3A_686] : memref<12500x8x64xf32, #tpu.memory_space<hbm>> -> memref<1x1x64xf32, #tpu.memory_space<hbm>>
      %dma_start3A_688 = tpu.memref_squeeze %dma_start3A_687 : memref<1x1x64xf32, #tpu.memory_space<hbm>> -> memref<64xf32, #tpu.memory_space<hbm>>
      tpu.enqueue_dma source(%dma_start3A_688 : memref<64xf32, #tpu.memory_space<hbm>>) target(%dma_start3A_685 : memref<64xf32, #tpu.memory_space<vmem>>) target_semaphore(%arg16 : memref<!tpu.dma_semaphore, #tpu.memory_space<semaphore_mem>>)
      %shift_right_arithmetic3A_689 = arith.constant 3 : i32
      %shift_right_arithmetic3A_690 = arith.shrsi %add3A_672, %shift_right_arithmetic3A_689 : i32
      %and3A_691 = arith.constant 7 : i32
      %and3A_692 = arith.andi %add3A_672, %and3A_691 : i32
      %dma_start3A_693 = arith.constant 0 : i32
      %dma_start3A_694 = tpu.memref_slice %arg14[%shift_right_arithmetic3A_690, %and3A_692, %dma_start3A_693] : memref<16x8x64xf32, #tpu.memory_space<vmem>> -> memref<1x1x64xf32, #tpu.memory_space<vmem>>
      %dma_start3A_695 = tpu.memref_squeeze %dma_start3A_694 : memref<1x1x64xf32, #tpu.memory_space<vmem>> -> memref<64xf32, #tpu.memory_space<vmem>>
      %dma_start3A_696 = arith.constant 0 : i32
      %dma_start3A_697 = tpu.memref_slice %arg5[%shift_right_arithmetic3A_666, %and3A_668, %dma_start3A_696] : memref<12500x8x64xf32, #tpu.memory_space<hbm>> -> memref<1x1x64xf32, #tpu.memory_space<hbm>>
      %dma_start3A_698 = tpu.memref_squeeze %dma_start3A_697 : memref<1x1x64xf32, #tpu.memory_space<hbm>> -> memref<64xf32, #tpu.memory_space<hbm>>
      %dma_start3A_699 = arith.constant 0 : i32
      %dma_start3A_700 = tpu.memref_slice %arg14[%shift_right_arithmetic3A_690, %and3A_692, %dma_start3A_699] : memref<16x8x64xf32, #tpu.memory_space<vmem>> -> memref<1x1x64xf32, #tpu.memory_space<vmem>>
      %dma_start3A_701 = tpu.memref_squeeze %dma_start3A_700 : memref<1x1x64xf32, #tpu.memory_space<vmem>> -> memref<64xf32, #tpu.memory_space<vmem>>
      %dma_start3A_702 = arith.constant 0 : i32
      %dma_start3A_703 = tpu.memref_slice %arg5[%shift_right_arithmetic3A_666, %and3A_668, %dma_start3A_702] : memref<12500x8x64xf32, #tpu.memory_space<hbm>> -> memref<1x1x64xf32, #tpu.memory_space<hbm>>
      %dma_start3A_704 = tpu.memref_squeeze %dma_start3A_703 : memref<1x1x64xf32, #tpu.memory_space<hbm>> -> memref<64xf32, #tpu.memory_space<hbm>>
      tpu.enqueue_dma source(%dma_start3A_704 : memref<64xf32, #tpu.memory_space<hbm>>) target(%dma_start3A_701 : memref<64xf32, #tpu.memory_space<vmem>>) target_semaphore(%arg16 : memref<!tpu.dma_semaphore, #tpu.memory_space<semaphore_mem>>)
      %slice3A_705 = vector.extract_strided_slice %get3A_204 {offsets = [12], sizes = [1], strides = [1]} : vector<16xi32> to vector<1xi32>
      %squeeze3A_706 = vector.extract %slice3A_705[0] : i32 from vector<1xi32>
      %shift_right_arithmetic3A_707 = arith.constant 3 : i32
      %shift_right_arithmetic3A_708 = arith.shrsi %squeeze3A_706, %shift_right_arithmetic3A_707 : i32
      %and3A_709 = arith.constant 7 : i32
      %and3A_710 = arith.andi %squeeze3A_706, %and3A_709 : i32
      %mul3A_711 = arith.constant 16 : i32
      %mul3A_712 = arith.muli %add3A_198, %mul3A_711 : i32
      %add3A_713 = arith.constant 12 : i32
      %add3A_714 = arith.addi %mul3A_712, %add3A_713 : i32
      %shift_right_arithmetic3A_715 = arith.constant 3 : i32
      %shift_right_arithmetic3A_716 = arith.shrsi %add3A_714, %shift_right_arithmetic3A_715 : i32
      %and3A_717 = arith.constant 7 : i32
      %and3A_718 = arith.andi %add3A_714, %and3A_717 : i32
      %dma_start3A_719 = arith.constant 0 : i32
      %dma_start3A_720 = tpu.memref_slice %arg12[%shift_right_arithmetic3A_716, %and3A_718, %dma_start3A_719] : memref<16x8x64xf32, #tpu.memory_space<vmem>> -> memref<1x1x64xf32, #tpu.memory_space<vmem>>
      %dma_start3A_721 = tpu.memref_squeeze %dma_start3A_720 : memref<1x1x64xf32, #tpu.memory_space<vmem>> -> memref<64xf32, #tpu.memory_space<vmem>>
      %dma_start3A_722 = arith.constant 0 : i32
      %dma_start3A_723 = tpu.memref_slice %arg4[%shift_right_arithmetic3A_708, %and3A_710, %dma_start3A_722] : memref<12500x8x64xf32, #tpu.memory_space<hbm>> -> memref<1x1x64xf32, #tpu.memory_space<hbm>>
      %dma_start3A_724 = tpu.memref_squeeze %dma_start3A_723 : memref<1x1x64xf32, #tpu.memory_space<hbm>> -> memref<64xf32, #tpu.memory_space<hbm>>
      %dma_start3A_725 = arith.constant 0 : i32
      %dma_start3A_726 = tpu.memref_slice %arg12[%shift_right_arithmetic3A_716, %and3A_718, %dma_start3A_725] : memref<16x8x64xf32, #tpu.memory_space<vmem>> -> memref<1x1x64xf32, #tpu.memory_space<vmem>>
      %dma_start3A_727 = tpu.memref_squeeze %dma_start3A_726 : memref<1x1x64xf32, #tpu.memory_space<vmem>> -> memref<64xf32, #tpu.memory_space<vmem>>
      %dma_start3A_728 = arith.constant 0 : i32
      %dma_start3A_729 = tpu.memref_slice %arg4[%shift_right_arithmetic3A_708, %and3A_710, %dma_start3A_728] : memref<12500x8x64xf32, #tpu.memory_space<hbm>> -> memref<1x1x64xf32, #tpu.memory_space<hbm>>
      %dma_start3A_730 = tpu.memref_squeeze %dma_start3A_729 : memref<1x1x64xf32, #tpu.memory_space<hbm>> -> memref<64xf32, #tpu.memory_space<hbm>>
      tpu.enqueue_dma source(%dma_start3A_730 : memref<64xf32, #tpu.memory_space<hbm>>) target(%dma_start3A_727 : memref<64xf32, #tpu.memory_space<vmem>>) target_semaphore(%arg16 : memref<!tpu.dma_semaphore, #tpu.memory_space<semaphore_mem>>)
      %shift_right_arithmetic3A_731 = arith.constant 3 : i32
      %shift_right_arithmetic3A_732 = arith.shrsi %add3A_714, %shift_right_arithmetic3A_731 : i32
      %and3A_733 = arith.constant 7 : i32
      %and3A_734 = arith.andi %add3A_714, %and3A_733 : i32
      %dma_start3A_735 = arith.constant 0 : i32
      %dma_start3A_736 = tpu.memref_slice %arg14[%shift_right_arithmetic3A_732, %and3A_734, %dma_start3A_735] : memref<16x8x64xf32, #tpu.memory_space<vmem>> -> memref<1x1x64xf32, #tpu.memory_space<vmem>>
      %dma_start3A_737 = tpu.memref_squeeze %dma_start3A_736 : memref<1x1x64xf32, #tpu.memory_space<vmem>> -> memref<64xf32, #tpu.memory_space<vmem>>
      %dma_start3A_738 = arith.constant 0 : i32
      %dma_start3A_739 = tpu.memref_slice %arg5[%shift_right_arithmetic3A_708, %and3A_710, %dma_start3A_738] : memref<12500x8x64xf32, #tpu.memory_space<hbm>> -> memref<1x1x64xf32, #tpu.memory_space<hbm>>
      %dma_start3A_740 = tpu.memref_squeeze %dma_start3A_739 : memref<1x1x64xf32, #tpu.memory_space<hbm>> -> memref<64xf32, #tpu.memory_space<hbm>>
      %dma_start3A_741 = arith.constant 0 : i32
      %dma_start3A_742 = tpu.memref_slice %arg14[%shift_right_arithmetic3A_732, %and3A_734, %dma_start3A_741] : memref<16x8x64xf32, #tpu.memory_space<vmem>> -> memref<1x1x64xf32, #tpu.memory_space<vmem>>
      %dma_start3A_743 = tpu.memref_squeeze %dma_start3A_742 : memref<1x1x64xf32, #tpu.memory_space<vmem>> -> memref<64xf32, #tpu.memory_space<vmem>>
      %dma_start3A_744 = arith.constant 0 : i32
      %dma_start3A_745 = tpu.memref_slice %arg5[%shift_right_arithmetic3A_708, %and3A_710, %dma_start3A_744] : memref<12500x8x64xf32, #tpu.memory_space<hbm>> -> memref<1x1x64xf32, #tpu.memory_space<hbm>>
      %dma_start3A_746 = tpu.memref_squeeze %dma_start3A_745 : memref<1x1x64xf32, #tpu.memory_space<hbm>> -> memref<64xf32, #tpu.memory_space<hbm>>
      tpu.enqueue_dma source(%dma_start3A_746 : memref<64xf32, #tpu.memory_space<hbm>>) target(%dma_start3A_743 : memref<64xf32, #tpu.memory_space<vmem>>) target_semaphore(%arg16 : memref<!tpu.dma_semaphore, #tpu.memory_space<semaphore_mem>>)
      %slice3A_747 = vector.extract_strided_slice %get3A_204 {offsets = [13], sizes = [1], strides = [1]} : vector<16xi32> to vector<1xi32>
      %squeeze3A_748 = vector.extract %slice3A_747[0] : i32 from vector<1xi32>
      %shift_right_arithmetic3A_749 = arith.constant 3 : i32
      %shift_right_arithmetic3A_750 = arith.shrsi %squeeze3A_748, %shift_right_arithmetic3A_749 : i32
      %and3A_751 = arith.constant 7 : i32
      %and3A_752 = arith.andi %squeeze3A_748, %and3A_751 : i32
      %mul3A_753 = arith.constant 16 : i32
      %mul3A_754 = arith.muli %add3A_198, %mul3A_753 : i32
      %add3A_755 = arith.constant 13 : i32
      %add3A_756 = arith.addi %mul3A_754, %add3A_755 : i32
      %shift_right_arithmetic3A_757 = arith.constant 3 : i32
      %shift_right_arithmetic3A_758 = arith.shrsi %add3A_756, %shift_right_arithmetic3A_757 : i32
      %and3A_759 = arith.constant 7 : i32
      %and3A_760 = arith.andi %add3A_756, %and3A_759 : i32
      %dma_start3A_761 = arith.constant 0 : i32
      %dma_start3A_762 = tpu.memref_slice %arg12[%shift_right_arithmetic3A_758, %and3A_760, %dma_start3A_761] : memref<16x8x64xf32, #tpu.memory_space<vmem>> -> memref<1x1x64xf32, #tpu.memory_space<vmem>>
      %dma_start3A_763 = tpu.memref_squeeze %dma_start3A_762 : memref<1x1x64xf32, #tpu.memory_space<vmem>> -> memref<64xf32, #tpu.memory_space<vmem>>
      %dma_start3A_764 = arith.constant 0 : i32
      %dma_start3A_765 = tpu.memref_slice %arg4[%shift_right_arithmetic3A_750, %and3A_752, %dma_start3A_764] : memref<12500x8x64xf32, #tpu.memory_space<hbm>> -> memref<1x1x64xf32, #tpu.memory_space<hbm>>
      %dma_start3A_766 = tpu.memref_squeeze %dma_start3A_765 : memref<1x1x64xf32, #tpu.memory_space<hbm>> -> memref<64xf32, #tpu.memory_space<hbm>>
      %dma_start3A_767 = arith.constant 0 : i32
      %dma_start3A_768 = tpu.memref_slice %arg12[%shift_right_arithmetic3A_758, %and3A_760, %dma_start3A_767] : memref<16x8x64xf32, #tpu.memory_space<vmem>> -> memref<1x1x64xf32, #tpu.memory_space<vmem>>
      %dma_start3A_769 = tpu.memref_squeeze %dma_start3A_768 : memref<1x1x64xf32, #tpu.memory_space<vmem>> -> memref<64xf32, #tpu.memory_space<vmem>>
      %dma_start3A_770 = arith.constant 0 : i32
      %dma_start3A_771 = tpu.memref_slice %arg4[%shift_right_arithmetic3A_750, %and3A_752, %dma_start3A_770] : memref<12500x8x64xf32, #tpu.memory_space<hbm>> -> memref<1x1x64xf32, #tpu.memory_space<hbm>>
      %dma_start3A_772 = tpu.memref_squeeze %dma_start3A_771 : memref<1x1x64xf32, #tpu.memory_space<hbm>> -> memref<64xf32, #tpu.memory_space<hbm>>
      tpu.enqueue_dma source(%dma_start3A_772 : memref<64xf32, #tpu.memory_space<hbm>>) target(%dma_start3A_769 : memref<64xf32, #tpu.memory_space<vmem>>) target_semaphore(%arg16 : memref<!tpu.dma_semaphore, #tpu.memory_space<semaphore_mem>>)
      %shift_right_arithmetic3A_773 = arith.constant 3 : i32
      %shift_right_arithmetic3A_774 = arith.shrsi %add3A_756, %shift_right_arithmetic3A_773 : i32
      %and3A_775 = arith.constant 7 : i32
      %and3A_776 = arith.andi %add3A_756, %and3A_775 : i32
      %dma_start3A_777 = arith.constant 0 : i32
      %dma_start3A_778 = tpu.memref_slice %arg14[%shift_right_arithmetic3A_774, %and3A_776, %dma_start3A_777] : memref<16x8x64xf32, #tpu.memory_space<vmem>> -> memref<1x1x64xf32, #tpu.memory_space<vmem>>
      %dma_start3A_779 = tpu.memref_squeeze %dma_start3A_778 : memref<1x1x64xf32, #tpu.memory_space<vmem>> -> memref<64xf32, #tpu.memory_space<vmem>>
      %dma_start3A_780 = arith.constant 0 : i32
      %dma_start3A_781 = tpu.memref_slice %arg5[%shift_right_arithmetic3A_750, %and3A_752, %dma_start3A_780] : memref<12500x8x64xf32, #tpu.memory_space<hbm>> -> memref<1x1x64xf32, #tpu.memory_space<hbm>>
      %dma_start3A_782 = tpu.memref_squeeze %dma_start3A_781 : memref<1x1x64xf32, #tpu.memory_space<hbm>> -> memref<64xf32, #tpu.memory_space<hbm>>
      %dma_start3A_783 = arith.constant 0 : i32
      %dma_start3A_784 = tpu.memref_slice %arg14[%shift_right_arithmetic3A_774, %and3A_776, %dma_start3A_783] : memref<16x8x64xf32, #tpu.memory_space<vmem>> -> memref<1x1x64xf32, #tpu.memory_space<vmem>>
      %dma_start3A_785 = tpu.memref_squeeze %dma_start3A_784 : memref<1x1x64xf32, #tpu.memory_space<vmem>> -> memref<64xf32, #tpu.memory_space<vmem>>
      %dma_start3A_786 = arith.constant 0 : i32
      %dma_start3A_787 = tpu.memref_slice %arg5[%shift_right_arithmetic3A_750, %and3A_752, %dma_start3A_786] : memref<12500x8x64xf32, #tpu.memory_space<hbm>> -> memref<1x1x64xf32, #tpu.memory_space<hbm>>
      %dma_start3A_788 = tpu.memref_squeeze %dma_start3A_787 : memref<1x1x64xf32, #tpu.memory_space<hbm>> -> memref<64xf32, #tpu.memory_space<hbm>>
      tpu.enqueue_dma source(%dma_start3A_788 : memref<64xf32, #tpu.memory_space<hbm>>) target(%dma_start3A_785 : memref<64xf32, #tpu.memory_space<vmem>>) target_semaphore(%arg16 : memref<!tpu.dma_semaphore, #tpu.memory_space<semaphore_mem>>)
      %slice3A_789 = vector.extract_strided_slice %get3A_204 {offsets = [14], sizes = [1], strides = [1]} : vector<16xi32> to vector<1xi32>
      %squeeze3A_790 = vector.extract %slice3A_789[0] : i32 from vector<1xi32>
      %shift_right_arithmetic3A_791 = arith.constant 3 : i32
      %shift_right_arithmetic3A_792 = arith.shrsi %squeeze3A_790, %shift_right_arithmetic3A_791 : i32
      %and3A_793 = arith.constant 7 : i32
      %and3A_794 = arith.andi %squeeze3A_790, %and3A_793 : i32
      %mul3A_795 = arith.constant 16 : i32
      %mul3A_796 = arith.muli %add3A_198, %mul3A_795 : i32
      %add3A_797 = arith.constant 14 : i32
      %add3A_798 = arith.addi %mul3A_796, %add3A_797 : i32
      %shift_right_arithmetic3A_799 = arith.constant 3 : i32
      %shift_right_arithmetic3A_800 = arith.shrsi %add3A_798, %shift_right_arithmetic3A_799 : i32
      %and3A_801 = arith.constant 7 : i32
      %and3A_802 = arith.andi %add3A_798, %and3A_801 : i32
      %dma_start3A_803 = arith.constant 0 : i32
      %dma_start3A_804 = tpu.memref_slice %arg12[%shift_right_arithmetic3A_800, %and3A_802, %dma_start3A_803] : memref<16x8x64xf32, #tpu.memory_space<vmem>> -> memref<1x1x64xf32, #tpu.memory_space<vmem>>
      %dma_start3A_805 = tpu.memref_squeeze %dma_start3A_804 : memref<1x1x64xf32, #tpu.memory_space<vmem>> -> memref<64xf32, #tpu.memory_space<vmem>>
      %dma_start3A_806 = arith.constant 0 : i32
      %dma_start3A_807 = tpu.memref_slice %arg4[%shift_right_arithmetic3A_792, %and3A_794, %dma_start3A_806] : memref<12500x8x64xf32, #tpu.memory_space<hbm>> -> memref<1x1x64xf32, #tpu.memory_space<hbm>>
      %dma_start3A_808 = tpu.memref_squeeze %dma_start3A_807 : memref<1x1x64xf32, #tpu.memory_space<hbm>> -> memref<64xf32, #tpu.memory_space<hbm>>
      %dma_start3A_809 = arith.constant 0 : i32
      %dma_start3A_810 = tpu.memref_slice %arg12[%shift_right_arithmetic3A_800, %and3A_802, %dma_start3A_809] : memref<16x8x64xf32, #tpu.memory_space<vmem>> -> memref<1x1x64xf32, #tpu.memory_space<vmem>>
      %dma_start3A_811 = tpu.memref_squeeze %dma_start3A_810 : memref<1x1x64xf32, #tpu.memory_space<vmem>> -> memref<64xf32, #tpu.memory_space<vmem>>
      %dma_start3A_812 = arith.constant 0 : i32
      %dma_start3A_813 = tpu.memref_slice %arg4[%shift_right_arithmetic3A_792, %and3A_794, %dma_start3A_812] : memref<12500x8x64xf32, #tpu.memory_space<hbm>> -> memref<1x1x64xf32, #tpu.memory_space<hbm>>
      %dma_start3A_814 = tpu.memref_squeeze %dma_start3A_813 : memref<1x1x64xf32, #tpu.memory_space<hbm>> -> memref<64xf32, #tpu.memory_space<hbm>>
      tpu.enqueue_dma source(%dma_start3A_814 : memref<64xf32, #tpu.memory_space<hbm>>) target(%dma_start3A_811 : memref<64xf32, #tpu.memory_space<vmem>>) target_semaphore(%arg16 : memref<!tpu.dma_semaphore, #tpu.memory_space<semaphore_mem>>)
      %shift_right_arithmetic3A_815 = arith.constant 3 : i32
      %shift_right_arithmetic3A_816 = arith.shrsi %add3A_798, %shift_right_arithmetic3A_815 : i32
      %and3A_817 = arith.constant 7 : i32
      %and3A_818 = arith.andi %add3A_798, %and3A_817 : i32
      %dma_start3A_819 = arith.constant 0 : i32
      %dma_start3A_820 = tpu.memref_slice %arg14[%shift_right_arithmetic3A_816, %and3A_818, %dma_start3A_819] : memref<16x8x64xf32, #tpu.memory_space<vmem>> -> memref<1x1x64xf32, #tpu.memory_space<vmem>>
      %dma_start3A_821 = tpu.memref_squeeze %dma_start3A_820 : memref<1x1x64xf32, #tpu.memory_space<vmem>> -> memref<64xf32, #tpu.memory_space<vmem>>
      %dma_start3A_822 = arith.constant 0 : i32
      %dma_start3A_823 = tpu.memref_slice %arg5[%shift_right_arithmetic3A_792, %and3A_794, %dma_start3A_822] : memref<12500x8x64xf32, #tpu.memory_space<hbm>> -> memref<1x1x64xf32, #tpu.memory_space<hbm>>
      %dma_start3A_824 = tpu.memref_squeeze %dma_start3A_823 : memref<1x1x64xf32, #tpu.memory_space<hbm>> -> memref<64xf32, #tpu.memory_space<hbm>>
      %dma_start3A_825 = arith.constant 0 : i32
      %dma_start3A_826 = tpu.memref_slice %arg14[%shift_right_arithmetic3A_816, %and3A_818, %dma_start3A_825] : memref<16x8x64xf32, #tpu.memory_space<vmem>> -> memref<1x1x64xf32, #tpu.memory_space<vmem>>
      %dma_start3A_827 = tpu.memref_squeeze %dma_start3A_826 : memref<1x1x64xf32, #tpu.memory_space<vmem>> -> memref<64xf32, #tpu.memory_space<vmem>>
      %dma_start3A_828 = arith.constant 0 : i32
      %dma_start3A_829 = tpu.memref_slice %arg5[%shift_right_arithmetic3A_792, %and3A_794, %dma_start3A_828] : memref<12500x8x64xf32, #tpu.memory_space<hbm>> -> memref<1x1x64xf32, #tpu.memory_space<hbm>>
      %dma_start3A_830 = tpu.memref_squeeze %dma_start3A_829 : memref<1x1x64xf32, #tpu.memory_space<hbm>> -> memref<64xf32, #tpu.memory_space<hbm>>
      tpu.enqueue_dma source(%dma_start3A_830 : memref<64xf32, #tpu.memory_space<hbm>>) target(%dma_start3A_827 : memref<64xf32, #tpu.memory_space<vmem>>) target_semaphore(%arg16 : memref<!tpu.dma_semaphore, #tpu.memory_space<semaphore_mem>>)
      %slice3A_831 = vector.extract_strided_slice %get3A_204 {offsets = [15], sizes = [1], strides = [1]} : vector<16xi32> to vector<1xi32>
      %squeeze3A_832 = vector.extract %slice3A_831[0] : i32 from vector<1xi32>
      %shift_right_arithmetic3A_833 = arith.constant 3 : i32
      %shift_right_arithmetic3A_834 = arith.shrsi %squeeze3A_832, %shift_right_arithmetic3A_833 : i32
      %and3A_835 = arith.constant 7 : i32
      %and3A_836 = arith.andi %squeeze3A_832, %and3A_835 : i32
      %mul3A_837 = arith.constant 16 : i32
      %mul3A_838 = arith.muli %add3A_198, %mul3A_837 : i32
      %add3A_839 = arith.constant 15 : i32
      %add3A_840 = arith.addi %mul3A_838, %add3A_839 : i32
      %shift_right_arithmetic3A_841 = arith.constant 3 : i32
      %shift_right_arithmetic3A_842 = arith.shrsi %add3A_840, %shift_right_arithmetic3A_841 : i32
      %and3A_843 = arith.constant 7 : i32
      %and3A_844 = arith.andi %add3A_840, %and3A_843 : i32
      %dma_start3A_845 = arith.constant 0 : i32
      %dma_start3A_846 = tpu.memref_slice %arg12[%shift_right_arithmetic3A_842, %and3A_844, %dma_start3A_845] : memref<16x8x64xf32, #tpu.memory_space<vmem>> -> memref<1x1x64xf32, #tpu.memory_space<vmem>>
      %dma_start3A_847 = tpu.memref_squeeze %dma_start3A_846 : memref<1x1x64xf32, #tpu.memory_space<vmem>> -> memref<64xf32, #tpu.memory_space<vmem>>
      %dma_start3A_848 = arith.constant 0 : i32
      %dma_start3A_849 = tpu.memref_slice %arg4[%shift_right_arithmetic3A_834, %and3A_836, %dma_start3A_848] : memref<12500x8x64xf32, #tpu.memory_space<hbm>> -> memref<1x1x64xf32, #tpu.memory_space<hbm>>
      %dma_start3A_850 = tpu.memref_squeeze %dma_start3A_849 : memref<1x1x64xf32, #tpu.memory_space<hbm>> -> memref<64xf32, #tpu.memory_space<hbm>>
      %dma_start3A_851 = arith.constant 0 : i32
      %dma_start3A_852 = tpu.memref_slice %arg12[%shift_right_arithmetic3A_842, %and3A_844, %dma_start3A_851] : memref<16x8x64xf32, #tpu.memory_space<vmem>> -> memref<1x1x64xf32, #tpu.memory_space<vmem>>
      %dma_start3A_853 = tpu.memref_squeeze %dma_start3A_852 : memref<1x1x64xf32, #tpu.memory_space<vmem>> -> memref<64xf32, #tpu.memory_space<vmem>>
      %dma_start3A_854 = arith.constant 0 : i32
      %dma_start3A_855 = tpu.memref_slice %arg4[%shift_right_arithmetic3A_834, %and3A_836, %dma_start3A_854] : memref<12500x8x64xf32, #tpu.memory_space<hbm>> -> memref<1x1x64xf32, #tpu.memory_space<hbm>>
      %dma_start3A_856 = tpu.memref_squeeze %dma_start3A_855 : memref<1x1x64xf32, #tpu.memory_space<hbm>> -> memref<64xf32, #tpu.memory_space<hbm>>
      tpu.enqueue_dma source(%dma_start3A_856 : memref<64xf32, #tpu.memory_space<hbm>>) target(%dma_start3A_853 : memref<64xf32, #tpu.memory_space<vmem>>) target_semaphore(%arg16 : memref<!tpu.dma_semaphore, #tpu.memory_space<semaphore_mem>>)
      %shift_right_arithmetic3A_857 = arith.constant 3 : i32
      %shift_right_arithmetic3A_858 = arith.shrsi %add3A_840, %shift_right_arithmetic3A_857 : i32
      %and3A_859 = arith.constant 7 : i32
      %and3A_860 = arith.andi %add3A_840, %and3A_859 : i32
      %dma_start3A_861 = arith.constant 0 : i32
      %dma_start3A_862 = tpu.memref_slice %arg14[%shift_right_arithmetic3A_858, %and3A_860, %dma_start3A_861] : memref<16x8x64xf32, #tpu.memory_space<vmem>> -> memref<1x1x64xf32, #tpu.memory_space<vmem>>
      %dma_start3A_863 = tpu.memref_squeeze %dma_start3A_862 : memref<1x1x64xf32, #tpu.memory_space<vmem>> -> memref<64xf32, #tpu.memory_space<vmem>>
      %dma_start3A_864 = arith.constant 0 : i32
      %dma_start3A_865 = tpu.memref_slice %arg5[%shift_right_arithmetic3A_834, %and3A_836, %dma_start3A_864] : memref<12500x8x64xf32, #tpu.memory_space<hbm>> -> memref<1x1x64xf32, #tpu.memory_space<hbm>>
      %dma_start3A_866 = tpu.memref_squeeze %dma_start3A_865 : memref<1x1x64xf32, #tpu.memory_space<hbm>> -> memref<64xf32, #tpu.memory_space<hbm>>
      %dma_start3A_867 = arith.constant 0 : i32
      %dma_start3A_868 = tpu.memref_slice %arg14[%shift_right_arithmetic3A_858, %and3A_860, %dma_start3A_867] : memref<16x8x64xf32, #tpu.memory_space<vmem>> -> memref<1x1x64xf32, #tpu.memory_space<vmem>>
      %dma_start3A_869 = tpu.memref_squeeze %dma_start3A_868 : memref<1x1x64xf32, #tpu.memory_space<vmem>> -> memref<64xf32, #tpu.memory_space<vmem>>
      %dma_start3A_870 = arith.constant 0 : i32
      %dma_start3A_871 = tpu.memref_slice %arg5[%shift_right_arithmetic3A_834, %and3A_836, %dma_start3A_870] : memref<12500x8x64xf32, #tpu.memory_space<hbm>> -> memref<1x1x64xf32, #tpu.memory_space<hbm>>
      %dma_start3A_872 = tpu.memref_squeeze %dma_start3A_871 : memref<1x1x64xf32, #tpu.memory_space<hbm>> -> memref<64xf32, #tpu.memory_space<hbm>>
      tpu.enqueue_dma source(%dma_start3A_872 : memref<64xf32, #tpu.memory_space<hbm>>) target(%dma_start3A_869 : memref<64xf32, #tpu.memory_space<vmem>>) target_semaphore(%arg16 : memref<!tpu.dma_semaphore, #tpu.memory_space<semaphore_mem>>)
    }
    %scan3A_115 = arith.constant 8 : i32
    %dma_wait3A_116 = arith.constant 0 : i32
    %dma_wait3A_117 = arith.constant 0 : i32
    %dma_wait3A_118 = arith.constant 0 : i32
    %dma_wait3A_119 = tpu.memref_slice %arg4[%dma_wait3A_116, %dma_wait3A_117, %dma_wait3A_118] : memref<12500x8x64xf32, #tpu.memory_space<hbm>> -> memref<16x8x64xf32, #tpu.memory_space<hbm>>
    %dma_wait3A_120 = arith.constant 0 : i32
    %dma_wait3A_121 = arith.constant 0 : i32
    %dma_wait3A_122 = arith.constant 0 : i32
    %dma_wait3A_123 = tpu.memref_slice %arg4[%dma_wait3A_120, %dma_wait3A_121, %dma_wait3A_122] : memref<12500x8x64xf32, #tpu.memory_space<hbm>> -> memref<16x8x64xf32, #tpu.memory_space<hbm>>
    tpu.wait_dma2 semaphore(%arg15 : memref<!tpu.dma_semaphore, #tpu.memory_space<semaphore_mem>>) src(%dma_wait3A_123 : memref<16x8x64xf32, #tpu.memory_space<hbm>>) dst(%arg11 : memref<16x8x64xf32, #tpu.memory_space<vmem>>)
    %dma_wait3A_124 = arith.constant 0 : i32
    %dma_wait3A_125 = arith.constant 0 : i32
    %dma_wait3A_126 = arith.constant 0 : i32
    %dma_wait3A_127 = tpu.memref_slice %arg4[%dma_wait3A_124, %dma_wait3A_125, %dma_wait3A_126] : memref<12500x8x64xf32, #tpu.memory_space<hbm>> -> memref<16x8x64xf32, #tpu.memory_space<hbm>>
    %dma_wait3A_128 = arith.constant 0 : i32
    %dma_wait3A_129 = arith.constant 0 : i32
    %dma_wait3A_130 = arith.constant 0 : i32
    %dma_wait3A_131 = tpu.memref_slice %arg4[%dma_wait3A_128, %dma_wait3A_129, %dma_wait3A_130] : memref<12500x8x64xf32, #tpu.memory_space<hbm>> -> memref<16x8x64xf32, #tpu.memory_space<hbm>>
    tpu.wait_dma2 semaphore(%arg15 : memref<!tpu.dma_semaphore, #tpu.memory_space<semaphore_mem>>) src(%dma_wait3A_131 : memref<16x8x64xf32, #tpu.memory_space<hbm>>) dst(%arg13 : memref<16x8x64xf32, #tpu.memory_space<vmem>>)
    %dma_wait3A_132 = arith.constant 0 : i32
    %dma_wait3A_133 = arith.constant 0 : i32
    %dma_wait3A_134 = tpu.memref_slice %arg2[%dma_wait3A_132, %dma_wait3A_133] : memref<16384x128xf32, #tpu.memory_space<hbm>> -> memref<128x128xf32, #tpu.memory_space<hbm>>
    %dma_wait3A_135 = arith.constant 0 : i32
    %dma_wait3A_136 = arith.constant 0 : i32
    %dma_wait3A_137 = tpu.memref_slice %arg2[%dma_wait3A_135, %dma_wait3A_136] : memref<16384x128xf32, #tpu.memory_space<hbm>> -> memref<128x128xf32, #tpu.memory_space<hbm>>
    tpu.wait_dma2 semaphore(%arg15 : memref<!tpu.dma_semaphore, #tpu.memory_space<semaphore_mem>>) src(%dma_wait3A_137 : memref<128x128xf32, #tpu.memory_space<hbm>>) dst(%arg10 : memref<128x128xf32, #tpu.memory_space<vmem>>)
    %add3A_138 = arith.constant 256 : i32
    %add3A_139 = arith.addi %mul3A_2, %add3A_138 : i32
    %scan3A_140 = arith.constant 0 : i32
    %scan3A_141 = arith.constant 128 : i32
    %scan3A_142 = arith.addi %scan3A_140, %scan3A_141 : i32
    %scan3A_143 = arith.constant 1 : i32
    scf.for %scan3A_194 = %scan3A_140 to %scan3A_142 step %scan3A_143  : i32 {
      %mul3A_195 = arith.constant 1 : i32
      %mul3A_196 = arith.muli %scan3A_194, %mul3A_195 : i32
      %add3A_197 = arith.constant 0 : i32
      %add3A_198 = arith.addi %add3A_197, %mul3A_196 : i32
      %get3A = arith.index_cast %add3A_198 : i32 to index
      %get3A_199 = arith.constant 0 : index
      %get3A_200 = tpu.vector_load %arg10[%get3A, %get3A_199] {strides = array<i32>} : memref<128x128xf32, #tpu.memory_space<vmem>>, vector<1x16xf32>,
      %get3A_201 = vector.shape_cast %get3A_200 : vector<1x16xf32> to vector<16xf32>
      %get3A_202 = arith.index_cast %add3A_198 : i32 to index
      %get3A_203 = arith.constant 64 : index
      %get3A_204 = tpu.vector_load %arg10[%get3A_202, %get3A_203] {strides = array<i32>} : memref<128x128xf32, #tpu.memory_space<vmem>>, vector<1x16xf32>,
      %get3A_205 = vector.shape_cast %get3A_204 : vector<1x16xf32> to vector<16xf32>
      %shift_right_arithmetic3A = arith.constant 3 : i32
      %shift_right_arithmetic3A_206 = arith.shrsi %add3A_198, %shift_right_arithmetic3A : i32
      %and3A = arith.constant 7 : i32
      %and3A_207 = arith.andi %add3A_198, %and3A : i32
      %get3A_208 = arith.index_cast %shift_right_arithmetic3A_206 : i32 to index
      %get3A_209 = arith.index_cast %and3A_207 : i32 to index
      %get3A_210 = arith.constant 0 : index
      %get3A_211 = tpu.vector_load %arg11[%get3A_208, %get3A_209, %get3A_210] {strides = array<i32>} : memref<16x8x64xf32, #tpu.memory_space<vmem>>, vector<1x1x16xf32>,
      %get3A_212 = vector.shape_cast %get3A_211 : vector<1x1x16xf32> to vector<16xf32>
      %shift_right_arithmetic3A_213 = arith.constant 3 : i32
      %shift_right_arithmetic3A_214 = arith.shrsi %add3A_198, %shift_right_arithmetic3A_213 : i32
      %and3A_215 = arith.constant 7 : i32
      %and3A_216 = arith.andi %add3A_198, %and3A_215 : i32
      %get3A_217 = arith.index_cast %shift_right_arithmetic3A_214 : i32 to index
      %get3A_218 = arith.index_cast %and3A_216 : i32 to index
      %get3A_219 = arith.constant 0 : index
      %get3A_220 = tpu.vector_load %arg13[%get3A_217, %get3A_218, %get3A_219] {strides = array<i32>} : memref<16x8x64xf32, #tpu.memory_space<vmem>>, vector<1x1x16xf32>,
      %get3A_221 = vector.shape_cast %get3A_220 : vector<1x1x16xf32> to vector<16xf32>
      %mul3A_222 = arith.mulf %get3A_201, %get3A_212 : vector<16xf32>
      %mul3A_223 = arith.mulf %get3A_205, %get3A_221 : vector<16xf32>
      %sub3A = arith.subf %mul3A_222, %mul3A_223 : vector<16xf32>
      %swap3A = arith.index_cast %add3A_198 : i32 to index
      %swap3A_224 = arith.constant 0 : index
      %swap3A_225 = tpu.vector_load %arg10[%swap3A, %swap3A_224] {strides = array<i32>} : memref<128x128xf32, #tpu.memory_space<vmem>>, vector<1x16xf32>,
      %swap3A_226 = vector.shape_cast %swap3A_225 : vector<1x16xf32> to vector<16xf32>
      %swap3A_227 = vector.shape_cast %sub3A : vector<16xf32> to vector<1x16xf32>
      tpu.vector_store %arg10[%swap3A, %swap3A_224], %swap3A_227 {strides = array<i32>} : memref<128x128xf32, #tpu.memory_space<vmem>>, vector<1x16xf32>,
      %mul3A_228 = arith.mulf %get3A_201, %get3A_221 : vector<16xf32>
      %mul3A_229 = arith.mulf %get3A_205, %get3A_212 : vector<16xf32>
      %add3A_230 = arith.addf %mul3A_228, %mul3A_229 : vector<16xf32>
      %swap3A_231 = arith.index_cast %add3A_198 : i32 to index
      %swap3A_232 = arith.constant 64 : index
      %swap3A_233 = tpu.vector_load %arg10[%swap3A_231, %swap3A_232] {strides = array<i32>} : memref<128x128xf32, #tpu.memory_space<vmem>>, vector<1x16xf32>,
      %swap3A_234 = vector.shape_cast %swap3A_233 : vector<1x16xf32> to vector<16xf32>
      %swap3A_235 = vector.shape_cast %add3A_230 : vector<16xf32> to vector<1x16xf32>
      tpu.vector_store %arg10[%swap3A_231, %swap3A_232], %swap3A_235 {strides = array<i32>} : memref<128x128xf32, #tpu.memory_space<vmem>>, vector<1x16xf32>,
      %get3A_236 = arith.index_cast %add3A_198 : i32 to index
      %get3A_237 = arith.constant 16 : index
      %get3A_238 = tpu.vector_load %arg10[%get3A_236, %get3A_237] {strides = array<i32>} : memref<128x128xf32, #tpu.memory_space<vmem>>, vector<1x16xf32>,
      %get3A_239 = vector.shape_cast %get3A_238 : vector<1x16xf32> to vector<16xf32>
      %get3A_240 = arith.index_cast %add3A_198 : i32 to index
      %get3A_241 = arith.constant 80 : index
      %get3A_242 = tpu.vector_load %arg10[%get3A_240, %get3A_241] {strides = array<i32>} : memref<128x128xf32, #tpu.memory_space<vmem>>, vector<1x16xf32>,
      %get3A_243 = vector.shape_cast %get3A_242 : vector<1x16xf32> to vector<16xf32>
      %shift_right_arithmetic3A_244 = arith.constant 3 : i32
      %shift_right_arithmetic3A_245 = arith.shrsi %add3A_198, %shift_right_arithmetic3A_244 : i32
      %and3A_246 = arith.constant 7 : i32
      %and3A_247 = arith.andi %add3A_198, %and3A_246 : i32
      %get3A_248 = arith.index_cast %shift_right_arithmetic3A_245 : i32 to index
      %get3A_249 = arith.index_cast %and3A_247 : i32 to index
      %get3A_250 = arith.constant 16 : index
      %get3A_251 = tpu.vector_load %arg11[%get3A_248, %get3A_249, %get3A_250] {strides = array<i32>} : memref<16x8x64xf32, #tpu.memory_space<vmem>>, vector<1x1x16xf32>,
      %get3A_252 = vector.shape_cast %get3A_251 : vector<1x1x16xf32> to vector<16xf32>
      %shift_right_arithmetic3A_253 = arith.constant 3 : i32
      %shift_right_arithmetic3A_254 = arith.shrsi %add3A_198, %shift_right_arithmetic3A_253 : i32
      %and3A_255 = arith.constant 7 : i32
      %and3A_256 = arith.andi %add3A_198, %and3A_255 : i32
      %get3A_257 = arith.index_cast %shift_right_arithmetic3A_254 : i32 to index
      %get3A_258 = arith.index_cast %and3A_256 : i32 to index
      %get3A_259 = arith.constant 16 : index
      %get3A_260 = tpu.vector_load %arg13[%get3A_257, %get3A_258, %get3A_259] {strides = array<i32>} : memref<16x8x64xf32, #tpu.memory_space<vmem>>, vector<1x1x16xf32>,
      %get3A_261 = vector.shape_cast %get3A_260 : vector<1x1x16xf32> to vector<16xf32>
      %mul3A_262 = arith.mulf %get3A_239, %get3A_252 : vector<16xf32>
      %mul3A_263 = arith.mulf %get3A_243, %get3A_261 : vector<16xf32>
      %sub3A_264 = arith.subf %mul3A_262, %mul3A_263 : vector<16xf32>
      %swap3A_265 = arith.index_cast %add3A_198 : i32 to index
      %swap3A_266 = arith.constant 16 : index
      %swap3A_267 = tpu.vector_load %arg10[%swap3A_265, %swap3A_266] {strides = array<i32>} : memref<128x128xf32, #tpu.memory_space<vmem>>, vector<1x16xf32>,
      %swap3A_268 = vector.shape_cast %swap3A_267 : vector<1x16xf32> to vector<16xf32>
      %swap3A_269 = vector.shape_cast %sub3A_264 : vector<16xf32> to vector<1x16xf32>
      tpu.vector_store %arg10[%swap3A_265, %swap3A_266], %swap3A_269 {strides = array<i32>} : memref<128x128xf32, #tpu.memory_space<vmem>>, vector<1x16xf32>,
      %mul3A_270 = arith.mulf %get3A_239, %get3A_261 : vector<16xf32>
      %mul3A_271 = arith.mulf %get3A_243, %get3A_252 : vector<16xf32>
      %add3A_272 = arith.addf %mul3A_270, %mul3A_271 : vector<16xf32>
      %swap3A_273 = arith.index_cast %add3A_198 : i32 to index
      %swap3A_274 = arith.constant 80 : index
      %swap3A_275 = tpu.vector_load %arg10[%swap3A_273, %swap3A_274] {strides = array<i32>} : memref<128x128xf32, #tpu.memory_space<vmem>>, vector<1x16xf32>,
      %swap3A_276 = vector.shape_cast %swap3A_275 : vector<1x16xf32> to vector<16xf32>
      %swap3A_277 = vector.shape_cast %add3A_272 : vector<16xf32> to vector<1x16xf32>
      tpu.vector_store %arg10[%swap3A_273, %swap3A_274], %swap3A_277 {strides = array<i32>} : memref<128x128xf32, #tpu.memory_space<vmem>>, vector<1x16xf32>,
      %get3A_278 = arith.index_cast %add3A_198 : i32 to index
      %get3A_279 = arith.constant 32 : index
      %get3A_280 = tpu.vector_load %arg10[%get3A_278, %get3A_279] {strides = array<i32>} : memref<128x128xf32, #tpu.memory_space<vmem>>, vector<1x16xf32>,
      %get3A_281 = vector.shape_cast %get3A_280 : vector<1x16xf32> to vector<16xf32>
      %get3A_282 = arith.index_cast %add3A_198 : i32 to index
      %get3A_283 = arith.constant 96 : index
      %get3A_284 = tpu.vector_load %arg10[%get3A_282, %get3A_283] {strides = array<i32>} : memref<128x128xf32, #tpu.memory_space<vmem>>, vector<1x16xf32>,
      %get3A_285 = vector.shape_cast %get3A_284 : vector<1x16xf32> to vector<16xf32>
      %shift_right_arithmetic3A_286 = arith.constant 3 : i32
      %shift_right_arithmetic3A_287 = arith.shrsi %add3A_198, %shift_right_arithmetic3A_286 : i32
      %and3A_288 = arith.constant 7 : i32
      %and3A_289 = arith.andi %add3A_198, %and3A_288 : i32
      %get3A_290 = arith.index_cast %shift_right_arithmetic3A_287 : i32 to index
      %get3A_291 = arith.index_cast %and3A_289 : i32 to index
      %get3A_292 = arith.constant 32 : index
      %get3A_293 = tpu.vector_load %arg11[%get3A_290, %get3A_291, %get3A_292] {strides = array<i32>} : memref<16x8x64xf32, #tpu.memory_space<vmem>>, vector<1x1x16xf32>,
      %get3A_294 = vector.shape_cast %get3A_293 : vector<1x1x16xf32> to vector<16xf32>
      %shift_right_arithmetic3A_295 = arith.constant 3 : i32
      %shift_right_arithmetic3A_296 = arith.shrsi %add3A_198, %shift_right_arithmetic3A_295 : i32
      %and3A_297 = arith.constant 7 : i32
      %and3A_298 = arith.andi %add3A_198, %and3A_297 : i32
      %get3A_299 = arith.index_cast %shift_right_arithmetic3A_296 : i32 to index
      %get3A_300 = arith.index_cast %and3A_298 : i32 to index
      %get3A_301 = arith.constant 32 : index
      %get3A_302 = tpu.vector_load %arg13[%get3A_299, %get3A_300, %get3A_301] {strides = array<i32>} : memref<16x8x64xf32, #tpu.memory_space<vmem>>, vector<1x1x16xf32>,
      %get3A_303 = vector.shape_cast %get3A_302 : vector<1x1x16xf32> to vector<16xf32>
      %mul3A_304 = arith.mulf %get3A_281, %get3A_294 : vector<16xf32>
      %mul3A_305 = arith.mulf %get3A_285, %get3A_303 : vector<16xf32>
      %sub3A_306 = arith.subf %mul3A_304, %mul3A_305 : vector<16xf32>
      %swap3A_307 = arith.index_cast %add3A_198 : i32 to index
      %swap3A_308 = arith.constant 32 : index
      %swap3A_309 = tpu.vector_load %arg10[%swap3A_307, %swap3A_308] {strides = array<i32>} : memref<128x128xf32, #tpu.memory_space<vmem>>, vector<1x16xf32>,
      %swap3A_310 = vector.shape_cast %swap3A_309 : vector<1x16xf32> to vector<16xf32>
      %swap3A_311 = vector.shape_cast %sub3A_306 : vector<16xf32> to vector<1x16xf32>
      tpu.vector_store %arg10[%swap3A_307, %swap3A_308], %swap3A_311 {strides = array<i32>} : memref<128x128xf32, #tpu.memory_space<vmem>>, vector<1x16xf32>,
      %mul3A_312 = arith.mulf %get3A_281, %get3A_303 : vector<16xf32>
      %mul3A_313 = arith.mulf %get3A_285, %get3A_294 : vector<16xf32>
      %add3A_314 = arith.addf %mul3A_312, %mul3A_313 : vector<16xf32>
      %swap3A_315 = arith.index_cast %add3A_198 : i32 to index
      %swap3A_316 = arith.constant 96 : index
      %swap3A_317 = tpu.vector_load %arg10[%swap3A_315, %swap3A_316] {strides = array<i32>} : memref<128x128xf32, #tpu.memory_space<vmem>>, vector<1x16xf32>,
      %swap3A_318 = vector.shape_cast %swap3A_317 : vector<1x16xf32> to vector<16xf32>
      %swap3A_319 = vector.shape_cast %add3A_314 : vector<16xf32> to vector<1x16xf32>
      tpu.vector_store %arg10[%swap3A_315, %swap3A_316], %swap3A_319 {strides = array<i32>} : memref<128x128xf32, #tpu.memory_space<vmem>>, vector<1x16xf32>,
      %get3A_320 = arith.index_cast %add3A_198 : i32 to index
      %get3A_321 = arith.constant 48 : index
      %get3A_322 = tpu.vector_load %arg10[%get3A_320, %get3A_321] {strides = array<i32>} : memref<128x128xf32, #tpu.memory_space<vmem>>, vector<1x16xf32>,
      %get3A_323 = vector.shape_cast %get3A_322 : vector<1x16xf32> to vector<16xf32>
      %get3A_324 = arith.index_cast %add3A_198 : i32 to index
      %get3A_325 = arith.constant 112 : index
      %get3A_326 = tpu.vector_load %arg10[%get3A_324, %get3A_325] {strides = array<i32>} : memref<128x128xf32, #tpu.memory_space<vmem>>, vector<1x16xf32>,
      %get3A_327 = vector.shape_cast %get3A_326 : vector<1x16xf32> to vector<16xf32>
      %shift_right_arithmetic3A_328 = arith.constant 3 : i32
      %shift_right_arithmetic3A_329 = arith.shrsi %add3A_198, %shift_right_arithmetic3A_328 : i32
      %and3A_330 = arith.constant 7 : i32
      %and3A_331 = arith.andi %add3A_198, %and3A_330 : i32
      %get3A_332 = arith.index_cast %shift_right_arithmetic3A_329 : i32 to index
      %get3A_333 = arith.index_cast %and3A_331 : i32 to index
      %get3A_334 = arith.constant 48 : index
      %get3A_335 = tpu.vector_load %arg11[%get3A_332, %get3A_333, %get3A_334] {strides = array<i32>} : memref<16x8x64xf32, #tpu.memory_space<vmem>>, vector<1x1x16xf32>,
      %get3A_336 = vector.shape_cast %get3A_335 : vector<1x1x16xf32> to vector<16xf32>
      %shift_right_arithmetic3A_337 = arith.constant 3 : i32
      %shift_right_arithmetic3A_338 = arith.shrsi %add3A_198, %shift_right_arithmetic3A_337 : i32
      %and3A_339 = arith.constant 7 : i32
      %and3A_340 = arith.andi %add3A_198, %and3A_339 : i32
      %get3A_341 = arith.index_cast %shift_right_arithmetic3A_338 : i32 to index
      %get3A_342 = arith.index_cast %and3A_340 : i32 to index
      %get3A_343 = arith.constant 48 : index
      %get3A_344 = tpu.vector_load %arg13[%get3A_341, %get3A_342, %get3A_343] {strides = array<i32>} : memref<16x8x64xf32, #tpu.memory_space<vmem>>, vector<1x1x16xf32>,
      %get3A_345 = vector.shape_cast %get3A_344 : vector<1x1x16xf32> to vector<16xf32>
      %mul3A_346 = arith.mulf %get3A_323, %get3A_336 : vector<16xf32>
      %mul3A_347 = arith.mulf %get3A_327, %get3A_345 : vector<16xf32>
      %sub3A_348 = arith.subf %mul3A_346, %mul3A_347 : vector<16xf32>
      %swap3A_349 = arith.index_cast %add3A_198 : i32 to index
      %swap3A_350 = arith.constant 48 : index
      %swap3A_351 = tpu.vector_load %arg10[%swap3A_349, %swap3A_350] {strides = array<i32>} : memref<128x128xf32, #tpu.memory_space<vmem>>, vector<1x16xf32>,
      %swap3A_352 = vector.shape_cast %swap3A_351 : vector<1x16xf32> to vector<16xf32>
      %swap3A_353 = vector.shape_cast %sub3A_348 : vector<16xf32> to vector<1x16xf32>
      tpu.vector_store %arg10[%swap3A_349, %swap3A_350], %swap3A_353 {strides = array<i32>} : memref<128x128xf32, #tpu.memory_space<vmem>>, vector<1x16xf32>,
      %mul3A_354 = arith.mulf %get3A_323, %get3A_345 : vector<16xf32>
      %mul3A_355 = arith.mulf %get3A_327, %get3A_336 : vector<16xf32>
      %add3A_356 = arith.addf %mul3A_354, %mul3A_355 : vector<16xf32>
      %swap3A_357 = arith.index_cast %add3A_198 : i32 to index
      %swap3A_358 = arith.constant 112 : index
      %swap3A_359 = tpu.vector_load %arg10[%swap3A_357, %swap3A_358] {strides = array<i32>} : memref<128x128xf32, #tpu.memory_space<vmem>>, vector<1x16xf32>,
      %swap3A_360 = vector.shape_cast %swap3A_359 : vector<1x16xf32> to vector<16xf32>
      %swap3A_361 = vector.shape_cast %add3A_356 : vector<16xf32> to vector<1x16xf32>
      tpu.vector_store %arg10[%swap3A_357, %swap3A_358], %swap3A_361 {strides = array<i32>} : memref<128x128xf32, #tpu.memory_space<vmem>>, vector<1x16xf32>,
    }
    %scan3A_144 = arith.constant 128 : i32
    %dma_start3A_145 = arith.constant 0 : i32
    %dma_start3A_146 = tpu.memref_slice %arg6[%add3A_139, %dma_start3A_145] : memref<16384x128xf32, #tpu.memory_space<hbm>> -> memref<128x128xf32, #tpu.memory_space<hbm>>
    %dma_start3A_147 = arith.constant 0 : i32
    %dma_start3A_148 = tpu.memref_slice %arg6[%add3A_139, %dma_start3A_147] : memref<16384x128xf32, #tpu.memory_space<hbm>> -> memref<128x128xf32, #tpu.memory_space<hbm>>
    tpu.enqueue_dma source(%arg10 : memref<128x128xf32, #tpu.memory_space<vmem>>) target(%dma_start3A_148 : memref<128x128xf32, #tpu.memory_space<hbm>>) target_semaphore(%arg19 : memref<!tpu.dma_semaphore, #tpu.memory_space<semaphore_mem>>)
    %dma_wait3A_149 = arith.constant 0 : i32
    %dma_wait3A_150 = arith.constant 0 : i32
    %dma_wait3A_151 = arith.constant 0 : i32
    %dma_wait3A_152 = tpu.memref_slice %arg4[%dma_wait3A_149, %dma_wait3A_150, %dma_wait3A_151] : memref<12500x8x64xf32, #tpu.memory_space<hbm>> -> memref<16x8x64xf32, #tpu.memory_space<hbm>>
    %dma_wait3A_153 = arith.constant 0 : i32
    %dma_wait3A_154 = arith.constant 0 : i32
    %dma_wait3A_155 = arith.constant 0 : i32
    %dma_wait3A_156 = tpu.memref_slice %arg4[%dma_wait3A_153, %dma_wait3A_154, %dma_wait3A_155] : memref<12500x8x64xf32, #tpu.memory_space<hbm>> -> memref<16x8x64xf32, #tpu.memory_space<hbm>>
    tpu.wait_dma2 semaphore(%arg16 : memref<!tpu.dma_semaphore, #tpu.memory_space<semaphore_mem>>) src(%dma_wait3A_156 : memref<16x8x64xf32, #tpu.memory_space<hbm>>) dst(%arg12 : memref<16x8x64xf32, #tpu.memory_space<vmem>>)
    %dma_wait3A_157 = arith.constant 0 : i32
    %dma_wait3A_158 = arith.constant 0 : i32
    %dma_wait3A_159 = arith.constant 0 : i32
    %dma_wait3A_160 = tpu.memref_slice %arg4[%dma_wait3A_157, %dma_wait3A_158, %dma_wait3A_159] : memref<12500x8x64xf32, #tpu.memory_space<hbm>> -> memref<16x8x64xf32, #tpu.memory_space<hbm>>
    %dma_wait3A_161 = arith.constant 0 : i32
    %dma_wait3A_162 = arith.constant 0 : i32
    %dma_wait3A_163 = arith.constant 0 : i32
    %dma_wait3A_164 = tpu.memref_slice %arg4[%dma_wait3A_161, %dma_wait3A_162, %dma_wait3A_163] : memref<12500x8x64xf32, #tpu.memory_space<hbm>> -> memref<16x8x64xf32, #tpu.memory_space<hbm>>
    tpu.wait_dma2 semaphore(%arg16 : memref<!tpu.dma_semaphore, #tpu.memory_space<semaphore_mem>>) src(%dma_wait3A_164 : memref<16x8x64xf32, #tpu.memory_space<hbm>>) dst(%arg14 : memref<16x8x64xf32, #tpu.memory_space<vmem>>)
    %dma_wait3A_165 = arith.constant 0 : i32
    %dma_wait3A_166 = arith.constant 0 : i32
    %dma_wait3A_167 = tpu.memref_slice %arg2[%dma_wait3A_165, %dma_wait3A_166] : memref<16384x128xf32, #tpu.memory_space<hbm>> -> memref<128x128xf32, #tpu.memory_space<hbm>>
    %dma_wait3A_168 = arith.constant 0 : i32
    %dma_wait3A_169 = arith.constant 0 : i32
    %dma_wait3A_170 = tpu.memref_slice %arg2[%dma_wait3A_168, %dma_wait3A_169] : memref<16384x128xf32, #tpu.memory_space<hbm>> -> memref<128x128xf32, #tpu.memory_space<hbm>>
    tpu.wait_dma2 semaphore(%arg16 : memref<!tpu.dma_semaphore, #tpu.memory_space<semaphore_mem>>) src(%dma_wait3A_170 : memref<128x128xf32, #tpu.memory_space<hbm>>) dst(%arg8 : memref<128x128xf32, #tpu.memory_space<vmem>>)
    %add3A_171 = arith.constant 384 : i32
    %add3A_172 = arith.addi %mul3A_2, %add3A_171 : i32
    %scan3A_173 = arith.constant 0 : i32
    %scan3A_174 = arith.constant 128 : i32
    %scan3A_175 = arith.addi %scan3A_173, %scan3A_174 : i32
    %scan3A_176 = arith.constant 1 : i32
    scf.for %scan3A_194 = %scan3A_173 to %scan3A_175 step %scan3A_176  : i32 {
      %mul3A_195 = arith.constant 1 : i32
      %mul3A_196 = arith.muli %scan3A_194, %mul3A_195 : i32
      %add3A_197 = arith.constant 0 : i32
      %add3A_198 = arith.addi %add3A_197, %mul3A_196 : i32
      %get3A = arith.index_cast %add3A_198 : i32 to index
      %get3A_199 = arith.constant 0 : index
      %get3A_200 = tpu.vector_load %arg8[%get3A, %get3A_199] {strides = array<i32>} : memref<128x128xf32, #tpu.memory_space<vmem>>, vector<1x16xf32>,
      %get3A_201 = vector.shape_cast %get3A_200 : vector<1x16xf32> to vector<16xf32>
      %get3A_202 = arith.index_cast %add3A_198 : i32 to index
      %get3A_203 = arith.constant 64 : index
      %get3A_204 = tpu.vector_load %arg8[%get3A_202, %get3A_203] {strides = array<i32>} : memref<128x128xf32, #tpu.memory_space<vmem>>, vector<1x16xf32>,
      %get3A_205 = vector.shape_cast %get3A_204 : vector<1x16xf32> to vector<16xf32>
      %shift_right_arithmetic3A = arith.constant 3 : i32
      %shift_right_arithmetic3A_206 = arith.shrsi %add3A_198, %shift_right_arithmetic3A : i32
      %and3A = arith.constant 7 : i32
      %and3A_207 = arith.andi %add3A_198, %and3A : i32
      %get3A_208 = arith.index_cast %shift_right_arithmetic3A_206 : i32 to index
      %get3A_209 = arith.index_cast %and3A_207 : i32 to index
      %get3A_210 = arith.constant 0 : index
      %get3A_211 = tpu.vector_load %arg12[%get3A_208, %get3A_209, %get3A_210] {strides = array<i32>} : memref<16x8x64xf32, #tpu.memory_space<vmem>>, vector<1x1x16xf32>,
      %get3A_212 = vector.shape_cast %get3A_211 : vector<1x1x16xf32> to vector<16xf32>
      %shift_right_arithmetic3A_213 = arith.constant 3 : i32
      %shift_right_arithmetic3A_214 = arith.shrsi %add3A_198, %shift_right_arithmetic3A_213 : i32
      %and3A_215 = arith.constant 7 : i32
      %and3A_216 = arith.andi %add3A_198, %and3A_215 : i32
      %get3A_217 = arith.index_cast %shift_right_arithmetic3A_214 : i32 to index
      %get3A_218 = arith.index_cast %and3A_216 : i32 to index
      %get3A_219 = arith.constant 0 : index
      %get3A_220 = tpu.vector_load %arg14[%get3A_217, %get3A_218, %get3A_219] {strides = array<i32>} : memref<16x8x64xf32, #tpu.memory_space<vmem>>, vector<1x1x16xf32>,
      %get3A_221 = vector.shape_cast %get3A_220 : vector<1x1x16xf32> to vector<16xf32>
      %mul3A_222 = arith.mulf %get3A_201, %get3A_212 : vector<16xf32>
      %mul3A_223 = arith.mulf %get3A_205, %get3A_221 : vector<16xf32>
      %sub3A = arith.subf %mul3A_222, %mul3A_223 : vector<16xf32>
      %swap3A = arith.index_cast %add3A_198 : i32 to index
      %swap3A_224 = arith.constant 0 : index
      %swap3A_225 = tpu.vector_load %arg8[%swap3A, %swap3A_224] {strides = array<i32>} : memref<128x128xf32, #tpu.memory_space<vmem>>, vector<1x16xf32>,
      %swap3A_226 = vector.shape_cast %swap3A_225 : vector<1x16xf32> to vector<16xf32>
      %swap3A_227 = vector.shape_cast %sub3A : vector<16xf32> to vector<1x16xf32>
      tpu.vector_store %arg8[%swap3A, %swap3A_224], %swap3A_227 {strides = array<i32>} : memref<128x128xf32, #tpu.memory_space<vmem>>, vector<1x16xf32>,
      %mul3A_228 = arith.mulf %get3A_201, %get3A_221 : vector<16xf32>
      %mul3A_229 = arith.mulf %get3A_205, %get3A_212 : vector<16xf32>
      %add3A_230 = arith.addf %mul3A_228, %mul3A_229 : vector<16xf32>
      %swap3A_231 = arith.index_cast %add3A_198 : i32 to index
      %swap3A_232 = arith.constant 64 : index
      %swap3A_233 = tpu.vector_load %arg8[%swap3A_231, %swap3A_232] {strides = array<i32>} : memref<128x128xf32, #tpu.memory_space<vmem>>, vector<1x16xf32>,
      %swap3A_234 = vector.shape_cast %swap3A_233 : vector<1x16xf32> to vector<16xf32>
      %swap3A_235 = vector.shape_cast %add3A_230 : vector<16xf32> to vector<1x16xf32>
      tpu.vector_store %arg8[%swap3A_231, %swap3A_232], %swap3A_235 {strides = array<i32>} : memref<128x128xf32, #tpu.memory_space<vmem>>, vector<1x16xf32>,
      %get3A_236 = arith.index_cast %add3A_198 : i32 to index
      %get3A_237 = arith.constant 16 : index
      %get3A_238 = tpu.vector_load %arg8[%get3A_236, %get3A_237] {strides = array<i32>} : memref<128x128xf32, #tpu.memory_space<vmem>>, vector<1x16xf32>,
      %get3A_239 = vector.shape_cast %get3A_238 : vector<1x16xf32> to vector<16xf32>
      %get3A_240 = arith.index_cast %add3A_198 : i32 to index
      %get3A_241 = arith.constant 80 : index
      %get3A_242 = tpu.vector_load %arg8[%get3A_240, %get3A_241] {strides = array<i32>} : memref<128x128xf32, #tpu.memory_space<vmem>>, vector<1x16xf32>,
      %get3A_243 = vector.shape_cast %get3A_242 : vector<1x16xf32> to vector<16xf32>
      %shift_right_arithmetic3A_244 = arith.constant 3 : i32
      %shift_right_arithmetic3A_245 = arith.shrsi %add3A_198, %shift_right_arithmetic3A_244 : i32
      %and3A_246 = arith.constant 7 : i32
      %and3A_247 = arith.andi %add3A_198, %and3A_246 : i32
      %get3A_248 = arith.index_cast %shift_right_arithmetic3A_245 : i32 to index
      %get3A_249 = arith.index_cast %and3A_247 : i32 to index
      %get3A_250 = arith.constant 16 : index
      %get3A_251 = tpu.vector_load %arg12[%get3A_248, %get3A_249, %get3A_250] {strides = array<i32>} : memref<16x8x64xf32, #tpu.memory_space<vmem>>, vector<1x1x16xf32>,
      %get3A_252 = vector.shape_cast %get3A_251 : vector<1x1x16xf32> to vector<16xf32>
      %shift_right_arithmetic3A_253 = arith.constant 3 : i32
      %shift_right_arithmetic3A_254 = arith.shrsi %add3A_198, %shift_right_arithmetic3A_253 : i32
      %and3A_255 = arith.constant 7 : i32
      %and3A_256 = arith.andi %add3A_198, %and3A_255 : i32
      %get3A_257 = arith.index_cast %shift_right_arithmetic3A_254 : i32 to index
      %get3A_258 = arith.index_cast %and3A_256 : i32 to index
      %get3A_259 = arith.constant 16 : index
      %get3A_260 = tpu.vector_load %arg14[%get3A_257, %get3A_258, %get3A_259] {strides = array<i32>} : memref<16x8x64xf32, #tpu.memory_space<vmem>>, vector<1x1x16xf32>,
      %get3A_261 = vector.shape_cast %get3A_260 : vector<1x1x16xf32> to vector<16xf32>
      %mul3A_262 = arith.mulf %get3A_239, %get3A_252 : vector<16xf32>
      %mul3A_263 = arith.mulf %get3A_243, %get3A_261 : vector<16xf32>
      %sub3A_264 = arith.subf %mul3A_262, %mul3A_263 : vector<16xf32>
      %swap3A_265 = arith.index_cast %add3A_198 : i32 to index
      %swap3A_266 = arith.constant 16 : index
      %swap3A_267 = tpu.vector_load %arg8[%swap3A_265, %swap3A_266] {strides = array<i32>} : memref<128x128xf32, #tpu.memory_space<vmem>>, vector<1x16xf32>,
      %swap3A_268 = vector.shape_cast %swap3A_267 : vector<1x16xf32> to vector<16xf32>
      %swap3A_269 = vector.shape_cast %sub3A_264 : vector<16xf32> to vector<1x16xf32>
      tpu.vector_store %arg8[%swap3A_265, %swap3A_266], %swap3A_269 {strides = array<i32>} : memref<128x128xf32, #tpu.memory_space<vmem>>, vector<1x16xf32>,
      %mul3A_270 = arith.mulf %get3A_239, %get3A_261 : vector<16xf32>
      %mul3A_271 = arith.mulf %get3A_243, %get3A_252 : vector<16xf32>
      %add3A_272 = arith.addf %mul3A_270, %mul3A_271 : vector<16xf32>
      %swap3A_273 = arith.index_cast %add3A_198 : i32 to index
      %swap3A_274 = arith.constant 80 : index
      %swap3A_275 = tpu.vector_load %arg8[%swap3A_273, %swap3A_274] {strides = array<i32>} : memref<128x128xf32, #tpu.memory_space<vmem>>, vector<1x16xf32>,
      %swap3A_276 = vector.shape_cast %swap3A_275 : vector<1x16xf32> to vector<16xf32>
      %swap3A_277 = vector.shape_cast %add3A_272 : vector<16xf32> to vector<1x16xf32>
      tpu.vector_store %arg8[%swap3A_273, %swap3A_274], %swap3A_277 {strides = array<i32>} : memref<128x128xf32, #tpu.memory_space<vmem>>, vector<1x16xf32>,
      %get3A_278 = arith.index_cast %add3A_198 : i32 to index
      %get3A_279 = arith.constant 32 : index
      %get3A_280 = tpu.vector_load %arg8[%get3A_278, %get3A_279] {strides = array<i32>} : memref<128x128xf32, #tpu.memory_space<vmem>>, vector<1x16xf32>,
      %get3A_281 = vector.shape_cast %get3A_280 : vector<1x16xf32> to vector<16xf32>
      %get3A_282 = arith.index_cast %add3A_198 : i32 to index
      %get3A_283 = arith.constant 96 : index
      %get3A_284 = tpu.vector_load %arg8[%get3A_282, %get3A_283] {strides = array<i32>} : memref<128x128xf32, #tpu.memory_space<vmem>>, vector<1x16xf32>,
      %get3A_285 = vector.shape_cast %get3A_284 : vector<1x16xf32> to vector<16xf32>
      %shift_right_arithmetic3A_286 = arith.constant 3 : i32
      %shift_right_arithmetic3A_287 = arith.shrsi %add3A_198, %shift_right_arithmetic3A_286 : i32
      %and3A_288 = arith.constant 7 : i32
      %and3A_289 = arith.andi %add3A_198, %and3A_288 : i32
      %get3A_290 = arith.index_cast %shift_right_arithmetic3A_287 : i32 to index
      %get3A_291 = arith.index_cast %and3A_289 : i32 to index
      %get3A_292 = arith.constant 32 : index
      %get3A_293 = tpu.vector_load %arg12[%get3A_290, %get3A_291, %get3A_292] {strides = array<i32>} : memref<16x8x64xf32, #tpu.memory_space<vmem>>, vector<1x1x16xf32>,
      %get3A_294 = vector.shape_cast %get3A_293 : vector<1x1x16xf32> to vector<16xf32>
      %shift_right_arithmetic3A_295 = arith.constant 3 : i32
      %shift_right_arithmetic3A_296 = arith.shrsi %add3A_198, %shift_right_arithmetic3A_295 : i32
      %and3A_297 = arith.constant 7 : i32
      %and3A_298 = arith.andi %add3A_198, %and3A_297 : i32
      %get3A_299 = arith.index_cast %shift_right_arithmetic3A_296 : i32 to index
      %get3A_300 = arith.index_cast %and3A_298 : i32 to index
      %get3A_301 = arith.constant 32 : index
      %get3A_302 = tpu.vector_load %arg14[%get3A_299, %get3A_300, %get3A_301] {strides = array<i32>} : memref<16x8x64xf32, #tpu.memory_space<vmem>>, vector<1x1x16xf32>,
      %get3A_303 = vector.shape_cast %get3A_302 : vector<1x1x16xf32> to vector<16xf32>
      %mul3A_304 = arith.mulf %get3A_281, %get3A_294 : vector<16xf32>
      %mul3A_305 = arith.mulf %get3A_285, %get3A_303 : vector<16xf32>
      %sub3A_306 = arith.subf %mul3A_304, %mul3A_305 : vector<16xf32>
      %swap3A_307 = arith.index_cast %add3A_198 : i32 to index
      %swap3A_308 = arith.constant 32 : index
      %swap3A_309 = tpu.vector_load %arg8[%swap3A_307, %swap3A_308] {strides = array<i32>} : memref<128x128xf32, #tpu.memory_space<vmem>>, vector<1x16xf32>,
      %swap3A_310 = vector.shape_cast %swap3A_309 : vector<1x16xf32> to vector<16xf32>
      %swap3A_311 = vector.shape_cast %sub3A_306 : vector<16xf32> to vector<1x16xf32>
      tpu.vector_store %arg8[%swap3A_307, %swap3A_308], %swap3A_311 {strides = array<i32>} : memref<128x128xf32, #tpu.memory_space<vmem>>, vector<1x16xf32>,
      %mul3A_312 = arith.mulf %get3A_281, %get3A_303 : vector<16xf32>
      %mul3A_313 = arith.mulf %get3A_285, %get3A_294 : vector<16xf32>
      %add3A_314 = arith.addf %mul3A_312, %mul3A_313 : vector<16xf32>
      %swap3A_315 = arith.index_cast %add3A_198 : i32 to index
      %swap3A_316 = arith.constant 96 : index
      %swap3A_317 = tpu.vector_load %arg8[%swap3A_315, %swap3A_316] {strides = array<i32>} : memref<128x128xf32, #tpu.memory_space<vmem>>, vector<1x16xf32>,
      %swap3A_318 = vector.shape_cast %swap3A_317 : vector<1x16xf32> to vector<16xf32>
      %swap3A_319 = vector.shape_cast %add3A_314 : vector<16xf32> to vector<1x16xf32>
      tpu.vector_store %arg8[%swap3A_315, %swap3A_316], %swap3A_319 {strides = array<i32>} : memref<128x128xf32, #tpu.memory_space<vmem>>, vector<1x16xf32>,
      %get3A_320 = arith.index_cast %add3A_198 : i32 to index
      %get3A_321 = arith.constant 48 : index
      %get3A_322 = tpu.vector_load %arg8[%get3A_320, %get3A_321] {strides = array<i32>} : memref<128x128xf32, #tpu.memory_space<vmem>>, vector<1x16xf32>,
      %get3A_323 = vector.shape_cast %get3A_322 : vector<1x16xf32> to vector<16xf32>
      %get3A_324 = arith.index_cast %add3A_198 : i32 to index
      %get3A_325 = arith.constant 112 : index
      %get3A_326 = tpu.vector_load %arg8[%get3A_324, %get3A_325] {strides = array<i32>} : memref<128x128xf32, #tpu.memory_space<vmem>>, vector<1x16xf32>,
      %get3A_327 = vector.shape_cast %get3A_326 : vector<1x16xf32> to vector<16xf32>
      %shift_right_arithmetic3A_328 = arith.constant 3 : i32
      %shift_right_arithmetic3A_329 = arith.shrsi %add3A_198, %shift_right_arithmetic3A_328 : i32
      %and3A_330 = arith.constant 7 : i32
      %and3A_331 = arith.andi %add3A_198, %and3A_330 : i32
      %get3A_332 = arith.index_cast %shift_right_arithmetic3A_329 : i32 to index
      %get3A_333 = arith.index_cast %and3A_331 : i32 to index
      %get3A_334 = arith.constant 48 : index
      %get3A_335 = tpu.vector_load %arg12[%get3A_332, %get3A_333, %get3A_334] {strides = array<i32>} : memref<16x8x64xf32, #tpu.memory_space<vmem>>, vector<1x1x16xf32>,
      %get3A_336 = vector.shape_cast %get3A_335 : vector<1x1x16xf32> to vector<16xf32>
      %shift_right_arithmetic3A_337 = arith.constant 3 : i32
      %shift_right_arithmetic3A_338 = arith.shrsi %add3A_198, %shift_right_arithmetic3A_337 : i32
      %and3A_339 = arith.constant 7 : i32
      %and3A_340 = arith.andi %add3A_198, %and3A_339 : i32
      %get3A_341 = arith.index_cast %shift_right_arithmetic3A_338 : i32 to index
      %get3A_342 = arith.index_cast %and3A_340 : i32 to index
      %get3A_343 = arith.constant 48 : index
      %get3A_344 = tpu.vector_load %arg14[%get3A_341, %get3A_342, %get3A_343] {strides = array<i32>} : memref<16x8x64xf32, #tpu.memory_space<vmem>>, vector<1x1x16xf32>,
      %get3A_345 = vector.shape_cast %get3A_344 : vector<1x1x16xf32> to vector<16xf32>
      %mul3A_346 = arith.mulf %get3A_323, %get3A_336 : vector<16xf32>
      %mul3A_347 = arith.mulf %get3A_327, %get3A_345 : vector<16xf32>
      %sub3A_348 = arith.subf %mul3A_346, %mul3A_347 : vector<16xf32>
      %swap3A_349 = arith.index_cast %add3A_198 : i32 to index
      %swap3A_350 = arith.constant 48 : index
      %swap3A_351 = tpu.vector_load %arg8[%swap3A_349, %swap3A_350] {strides = array<i32>} : memref<128x128xf32, #tpu.memory_space<vmem>>, vector<1x16xf32>,
      %swap3A_352 = vector.shape_cast %swap3A_351 : vector<1x16xf32> to vector<16xf32>
      %swap3A_353 = vector.shape_cast %sub3A_348 : vector<16xf32> to vector<1x16xf32>
      tpu.vector_store %arg8[%swap3A_349, %swap3A_350], %swap3A_353 {strides = array<i32>} : memref<128x128xf32, #tpu.memory_space<vmem>>, vector<1x16xf32>,
      %mul3A_354 = arith.mulf %get3A_323, %get3A_345 : vector<16xf32>
      %mul3A_355 = arith.mulf %get3A_327, %get3A_336 : vector<16xf32>
      %add3A_356 = arith.addf %mul3A_354, %mul3A_355 : vector<16xf32>
      %swap3A_357 = arith.index_cast %add3A_198 : i32 to index
      %swap3A_358 = arith.constant 112 : index
      %swap3A_359 = tpu.vector_load %arg8[%swap3A_357, %swap3A_358] {strides = array<i32>} : memref<128x128xf32, #tpu.memory_space<vmem>>, vector<1x16xf32>,
      %swap3A_360 = vector.shape_cast %swap3A_359 : vector<1x16xf32> to vector<16xf32>
      %swap3A_361 = vector.shape_cast %add3A_356 : vector<16xf32> to vector<1x16xf32>
      tpu.vector_store %arg8[%swap3A_357, %swap3A_358], %swap3A_361 {strides = array<i32>} : memref<128x128xf32, #tpu.memory_space<vmem>>, vector<1x16xf32>,
    }
    %scan3A_177 = arith.constant 128 : i32
    %dma_start3A_178 = arith.constant 0 : i32
    %dma_start3A_179 = tpu.memref_slice %arg6[%add3A_172, %dma_start3A_178] : memref<16384x128xf32, #tpu.memory_space<hbm>> -> memref<128x128xf32, #tpu.memory_space<hbm>>
    %dma_start3A_180 = arith.constant 0 : i32
    %dma_start3A_181 = tpu.memref_slice %arg6[%add3A_172, %dma_start3A_180] : memref<16384x128xf32, #tpu.memory_space<hbm>> -> memref<128x128xf32, #tpu.memory_space<hbm>>
    tpu.enqueue_dma source(%arg8 : memref<128x128xf32, #tpu.memory_space<vmem>>) target(%dma_start3A_181 : memref<128x128xf32, #tpu.memory_space<hbm>>) target_semaphore(%arg17 : memref<!tpu.dma_semaphore, #tpu.memory_space<semaphore_mem>>)
    %dma_wait3A_182 = arith.constant 0 : i32
    %dma_wait3A_183 = arith.constant 0 : i32
    %dma_wait3A_184 = tpu.memref_slice %arg2[%dma_wait3A_182, %dma_wait3A_183] : memref<16384x128xf32, #tpu.memory_space<hbm>> -> memref<128x128xf32, #tpu.memory_space<hbm>>
    %dma_wait3A_185 = arith.constant 0 : i32
    %dma_wait3A_186 = arith.constant 0 : i32
    %dma_wait3A_187 = tpu.memref_slice %arg2[%dma_wait3A_185, %dma_wait3A_186] : memref<16384x128xf32, #tpu.memory_space<hbm>> -> memref<128x128xf32, #tpu.memory_space<hbm>>
    tpu.wait_dma2 semaphore(%arg19 : memref<!tpu.dma_semaphore, #tpu.memory_space<semaphore_mem>>) src(%dma_wait3A_187 : memref<128x128xf32, #tpu.memory_space<hbm>>) dst(%arg10 : memref<128x128xf32, #tpu.memory_space<vmem>>)
    %dma_wait3A_188 = arith.constant 0 : i32
    %dma_wait3A_189 = arith.constant 0 : i32
    %dma_wait3A_190 = tpu.memref_slice %arg2[%dma_wait3A_188, %dma_wait3A_189] : memref<16384x128xf32, #tpu.memory_space<hbm>> -> memref<128x128xf32, #tpu.memory_space<hbm>>
    %dma_wait3A_191 = arith.constant 0 : i32
    %dma_wait3A_192 = arith.constant 0 : i32
    %dma_wait3A_193 = tpu.memref_slice %arg2[%dma_wait3A_191, %dma_wait3A_192] : memref<16384x128xf32, #tpu.memory_space<hbm>> -> memref<128x128xf32, #tpu.memory_space<hbm>>
    tpu.wait_dma2 semaphore(%arg17 : memref<!tpu.dma_semaphore, #tpu.memory_space<semaphore_mem>>) src(%dma_wait3A_193 : memref<128x128xf32, #tpu.memory_space<hbm>>) dst(%arg8 : memref<128x128xf32, #tpu.memory_space<vmem>>)
    return
  }
}

</mosaic_0001>

<sc_bundles>
// kernel: kernel.3.cloned.1.call-start
scs
__scs_entry_jumppad:
0x0: {  	(pc) =	sbr.rel $0x88, $3  }
0x1: {  	(tag) =	ssettag $0x0;
	lr =	simm.s32 $0x1  }
0x2: {  	[smem:$0x3F9D] =	sst lr;
	_ =	strace $0xD0000000  }
0x3: {  	_ = 	snop  }
0x4: {  	_ = 	snop  }
0x5: {  	_ = 	snop  }
0x6: {  	_ = 	snop  }
0x7: {  	_ = 	snop  }
__scs_overlays_trampoline_lowered:
0x8: {  	[smem:$0x3FAC] =	sst s0  }
0x9: {  	[smem:$0x3FAD] =	sst s1  }
0xa: {  	[smem:$0x3FAE] =	sst s2  }
0xb: {  	[smem:$0x3FAF] =	sst s3  }
0xc: {  	[smem:$0x3FB0] =	sst s4  }
0xd: {  	[smem:$0x3FB1] =	sst s5  }
0xe: {  	[smem:$0x3FB2] =	sst s6  }
0xf: {  	[smem:$0x3FB3] =	sst s7  }
0x10: {  	[smem:$0x3FB4] =	sst s8  }
0x11: {  	[smem:$0x3FB5] =	sst s9;
	s0 =	simm.s32 @!p0 $0x0  }
0x12: {  	s1 =	sld [smem:$0x3F9B];
	s0 =	simm.s32 @p0 $0x1  }
0x13: {  	[smem:$0x3FB6] =	sst s0;
	s0 =	simm.s32 @!p1 $0x0  }
0x14: {  	s2 =	sld [smem:$0x3F9A];
	s0 =	simm.s32 @p1 $0x1  }
0x15: {  	[smem:$0x3FB7] =	sst s0;
	s0 =	simm.s32 @!p2 $0x0  }
0x16: {  	s3 =	sld [smem:$0x3FDB];
	s0 =	simm.s32 @p2 $0x1  }
0x17: {  	s4 =	simm.s32 $0x1BF5;
	[smem:$0x3FB9] =	sst s0  }
0x18: {  	s0 =	sld [smem:$0x3F9C];
	_ =	swait.ge [sflag:s4], $0x0  }
0x19: {  	s7 =	sld [smem:$0x3F9D]  }
0x1a: {  	s8 =	sadd.s32 $0xFFFFE003, lr  }
0x1b: {  	s9 =	sadd.s32 $0xFFFFFEF7, lr;
	s5 =	simm.s32 $0xFFFFFFFF;
	p2 =	slt.u32 s8, $0xFFFFF086  }
0x1c: {  	p1 =	slt.u32 s9, $0xF7A;
	s5 =	simm.s32 @!p2 $0x0  }
0x1d: {  	s5 =	simm.s32 @p1 $0x1;
	p0 =	seq.s32 s7, s2  }
0x1e: {  	s7 =	smul.u32 @!p0 $0xF7A, s2;
	p2 =	seq.s32 @!p0 s5, $0x0  }
0x1f: {  	s9 =	smul.u32 $0xF7A, s1;
	s8 =	simm.s32 @!p0 $0x1BF5;
	p2 =	por !p2, p0  }
0x20: {  	[sflag:s8] =	ssyncset.s32 @!p0 $0xFFFFF086;
	s6 =	sadd.s32 @!p0 s3, s7;
	s7 =	simm.s32 @!p0 $0x108  }
0x21: {  	s3 =	sadd.s32 s3, s9;
	s6 =	sadd.s32 @!p0 $0x88, s6;
	s7 =	simm.s32 @p2 $0x1082  }
0x22: {  	[simem:s7], [sflag:s8] =	dma.local @!p0 [hbm:s6], $0xF7A  }
0x23: {  	s9 =	sor.u32 $0xD0000000, s2;
	s6 =	simm.s32 $0x108;
	_ =	swait.ge @!p0 [sflag:s8], $0x0  }
0x24: {  	s3 =	sadd.s32 $0x88, s3;
	s6 =	simm.s32 @!p1 $0x1082;
	[sflag:s4] =	ssyncset.s32 $0xFFFFF086  }
0x25: {  	[simem:s6], [sflag:s4] =	dma.local [hbm:s3], $0xF7A  }
0x26: {  	[smem:$0x3F9D] =	sst s1;
	(tag) =	ssettag s2;
	_ =	strace s9  }
0x27: {  	s1 =	sld [smem:$0x3FAD]  }
0x28: {  	s2 =	sld [smem:$0x3FAE]  }
0x29: {  	s4 =	sld [smem:$0x3FB0]  }
0x2a: {  	p0 =	seq.s32 s5, $0x0;
	s5 =	sld [smem:$0x3FB1]  }
0x2b: {  	s6 =	sld [smem:$0x3FB2]  }
0x2c: {  	s7 =	sld [smem:$0x3FB3]  }
0x2d: {  	s3 =	simm.s32 $0x108;
	s8 =	sld [smem:$0x3FB4]  }
0x2e: {  	s3 =	simm.s32 @!p0 $0x1082;
	s9 =	sld [smem:$0x3FB5]  }
0x2f: {  	lr =	sadd.s32 s0, s3;
	s0 =	sld [smem:$0x3FAC]  }
0x30: {  	s3 =	sld [smem:$0x3FAF]  }
0x31: {  	[smem:$0x3FB8] =	sst s10  }
0x32: {  	s10 =	sld [smem:$0x3FB6];
	_ =	sdelay $0x3  }
0x33: {  	p0 =	seq.s32 s10, $0x1;
	s10 =	sld [smem:$0x3FB8];
	_ =	sdelay $0x3  }
0x34: {  	[smem:$0x3FB8] =	sst s10  }
0x35: {  	s10 =	sld [smem:$0x3FB7];
	_ =	sdelay $0x3  }
0x36: {  	p1 =	seq.s32 s10, $0x1;
	s10 =	sld [smem:$0x3FB8];
	_ =	sdelay $0x3  }
0x37: {  	[smem:$0x3FB8] =	sst s10  }
0x38: {  	s10 =	sld [smem:$0x3FB9]  }
0x39: {  	_ = 	snop;
	(pc) =	sbr.ind lr, $3  }
0x3a: {  	_ = 	snop  }
0x3b: {  	_ = 	snop  }
0x3c: {  	p2 =	seq.s32 s10, $0x1;
	s10 =	sld [smem:$0x3FB8]  }
0x3d: {  	_ =	shalt  }
0x3e: {  	_ =	shalt  }
0x3f: {  	_ =	shalt  }
0x40: {  	_ =	shalt  }
0x41: {  	_ =	shalt  }
0x42: {  	_ =	shalt  }
0x43: {  	_ =	shalt  }
0x44: {  	_ =	shalt  }
0x45: {  	_ =	shalt  }
0x46: {  	_ =	shalt  }
0x47: {  	_ =	shalt  }
0x48: {  	_ =	shalt  }
0x49: {  	_ =	shalt  }
0x4a: {  	_ =	shalt  }
0x4b: {  	_ =	shalt  }
0x4c: {  	_ =	shalt  }
0x4d: {  	_ =	shalt  }
0x4e: {  	_ =	shalt  }
0x4f: {  	_ =	shalt  }
0x50: {  	_ =	shalt  }
0x51: {  	_ =	shalt  }
0x52: {  	_ =	shalt  }
0x53: {  	_ =	shalt  }
0x54: {  	_ =	shalt  }
0x55: {  	_ =	shalt  }
0x56: {  	_ =	shalt  }
0x57: {  	_ =	shalt  }
0x58: {  	_ =	shalt  }
0x59: {  	_ =	shalt  }
0x5a: {  	_ =	shalt  }
0x5b: {  	_ =	shalt  }
0x5c: {  	_ =	shalt  }
0x5d: {  	_ =	shalt  }
0x5e: {  	_ =	shalt  }
0x5f: {  	_ =	shalt  }
0x60: {  	_ =	shalt  }
0x61: {  	_ =	shalt  }
0x62: {  	_ =	shalt  }
0x63: {  	_ =	shalt  }
0x64: {  	_ =	shalt  }
0x65: {  	_ =	shalt  }
0x66: {  	_ =	shalt  }
0x67: {  	_ =	shalt  }
0x68: {  	_ =	shalt  }
0x69: {  	_ =	shalt  }
0x6a: {  	_ =	shalt  }
0x6b: {  	_ =	shalt  }
0x6c: {  	_ =	shalt  }
0x6d: {  	_ =	shalt  }
0x6e: {  	_ =	shalt  }
0x6f: {  	_ =	shalt  }
0x70: {  	_ =	shalt  }
0x71: {  	_ =	shalt  }
0x72: {  	_ =	shalt  }
0x73: {  	_ =	shalt  }
0x74: {  	_ =	shalt  }
0x75: {  	_ =	shalt  }
0x76: {  	_ =	shalt  }
0x77: {  	_ =	shalt  }
0x78: {  	_ =	shalt  }
0x79: {  	_ =	shalt  }
0x7a: {  	_ =	shalt  }
0x7b: {  	_ =	shalt  }
0x7c: {  	_ =	shalt  }
0x7d: {  	_ =	shalt  }
0x7e: {  	_ =	shalt  }
0x7f: {  	_ =	shalt  }
0x80: {  	_ =	shalt  }
0x81: {  	_ =	shalt  }
0x82: {  	_ =	shalt  }
0x83: {  	_ =	shalt  }
0x84: {  	_ =	shalt  }
0x85: {  	_ =	shalt  }
0x86: {  	_ =	shalt  }
0x87: {  	_ =	shalt  }
.Lfunc_end0:
.L_simem_size_0:
called_computation_lowered:
.L_overlay_start_0:
0x88: {  	s2 =	sld [smem:$0x3FD9]  }
0x89: {  	s3 =	sld [smem:$0x3FFE];
	_ =	sdelay $0x1  }
0x8a: {  	s1 =	srdreg.scid  }
0x8b: {  	s0 =	sand.u32 $0x1, s1  }
0x8c: {  	s17 =	sshll.u32 s0, $0xA;
	s2 =	sadd.s32 s3, s2  }
0x8d: {  	s2 =	sadd.s32 s2, s17  }
0x8e: {  	[smem:$0x3FC4] =	sst s2  }
0x8f: {  	_ = 	snop  }
0x90: {  	s2 =	sld [smem:$0x3FC9]  }
0x91: {  	s18 =	sld [smem:$0x3FC8]  }
0x92: {  	s4 =	sld [smem:$0x3FD0];
	(tm) =	ssettm $0x1  }
0x93: {  	s5 =	sld [smem:$0x3FFB];
	_ =	sdelay $0x3  }
0x94: {  	_ =	strace s5  }
0x95: {  	s5 =	sld [smem:$0x3FFC];
	_ =	sdelay $0x3  }
0x96: {  	_ =	strace s5  }
0x97: {  	s5 =	sld [smem:$0x3FFD];
	_ =	sdelay $0x3  }
0x98: {  	_ =	strace s5  }
0x99: {  	_ =	strace $0x8FFFFFFF  }
0x9a: {  	s19 =	sld [smem:$0x3FDB];
	_ =	sdelay $0x1  }
0x9b: {  	s6 =	simm.s32 $_scs_section_size  }
0x9c: {  	s7 =	simm.s32 $_size__tile_overlayer_lowered;
	s8 =	simm.s32 $_tile_overlayer_lowered  }
0x9d: {  	s22 =	simm.s32 $0x1BFF;
	s21 =	sshll.u32 s8, $0x1;
	s5 =	sadd.s32 s6, s19  }
0x9e: {  	s9 =	simm.s32 $0x0;
	s20 =	sshll.u32 s7, $0x1;
	s7 =	sadd.s32 s21, s5  }
0x9f: {  	[timem:s9], [sflag:s22] =	dma.local [hbm:s7], s20  }
0xa0: {  	_ =	swait.ge [sflag:s22], s20  }
0xa1: {  	s6 =	ssub.s32 $0x0, s20;
	[sflag:s22] =	ssyncset.done $0x0  }
0xa2: {  	[sflag:s22] =	ssyncadd.s32 s6;
	_ =	sdelay $0x1  }
0xa3: {  	s23 =	simm.s32 $0x1B8B  }
0xa4: {  	_ =	swait.ge [sflag:s23], $0x1  }
0xa5: {  	[sflag:s23] =	ssyncset.done $0x0  }
0xa6: {  	s25 =	simm.s32 $0x1B8E;
	s24 =	sld [smem:$0x3FFE];
	[sflag:s23] =	ssyncadd.s32 $0xFFFFFFFF  }
0xa7: {  	s26 =	simm.s32 $execute0_lowered;
	[smem:$0x3FD2] =	sst s25  }
0xa8: {  	s7 =	sshll.u32 s26, $0x1;
	_ =	strace $0x80000046;
	[dreg:$0x1] =	wrdreg $0xFFFFFFFF  }
0xa9: {  	s28 =	simm.s32 $_size_execute0_lowered;
	s5 =	sadd.s32 s5, s7;
	[dreg:$0x0] =	wrdreg $0x0  }
0xaa: {  	s7 =	sshll.u32 s28, $0x1;
	[dreg:$0x2] =	wrdreg s5  }
0xab: {  	[dreg:$0x3] =	wrdreg s7  }
0xac: {  	[dreg:$0x4] =	wrdreg $0xC0  }
0xad: {  	_ =	task [dreg:s9], $0x5FFFF  }
0xae: {  	[dreg:$0x1] =	wrdreg $0xFFFFFFFF  }
0xaf: {  	[dreg:$0x0] =	wrdreg $0x60  }
0xb0: {  	[dreg:$0x2] =	wrdreg s2  }
0xb1: {  	[dreg:$0x3] =	wrdreg s18  }
0xb2: {  	[dreg:$0x4] =	wrdreg s24  }
0xb3: {  	[dreg:$0x5] =	wrdreg s4  }
0xb4: {  	[dreg:$0x6] =	wrdreg $0x9  }
0xb5: {  	_ =	task.clear_ibuf [dreg:s9], $0x7FFFF;
	_ =	strace $0x90000046  }
0xb6: {  	s29 =	simm.s32 $0x9;
	_ =	strace $0x80000048  }
0xb7: {  	_ =	swait.ge [sflag:s29], $0x1  }
0xb8: {  	[sflag:s29] =	ssyncadd.s32 $0xFFFFFFFF  }
0xb9: {  	_ =	strace $0x90000048  }
0xba: {  	_ =	sfence  }
0xbb: {  	s30 =	sld [smem:$0x0];
	_ =	sdelay $0x2  }
0xbc: {  	s31 =	sshll.u32 s1, $0xD;
	s1 =	sshrl.u32 s1, $0x2  }
0xbd: {  	s3 =	sand.u32 $0x4000, s31;
	s1 =	sadd.s32 s1, s30  }
0xbe: {  	s0 =	sor.u32 s3, s0;
	s1 =	sshll.u32 s1, $0x11  }
0xbf: {  	s0 =	sor.u32 s1, s0  }
0xc0: {  	s0 =	sadd.s32 $0x8F2B, s0  }
0xc1: {  	[sflag:s0] =	ssyncadd.remote.s32 $0x1  }
0xc2: {  	_ =	sfence.sel $0xFFFF  }
0xc3: {  	[dreg:$0x0] =	wrdreg $0xFFFFFFFF;
	(pc) =	sbr.abs _section_cstart, $3  }
0xc4: {  	[dreg:$0x1] =	wrdreg $0xFFFFFFFF  }
0xc5: {  	_ =	task.clear_ibuf [dreg:s9], $0x2FFFF;
	_ =	strace $0x9FFFFFFF  }
0xc6: {  	(tm) =	ssettm $0x7FFFFFFF  }
0xc7: {  	_ =	shalt  }
tec
execute0_lowered:
.L_overlay_start_1:
0x0: {  	(tag) =	ssettag $0x1  }
0x1: {  	s11 =	rddreg [dreg:$0x0]  }
0x2: {  	s5 =	rddreg [dreg:$0x1]  }
0x3: {  	s4 =	rddreg [dreg:$0x2]  }
0x4: {  	s13 =	rddreg [dreg:$0x3];
	s2 =	simm.s32 $0x0;
	s3 =	srdreg.scid  }
0x5: {  	s0 =	stileid.u32;
	s16 =	simm.s32 $0x280;
	s17 =	simm.s32 $0x4280  }
0x6: {  	s18 =	simm.s32 $0x1;
	s19 =	simm.s32 $0x8280;
	s20 =	simm.s32 $0x2  }
0x7: {  	s21 =	simm.s32 $0x3;
	s22 =	simm.s32 $0x5;
	s23 =	simm.s32 $0x0  }
0x8: {  	[smem:$0x7FF] =	sst s2;
	s6 =	sand.u32 $0x1, s3;
	s7 =	sshll.u32 s0, $0xA  }
0x9: {  	s3 =	sadd.s32 $0x600, s4;
	s4 =	sadd.s32 $0x187000, s4;
	s8 =	sshll.u32 s6, $0x9  }
0xa: {  	_ =	strace $0x80000047;
	s6 =	ssub.s32 $0x2, s6;
	s7 =	sor.u32 s8, s7  }
0xb: {  	s30 =	sshrl.u32 s6, $0x1;
	s9 =	sshll.u32 s7, $0x4;
	s31 =	sshrl.u32 s7, $0x3  }
0xc: {  	s14 =	ssub.s32 s6, s30;
	s10 =	sor.u32 $0x800, s9;
	s5 =	sadd.s32 s5, s31  }
0xd: {  	s6 =	sadd.s32 s11, s9;
	s8 =	sadd.s32 s13, s9;
	s12 =	sor.u32 $0x1000, s9  }
0xe: {  	s15 =	sor.u32 $0x1800, s9;
	s14 =	smax.u32 s14, $0x1;
	s7 =	sadd.s32 s11, s10  }
0xf: {  	s9 =	sadd.s32 s11, s12;
	s10 =	sadd.s32 s13, s10;
	s11 =	sadd.s32 s11, s15  }
0x10: {  	s12 =	sadd.s32 s13, s12;
	s13 =	sadd.s32 s13, s15;
	s15 =	simm.s32 $0x6  }
.LBB2_1:
0x11: {  	[tilespmem:s2], [sflag:$0x6] =	stream.linear.gather [hbm4b:s5+s2], $0x200, $0x38;
	[tilespmem:$0x1C280] =	vst v63  }
0x12: {  	_ =	swait.ge [sflag:s15], $0x200  }
0x13: {  	[sflag:s15] =	ssyncset.done $0x0  }
0x14: {  	[sflag:s15] =	ssyncadd.s32 $0xFFFFFE00  }
0x15: {  	[tilespmem:s16], [sflag:$0x1] =	stream.linear.gather [hbm4b:s6+s2], $0x4000, $0x38;
	[tilespmem:$0x1C280] =	vst v63  }
0x16: {  	v0 =	vld [tilespmem:s2+$0x0];
	_ =	sdelay $0x4  }
0x17: {  	v0 =	vshll.u32 v0, $0x4  }
0x18: {  	(v2sf) =	vpush v0, $0x0;
	_ =	sdelay $0x1  }
0x19: {  	(v2sf) =	vpush v0, $0x1;
	_ =	sdelay $0x1  }
0x1a: {  	(v2sf) =	vpush v0, $0x2;
	_ =	sdelay $0x1  }
0x1b: {  	(v2sf) =	vpush v0, $0x3;
	_ =	sdelay $0x5  }
0x1c: {  	(v2sf) =	vpush v0, $0x4;
	_ =	sdelay $0x2  }
0x1d: {  	s28 =	simm.s32 $0xC280;
	s24 =	spop (v2sf)  }
0x1e: {  	s0 =	simm.s32 $0x14280;
	s29 =	simm.s32 $0xC300;
	(v2sf) =	vpush v0, $0x5;
	s24 =	sand.u32 $0x1FFFFFF0, s24  }
0x1f: {  	s30 =	simm.s32 $0x14300;
	s25 =	spop (v2sf);
	s26 =	sadd.s32 s3, s24  }
0x20: {  	[tilespmem:s28], [sflag:$0x1] =	stream.linear.gather [hbm4b:s26+s2], $0x80, $0x38;
	[tilespmem:$0x1C280] =	vst v63  }
0x21: {  	s25 =	sand.u32 $0x1FFFFFF0, s25;
	s24 =	sadd.s32 s4, s24;
	s1 =	spop (v2sf)  }
0x22: {  	(v2sf) =	vpush v0, $0x6;
	[tilespmem:s0], [sflag:$0x1] =	stream.linear.gather [hbm4b:s24+s2], $0x80, $0x38;
	[tilespmem:$0x1C280] =	vst v63  }
0x23: {  	s28 =	sadd.s32 s3, s25;
	s25 =	sadd.s32 s4, s25;
	s31 =	spop (v2sf)  }
0x24: {  	[tilespmem:s29], [sflag:$0x1] =	stream.linear.gather [hbm4b:s28+s2], $0x80, $0x38;
	[tilespmem:$0x1C280] =	vst v63  }
0x25: {  	s26 =	simm.s32 $0x14A00;
	s24 =	sand.u32 $0x1FFFFFF0, s1;
	s0 =	simm.s32 $0xC380  }
0x26: {  	(v2sf) =	vpush v0, $0x7;
	[tilespmem:s30], [sflag:$0x1] =	stream.linear.gather [hbm4b:s25+s2], $0x80, $0x38;
	[tilespmem:$0x1C280] =	vst v63  }
0x27: {  	s1 =	simm.s32 $0x14380;
	s28 =	sadd.s32 s3, s24;
	s24 =	sadd.s32 s4, s24  }
0x28: {  	[tilespmem:s0], [sflag:$0x1] =	stream.linear.gather [hbm4b:s28+s2], $0x80, $0x38;
	[tilespmem:$0x1C280] =	vst v63  }
0x29: {  	s29 =	spop (v2sf);
	s25 =	sand.u32 $0x1FFFFFF0, s31;
	s30 =	simm.s32 $0xC400  }
0x2a: {  	(v2sf) =	vpush v0, $0x8;
	[tilespmem:s1], [sflag:$0x1] =	stream.linear.gather [hbm4b:s24+s2], $0x80, $0x38;
	[tilespmem:$0x1C280] =	vst v63  }
0x2b: {  	s31 =	simm.s32 $0x14400;
	s28 =	sadd.s32 s3, s25;
	s25 =	sadd.s32 s4, s25  }
0x2c: {  	[tilespmem:s30], [sflag:$0x1] =	stream.linear.gather [hbm4b:s28+s2], $0x80, $0x38;
	[tilespmem:$0x1C280] =	vst v63  }
0x2d: {  	s24 =	sand.u32 $0x1FFFFFF0, s29;
	s1 =	simm.s32 $0xC480;
	s0 =	spop (v2sf)  }
0x2e: {  	(v2sf) =	vpush v0, $0x9;
	[tilespmem:s31], [sflag:$0x1] =	stream.linear.gather [hbm4b:s25+s2], $0x80, $0x38;
	[tilespmem:$0x1C280] =	vst v63  }
0x2f: {  	s29 =	simm.s32 $0x14480;
	s28 =	sadd.s32 s3, s24;
	s24 =	sadd.s32 s4, s24  }
0x30: {  	[tilespmem:s1], [sflag:$0x1] =	stream.linear.gather [hbm4b:s28+s2], $0x80, $0x38;
	[tilespmem:$0x1C280] =	vst v63  }
0x31: {  	s30 =	spop (v2sf);
	s25 =	sand.u32 $0x1FFFFFF0, s0;
	s31 =	simm.s32 $0xC500  }
0x32: {  	(v2sf) =	vpush v0, $0xA;
	[tilespmem:s29], [sflag:$0x1] =	stream.linear.gather [hbm4b:s24+s2], $0x80, $0x38;
	[tilespmem:$0x1C280] =	vst v63  }
0x33: {  	s0 =	simm.s32 $0x14500;
	s28 =	sadd.s32 s3, s25;
	s25 =	sadd.s32 s4, s25  }
0x34: {  	[tilespmem:s31], [sflag:$0x1] =	stream.linear.gather [hbm4b:s28+s2], $0x80, $0x38;
	[tilespmem:$0x1C280] =	vst v63  }
0x35: {  	s1 =	spop (v2sf);
	s24 =	sand.u32 $0x1FFFFFF0, s30;
	s29 =	simm.s32 $0xC580  }
0x36: {  	(v2sf) =	vpush v0, $0xB;
	[tilespmem:s0], [sflag:$0x1] =	stream.linear.gather [hbm4b:s25+s2], $0x80, $0x38;
	[tilespmem:$0x1C280] =	vst v63  }
0x37: {  	s30 =	simm.s32 $0x14580;
	s28 =	sadd.s32 s3, s24;
	s24 =	sadd.s32 s4, s24  }
0x38: {  	[tilespmem:s29], [sflag:$0x1] =	stream.linear.gather [hbm4b:s28+s2], $0x80, $0x38;
	[tilespmem:$0x1C280] =	vst v63  }
0x39: {  	s31 =	spop (v2sf);
	s25 =	sand.u32 $0x1FFFFFF0, s1;
	s0 =	simm.s32 $0xC600  }
0x3a: {  	(v2sf) =	vpush v0, $0xC;
	[tilespmem:s30], [sflag:$0x1] =	stream.linear.gather [hbm4b:s24+s2], $0x80, $0x38;
	[tilespmem:$0x1C280] =	vst v63  }
0x3b: {  	s1 =	simm.s32 $0x14600;
	s28 =	sadd.s32 s3, s25;
	s25 =	sadd.s32 s4, s25  }
0x3c: {  	[tilespmem:s0], [sflag:$0x1] =	stream.linear.gather [hbm4b:s28+s2], $0x80, $0x38;
	[tilespmem:$0x1C280] =	vst v63  }
0x3d: {  	s24 =	sand.u32 $0x1FFFFFF0, s31;
	s30 =	simm.s32 $0xC680;
	s29 =	spop (v2sf)  }
0x3e: {  	(v2sf) =	vpush v0, $0xD;
	[tilespmem:s1], [sflag:$0x1] =	stream.linear.gather [hbm4b:s25+s2], $0x80, $0x38;
	[tilespmem:$0x1C280] =	vst v63  }
0x3f: {  	s31 =	simm.s32 $0x14680;
	s28 =	sadd.s32 s3, s24;
	s24 =	sadd.s32 s4, s24  }
0x40: {  	[tilespmem:s30], [sflag:$0x1] =	stream.linear.gather [hbm4b:s28+s2], $0x80, $0x38;
	[tilespmem:$0x1C280] =	vst v63  }
0x41: {  	s0 =	spop (v2sf);
	s25 =	sand.u32 $0x1FFFFFF0, s29;
	s1 =	simm.s32 $0xC700  }
0x42: {  	(v2sf) =	vpush v0, $0xE;
	[tilespmem:s31], [sflag:$0x1] =	stream.linear.gather [hbm4b:s24+s2], $0x80, $0x38;
	[tilespmem:$0x1C280] =	vst v63  }
0x43: {  	s29 =	simm.s32 $0x14700;
	s28 =	sadd.s32 s3, s25;
	s25 =	sadd.s32 s4, s25  }
0x44: {  	[tilespmem:s1], [sflag:$0x1] =	stream.linear.gather [hbm4b:s28+s2], $0x80, $0x38;
	[tilespmem:$0x1C280] =	vst v63  }
0x45: {  	s30 =	spop (v2sf);
	s24 =	sand.u32 $0x1FFFFFF0, s0;
	s31 =	simm.s32 $0xC780  }
0x46: {  	(v2sf) =	vpush v0, $0xF;
	[tilespmem:s29], [sflag:$0x1] =	stream.linear.gather [hbm4b:s25+s2], $0x80, $0x38;
	[tilespmem:$0x1C280] =	vst v63  }
0x47: {  	s0 =	simm.s32 $0x14780;
	s28 =	sadd.s32 s3, s24;
	s24 =	sadd.s32 s4, s24  }
0x48: {  	[tilespmem:s31], [sflag:$0x1] =	stream.linear.gather [hbm4b:s28+s2], $0x80, $0x38;
	[tilespmem:$0x1C280] =	vst v63  }
0x49: {  	s1 =	spop (v2sf);
	s25 =	sand.u32 $0x1FFFFFF0, s30;
	s29 =	simm.s32 $0xC800  }
0x4a: {  	[tilespmem:s0], [sflag:$0x1] =	stream.linear.gather [hbm4b:s24+s2], $0x80, $0x38;
	[tilespmem:$0x1C280] =	vst v63  }
0x4b: {  	s30 =	simm.s32 $0x14800;
	s28 =	sadd.s32 s3, s25;
	s25 =	sadd.s32 s4, s25  }
0x4c: {  	[tilespmem:s29], [sflag:$0x1] =	stream.linear.gather [hbm4b:s28+s2], $0x80, $0x38;
	[tilespmem:$0x1C280] =	vst v63  }
0x4d: {  	s24 =	sand.u32 $0x1FFFFFF0, s1;
	s31 =	spop (v2sf);
	s0 =	simm.s32 $0xC880  }
0x4e: {  	[tilespmem:s30], [sflag:$0x1] =	stream.linear.gather [hbm4b:s25+s2], $0x80, $0x38;
	[tilespmem:$0x1C280] =	vst v63  }
0x4f: {  	s1 =	simm.s32 $0x14880;
	s28 =	sadd.s32 s3, s24;
	s24 =	sadd.s32 s4, s24  }
0x50: {  	[tilespmem:s0], [sflag:$0x1] =	stream.linear.gather [hbm4b:s28+s2], $0x80, $0x38;
	[tilespmem:$0x1C280] =	vst v63  }
0x51: {  	s29 =	spop (v2sf);
	s25 =	sand.u32 $0x1FFFFFF0, s31;
	s30 =	simm.s32 $0xC900  }
0x52: {  	[tilespmem:s1], [sflag:$0x1] =	stream.linear.gather [hbm4b:s24+s2], $0x80, $0x38;
	[tilespmem:$0x1C280] =	vst v63  }
0x53: {  	s31 =	simm.s32 $0x14900;
	s28 =	sadd.s32 s3, s25;
	s25 =	sadd.s32 s4, s25  }
0x54: {  	[tilespmem:s30], [sflag:$0x1] =	stream.linear.gather [hbm4b:s28+s2], $0x80, $0x38;
	[tilespmem:$0x1C280] =	vst v63  }
0x55: {  	s0 =	spop (v2sf);
	s24 =	sand.u32 $0x1FFFFFF0, s29;
	s1 =	simm.s32 $0xC980  }
0x56: {  	[tilespmem:s31], [sflag:$0x1] =	stream.linear.gather [hbm4b:s25+s2], $0x80, $0x38;
	[tilespmem:$0x1C280] =	vst v63  }
0x57: {  	s29 =	simm.s32 $0x14980;
	s28 =	sadd.s32 s3, s24;
	s25 =	sand.u32 $0x1FFFFFF0, s0  }
0x58: {  	[tilespmem:s1], [sflag:$0x1] =	stream.linear.gather [hbm4b:s28+s2], $0x80, $0x38;
	[tilespmem:$0x1C280] =	vst v63  }
0x59: {  	s24 =	sadd.s32 s4, s24;
	s30 =	simm.s32 $0xCA00;
	s31 =	sadd.s32 s3, s25  }
0x5a: {  	[tilespmem:s29], [sflag:$0x1] =	stream.linear.gather [hbm4b:s24+s2], $0x80, $0x38;
	[tilespmem:$0x1C280] =	vst v63  }
0x5b: {  	s28 =	sadd.s32 s4, s25;
	s25 =	simm.s32 $0x0;
	s24 =	simm.s32 $0x2000  }
0x5c: {  	[tilespmem:s30], [sflag:$0x1] =	stream.linear.gather [hbm4b:s31+s2], $0x80, $0x38;
	[tilespmem:$0x1C280] =	vst v63  }
.LBB2_2:
0x5d: {  	p0 =	sne.s32 s24, $0xE000  }
0x5e: {  	s25 =	sadd.s32 $0x10, s25;
	s29 =	smov.u32 s24;
	s24 =	sadd.s32 $0x2000, s24  }
0x5f: {  	[tilespmem:s26], [sflag:$0x1] =	stream.linear.gather [hbm4b:s28+s2], $0x80, $0x38;
	[tilespmem:$0x1C280] =	vst v63  }
0x60: {  	v0 =	vld [tilespmem:s25+$0x0];
	_ =	sdelay $0x4  }
0x61: {  	v0 =	vshll.u32 v0, $0x4  }
0x62: {  	(v2sf) =	vpush v0, $0x0  }
0x63: {  	(v2sf) =	vpush v0, $0x1  }
0x64: {  	(v2sf) =	vpush v0, $0x2;
	_ =	sdelay $0x2  }
0x65: {  	(v2sf) =	vpush v0, $0x3;
	_ =	sdelay $0x3  }
0x66: {  	(v2sf) =	vpush v0, $0x4;
	_ =	sdelay $0x3  }
0x67: {  	(v2sf) =	vpush v0, $0x5;
	_ =	sdelay $0x1  }
0x68: {  	s28 =	spop (v2sf)  }
0x69: {  	s26 =	sshra.s32 s29, $0x2;
	s28 =	sand.u32 $0x1FFFFFF0, s28;
	s29 =	spop (v2sf)  }
0x6a: {  	s31 =	sadd.s32 $0x14280, s26;
	s30 =	sadd.s32 s3, s28;
	s0 =	spop (v2sf);
	(v2sf) =	vpush v0, $0x6  }
0x6b: {  	s1 =	sadd.s32 $0xC280, s26;
	s29 =	sand.u32 $0x1FFFFFF0, s29;
	s0 =	sand.u32 $0x1FFFFFF0, s0  }
0x6c: {  	[tilespmem:s1], [sflag:$0x1] =	stream.linear.gather [hbm4b:s30+s2], $0x80, $0x38;
	[tilespmem:$0x1C280] =	vst v63  }
0x6d: {  	s1 =	sadd.s32 s4, s28;
	s28 =	sadd.s32 $0xC300, s26;
	s30 =	spop (v2sf)  }
0x6e: {  	[tilespmem:s31], [sflag:$0x1] =	stream.linear.gather [hbm4b:s1+s2], $0x80, $0x38;
	(v2sf) =	vpush v0, $0x7;
	[tilespmem:$0x1C280] =	vst v63  }
0x6f: {  	s1 =	sadd.s32 s3, s29;
	s31 =	sadd.s32 $0x14300, s26;
	s30 =	sand.u32 $0x1FFFFFF0, s30  }
0x70: {  	[tilespmem:s28], [sflag:$0x1] =	stream.linear.gather [hbm4b:s1+s2], $0x80, $0x38;
	[tilespmem:$0x1C280] =	vst v63  }
0x71: {  	s1 =	sadd.s32 s4, s29;
	s28 =	sadd.s32 $0xC380, s26;
	s29 =	spop (v2sf)  }
0x72: {  	[tilespmem:s31], [sflag:$0x1] =	stream.linear.gather [hbm4b:s1+s2], $0x80, $0x38;
	[tilespmem:$0x1C280] =	vst v63  }
0x73: {  	s1 =	sadd.s32 s3, s0;
	s31 =	sadd.s32 $0x14380, s26;
	s29 =	sand.u32 $0x1FFFFFF0, s29  }
0x74: {  	[tilespmem:s28], [sflag:$0x1] =	stream.linear.gather [hbm4b:s1+s2], $0x80, $0x38;
	(v2sf) =	vpush v0, $0x8;
	[tilespmem:$0x1C280] =	vst v63  }
0x75: {  	s0 =	sadd.s32 s4, s0;
	s1 =	sadd.s32 $0xC400, s26;
	s28 =	spop (v2sf)  }
0x76: {  	[tilespmem:s31], [sflag:$0x1] =	stream.linear.gather [hbm4b:s0+s2], $0x80, $0x38;
	[tilespmem:$0x1C280] =	vst v63  }
0x77: {  	s0 =	sadd.s32 s3, s30;
	s31 =	sadd.s32 $0x14400, s26;
	s28 =	sand.u32 $0x1FFFFFF0, s28  }
0x78: {  	[tilespmem:s1], [sflag:$0x1] =	stream.linear.gather [hbm4b:s0+s2], $0x80, $0x38;
	(v2sf) =	vpush v0, $0x9;
	[tilespmem:$0x1C280] =	vst v63  }
0x79: {  	s0 =	sadd.s32 s4, s30;
	s1 =	sadd.s32 $0xC480, s26;
	s30 =	spop (v2sf)  }
0x7a: {  	[tilespmem:s31], [sflag:$0x1] =	stream.linear.gather [hbm4b:s0+s2], $0x80, $0x38;
	[tilespmem:$0x1C280] =	vst v63  }
0x7b: {  	s0 =	sadd.s32 s3, s29;
	s31 =	sadd.s32 $0x14480, s26;
	s30 =	sand.u32 $0x1FFFFFF0, s30  }
0x7c: {  	[tilespmem:s1], [sflag:$0x1] =	stream.linear.gather [hbm4b:s0+s2], $0x80, $0x38;
	(v2sf) =	vpush v0, $0xA;
	[tilespmem:$0x1C280] =	vst v63  }
0x7d: {  	s0 =	sadd.s32 s4, s29;
	s1 =	sadd.s32 $0xC500, s26;
	s29 =	spop (v2sf)  }
0x7e: {  	[tilespmem:s31], [sflag:$0x1] =	stream.linear.gather [hbm4b:s0+s2], $0x80, $0x38;
	[tilespmem:$0x1C280] =	vst v63  }
0x7f: {  	s0 =	sadd.s32 s3, s28;
	s31 =	sadd.s32 $0x14500, s26;
	s29 =	sand.u32 $0x1FFFFFF0, s29  }
0x80: {  	[tilespmem:s1], [sflag:$0x1] =	stream.linear.gather [hbm4b:s0+s2], $0x80, $0x38;
	(v2sf) =	vpush v0, $0xB;
	[tilespmem:$0x1C280] =	vst v63  }
0x81: {  	s0 =	sadd.s32 s4, s28;
	s1 =	sadd.s32 $0xC580, s26;
	s28 =	sadd.s32 s3, s30  }
0x82: {  	[tilespmem:s31], [sflag:$0x1] =	stream.linear.gather [hbm4b:s0+s2], $0x80, $0x38;
	[tilespmem:$0x1C280] =	vst v63  }
0x83: {  	s30 =	sadd.s32 s4, s30;
	s0 =	sadd.s32 $0x14580, s26;
	s31 =	spop (v2sf)  }
0x84: {  	[tilespmem:s1], [sflag:$0x1] =	stream.linear.gather [hbm4b:s28+s2], $0x80, $0x38;
	(v2sf) =	vpush v0, $0xC;
	[tilespmem:$0x1C280] =	vst v63  }
0x85: {  	s1 =	sadd.s32 $0xC600, s26;
	s28 =	sadd.s32 s3, s29;
	s31 =	sand.u32 $0x1FFFFFF0, s31  }
0x86: {  	[tilespmem:s0], [sflag:$0x1] =	stream.linear.gather [hbm4b:s30+s2], $0x80, $0x38;
	[tilespmem:$0x1C280] =	vst v63  }
0x87: {  	s29 =	sadd.s32 s4, s29;
	s0 =	sadd.s32 $0x14600, s26;
	s30 =	spop (v2sf)  }
0x88: {  	[tilespmem:s1], [sflag:$0x1] =	stream.linear.gather [hbm4b:s28+s2], $0x80, $0x38;
	(v2sf) =	vpush v0, $0xD;
	[tilespmem:$0x1C280] =	vst v63  }
0x89: {  	s1 =	sadd.s32 $0xC680, s26;
	s28 =	sadd.s32 s3, s31;
	s30 =	sand.u32 $0x1FFFFFF0, s30  }
0x8a: {  	[tilespmem:s0], [sflag:$0x1] =	stream.linear.gather [hbm4b:s29+s2], $0x80, $0x38;
	[tilespmem:$0x1C280] =	vst v63  }
0x8b: {  	s0 =	sadd.s32 $0x14680, s26;
	s29 =	sadd.s32 s4, s31;
	s31 =	spop (v2sf)  }
0x8c: {  	[tilespmem:s1], [sflag:$0x1] =	stream.linear.gather [hbm4b:s28+s2], $0x80, $0x38;
	(v2sf) =	vpush v0, $0xE;
	[tilespmem:$0x1C280] =	vst v63  }
0x8d: {  	s1 =	sadd.s32 $0xC700, s26;
	s28 =	sadd.s32 s3, s30;
	s31 =	sand.u32 $0x1FFFFFF0, s31  }
0x8e: {  	[tilespmem:s0], [sflag:$0x1] =	stream.linear.gather [hbm4b:s29+s2], $0x80, $0x38;
	[tilespmem:$0x1C280] =	vst v63  }
0x8f: {  	s0 =	sadd.s32 $0x14700, s26;
	s29 =	sadd.s32 s4, s30;
	s30 =	spop (v2sf)  }
0x90: {  	[tilespmem:s1], [sflag:$0x1] =	stream.linear.gather [hbm4b:s28+s2], $0x80, $0x38;
	(v2sf) =	vpush v0, $0xF;
	[tilespmem:$0x1C280] =	vst v63  }
0x91: {  	s1 =	sadd.s32 $0xC780, s26;
	s28 =	sadd.s32 s3, s31;
	s30 =	sand.u32 $0x1FFFFFF0, s30  }
0x92: {  	[tilespmem:s0], [sflag:$0x1] =	stream.linear.gather [hbm4b:s29+s2], $0x80, $0x38;
	[tilespmem:$0x1C280] =	vst v63  }
0x93: {  	s0 =	sadd.s32 $0x14780, s26;
	s29 =	sadd.s32 s4, s31;
	s31 =	spop (v2sf)  }
0x94: {  	[tilespmem:s1], [sflag:$0x1] =	stream.linear.gather [hbm4b:s28+s2], $0x80, $0x38;
	[tilespmem:$0x1C280] =	vst v63  }
0x95: {  	s1 =	sadd.s32 $0xC800, s26;
	s28 =	sadd.s32 s3, s30;
	s31 =	sand.u32 $0x1FFFFFF0, s31  }
0x96: {  	[tilespmem:s0], [sflag:$0x1] =	stream.linear.gather [hbm4b:s29+s2], $0x80, $0x38;
	[tilespmem:$0x1C280] =	vst v63  }
0x97: {  	s0 =	sadd.s32 $0x14800, s26;
	s29 =	sadd.s32 s4, s30;
	s30 =	spop (v2sf)  }
0x98: {  	[tilespmem:s1], [sflag:$0x1] =	stream.linear.gather [hbm4b:s28+s2], $0x80, $0x38;
	[tilespmem:$0x1C280] =	vst v63  }
0x99: {  	s1 =	sadd.s32 $0xC880, s26;
	s28 =	sadd.s32 s3, s31;
	s30 =	sand.u32 $0x1FFFFFF0, s30  }
0x9a: {  	[tilespmem:s0], [sflag:$0x1] =	stream.linear.gather [hbm4b:s29+s2], $0x80, $0x38;
	[tilespmem:$0x1C280] =	vst v63  }
0x9b: {  	s0 =	sadd.s32 $0x14880, s26;
	s29 =	sadd.s32 s4, s31;
	s31 =	spop (v2sf)  }
0x9c: {  	[tilespmem:s1], [sflag:$0x1] =	stream.linear.gather [hbm4b:s28+s2], $0x80, $0x38;
	[tilespmem:$0x1C280] =	vst v63  }
0x9d: {  	s1 =	sadd.s32 $0xC900, s26;
	s28 =	sadd.s32 s3, s30;
	s31 =	sand.u32 $0x1FFFFFF0, s31  }
0x9e: {  	[tilespmem:s0], [sflag:$0x1] =	stream.linear.gather [hbm4b:s29+s2], $0x80, $0x38;
	[tilespmem:$0x1C280] =	vst v63  }
0x9f: {  	s0 =	sadd.s32 $0x14900, s26;
	s29 =	sadd.s32 s4, s30;
	s30 =	spop (v2sf)  }
0xa0: {  	[tilespmem:s1], [sflag:$0x1] =	stream.linear.gather [hbm4b:s28+s2], $0x80, $0x38;
	[tilespmem:$0x1C280] =	vst v63  }
0xa1: {  	s1 =	sadd.s32 $0xC980, s26;
	s28 =	sadd.s32 s3, s31;
	s30 =	sand.u32 $0x1FFFFFF0, s30  }
0xa2: {  	[tilespmem:s0], [sflag:$0x1] =	stream.linear.gather [hbm4b:s29+s2], $0x80, $0x38;
	[tilespmem:$0x1C280] =	vst v63  }
0xa3: {  	s0 =	sadd.s32 $0x14980, s26;
	s29 =	sadd.s32 s4, s31  }
0xa4: {  	[tilespmem:s1], [sflag:$0x1] =	stream.linear.gather [hbm4b:s28+s2], $0x80, $0x38;
	[tilespmem:$0x1C280] =	vst v63  }
.Ltmp0:
0xa5: {  	_ = 	snop;
	(pc) =	sbr.rel @p0 .LBB2_2-.Ltmp0, $4  }
0xa6: {  	s31 =	sadd.s32 s3, s30;
	s1 =	sadd.s32 $0xCA00, s26  }
0xa7: {  	[tilespmem:s0], [sflag:$0x1] =	stream.linear.gather [hbm4b:s29+s2], $0x80, $0x38;
	[tilespmem:$0x1C280] =	vst v63  }
0xa8: {  	s26 =	sadd.s32 $0x14A00, s26;
	s28 =	sadd.s32 s4, s30  }
0xa9: {  	[tilespmem:s1], [sflag:$0x1] =	stream.linear.gather [hbm4b:s31+s2], $0x80, $0x38;
	[tilespmem:$0x1C280] =	vst v63  }
0xaa: {  	[tilespmem:s26], [sflag:$0x1] =	stream.linear.gather [hbm4b:s28+s2], $0x80, $0x38;
	[tilespmem:$0x1C280] =	vst v63  }
0xab: {  	s0 =	simm.s32 $0x0;
	s24 =	simm.s32 $0x80  }
0xac: {  	[tilespmem:s17], [sflag:$0x2] =	stream.linear.gather [hbm4b:s7+s0], $0x4000, $0x38;
	[tilespmem:$0x1C280] =	vst v63  }
0xad: {  	v0 =	vld [tilespmem:s24+$0x0];
	_ =	sdelay $0x4  }
0xae: {  	v0 =	vshll.u32 v0, $0x4  }
0xaf: {  	(v2sf) =	vpush v0, $0x0;
	_ =	sdelay $0x1  }
0xb0: {  	(v2sf) =	vpush v0, $0x1;
	_ =	sdelay $0x1  }
0xb1: {  	(v2sf) =	vpush v0, $0x2;
	_ =	sdelay $0x3  }
0xb2: {  	(v2sf) =	vpush v0, $0x3;
	_ =	sdelay $0x3  }
0xb3: {  	(v2sf) =	vpush v0, $0x4;
	_ =	sdelay $0x2  }
0xb4: {  	s30 =	spop (v2sf)  }
0xb5: {  	s31 =	simm.s32 $0x10280;
	s26 =	simm.s32 $0x18280;
	(v2sf) =	vpush v0, $0x5;
	s0 =	sand.u32 $0x1FFFFFF0, s30  }
0xb6: {  	s1 =	spop (v2sf);
	s30 =	simm.s32 $0x10300;
	s25 =	sadd.s32 s3, s0  }
0xb7: {  	[tilespmem:s31], [sflag:$0x2] =	stream.linear.gather [hbm4b:s25+s2], $0x80, $0x38;
	[tilespmem:$0x1C280] =	vst v63  }
0xb8: {  	s1 =	sand.u32 $0x1FFFFFF0, s1;
	s0 =	sadd.s32 s4, s0;
	s29 =	spop (v2sf)  }
0xb9: {  	(v2sf) =	vpush v0, $0x6;
	[tilespmem:s26], [sflag:$0x2] =	stream.linear.gather [hbm4b:s0+s2], $0x80, $0x38;
	[tilespmem:$0x1C280] =	vst v63  }
0xba: {  	s31 =	sadd.s32 s3, s1;
	s1 =	sadd.s32 s4, s1;
	s25 =	simm.s32 $0x2000  }
0xbb: {  	[tilespmem:s30], [sflag:$0x2] =	stream.linear.gather [hbm4b:s31+s2], $0x80, $0x38;
	[tilespmem:$0x1C280] =	vst v63  }
0xbc: {  	s0 =	sand.u32 $0x1FFFFFF0, s29;
	s26 =	simm.s32 $0x18300;
	s29 =	spop (v2sf)  }
0xbd: {  	(v2sf) =	vpush v0, $0x7;
	[tilespmem:s26], [sflag:$0x2] =	stream.linear.gather [hbm4b:s1+s2], $0x80, $0x38;
	[tilespmem:$0x1C280] =	vst v63  }
0xbe: {  	s30 =	simm.s32 $0x10380;
	s31 =	sadd.s32 s3, s0;
	s0 =	sadd.s32 s4, s0  }
0xbf: {  	[tilespmem:s30], [sflag:$0x2] =	stream.linear.gather [hbm4b:s31+s2], $0x80, $0x38;
	[tilespmem:$0x1C280] =	vst v63  }
0xc0: {  	s1 =	sand.u32 $0x1FFFFFF0, s29;
	s26 =	simm.s32 $0x18380;
	s29 =	spop (v2sf)  }
0xc1: {  	(v2sf) =	vpush v0, $0x8;
	[tilespmem:s26], [sflag:$0x2] =	stream.linear.gather [hbm4b:s0+s2], $0x80, $0x38;
	[tilespmem:$0x1C280] =	vst v63  }
0xc2: {  	s30 =	simm.s32 $0x10400;
	s31 =	sadd.s32 s3, s1;
	s1 =	sadd.s32 s4, s1  }
0xc3: {  	[tilespmem:s30], [sflag:$0x2] =	stream.linear.gather [hbm4b:s31+s2], $0x80, $0x38;
	[tilespmem:$0x1C280] =	vst v63  }
0xc4: {  	s0 =	sand.u32 $0x1FFFFFF0, s29;
	s26 =	simm.s32 $0x18400;
	s29 =	spop (v2sf)  }
0xc5: {  	(v2sf) =	vpush v0, $0x9;
	[tilespmem:s26], [sflag:$0x2] =	stream.linear.gather [hbm4b:s1+s2], $0x80, $0x38;
	[tilespmem:$0x1C280] =	vst v63  }
0xc6: {  	s30 =	simm.s32 $0x10480;
	s31 =	sadd.s32 s3, s0;
	s0 =	sadd.s32 s4, s0  }
0xc7: {  	[tilespmem:s30], [sflag:$0x2] =	stream.linear.gather [hbm4b:s31+s2], $0x80, $0x38;
	[tilespmem:$0x1C280] =	vst v63  }
0xc8: {  	s1 =	sand.u32 $0x1FFFFFF0, s29;
	s26 =	simm.s32 $0x18480;
	s29 =	spop (v2sf)  }
0xc9: {  	(v2sf) =	vpush v0, $0xA;
	[tilespmem:s26], [sflag:$0x2] =	stream.linear.gather [hbm4b:s0+s2], $0x80, $0x38;
	[tilespmem:$0x1C280] =	vst v63  }
0xca: {  	s30 =	simm.s32 $0x10500;
	s31 =	sadd.s32 s3, s1;
	s1 =	sadd.s32 s4, s1  }
0xcb: {  	[tilespmem:s30], [sflag:$0x2] =	stream.linear.gather [hbm4b:s31+s2], $0x80, $0x38;
	[tilespmem:$0x1C280] =	vst v63  }
0xcc: {  	s0 =	sand.u32 $0x1FFFFFF0, s29;
	s26 =	simm.s32 $0x18500;
	s29 =	spop (v2sf)  }
0xcd: {  	(v2sf) =	vpush v0, $0xB;
	[tilespmem:s26], [sflag:$0x2] =	stream.linear.gather [hbm4b:s1+s2], $0x80, $0x38;
	[tilespmem:$0x1C280] =	vst v63  }
0xce: {  	s30 =	simm.s32 $0x10580;
	s31 =	sadd.s32 s3, s0;
	s0 =	sadd.s32 s4, s0  }
0xcf: {  	[tilespmem:s30], [sflag:$0x2] =	stream.linear.gather [hbm4b:s31+s2], $0x80, $0x38;
	[tilespmem:$0x1C280] =	vst v63  }
0xd0: {  	s1 =	sand.u32 $0x1FFFFFF0, s29;
	s26 =	simm.s32 $0x18580;
	s29 =	spop (v2sf)  }
0xd1: {  	(v2sf) =	vpush v0, $0xC;
	[tilespmem:s26], [sflag:$0x2] =	stream.linear.gather [hbm4b:s0+s2], $0x80, $0x38;
	[tilespmem:$0x1C280] =	vst v63  }
0xd2: {  	s30 =	simm.s32 $0x10600;
	s31 =	sadd.s32 s3, s1;
	s1 =	sadd.s32 s4, s1  }
0xd3: {  	[tilespmem:s30], [sflag:$0x2] =	stream.linear.gather [hbm4b:s31+s2], $0x80, $0x38;
	[tilespmem:$0x1C280] =	vst v63  }
0xd4: {  	s0 =	sand.u32 $0x1FFFFFF0, s29;
	s26 =	simm.s32 $0x18600;
	s29 =	spop (v2sf)  }
0xd5: {  	(v2sf) =	vpush v0, $0xD;
	[tilespmem:s26], [sflag:$0x2] =	stream.linear.gather [hbm4b:s1+s2], $0x80, $0x38;
	[tilespmem:$0x1C280] =	vst v63  }
0xd6: {  	s30 =	simm.s32 $0x10680;
	s31 =	sadd.s32 s3, s0;
	s0 =	sadd.s32 s4, s0  }
0xd7: {  	[tilespmem:s30], [sflag:$0x2] =	stream.linear.gather [hbm4b:s31+s2], $0x80, $0x38;
	[tilespmem:$0x1C280] =	vst v63  }
0xd8: {  	s1 =	sand.u32 $0x1FFFFFF0, s29;
	s26 =	simm.s32 $0x18680;
	s29 =	spop (v2sf)  }
0xd9: {  	(v2sf) =	vpush v0, $0xE;
	[tilespmem:s26], [sflag:$0x2] =	stream.linear.gather [hbm4b:s0+s2], $0x80, $0x38;
	[tilespmem:$0x1C280] =	vst v63  }
0xda: {  	s30 =	simm.s32 $0x10700;
	s31 =	sadd.s32 s3, s1;
	s1 =	sadd.s32 s4, s1  }
0xdb: {  	[tilespmem:s30], [sflag:$0x2] =	stream.linear.gather [hbm4b:s31+s2], $0x80, $0x38;
	[tilespmem:$0x1C280] =	vst v63  }
0xdc: {  	s0 =	sand.u32 $0x1FFFFFF0, s29;
	s26 =	simm.s32 $0x18700;
	s29 =	spop (v2sf)  }
0xdd: {  	(v2sf) =	vpush v0, $0xF;
	[tilespmem:s26], [sflag:$0x2] =	stream.linear.gather [hbm4b:s1+s2], $0x80, $0x38;
	[tilespmem:$0x1C280] =	vst v63  }
0xde: {  	s30 =	simm.s32 $0x10780;
	s31 =	sadd.s32 s3, s0;
	s0 =	sadd.s32 s4, s0  }
0xdf: {  	[tilespmem:s30], [sflag:$0x2] =	stream.linear.gather [hbm4b:s31+s2], $0x80, $0x38;
	[tilespmem:$0x1C280] =	vst v63  }
0xe0: {  	s1 =	sand.u32 $0x1FFFFFF0, s29;
	s26 =	simm.s32 $0x18780;
	s29 =	spop (v2sf)  }
0xe1: {  	[tilespmem:s26], [sflag:$0x2] =	stream.linear.gather [hbm4b:s0+s2], $0x80, $0x38;
	[tilespmem:$0x1C280] =	vst v63  }
0xe2: {  	s30 =	simm.s32 $0x10800;
	s31 =	sadd.s32 s3, s1;
	s1 =	sadd.s32 s4, s1  }
0xe3: {  	[tilespmem:s30], [sflag:$0x2] =	stream.linear.gather [hbm4b:s31+s2], $0x80, $0x38;
	[tilespmem:$0x1C280] =	vst v63  }
0xe4: {  	s0 =	sand.u32 $0x1FFFFFF0, s29;
	s26 =	simm.s32 $0x18800;
	s29 =	spop (v2sf)  }
0xe5: {  	[tilespmem:s26], [sflag:$0x2] =	stream.linear.gather [hbm4b:s1+s2], $0x80, $0x38;
	[tilespmem:$0x1C280] =	vst v63  }
0xe6: {  	s30 =	simm.s32 $0x10880;
	s31 =	sadd.s32 s3, s0;
	s0 =	sadd.s32 s4, s0  }
0xe7: {  	[tilespmem:s30], [sflag:$0x2] =	stream.linear.gather [hbm4b:s31+s2], $0x80, $0x38;
	[tilespmem:$0x1C280] =	vst v63  }
0xe8: {  	s1 =	sand.u32 $0x1FFFFFF0, s29;
	s26 =	simm.s32 $0x18880;
	s29 =	spop (v2sf)  }
0xe9: {  	[tilespmem:s26], [sflag:$0x2] =	stream.linear.gather [hbm4b:s0+s2], $0x80, $0x38;
	[tilespmem:$0x1C280] =	vst v63  }
0xea: {  	s30 =	simm.s32 $0x10900;
	s31 =	sadd.s32 s3, s1;
	s1 =	sadd.s32 s4, s1  }
0xeb: {  	[tilespmem:s30], [sflag:$0x2] =	stream.linear.gather [hbm4b:s31+s2], $0x80, $0x38;
	[tilespmem:$0x1C280] =	vst v63  }
0xec: {  	s0 =	sand.u32 $0x1FFFFFF0, s29;
	s26 =	simm.s32 $0x18900;
	s29 =	spop (v2sf)  }
0xed: {  	[tilespmem:s26], [sflag:$0x2] =	stream.linear.gather [hbm4b:s1+s2], $0x80, $0x38;
	[tilespmem:$0x1C280] =	vst v63  }
0xee: {  	s30 =	simm.s32 $0x10980;
	s31 =	sadd.s32 s3, s0;
	s0 =	sadd.s32 s4, s0  }
0xef: {  	[tilespmem:s30], [sflag:$0x2] =	stream.linear.gather [hbm4b:s31+s2], $0x80, $0x38;
	[tilespmem:$0x1C280] =	vst v63  }
0xf0: {  	s1 =	sand.u32 $0x1FFFFFF0, s29;
	s29 =	simm.s32 $0x18980;
	s26 =	simm.s32 $0x18A00  }
0xf1: {  	[tilespmem:s29], [sflag:$0x2] =	stream.linear.gather [hbm4b:s0+s2], $0x80, $0x38;
	[tilespmem:$0x1C280] =	vst v63  }
0xf2: {  	s28 =	sadd.s32 s4, s1;
	s30 =	simm.s32 $0x10A00;
	s31 =	sadd.s32 s3, s1  }
0xf3: {  	[tilespmem:s30], [sflag:$0x2] =	stream.linear.gather [hbm4b:s31+s2], $0x80, $0x38;
	[tilespmem:$0x1C280] =	vst v63  }
.LBB2_4:
0xf4: {  	p0 =	sne.s32 s25, $0xE000  }
0xf5: {  	s24 =	sadd.s32 $0x10, s24;
	s0 =	smov.u32 s25;
	s25 =	sadd.s32 $0x2000, s25  }
0xf6: {  	[tilespmem:s26], [sflag:$0x2] =	stream.linear.gather [hbm4b:s28+s2], $0x80, $0x38;
	[tilespmem:$0x1C280] =	vst v63  }
0xf7: {  	v0 =	vld [tilespmem:s24+$0x0];
	_ =	sdelay $0x4  }
0xf8: {  	v0 =	vshll.u32 v0, $0x4  }
0xf9: {  	(v2sf) =	vpush v0, $0x0  }
0xfa: {  	(v2sf) =	vpush v0, $0x1  }
0xfb: {  	(v2sf) =	vpush v0, $0x2;
	_ =	sdelay $0x2  }
0xfc: {  	(v2sf) =	vpush v0, $0x3;
	_ =	sdelay $0x3  }
0xfd: {  	(v2sf) =	vpush v0, $0x4;
	_ =	sdelay $0x3  }
0xfe: {  	(v2sf) =	vpush v0, $0x5;
	_ =	sdelay $0x1  }
0xff: {  	s1 =	spop (v2sf)  }
0x100: {  	s26 =	sshra.s32 s0, $0x2;
	s0 =	sand.u32 $0x1FFFFFF0, s1;
	s1 =	spop (v2sf)  }
0x101: {  	s29 =	sadd.s32 $0x18280, s26;
	s28 =	sadd.s32 s3, s0;
	s30 =	spop (v2sf);
	(v2sf) =	vpush v0, $0x6  }
0x102: {  	s31 =	sadd.s32 $0x10280, s26;
	s1 =	sand.u32 $0x1FFFFFF0, s1;
	s30 =	sand.u32 $0x1FFFFFF0, s30  }
0x103: {  	[tilespmem:s31], [sflag:$0x2] =	stream.linear.gather [hbm4b:s28+s2], $0x80, $0x38;
	[tilespmem:$0x1C280] =	vst v63  }
0x104: {  	s0 =	sadd.s32 s4, s0;
	s28 =	sadd.s32 $0x10300, s26;
	s31 =	spop (v2sf)  }
0x105: {  	[tilespmem:s29], [sflag:$0x2] =	stream.linear.gather [hbm4b:s0+s2], $0x80, $0x38;
	(v2sf) =	vpush v0, $0x7;
	[tilespmem:$0x1C280] =	vst v63  }
0x106: {  	s0 =	sadd.s32 s3, s1;
	s29 =	sadd.s32 $0x18300, s26;
	s31 =	sand.u32 $0x1FFFFFF0, s31  }
0x107: {  	[tilespmem:s28], [sflag:$0x2] =	stream.linear.gather [hbm4b:s0+s2], $0x80, $0x38;
	[tilespmem:$0x1C280] =	vst v63  }
0x108: {  	s0 =	sadd.s32 s4, s1;
	s1 =	sadd.s32 $0x10380, s26;
	s28 =	spop (v2sf)  }
0x109: {  	[tilespmem:s29], [sflag:$0x2] =	stream.linear.gather [hbm4b:s0+s2], $0x80, $0x38;
	[tilespmem:$0x1C280] =	vst v63  }
0x10a: {  	s0 =	sadd.s32 s3, s30;
	s29 =	sadd.s32 $0x18380, s26;
	s28 =	sand.u32 $0x1FFFFFF0, s28  }
0x10b: {  	[tilespmem:s1], [sflag:$0x2] =	stream.linear.gather [hbm4b:s0+s2], $0x80, $0x38;
	(v2sf) =	vpush v0, $0x8;
	[tilespmem:$0x1C280] =	vst v63  }
0x10c: {  	s0 =	sadd.s32 s4, s30;
	s1 =	sadd.s32 $0x10400, s26;
	s30 =	spop (v2sf)  }
0x10d: {  	[tilespmem:s29], [sflag:$0x2] =	stream.linear.gather [hbm4b:s0+s2], $0x80, $0x38;
	[tilespmem:$0x1C280] =	vst v63  }
0x10e: {  	s0 =	sadd.s32 s3, s31;
	s29 =	sadd.s32 $0x18400, s26;
	s30 =	sand.u32 $0x1FFFFFF0, s30  }
0x10f: {  	[tilespmem:s1], [sflag:$0x2] =	stream.linear.gather [hbm4b:s0+s2], $0x80, $0x38;
	(v2sf) =	vpush v0, $0x9;
	[tilespmem:$0x1C280] =	vst v63  }
0x110: {  	s0 =	sadd.s32 s4, s31;
	s1 =	sadd.s32 $0x10480, s26;
	s31 =	spop (v2sf)  }
0x111: {  	[tilespmem:s29], [sflag:$0x2] =	stream.linear.gather [hbm4b:s0+s2], $0x80, $0x38;
	[tilespmem:$0x1C280] =	vst v63  }
0x112: {  	s0 =	sadd.s32 s3, s28;
	s29 =	sadd.s32 $0x18480, s26;
	s31 =	sand.u32 $0x1FFFFFF0, s31  }
0x113: {  	[tilespmem:s1], [sflag:$0x2] =	stream.linear.gather [hbm4b:s0+s2], $0x80, $0x38;
	(v2sf) =	vpush v0, $0xA;
	[tilespmem:$0x1C280] =	vst v63  }
0x114: {  	s0 =	sadd.s32 s4, s28;
	s1 =	sadd.s32 $0x10500, s26;
	s28 =	spop (v2sf)  }
0x115: {  	[tilespmem:s29], [sflag:$0x2] =	stream.linear.gather [hbm4b:s0+s2], $0x80, $0x38;
	[tilespmem:$0x1C280] =	vst v63  }
0x116: {  	s0 =	sadd.s32 s3, s30;
	s29 =	sadd.s32 $0x18500, s26;
	s28 =	sand.u32 $0x1FFFFFF0, s28  }
0x117: {  	[tilespmem:s1], [sflag:$0x2] =	stream.linear.gather [hbm4b:s0+s2], $0x80, $0x38;
	(v2sf) =	vpush v0, $0xB;
	[tilespmem:$0x1C280] =	vst v63  }
0x118: {  	s0 =	sadd.s32 s4, s30;
	s1 =	sadd.s32 $0x10580, s26;
	s30 =	sadd.s32 s3, s31  }
0x119: {  	[tilespmem:s29], [sflag:$0x2] =	stream.linear.gather [hbm4b:s0+s2], $0x80, $0x38;
	[tilespmem:$0x1C280] =	vst v63  }
0x11a: {  	s0 =	sadd.s32 $0x18580, s26;
	s29 =	sadd.s32 s4, s31;
	s31 =	spop (v2sf)  }
0x11b: {  	[tilespmem:s1], [sflag:$0x2] =	stream.linear.gather [hbm4b:s30+s2], $0x80, $0x38;
	(v2sf) =	vpush v0, $0xC;
	[tilespmem:$0x1C280] =	vst v63  }
0x11c: {  	s1 =	sadd.s32 $0x10600, s26;
	s30 =	sadd.s32 s3, s28;
	s31 =	sand.u32 $0x1FFFFFF0, s31  }
0x11d: {  	[tilespmem:s0], [sflag:$0x2] =	stream.linear.gather [hbm4b:s29+s2], $0x80, $0x38;
	[tilespmem:$0x1C280] =	vst v63  }
0x11e: {  	s28 =	sadd.s32 s4, s28;
	s0 =	sadd.s32 $0x18600, s26;
	s29 =	spop (v2sf)  }
0x11f: {  	[tilespmem:s1], [sflag:$0x2] =	stream.linear.gather [hbm4b:s30+s2], $0x80, $0x38;
	(v2sf) =	vpush v0, $0xD;
	[tilespmem:$0x1C280] =	vst v63  }
0x120: {  	s1 =	sadd.s32 $0x10680, s26;
	s30 =	sadd.s32 s3, s31;
	s29 =	sand.u32 $0x1FFFFFF0, s29  }
0x121: {  	[tilespmem:s0], [sflag:$0x2] =	stream.linear.gather [hbm4b:s28+s2], $0x80, $0x38;
	[tilespmem:$0x1C280] =	vst v63  }
0x122: {  	s0 =	sadd.s32 $0x18680, s26;
	s28 =	sadd.s32 s4, s31;
	s31 =	spop (v2sf)  }
0x123: {  	[tilespmem:s1], [sflag:$0x2] =	stream.linear.gather [hbm4b:s30+s2], $0x80, $0x38;
	(v2sf) =	vpush v0, $0xE;
	[tilespmem:$0x1C280] =	vst v63  }
0x124: {  	s1 =	sadd.s32 $0x10700, s26;
	s30 =	sadd.s32 s3, s29;
	s31 =	sand.u32 $0x1FFFFFF0, s31  }
0x125: {  	[tilespmem:s0], [sflag:$0x2] =	stream.linear.gather [hbm4b:s28+s2], $0x80, $0x38;
	[tilespmem:$0x1C280] =	vst v63  }
0x126: {  	s0 =	sadd.s32 $0x18700, s26;
	s28 =	sadd.s32 s4, s29;
	s29 =	spop (v2sf)  }
0x127: {  	[tilespmem:s1], [sflag:$0x2] =	stream.linear.gather [hbm4b:s30+s2], $0x80, $0x38;
	(v2sf) =	vpush v0, $0xF;
	[tilespmem:$0x1C280] =	vst v63  }
0x128: {  	s1 =	sadd.s32 $0x10780, s26;
	s30 =	sadd.s32 s3, s31;
	s29 =	sand.u32 $0x1FFFFFF0, s29  }
0x129: {  	[tilespmem:s0], [sflag:$0x2] =	stream.linear.gather [hbm4b:s28+s2], $0x80, $0x38;
	[tilespmem:$0x1C280] =	vst v63  }
0x12a: {  	s0 =	sadd.s32 $0x18780, s26;
	s28 =	sadd.s32 s4, s31;
	s31 =	spop (v2sf)  }
0x12b: {  	[tilespmem:s1], [sflag:$0x2] =	stream.linear.gather [hbm4b:s30+s2], $0x80, $0x38;
	[tilespmem:$0x1C280] =	vst v63  }
0x12c: {  	s1 =	sadd.s32 $0x10800, s26;
	s30 =	sadd.s32 s3, s29;
	s31 =	sand.u32 $0x1FFFFFF0, s31  }
0x12d: {  	[tilespmem:s0], [sflag:$0x2] =	stream.linear.gather [hbm4b:s28+s2], $0x80, $0x38;
	[tilespmem:$0x1C280] =	vst v63  }
0x12e: {  	s0 =	sadd.s32 $0x18800, s26;
	s28 =	sadd.s32 s4, s29;
	s29 =	spop (v2sf)  }
0x12f: {  	[tilespmem:s1], [sflag:$0x2] =	stream.linear.gather [hbm4b:s30+s2], $0x80, $0x38;
	[tilespmem:$0x1C280] =	vst v63  }
0x130: {  	s1 =	sadd.s32 $0x10880, s26;
	s30 =	sadd.s32 s3, s31;
	s29 =	sand.u32 $0x1FFFFFF0, s29  }
0x131: {  	[tilespmem:s0], [sflag:$0x2] =	stream.linear.gather [hbm4b:s28+s2], $0x80, $0x38;
	[tilespmem:$0x1C280] =	vst v63  }
0x132: {  	s0 =	sadd.s32 $0x18880, s26;
	s28 =	sadd.s32 s4, s31;
	s31 =	spop (v2sf)  }
0x133: {  	[tilespmem:s1], [sflag:$0x2] =	stream.linear.gather [hbm4b:s30+s2], $0x80, $0x38;
	[tilespmem:$0x1C280] =	vst v63  }
0x134: {  	s1 =	sadd.s32 $0x10900, s26;
	s30 =	sadd.s32 s3, s29;
	s31 =	sand.u32 $0x1FFFFFF0, s31  }
0x135: {  	[tilespmem:s0], [sflag:$0x2] =	stream.linear.gather [hbm4b:s28+s2], $0x80, $0x38;
	[tilespmem:$0x1C280] =	vst v63  }
0x136: {  	s0 =	sadd.s32 $0x18900, s26;
	s28 =	sadd.s32 s4, s29;
	s29 =	spop (v2sf)  }
0x137: {  	[tilespmem:s1], [sflag:$0x2] =	stream.linear.gather [hbm4b:s30+s2], $0x80, $0x38;
	[tilespmem:$0x1C280] =	vst v63  }
0x138: {  	s1 =	sadd.s32 $0x10980, s26;
	s30 =	sadd.s32 s3, s31;
	s29 =	sand.u32 $0x1FFFFFF0, s29  }
0x139: {  	[tilespmem:s0], [sflag:$0x2] =	stream.linear.gather [hbm4b:s28+s2], $0x80, $0x38;
	[tilespmem:$0x1C280] =	vst v63  }
0x13a: {  	s0 =	sadd.s32 $0x18980, s26;
	s28 =	sadd.s32 s4, s31  }
0x13b: {  	[tilespmem:s1], [sflag:$0x2] =	stream.linear.gather [hbm4b:s30+s2], $0x80, $0x38;
	[tilespmem:$0x1C280] =	vst v63  }
.Ltmp1:
0x13c: {  	_ = 	snop;
	(pc) =	sbr.rel @p0 .LBB2_4-.Ltmp1, $4  }
0x13d: {  	s1 =	sadd.s32 $0x10A00, s26;
	s30 =	sadd.s32 s3, s29  }
0x13e: {  	[tilespmem:s0], [sflag:$0x2] =	stream.linear.gather [hbm4b:s28+s2], $0x80, $0x38;
	[tilespmem:$0x1C280] =	vst v63  }
0x13f: {  	s26 =	sadd.s32 $0x18A00, s26;
	s28 =	sadd.s32 s4, s29  }
0x140: {  	[tilespmem:s1], [sflag:$0x2] =	stream.linear.gather [hbm4b:s30+s2], $0x80, $0x38;
	[tilespmem:$0x1C280] =	vst v63  }
0x141: {  	[tilespmem:s26], [sflag:$0x2] =	stream.linear.gather [hbm4b:s28+s2], $0x80, $0x38;
	[tilespmem:$0x1C280] =	vst v63  }
0x142: {  	_ =	swait.ge [sflag:s18], $0x4000  }
0x143: {  	[sflag:s18] =	ssyncset.done $0x0  }
0x144: {  	[sflag:s18] =	ssyncadd.s32 $0xFFFFC000  }
0x145: {  	_ =	swait.ge [sflag:s18], $0x4000  }
0x146: {  	[sflag:s18] =	ssyncset.done $0x0  }
0x147: {  	[sflag:s18] =	ssyncadd.s32 $0xFFFFC000  }
0x148: {  	_ =	swait.ge [sflag:s18], $0x4000  }
0x149: {  	[sflag:s18] =	ssyncset.done $0x0  }
0x14a: {  	s24 =	simm.s32 $0x0;
	[sflag:s18] =	ssyncadd.s32 $0xFFFFC000  }
0x14b: {  	v0 =	vld [tilespmem:s24+$0xC290]  }
0x14c: {  	v7 =	vld [tilespmem:s24+$0xC2A0]  }
0x14d: {  	v6 =	vld [tilespmem:s24+$0x142B0]  }
0x14e: {  	v10 =	vld [tilespmem:s24+$0x142A0]  }
0x14f: {  	v3 =	vld [tilespmem:s24+$0x2E0]  }
0x150: {  	v14 =	vld [tilespmem:s24+$0x2F0]  }
0x151: {  	v1 =	vld [tilespmem:s24+$0x14280]  }
0x152: {  	v13 =	vld [tilespmem:s24+$0x2B0]  }
0x153: {  	v12 =	vld [tilespmem:s24+$0x2A0]  }
0x154: {  	v15 =	vld [tilespmem:s24+$0xC2B0]  }
0x155: {  	v4 =	vld [tilespmem:s24+$0x290]  }
0x156: {  	v5 =	vld [tilespmem:s24+$0x2C0];
	v2 =	vmul.f32 v10, v3;
	v8 =	vmul.f32 v7, v3  }
0x157: {  	v3 =	vld [tilespmem:s24+$0x14290];
	v9 =	vmul.f32 v6, v14;
	v11 =	vmul.f32 v6, v13  }
0x158: {  	v6 =	vld [tilespmem:s24+$0xC280];
	v7 =	vmul.f32 v7, v12;
	v12 =	vmul.f32 v10, v12  }
0x159: {  	s25 =	simm.s32 $0x200;
	v10 =	vld [tilespmem:s24+$0x280];
	v13 =	vmul.f32 v15, v13;
	v14 =	vmul.f32 v15, v14  }
.LBB2_6:
0x15a: {  	s0 =	sshra.s32 s25, $0x2;
	p0 =	sne.s32 s25, $0xFE00;
	s25 =	sadd.s32 $0x200, s25;
	v15 =	vld [tilespmem:s24+$0x2D0]  }
0x15b: {  	v16 =	vld [tilespmem:s0+$0xC290];
	v11 =	vadd.f32 v11, v14  }
0x15c: {  	v8 =	vadd.f32 v12, v8;
	v18 =	vmul.f32 v3, v4;
	v14 =	vld [tilespmem:s0+$0xC2A0];
	v17 =	vmul.f32 v1, v5  }
0x15d: {  	v4 =	vmul.f32 v0, v4;
	v9 =	vsub.f32 v13, v9;
	v12 =	vld [tilespmem:s0+$0x142B0];
	[tilespmem:s24+$0x2F0] =	vst v11  }
0x15e: {  	v5 =	vmul.f32 v6, v5;
	v13 =	vld [tilespmem:s0+$0x142A0];
	v1 =	vmul.f32 v1, v10;
	[tilespmem:s24+$0x2E0] =	vst v8  }
0x15f: {  	v6 =	vmul.f32 v6, v10;
	v8 =	vld [tilespmem:s0+$0x2E0];
	v3 =	vmul.f32 v3, v15;
	[tilespmem:s24+$0x2B0] =	vst v9  }
0x160: {  	v2 =	vsub.f32 v7, v2;
	v9 =	vmul.f32 v0, v15;
	v19 =	vld [tilespmem:s0+$0x2F0];
	v5 =	vadd.f32 v1, v5;
	v0 =	vmovc v16  }
0x161: {  	v6 =	vsub.f32 v6, v17;
	v1 =	vld [tilespmem:s0+$0x14280];
	v3 =	vsub.f32 v4, v3  }
0x162: {  	v7 =	vadd.f32 v18, v9;
	v15 =	vld [tilespmem:s0+$0x2B0];
	[tilespmem:s24+$0x2A0] =	vst v2  }
0x163: {  	v10 =	vld [tilespmem:s0+$0x2A0];
	[tilespmem:s24+$0x280] =	vst v6  }
0x164: {  	v2 =	vmul.f32 v13, v8;
	v8 =	vmul.f32 v14, v8;
	v16 =	vld [tilespmem:s0+$0xC2B0];
	[tilespmem:s24+$0x290] =	vst v3  }
.Ltmp2:
0x165: {  	v4 =	vld [tilespmem:s0+$0x290];
	v9 =	vmul.f32 v12, v19;
	[tilespmem:s24+$0x2D0] =	vst v7;
	(pc) =	sbr.rel @p0 .LBB2_6-.Ltmp2, $4  }
0x166: {  	v3 =	vld [tilespmem:s0+$0x14290];
	[tilespmem:s24+$0x2C0] =	vst v5;
	s24 =	smov.u32 s0  }
0x167: {  	v5 =	vld [tilespmem:s24+$0x2C0];
	v11 =	vmul.f32 v12, v15  }
0x168: {  	v6 =	vld [tilespmem:s24+$0xC280];
	v7 =	vmul.f32 v14, v10;
	v12 =	vmul.f32 v13, v10  }
0x169: {  	v10 =	vld [tilespmem:s24+$0x280];
	v13 =	vmul.f32 v16, v15;
	v14 =	vmul.f32 v16, v19  }
0x16a: {  	_ = 	snop  }
0x16b: {  	v15 =	vld [tilespmem:s24+$0x2D0]  }
0x16c: {  	v8 =	vadd.f32 v12, v8  }
0x16d: {  	v2 =	vsub.f32 v7, v2  }
0x16e: {  	v11 =	vadd.f32 v11, v14;
	v54 =	vmul.f32 v1, v5;
	[tilespmem:s24+$0x2E0] =	vst v8;
	v55 =	vmul.f32 v6, v10  }
0x16f: {  	v9 =	vsub.f32 v13, v9;
	[tilespmem:s24+$0x2A0] =	vst v2;
	v62 =	vmul.f32 v6, v5;
	v61 =	vmul.f32 v1, v10  }
0x170: {  	v56 =	vmul.f32 v0, v4;
	[tilespmem:s24+$0x2F0] =	vst v11;
	v57 =	vmul.f32 v3, v15;
	v60 =	vsub.f32 v55, v54  }
0x171: {  	v58 =	vmul.f32 v3, v4;
	[tilespmem:s24+$0x2B0] =	vst v9;
	v59 =	vmul.f32 v0, v15;
	v1 =	vadd.f32 v61, v62  }
0x172: {  	v63 =	vsub.f32 v56, v57;
	[tilespmem:s24+$0x280] =	vst v60  }
0x173: {  	v0 =	vadd.f32 v58, v59;
	[tilespmem:s24+$0x2C0] =	vst v1  }
0x174: {  	[tilespmem:s24+$0x290] =	vst v63  }
0x175: {  	s0 =	simm.s32 $0x0;
	[tilespmem:s24+$0x2D0] =	vst v0  }
0x176: {  	[hbm4b:s8+s0] =	stream.linear.scatter [tilespmem:s16], [sflag:$0x3], $0x4000, $0x38;
	[tilespmem:$0x1C280] =	vst v63  }
0x177: {  	s24 =	simm.s32 $0x100  }
0x178: {  	[tilespmem:s19], [sflag:$0x1] =	stream.linear.gather [hbm4b:s9+s0], $0x4000, $0x38;
	[tilespmem:$0x1C280] =	vst v63  }
0x179: {  	v0 =	vld [tilespmem:s24+$0x0];
	_ =	sdelay $0x4  }
0x17a: {  	v0 =	vshll.u32 v0, $0x4  }
0x17b: {  	(v2sf) =	vpush v0, $0x0  }
0x17c: {  	(v2sf) =	vpush v0, $0x1;
	_ =	sdelay $0x2  }
0x17d: {  	(v2sf) =	vpush v0, $0x2;
	_ =	sdelay $0x3  }
0x17e: {  	(v2sf) =	vpush v0, $0x3;
	_ =	sdelay $0x3  }
0x17f: {  	(v2sf) =	vpush v0, $0x4;
	_ =	sdelay $0x2  }
0x180: {  	s25 =	spop (v2sf)  }
0x181: {  	s26 =	simm.s32 $0xC280;
	(v2sf) =	vpush v0, $0x5;
	s0 =	sand.u32 $0x1FFFFFF0, s25;
	s1 =	spop (v2sf)  }
0x182: {  	s30 =	simm.s32 $0xC300;
	s25 =	sadd.s32 s3, s0;
	s1 =	sand.u32 $0x1FFFFFF0, s1  }
0x183: {  	[tilespmem:s26], [sflag:$0x1] =	stream.linear.gather [hbm4b:s25+s2], $0x80, $0x38;
	[tilespmem:$0x1C280] =	vst v63  }
0x184: {  	s0 =	sadd.s32 s4, s0;
	s29 =	spop (v2sf);
	s26 =	simm.s32 $0x14280  }
0x185: {  	(v2sf) =	vpush v0, $0x6;
	[tilespmem:s26], [sflag:$0x1] =	stream.linear.gather [hbm4b:s0+s2], $0x80, $0x38;
	[tilespmem:$0x1C280] =	vst v63  }
0x186: {  	s31 =	sadd.s32 s3, s1;
	s1 =	sadd.s32 s4, s1;
	s25 =	simm.s32 $0x2000  }
0x187: {  	[tilespmem:s30], [sflag:$0x1] =	stream.linear.gather [hbm4b:s31+s2], $0x80, $0x38;
	[tilespmem:$0x1C280] =	vst v63  }
0x188: {  	s0 =	sand.u32 $0x1FFFFFF0, s29;
	s26 =	simm.s32 $0x14300;
	s29 =	spop (v2sf)  }
0x189: {  	(v2sf) =	vpush v0, $0x7;
	[tilespmem:s26], [sflag:$0x1] =	stream.linear.gather [hbm4b:s1+s2], $0x80, $0x38;
	[tilespmem:$0x1C280] =	vst v63  }
0x18a: {  	s30 =	simm.s32 $0xC380;
	s31 =	sadd.s32 s3, s0;
	s0 =	sadd.s32 s4, s0  }
0x18b: {  	[tilespmem:s30], [sflag:$0x1] =	stream.linear.gather [hbm4b:s31+s2], $0x80, $0x38;
	[tilespmem:$0x1C280] =	vst v63  }
0x18c: {  	s1 =	sand.u32 $0x1FFFFFF0, s29;
	s26 =	simm.s32 $0x14380;
	s29 =	spop (v2sf)  }
0x18d: {  	(v2sf) =	vpush v0, $0x8;
	[tilespmem:s26], [sflag:$0x1] =	stream.linear.gather [hbm4b:s0+s2], $0x80, $0x38;
	[tilespmem:$0x1C280] =	vst v63  }
0x18e: {  	s30 =	simm.s32 $0xC400;
	s31 =	sadd.s32 s3, s1;
	s1 =	sadd.s32 s4, s1  }
0x18f: {  	[tilespmem:s30], [sflag:$0x1] =	stream.linear.gather [hbm4b:s31+s2], $0x80, $0x38;
	[tilespmem:$0x1C280] =	vst v63  }
0x190: {  	s0 =	sand.u32 $0x1FFFFFF0, s29;
	s26 =	simm.s32 $0x14400;
	s29 =	spop (v2sf)  }
0x191: {  	(v2sf) =	vpush v0, $0x9;
	[tilespmem:s26], [sflag:$0x1] =	stream.linear.gather [hbm4b:s1+s2], $0x80, $0x38;
	[tilespmem:$0x1C280] =	vst v63  }
0x192: {  	s30 =	simm.s32 $0xC480;
	s31 =	sadd.s32 s3, s0;
	s0 =	sadd.s32 s4, s0  }
0x193: {  	[tilespmem:s30], [sflag:$0x1] =	stream.linear.gather [hbm4b:s31+s2], $0x80, $0x38;
	[tilespmem:$0x1C280] =	vst v63  }
0x194: {  	s1 =	sand.u32 $0x1FFFFFF0, s29;
	s26 =	simm.s32 $0x14480;
	s29 =	spop (v2sf)  }
0x195: {  	(v2sf) =	vpush v0, $0xA;
	[tilespmem:s26], [sflag:$0x1] =	stream.linear.gather [hbm4b:s0+s2], $0x80, $0x38;
	[tilespmem:$0x1C280] =	vst v63  }
0x196: {  	s30 =	simm.s32 $0xC500;
	s31 =	sadd.s32 s3, s1;
	s1 =	sadd.s32 s4, s1  }
0x197: {  	[tilespmem:s30], [sflag:$0x1] =	stream.linear.gather [hbm4b:s31+s2], $0x80, $0x38;
	[tilespmem:$0x1C280] =	vst v63  }
0x198: {  	s0 =	sand.u32 $0x1FFFFFF0, s29;
	s26 =	simm.s32 $0x14500;
	s29 =	spop (v2sf)  }
0x199: {  	(v2sf) =	vpush v0, $0xB;
	[tilespmem:s26], [sflag:$0x1] =	stream.linear.gather [hbm4b:s1+s2], $0x80, $0x38;
	[tilespmem:$0x1C280] =	vst v63  }
0x19a: {  	s30 =	simm.s32 $0xC580;
	s31 =	sadd.s32 s3, s0;
	s0 =	sadd.s32 s4, s0  }
0x19b: {  	[tilespmem:s30], [sflag:$0x1] =	stream.linear.gather [hbm4b:s31+s2], $0x80, $0x38;
	[tilespmem:$0x1C280] =	vst v63  }
0x19c: {  	s1 =	sand.u32 $0x1FFFFFF0, s29;
	s26 =	simm.s32 $0x14580;
	s29 =	spop (v2sf)  }
0x19d: {  	(v2sf) =	vpush v0, $0xC;
	[tilespmem:s26], [sflag:$0x1] =	stream.linear.gather [hbm4b:s0+s2], $0x80, $0x38;
	[tilespmem:$0x1C280] =	vst v63  }
0x19e: {  	s30 =	simm.s32 $0xC600;
	s31 =	sadd.s32 s3, s1;
	s1 =	sadd.s32 s4, s1  }
0x19f: {  	[tilespmem:s30], [sflag:$0x1] =	stream.linear.gather [hbm4b:s31+s2], $0x80, $0x38;
	[tilespmem:$0x1C280] =	vst v63  }
0x1a0: {  	s0 =	sand.u32 $0x1FFFFFF0, s29;
	s26 =	simm.s32 $0x14600;
	s29 =	spop (v2sf)  }
0x1a1: {  	(v2sf) =	vpush v0, $0xD;
	[tilespmem:s26], [sflag:$0x1] =	stream.linear.gather [hbm4b:s1+s2], $0x80, $0x38;
	[tilespmem:$0x1C280] =	vst v63  }
0x1a2: {  	s30 =	simm.s32 $0xC680;
	s31 =	sadd.s32 s3, s0;
	s0 =	sadd.s32 s4, s0  }
0x1a3: {  	[tilespmem:s30], [sflag:$0x1] =	stream.linear.gather [hbm4b:s31+s2], $0x80, $0x38;
	[tilespmem:$0x1C280] =	vst v63  }
0x1a4: {  	s1 =	sand.u32 $0x1FFFFFF0, s29;
	s26 =	simm.s32 $0x14680;
	s29 =	spop (v2sf)  }
0x1a5: {  	(v2sf) =	vpush v0, $0xE;
	[tilespmem:s26], [sflag:$0x1] =	stream.linear.gather [hbm4b:s0+s2], $0x80, $0x38;
	[tilespmem:$0x1C280] =	vst v63  }
0x1a6: {  	s30 =	simm.s32 $0xC700;
	s31 =	sadd.s32 s3, s1;
	s1 =	sadd.s32 s4, s1  }
0x1a7: {  	[tilespmem:s30], [sflag:$0x1] =	stream.linear.gather [hbm4b:s31+s2], $0x80, $0x38;
	[tilespmem:$0x1C280] =	vst v63  }
0x1a8: {  	s0 =	sand.u32 $0x1FFFFFF0, s29;
	s26 =	simm.s32 $0x14700;
	s29 =	spop (v2sf)  }
0x1a9: {  	(v2sf) =	vpush v0, $0xF;
	[tilespmem:s26], [sflag:$0x1] =	stream.linear.gather [hbm4b:s1+s2], $0x80, $0x38;
	[tilespmem:$0x1C280] =	vst v63  }
0x1aa: {  	s30 =	simm.s32 $0xC780;
	s31 =	sadd.s32 s3, s0;
	s0 =	sadd.s32 s4, s0  }
0x1ab: {  	[tilespmem:s30], [sflag:$0x1] =	stream.linear.gather [hbm4b:s31+s2], $0x80, $0x38;
	[tilespmem:$0x1C280] =	vst v63  }
0x1ac: {  	s1 =	sand.u32 $0x1FFFFFF0, s29;
	s26 =	simm.s32 $0x14780;
	s29 =	spop (v2sf)  }
0x1ad: {  	[tilespmem:s26], [sflag:$0x1] =	stream.linear.gather [hbm4b:s0+s2], $0x80, $0x38;
	[tilespmem:$0x1C280] =	vst v63  }
0x1ae: {  	s30 =	simm.s32 $0xC800;
	s31 =	sadd.s32 s3, s1;
	s1 =	sadd.s32 s4, s1  }
0x1af: {  	[tilespmem:s30], [sflag:$0x1] =	stream.linear.gather [hbm4b:s31+s2], $0x80, $0x38;
	[tilespmem:$0x1C280] =	vst v63  }
0x1b0: {  	s0 =	sand.u32 $0x1FFFFFF0, s29;
	s26 =	simm.s32 $0x14800;
	s29 =	spop (v2sf)  }
0x1b1: {  	[tilespmem:s26], [sflag:$0x1] =	stream.linear.gather [hbm4b:s1+s2], $0x80, $0x38;
	[tilespmem:$0x1C280] =	vst v63  }
0x1b2: {  	s30 =	simm.s32 $0xC880;
	s31 =	sadd.s32 s3, s0;
	s0 =	sadd.s32 s4, s0  }
0x1b3: {  	[tilespmem:s30], [sflag:$0x1] =	stream.linear.gather [hbm4b:s31+s2], $0x80, $0x38;
	[tilespmem:$0x1C280] =	vst v63  }
0x1b4: {  	s1 =	sand.u32 $0x1FFFFFF0, s29;
	s26 =	simm.s32 $0x14880;
	s29 =	spop (v2sf)  }
0x1b5: {  	[tilespmem:s26], [sflag:$0x1] =	stream.linear.gather [hbm4b:s0+s2], $0x80, $0x38;
	[tilespmem:$0x1C280] =	vst v63  }
0x1b6: {  	s30 =	simm.s32 $0xC900;
	s31 =	sadd.s32 s3, s1;
	s1 =	sadd.s32 s4, s1  }
0x1b7: {  	[tilespmem:s30], [sflag:$0x1] =	stream.linear.gather [hbm4b:s31+s2], $0x80, $0x38;
	[tilespmem:$0x1C280] =	vst v63  }
0x1b8: {  	s0 =	sand.u32 $0x1FFFFFF0, s29;
	s26 =	simm.s32 $0x14900;
	s29 =	spop (v2sf)  }
0x1b9: {  	[tilespmem:s26], [sflag:$0x1] =	stream.linear.gather [hbm4b:s1+s2], $0x80, $0x38;
	[tilespmem:$0x1C280] =	vst v63  }
0x1ba: {  	s30 =	simm.s32 $0xC980;
	s31 =	sadd.s32 s3, s0;
	s0 =	sadd.s32 s4, s0  }
0x1bb: {  	[tilespmem:s30], [sflag:$0x1] =	stream.linear.gather [hbm4b:s31+s2], $0x80, $0x38;
	[tilespmem:$0x1C280] =	vst v63  }
0x1bc: {  	s1 =	sand.u32 $0x1FFFFFF0, s29;
	s29 =	simm.s32 $0x14980;
	s26 =	simm.s32 $0x14A00  }
0x1bd: {  	[tilespmem:s29], [sflag:$0x1] =	stream.linear.gather [hbm4b:s0+s2], $0x80, $0x38;
	[tilespmem:$0x1C280] =	vst v63  }
0x1be: {  	s28 =	sadd.s32 s4, s1;
	s30 =	simm.s32 $0xCA00;
	s31 =	sadd.s32 s3, s1  }
0x1bf: {  	[tilespmem:s30], [sflag:$0x1] =	stream.linear.gather [hbm4b:s31+s2], $0x80, $0x38;
	[tilespmem:$0x1C280] =	vst v63  }
.LBB2_8:
0x1c0: {  	p0 =	sne.s32 s25, $0xE000  }
0x1c1: {  	s24 =	sadd.s32 $0x10, s24;
	s0 =	smov.u32 s25;
	s25 =	sadd.s32 $0x2000, s25  }
0x1c2: {  	[tilespmem:s26], [sflag:$0x1] =	stream.linear.gather [hbm4b:s28+s2], $0x80, $0x38;
	[tilespmem:$0x1C280] =	vst v63  }
0x1c3: {  	v0 =	vld [tilespmem:s24+$0x0];
	_ =	sdelay $0x4  }
0x1c4: {  	v0 =	vshll.u32 v0, $0x4  }
0x1c5: {  	(v2sf) =	vpush v0, $0x0  }
0x1c6: {  	(v2sf) =	vpush v0, $0x1  }
0x1c7: {  	(v2sf) =	vpush v0, $0x2;
	_ =	sdelay $0x2  }
0x1c8: {  	(v2sf) =	vpush v0, $0x3;
	_ =	sdelay $0x3  }
0x1c9: {  	(v2sf) =	vpush v0, $0x4;
	_ =	sdelay $0x3  }
0x1ca: {  	(v2sf) =	vpush v0, $0x5;
	_ =	sdelay $0x1  }
0x1cb: {  	s1 =	spop (v2sf)  }
0x1cc: {  	s26 =	sshra.s32 s0, $0x2;
	s0 =	sand.u32 $0x1FFFFFF0, s1;
	s1 =	spop (v2sf)  }
0x1cd: {  	s29 =	sadd.s32 $0x14280, s26;
	s28 =	sadd.s32 s3, s0;
	s30 =	spop (v2sf);
	(v2sf) =	vpush v0, $0x6  }
0x1ce: {  	s31 =	sadd.s32 $0xC280, s26;
	s1 =	sand.u32 $0x1FFFFFF0, s1;
	s30 =	sand.u32 $0x1FFFFFF0, s30  }
0x1cf: {  	[tilespmem:s31], [sflag:$0x1] =	stream.linear.gather [hbm4b:s28+s2], $0x80, $0x38;
	[tilespmem:$0x1C280] =	vst v63  }
0x1d0: {  	s0 =	sadd.s32 s4, s0;
	s28 =	sadd.s32 $0xC300, s26;
	s31 =	spop (v2sf)  }
0x1d1: {  	[tilespmem:s29], [sflag:$0x1] =	stream.linear.gather [hbm4b:s0+s2], $0x80, $0x38;
	(v2sf) =	vpush v0, $0x7;
	[tilespmem:$0x1C280] =	vst v63  }
0x1d2: {  	s0 =	sadd.s32 s3, s1;
	s29 =	sadd.s32 $0x14300, s26;
	s31 =	sand.u32 $0x1FFFFFF0, s31  }
0x1d3: {  	[tilespmem:s28], [sflag:$0x1] =	stream.linear.gather [hbm4b:s0+s2], $0x80, $0x38;
	[tilespmem:$0x1C280] =	vst v63  }
0x1d4: {  	s0 =	sadd.s32 s4, s1;
	s1 =	sadd.s32 $0xC380, s26;
	s28 =	spop (v2sf)  }
0x1d5: {  	[tilespmem:s29], [sflag:$0x1] =	stream.linear.gather [hbm4b:s0+s2], $0x80, $0x38;
	[tilespmem:$0x1C280] =	vst v63  }
0x1d6: {  	s0 =	sadd.s32 s3, s30;
	s29 =	sadd.s32 $0x14380, s26;
	s28 =	sand.u32 $0x1FFFFFF0, s28  }
0x1d7: {  	[tilespmem:s1], [sflag:$0x1] =	stream.linear.gather [hbm4b:s0+s2], $0x80, $0x38;
	(v2sf) =	vpush v0, $0x8;
	[tilespmem:$0x1C280] =	vst v63  }
0x1d8: {  	s0 =	sadd.s32 s4, s30;
	s1 =	sadd.s32 $0xC400, s26;
	s30 =	spop (v2sf)  }
0x1d9: {  	[tilespmem:s29], [sflag:$0x1] =	stream.linear.gather [hbm4b:s0+s2], $0x80, $0x38;
	[tilespmem:$0x1C280] =	vst v63  }
0x1da: {  	s0 =	sadd.s32 s3, s31;
	s29 =	sadd.s32 $0x14400, s26;
	s30 =	sand.u32 $0x1FFFFFF0, s30  }
0x1db: {  	[tilespmem:s1], [sflag:$0x1] =	stream.linear.gather [hbm4b:s0+s2], $0x80, $0x38;
	(v2sf) =	vpush v0, $0x9;
	[tilespmem:$0x1C280] =	vst v63  }
0x1dc: {  	s0 =	sadd.s32 s4, s31;
	s1 =	sadd.s32 $0xC480, s26;
	s31 =	spop (v2sf)  }
0x1dd: {  	[tilespmem:s29], [sflag:$0x1] =	stream.linear.gather [hbm4b:s0+s2], $0x80, $0x38;
	[tilespmem:$0x1C280] =	vst v63  }
0x1de: {  	s0 =	sadd.s32 s3, s28;
	s29 =	sadd.s32 $0x14480, s26;
	s31 =	sand.u32 $0x1FFFFFF0, s31  }
0x1df: {  	[tilespmem:s1], [sflag:$0x1] =	stream.linear.gather [hbm4b:s0+s2], $0x80, $0x38;
	(v2sf) =	vpush v0, $0xA;
	[tilespmem:$0x1C280] =	vst v63  }
0x1e0: {  	s0 =	sadd.s32 s4, s28;
	s1 =	sadd.s32 $0xC500, s26;
	s28 =	spop (v2sf)  }
0x1e1: {  	[tilespmem:s29], [sflag:$0x1] =	stream.linear.gather [hbm4b:s0+s2], $0x80, $0x38;
	[tilespmem:$0x1C280] =	vst v63  }
0x1e2: {  	s0 =	sadd.s32 s3, s30;
	s29 =	sadd.s32 $0x14500, s26;
	s28 =	sand.u32 $0x1FFFFFF0, s28  }
0x1e3: {  	[tilespmem:s1], [sflag:$0x1] =	stream.linear.gather [hbm4b:s0+s2], $0x80, $0x38;
	(v2sf) =	vpush v0, $0xB;
	[tilespmem:$0x1C280] =	vst v63  }
0x1e4: {  	s0 =	sadd.s32 s4, s30;
	s1 =	sadd.s32 $0xC580, s26;
	s30 =	sadd.s32 s3, s31  }
0x1e5: {  	[tilespmem:s29], [sflag:$0x1] =	stream.linear.gather [hbm4b:s0+s2], $0x80, $0x38;
	[tilespmem:$0x1C280] =	vst v63  }
0x1e6: {  	s0 =	sadd.s32 $0x14580, s26;
	s29 =	sadd.s32 s4, s31;
	s31 =	spop (v2sf)  }
0x1e7: {  	[tilespmem:s1], [sflag:$0x1] =	stream.linear.gather [hbm4b:s30+s2], $0x80, $0x38;
	(v2sf) =	vpush v0, $0xC;
	[tilespmem:$0x1C280] =	vst v63  }
0x1e8: {  	s1 =	sadd.s32 $0xC600, s26;
	s30 =	sadd.s32 s3, s28;
	s31 =	sand.u32 $0x1FFFFFF0, s31  }
0x1e9: {  	[tilespmem:s0], [sflag:$0x1] =	stream.linear.gather [hbm4b:s29+s2], $0x80, $0x38;
	[tilespmem:$0x1C280] =	vst v63  }
0x1ea: {  	s28 =	sadd.s32 s4, s28;
	s0 =	sadd.s32 $0x14600, s26;
	s29 =	spop (v2sf)  }
0x1eb: {  	[tilespmem:s1], [sflag:$0x1] =	stream.linear.gather [hbm4b:s30+s2], $0x80, $0x38;
	(v2sf) =	vpush v0, $0xD;
	[tilespmem:$0x1C280] =	vst v63  }
0x1ec: {  	s1 =	sadd.s32 $0xC680, s26;
	s30 =	sadd.s32 s3, s31;
	s29 =	sand.u32 $0x1FFFFFF0, s29  }
0x1ed: {  	[tilespmem:s0], [sflag:$0x1] =	stream.linear.gather [hbm4b:s28+s2], $0x80, $0x38;
	[tilespmem:$0x1C280] =	vst v63  }
0x1ee: {  	s0 =	sadd.s32 $0x14680, s26;
	s28 =	sadd.s32 s4, s31;
	s31 =	spop (v2sf)  }
0x1ef: {  	[tilespmem:s1], [sflag:$0x1] =	stream.linear.gather [hbm4b:s30+s2], $0x80, $0x38;
	(v2sf) =	vpush v0, $0xE;
	[tilespmem:$0x1C280] =	vst v63  }
0x1f0: {  	s1 =	sadd.s32 $0xC700, s26;
	s30 =	sadd.s32 s3, s29;
	s31 =	sand.u32 $0x1FFFFFF0, s31  }
0x1f1: {  	[tilespmem:s0], [sflag:$0x1] =	stream.linear.gather [hbm4b:s28+s2], $0x80, $0x38;
	[tilespmem:$0x1C280] =	vst v63  }
0x1f2: {  	s0 =	sadd.s32 $0x14700, s26;
	s28 =	sadd.s32 s4, s29;
	s29 =	spop (v2sf)  }
0x1f3: {  	[tilespmem:s1], [sflag:$0x1] =	stream.linear.gather [hbm4b:s30+s2], $0x80, $0x38;
	(v2sf) =	vpush v0, $0xF;
	[tilespmem:$0x1C280] =	vst v63  }
0x1f4: {  	s1 =	sadd.s32 $0xC780, s26;
	s30 =	sadd.s32 s3, s31;
	s29 =	sand.u32 $0x1FFFFFF0, s29  }
0x1f5: {  	[tilespmem:s0], [sflag:$0x1] =	stream.linear.gather [hbm4b:s28+s2], $0x80, $0x38;
	[tilespmem:$0x1C280] =	vst v63  }
0x1f6: {  	s0 =	sadd.s32 $0x14780, s26;
	s28 =	sadd.s32 s4, s31;
	s31 =	spop (v2sf)  }
0x1f7: {  	[tilespmem:s1], [sflag:$0x1] =	stream.linear.gather [hbm4b:s30+s2], $0x80, $0x38;
	[tilespmem:$0x1C280] =	vst v63  }
0x1f8: {  	s1 =	sadd.s32 $0xC800, s26;
	s30 =	sadd.s32 s3, s29;
	s31 =	sand.u32 $0x1FFFFFF0, s31  }
0x1f9: {  	[tilespmem:s0], [sflag:$0x1] =	stream.linear.gather [hbm4b:s28+s2], $0x80, $0x38;
	[tilespmem:$0x1C280] =	vst v63  }
0x1fa: {  	s0 =	sadd.s32 $0x14800, s26;
	s28 =	sadd.s32 s4, s29;
	s29 =	spop (v2sf)  }
0x1fb: {  	[tilespmem:s1], [sflag:$0x1] =	stream.linear.gather [hbm4b:s30+s2], $0x80, $0x38;
	[tilespmem:$0x1C280] =	vst v63  }
0x1fc: {  	s1 =	sadd.s32 $0xC880, s26;
	s30 =	sadd.s32 s3, s31;
	s29 =	sand.u32 $0x1FFFFFF0, s29  }
0x1fd: {  	[tilespmem:s0], [sflag:$0x1] =	stream.linear.gather [hbm4b:s28+s2], $0x80, $0x38;
	[tilespmem:$0x1C280] =	vst v63  }
0x1fe: {  	s0 =	sadd.s32 $0x14880, s26;
	s28 =	sadd.s32 s4, s31;
	s31 =	spop (v2sf)  }
0x1ff: {  	[tilespmem:s1], [sflag:$0x1] =	stream.linear.gather [hbm4b:s30+s2], $0x80, $0x38;
	[tilespmem:$0x1C280] =	vst v63  }
0x200: {  	s1 =	sadd.s32 $0xC900, s26;
	s30 =	sadd.s32 s3, s29;
	s31 =	sand.u32 $0x1FFFFFF0, s31  }
0x201: {  	[tilespmem:s0], [sflag:$0x1] =	stream.linear.gather [hbm4b:s28+s2], $0x80, $0x38;
	[tilespmem:$0x1C280] =	vst v63  }
0x202: {  	s0 =	sadd.s32 $0x14900, s26;
	s28 =	sadd.s32 s4, s29;
	s29 =	spop (v2sf)  }
0x203: {  	[tilespmem:s1], [sflag:$0x1] =	stream.linear.gather [hbm4b:s30+s2], $0x80, $0x38;
	[tilespmem:$0x1C280] =	vst v63  }
0x204: {  	s1 =	sadd.s32 $0xC980, s26;
	s30 =	sadd.s32 s3, s31;
	s29 =	sand.u32 $0x1FFFFFF0, s29  }
0x205: {  	[tilespmem:s0], [sflag:$0x1] =	stream.linear.gather [hbm4b:s28+s2], $0x80, $0x38;
	[tilespmem:$0x1C280] =	vst v63  }
0x206: {  	s0 =	sadd.s32 $0x14980, s26;
	s28 =	sadd.s32 s4, s31  }
0x207: {  	[tilespmem:s1], [sflag:$0x1] =	stream.linear.gather [hbm4b:s30+s2], $0x80, $0x38;
	[tilespmem:$0x1C280] =	vst v63  }
.Ltmp3:
0x208: {  	_ = 	snop;
	(pc) =	sbr.rel @p0 .LBB2_8-.Ltmp3, $4  }
0x209: {  	s1 =	sadd.s32 $0xCA00, s26;
	s30 =	sadd.s32 s3, s29  }
0x20a: {  	[tilespmem:s0], [sflag:$0x1] =	stream.linear.gather [hbm4b:s28+s2], $0x80, $0x38;
	[tilespmem:$0x1C280] =	vst v63  }
0x20b: {  	s26 =	sadd.s32 $0x14A00, s26;
	s28 =	sadd.s32 s4, s29  }
0x20c: {  	[tilespmem:s1], [sflag:$0x1] =	stream.linear.gather [hbm4b:s30+s2], $0x80, $0x38;
	[tilespmem:$0x1C280] =	vst v63  }
0x20d: {  	[tilespmem:s26], [sflag:$0x1] =	stream.linear.gather [hbm4b:s28+s2], $0x80, $0x38;
	[tilespmem:$0x1C280] =	vst v63  }
0x20e: {  	_ =	swait.ge [sflag:s20], $0x4000  }
0x20f: {  	[sflag:s20] =	ssyncset.done $0x0  }
0x210: {  	[sflag:s20] =	ssyncadd.s32 $0xFFFFC000  }
0x211: {  	_ =	swait.ge [sflag:s20], $0x4000  }
0x212: {  	[sflag:s20] =	ssyncset.done $0x0  }
0x213: {  	[sflag:s20] =	ssyncadd.s32 $0xFFFFC000  }
0x214: {  	_ =	swait.ge [sflag:s20], $0x4000  }
0x215: {  	[sflag:s20] =	ssyncset.done $0x0  }
0x216: {  	s24 =	simm.s32 $0x0;
	[sflag:s20] =	ssyncadd.s32 $0xFFFFC000  }
0x217: {  	v0 =	vld [tilespmem:s24+$0x10290]  }
0x218: {  	v7 =	vld [tilespmem:s24+$0x102A0]  }
0x219: {  	v6 =	vld [tilespmem:s24+$0x182B0]  }
0x21a: {  	v10 =	vld [tilespmem:s24+$0x182A0]  }
0x21b: {  	v3 =	vld [tilespmem:s24+$0x42E0]  }
0x21c: {  	v14 =	vld [tilespmem:s24+$0x42F0]  }
0x21d: {  	v1 =	vld [tilespmem:s24+$0x18280]  }
0x21e: {  	v13 =	vld [tilespmem:s24+$0x42B0]  }
0x21f: {  	v12 =	vld [tilespmem:s24+$0x42A0]  }
0x220: {  	v15 =	vld [tilespmem:s24+$0x102B0]  }
0x221: {  	v4 =	vld [tilespmem:s24+$0x4290]  }
0x222: {  	v5 =	vld [tilespmem:s24+$0x42C0];
	v2 =	vmul.f32 v10, v3;
	v8 =	vmul.f32 v7, v3  }
0x223: {  	v3 =	vld [tilespmem:s24+$0x18290];
	v9 =	vmul.f32 v6, v14;
	v11 =	vmul.f32 v6, v13  }
0x224: {  	v6 =	vld [tilespmem:s24+$0x10280];
	v7 =	vmul.f32 v7, v12;
	v12 =	vmul.f32 v10, v12  }
0x225: {  	s25 =	simm.s32 $0x200;
	v10 =	vld [tilespmem:s24+$0x4280];
	v13 =	vmul.f32 v15, v13;
	v14 =	vmul.f32 v15, v14  }
.LBB2_10:
0x226: {  	s0 =	sshra.s32 s25, $0x2;
	p0 =	sne.s32 s25, $0xFE00;
	s25 =	sadd.s32 $0x200, s25;
	v15 =	vld [tilespmem:s24+$0x42D0]  }
0x227: {  	v16 =	vld [tilespmem:s0+$0x10290];
	v11 =	vadd.f32 v11, v14  }
0x228: {  	v8 =	vadd.f32 v12, v8;
	v18 =	vmul.f32 v3, v4;
	v14 =	vld [tilespmem:s0+$0x102A0];
	v17 =	vmul.f32 v1, v5  }
0x229: {  	v4 =	vmul.f32 v0, v4;
	v9 =	vsub.f32 v13, v9;
	v12 =	vld [tilespmem:s0+$0x182B0];
	[tilespmem:s24+$0x42F0] =	vst v11  }
0x22a: {  	v5 =	vmul.f32 v6, v5;
	v13 =	vld [tilespmem:s0+$0x182A0];
	v1 =	vmul.f32 v1, v10;
	[tilespmem:s24+$0x42E0] =	vst v8  }
0x22b: {  	v6 =	vmul.f32 v6, v10;
	v8 =	vld [tilespmem:s0+$0x42E0];
	v3 =	vmul.f32 v3, v15;
	[tilespmem:s24+$0x42B0] =	vst v9  }
0x22c: {  	v2 =	vsub.f32 v7, v2;
	v9 =	vmul.f32 v0, v15;
	v19 =	vld [tilespmem:s0+$0x42F0];
	v5 =	vadd.f32 v1, v5;
	v0 =	vmovc v16  }
0x22d: {  	v6 =	vsub.f32 v6, v17;
	v1 =	vld [tilespmem:s0+$0x18280];
	v3 =	vsub.f32 v4, v3  }
0x22e: {  	v7 =	vadd.f32 v18, v9;
	v15 =	vld [tilespmem:s0+$0x42B0];
	[tilespmem:s24+$0x42A0] =	vst v2  }
0x22f: {  	v10 =	vld [tilespmem:s0+$0x42A0];
	[tilespmem:s24+$0x4280] =	vst v6  }
0x230: {  	v2 =	vmul.f32 v13, v8;
	v8 =	vmul.f32 v14, v8;
	v16 =	vld [tilespmem:s0+$0x102B0];
	[tilespmem:s24+$0x4290] =	vst v3  }
.Ltmp4:
0x231: {  	v4 =	vld [tilespmem:s0+$0x4290];
	v9 =	vmul.f32 v12, v19;
	[tilespmem:s24+$0x42D0] =	vst v7;
	(pc) =	sbr.rel @p0 .LBB2_10-.Ltmp4, $4  }
0x232: {  	v3 =	vld [tilespmem:s0+$0x18290];
	[tilespmem:s24+$0x42C0] =	vst v5;
	s24 =	smov.u32 s0  }
0x233: {  	v5 =	vld [tilespmem:s24+$0x42C0];
	v11 =	vmul.f32 v12, v15  }
0x234: {  	v6 =	vld [tilespmem:s24+$0x10280];
	v7 =	vmul.f32 v14, v10;
	v12 =	vmul.f32 v13, v10  }
0x235: {  	v10 =	vld [tilespmem:s24+$0x4280];
	v13 =	vmul.f32 v16, v15;
	v14 =	vmul.f32 v16, v19  }
0x236: {  	_ = 	snop  }
0x237: {  	v15 =	vld [tilespmem:s24+$0x42D0]  }
0x238: {  	v8 =	vadd.f32 v12, v8  }
0x239: {  	v2 =	vsub.f32 v7, v2  }
0x23a: {  	v11 =	vadd.f32 v11, v14;
	v53 =	vmul.f32 v1, v5;
	[tilespmem:s24+$0x42E0] =	vst v8;
	v54 =	vmul.f32 v6, v10  }
0x23b: {  	v9 =	vsub.f32 v13, v9;
	[tilespmem:s24+$0x42A0] =	vst v2;
	v61 =	vmul.f32 v6, v5;
	v60 =	vmul.f32 v1, v10  }
0x23c: {  	v55 =	vmul.f32 v0, v4;
	[tilespmem:s24+$0x42F0] =	vst v11;
	v56 =	vmul.f32 v3, v15;
	v59 =	vsub.f32 v54, v53  }
0x23d: {  	v57 =	vmul.f32 v3, v4;
	[tilespmem:s24+$0x42B0] =	vst v9;
	v58 =	vmul.f32 v0, v15;
	v1 =	vadd.f32 v60, v61  }
0x23e: {  	v62 =	vsub.f32 v55, v56;
	[tilespmem:s24+$0x4280] =	vst v59  }
0x23f: {  	v0 =	vadd.f32 v57, v58;
	[tilespmem:s24+$0x42C0] =	vst v1  }
0x240: {  	[tilespmem:s24+$0x4290] =	vst v62  }
0x241: {  	s0 =	simm.s32 $0x0;
	[tilespmem:s24+$0x42D0] =	vst v0  }
0x242: {  	[hbm4b:s10+s0] =	stream.linear.scatter [tilespmem:s17], [sflag:$0x4], $0x4000, $0x38;
	[tilespmem:$0x1C280] =	vst v63  }
0x243: {  	_ =	swait.ge [sflag:s21], $0x4000  }
0x244: {  	[sflag:s21] =	ssyncset.done $0x0  }
0x245: {  	s24 =	simm.s32 $0x180;
	[sflag:s21] =	ssyncadd.s32 $0xFFFFC000  }
0x246: {  	[tilespmem:s16], [sflag:$0x2] =	stream.linear.gather [hbm4b:s11+s0], $0x4000, $0x38;
	[tilespmem:$0x1C280] =	vst v63  }
0x247: {  	v63 =	vld [tilespmem:s24+$0x0];
	_ =	sdelay $0x4  }
0x248: {  	v0 =	vshll.u32 v63, $0x4  }
0x249: {  	(v2sf) =	vpush v0, $0x0  }
0x24a: {  	(v2sf) =	vpush v0, $0x1;
	_ =	sdelay $0x2  }
0x24b: {  	(v2sf) =	vpush v0, $0x2;
	_ =	sdelay $0x3  }
0x24c: {  	(v2sf) =	vpush v0, $0x3;
	_ =	sdelay $0x3  }
0x24d: {  	(v2sf) =	vpush v0, $0x4;
	_ =	sdelay $0x2  }
0x24e: {  	s25 =	spop (v2sf)  }
0x24f: {  	s26 =	simm.s32 $0x10280;
	(v2sf) =	vpush v0, $0x5;
	s0 =	sand.u32 $0x1FFFFFF0, s25;
	s1 =	spop (v2sf)  }
0x250: {  	s30 =	simm.s32 $0x10300;
	s25 =	sadd.s32 s3, s0;
	s1 =	sand.u32 $0x1FFFFFF0, s1  }
0x251: {  	[tilespmem:s26], [sflag:$0x2] =	stream.linear.gather [hbm4b:s25+s2], $0x80, $0x38;
	[tilespmem:$0x1C280] =	vst v63  }
0x252: {  	s0 =	sadd.s32 s4, s0;
	s29 =	spop (v2sf);
	s26 =	simm.s32 $0x18280  }
0x253: {  	(v2sf) =	vpush v0, $0x6;
	[tilespmem:s26], [sflag:$0x2] =	stream.linear.gather [hbm4b:s0+s2], $0x80, $0x38;
	[tilespmem:$0x1C280] =	vst v63  }
0x254: {  	s31 =	sadd.s32 s3, s1;
	s1 =	sadd.s32 s4, s1;
	s25 =	simm.s32 $0x2000  }
0x255: {  	[tilespmem:s30], [sflag:$0x2] =	stream.linear.gather [hbm4b:s31+s2], $0x80, $0x38;
	[tilespmem:$0x1C280] =	vst v63  }
0x256: {  	s0 =	sand.u32 $0x1FFFFFF0, s29;
	s26 =	simm.s32 $0x18300;
	s29 =	spop (v2sf)  }
0x257: {  	(v2sf) =	vpush v0, $0x7;
	[tilespmem:s26], [sflag:$0x2] =	stream.linear.gather [hbm4b:s1+s2], $0x80, $0x38;
	[tilespmem:$0x1C280] =	vst v63  }
0x258: {  	s30 =	simm.s32 $0x10380;
	s31 =	sadd.s32 s3, s0;
	s0 =	sadd.s32 s4, s0  }
0x259: {  	[tilespmem:s30], [sflag:$0x2] =	stream.linear.gather [hbm4b:s31+s2], $0x80, $0x38;
	[tilespmem:$0x1C280] =	vst v63  }
0x25a: {  	s1 =	sand.u32 $0x1FFFFFF0, s29;
	s26 =	simm.s32 $0x18380;
	s29 =	spop (v2sf)  }
0x25b: {  	(v2sf) =	vpush v0, $0x8;
	[tilespmem:s26], [sflag:$0x2] =	stream.linear.gather [hbm4b:s0+s2], $0x80, $0x38;
	[tilespmem:$0x1C280] =	vst v63  }
0x25c: {  	s30 =	simm.s32 $0x10400;
	s31 =	sadd.s32 s3, s1;
	s1 =	sadd.s32 s4, s1  }
0x25d: {  	[tilespmem:s30], [sflag:$0x2] =	stream.linear.gather [hbm4b:s31+s2], $0x80, $0x38;
	[tilespmem:$0x1C280] =	vst v63  }
0x25e: {  	s0 =	sand.u32 $0x1FFFFFF0, s29;
	s26 =	simm.s32 $0x18400;
	s29 =	spop (v2sf)  }
0x25f: {  	(v2sf) =	vpush v0, $0x9;
	[tilespmem:s26], [sflag:$0x2] =	stream.linear.gather [hbm4b:s1+s2], $0x80, $0x38;
	[tilespmem:$0x1C280] =	vst v63  }
0x260: {  	s30 =	simm.s32 $0x10480;
	s31 =	sadd.s32 s3, s0;
	s0 =	sadd.s32 s4, s0  }
0x261: {  	[tilespmem:s30], [sflag:$0x2] =	stream.linear.gather [hbm4b:s31+s2], $0x80, $0x38;
	[tilespmem:$0x1C280] =	vst v63  }
0x262: {  	s1 =	sand.u32 $0x1FFFFFF0, s29;
	s26 =	simm.s32 $0x18480;
	s29 =	spop (v2sf)  }
0x263: {  	(v2sf) =	vpush v0, $0xA;
	[tilespmem:s26], [sflag:$0x2] =	stream.linear.gather [hbm4b:s0+s2], $0x80, $0x38;
	[tilespmem:$0x1C280] =	vst v63  }
0x264: {  	s30 =	simm.s32 $0x10500;
	s31 =	sadd.s32 s3, s1;
	s1 =	sadd.s32 s4, s1  }
0x265: {  	[tilespmem:s30], [sflag:$0x2] =	stream.linear.gather [hbm4b:s31+s2], $0x80, $0x38;
	[tilespmem:$0x1C280] =	vst v63  }
0x266: {  	s0 =	sand.u32 $0x1FFFFFF0, s29;
	s26 =	simm.s32 $0x18500;
	s29 =	spop (v2sf)  }
0x267: {  	(v2sf) =	vpush v0, $0xB;
	[tilespmem:s26], [sflag:$0x2] =	stream.linear.gather [hbm4b:s1+s2], $0x80, $0x38;
	[tilespmem:$0x1C280] =	vst v63  }
0x268: {  	s30 =	simm.s32 $0x10580;
	s31 =	sadd.s32 s3, s0;
	s0 =	sadd.s32 s4, s0  }
0x269: {  	[tilespmem:s30], [sflag:$0x2] =	stream.linear.gather [hbm4b:s31+s2], $0x80, $0x38;
	[tilespmem:$0x1C280] =	vst v63  }
0x26a: {  	s1 =	sand.u32 $0x1FFFFFF0, s29;
	s26 =	simm.s32 $0x18580;
	s29 =	spop (v2sf)  }
0x26b: {  	(v2sf) =	vpush v0, $0xC;
	[tilespmem:s26], [sflag:$0x2] =	stream.linear.gather [hbm4b:s0+s2], $0x80, $0x38;
	[tilespmem:$0x1C280] =	vst v63  }
0x26c: {  	s30 =	simm.s32 $0x10600;
	s31 =	sadd.s32 s3, s1;
	s1 =	sadd.s32 s4, s1  }
0x26d: {  	[tilespmem:s30], [sflag:$0x2] =	stream.linear.gather [hbm4b:s31+s2], $0x80, $0x38;
	[tilespmem:$0x1C280] =	vst v63  }
0x26e: {  	s0 =	sand.u32 $0x1FFFFFF0, s29;
	s26 =	simm.s32 $0x18600;
	s29 =	spop (v2sf)  }
0x26f: {  	(v2sf) =	vpush v0, $0xD;
	[tilespmem:s26], [sflag:$0x2] =	stream.linear.gather [hbm4b:s1+s2], $0x80, $0x38;
	[tilespmem:$0x1C280] =	vst v63  }
0x270: {  	s30 =	simm.s32 $0x10680;
	s31 =	sadd.s32 s3, s0;
	s0 =	sadd.s32 s4, s0  }
0x271: {  	[tilespmem:s30], [sflag:$0x2] =	stream.linear.gather [hbm4b:s31+s2], $0x80, $0x38;
	[tilespmem:$0x1C280] =	vst v63  }
0x272: {  	s1 =	sand.u32 $0x1FFFFFF0, s29;
	s26 =	simm.s32 $0x18680;
	s29 =	spop (v2sf)  }
0x273: {  	(v2sf) =	vpush v0, $0xE;
	[tilespmem:s26], [sflag:$0x2] =	stream.linear.gather [hbm4b:s0+s2], $0x80, $0x38;
	[tilespmem:$0x1C280] =	vst v63  }
0x274: {  	s30 =	simm.s32 $0x10700;
	s31 =	sadd.s32 s3, s1;
	s1 =	sadd.s32 s4, s1  }
0x275: {  	[tilespmem:s30], [sflag:$0x2] =	stream.linear.gather [hbm4b:s31+s2], $0x80, $0x38;
	[tilespmem:$0x1C280] =	vst v63  }
0x276: {  	s0 =	sand.u32 $0x1FFFFFF0, s29;
	s26 =	simm.s32 $0x18700;
	s29 =	spop (v2sf)  }
0x277: {  	(v2sf) =	vpush v0, $0xF;
	[tilespmem:s26], [sflag:$0x2] =	stream.linear.gather [hbm4b:s1+s2], $0x80, $0x38;
	[tilespmem:$0x1C280] =	vst v63  }
0x278: {  	s30 =	simm.s32 $0x10780;
	s31 =	sadd.s32 s3, s0;
	s0 =	sadd.s32 s4, s0  }
0x279: {  	[tilespmem:s30], [sflag:$0x2] =	stream.linear.gather [hbm4b:s31+s2], $0x80, $0x38;
	[tilespmem:$0x1C280] =	vst v63  }
0x27a: {  	s1 =	sand.u32 $0x1FFFFFF0, s29;
	s26 =	simm.s32 $0x18780;
	s29 =	spop (v2sf)  }
0x27b: {  	[tilespmem:s26], [sflag:$0x2] =	stream.linear.gather [hbm4b:s0+s2], $0x80, $0x38;
	[tilespmem:$0x1C280] =	vst v63  }
0x27c: {  	s30 =	simm.s32 $0x10800;
	s31 =	sadd.s32 s3, s1;
	s1 =	sadd.s32 s4, s1  }
0x27d: {  	[tilespmem:s30], [sflag:$0x2] =	stream.linear.gather [hbm4b:s31+s2], $0x80, $0x38;
	[tilespmem:$0x1C280] =	vst v63  }
0x27e: {  	s0 =	sand.u32 $0x1FFFFFF0, s29;
	s26 =	simm.s32 $0x18800;
	s29 =	spop (v2sf)  }
0x27f: {  	[tilespmem:s26], [sflag:$0x2] =	stream.linear.gather [hbm4b:s1+s2], $0x80, $0x38;
	[tilespmem:$0x1C280] =	vst v63  }
0x280: {  	s30 =	simm.s32 $0x10880;
	s31 =	sadd.s32 s3, s0;
	s0 =	sadd.s32 s4, s0  }
0x281: {  	[tilespmem:s30], [sflag:$0x2] =	stream.linear.gather [hbm4b:s31+s2], $0x80, $0x38;
	[tilespmem:$0x1C280] =	vst v63  }
0x282: {  	s1 =	sand.u32 $0x1FFFFFF0, s29;
	s26 =	simm.s32 $0x18880;
	s29 =	spop (v2sf)  }
0x283: {  	[tilespmem:s26], [sflag:$0x2] =	stream.linear.gather [hbm4b:s0+s2], $0x80, $0x38;
	[tilespmem:$0x1C280] =	vst v63  }
0x284: {  	s30 =	simm.s32 $0x10900;
	s31 =	sadd.s32 s3, s1;
	s1 =	sadd.s32 s4, s1  }
0x285: {  	[tilespmem:s30], [sflag:$0x2] =	stream.linear.gather [hbm4b:s31+s2], $0x80, $0x38;
	[tilespmem:$0x1C280] =	vst v63  }
0x286: {  	s0 =	sand.u32 $0x1FFFFFF0, s29;
	s26 =	simm.s32 $0x18900;
	s29 =	spop (v2sf)  }
0x287: {  	[tilespmem:s26], [sflag:$0x2] =	stream.linear.gather [hbm4b:s1+s2], $0x80, $0x38;
	[tilespmem:$0x1C280] =	vst v63  }
0x288: {  	s30 =	simm.s32 $0x10980;
	s31 =	sadd.s32 s3, s0;
	s0 =	sadd.s32 s4, s0  }
0x289: {  	[tilespmem:s30], [sflag:$0x2] =	stream.linear.gather [hbm4b:s31+s2], $0x80, $0x38;
	[tilespmem:$0x1C280] =	vst v63  }
0x28a: {  	s1 =	sand.u32 $0x1FFFFFF0, s29;
	s29 =	simm.s32 $0x18980;
	s26 =	simm.s32 $0x18A00  }
0x28b: {  	[tilespmem:s29], [sflag:$0x2] =	stream.linear.gather [hbm4b:s0+s2], $0x80, $0x38;
	[tilespmem:$0x1C280] =	vst v63  }
0x28c: {  	s28 =	sadd.s32 s4, s1;
	s30 =	simm.s32 $0x10A00;
	s31 =	sadd.s32 s3, s1  }
0x28d: {  	[tilespmem:s30], [sflag:$0x2] =	stream.linear.gather [hbm4b:s31+s2], $0x80, $0x38;
	[tilespmem:$0x1C280] =	vst v63  }
.LBB2_12:
0x28e: {  	p0 =	sne.s32 s25, $0xE000  }
0x28f: {  	s24 =	sadd.s32 $0x10, s24;
	s0 =	smov.u32 s25;
	s25 =	sadd.s32 $0x2000, s25  }
0x290: {  	[tilespmem:s26], [sflag:$0x2] =	stream.linear.gather [hbm4b:s28+s2], $0x80, $0x38;
	[tilespmem:$0x1C280] =	vst v63  }
0x291: {  	v0 =	vld [tilespmem:s24+$0x0];
	_ =	sdelay $0x4  }
0x292: {  	v0 =	vshll.u32 v0, $0x4  }
0x293: {  	(v2sf) =	vpush v0, $0x0  }
0x294: {  	(v2sf) =	vpush v0, $0x1  }
0x295: {  	(v2sf) =	vpush v0, $0x2;
	_ =	sdelay $0x2  }
0x296: {  	(v2sf) =	vpush v0, $0x3;
	_ =	sdelay $0x3  }
0x297: {  	(v2sf) =	vpush v0, $0x4;
	_ =	sdelay $0x3  }
0x298: {  	(v2sf) =	vpush v0, $0x5;
	_ =	sdelay $0x1  }
0x299: {  	s1 =	spop (v2sf)  }
0x29a: {  	s26 =	sshra.s32 s0, $0x2;
	s0 =	sand.u32 $0x1FFFFFF0, s1;
	s1 =	spop (v2sf)  }
0x29b: {  	s29 =	sadd.s32 $0x18280, s26;
	s28 =	sadd.s32 s3, s0;
	s30 =	spop (v2sf);
	(v2sf) =	vpush v0, $0x6  }
0x29c: {  	s31 =	sadd.s32 $0x10280, s26;
	s1 =	sand.u32 $0x1FFFFFF0, s1;
	s30 =	sand.u32 $0x1FFFFFF0, s30  }
0x29d: {  	[tilespmem:s31], [sflag:$0x2] =	stream.linear.gather [hbm4b:s28+s2], $0x80, $0x38;
	[tilespmem:$0x1C280] =	vst v63  }
0x29e: {  	s0 =	sadd.s32 s4, s0;
	s28 =	sadd.s32 $0x10300, s26;
	s31 =	spop (v2sf)  }
0x29f: {  	[tilespmem:s29], [sflag:$0x2] =	stream.linear.gather [hbm4b:s0+s2], $0x80, $0x38;
	(v2sf) =	vpush v0, $0x7;
	[tilespmem:$0x1C280] =	vst v63  }
0x2a0: {  	s0 =	sadd.s32 s3, s1;
	s29 =	sadd.s32 $0x18300, s26;
	s31 =	sand.u32 $0x1FFFFFF0, s31  }
0x2a1: {  	[tilespmem:s28], [sflag:$0x2] =	stream.linear.gather [hbm4b:s0+s2], $0x80, $0x38;
	[tilespmem:$0x1C280] =	vst v63  }
0x2a2: {  	s0 =	sadd.s32 s4, s1;
	s1 =	sadd.s32 $0x10380, s26;
	s28 =	spop (v2sf)  }
0x2a3: {  	[tilespmem:s29], [sflag:$0x2] =	stream.linear.gather [hbm4b:s0+s2], $0x80, $0x38;
	[tilespmem:$0x1C280] =	vst v63  }
0x2a4: {  	s0 =	sadd.s32 s3, s30;
	s29 =	sadd.s32 $0x18380, s26;
	s28 =	sand.u32 $0x1FFFFFF0, s28  }
0x2a5: {  	[tilespmem:s1], [sflag:$0x2] =	stream.linear.gather [hbm4b:s0+s2], $0x80, $0x38;
	(v2sf) =	vpush v0, $0x8;
	[tilespmem:$0x1C280] =	vst v63  }
0x2a6: {  	s0 =	sadd.s32 s4, s30;
	s1 =	sadd.s32 $0x10400, s26;
	s30 =	spop (v2sf)  }
0x2a7: {  	[tilespmem:s29], [sflag:$0x2] =	stream.linear.gather [hbm4b:s0+s2], $0x80, $0x38;
	[tilespmem:$0x1C280] =	vst v63  }
0x2a8: {  	s0 =	sadd.s32 s3, s31;
	s29 =	sadd.s32 $0x18400, s26;
	s30 =	sand.u32 $0x1FFFFFF0, s30  }
0x2a9: {  	[tilespmem:s1], [sflag:$0x2] =	stream.linear.gather [hbm4b:s0+s2], $0x80, $0x38;
	(v2sf) =	vpush v0, $0x9;
	[tilespmem:$0x1C280] =	vst v63  }
0x2aa: {  	s0 =	sadd.s32 s4, s31;
	s1 =	sadd.s32 $0x10480, s26;
	s31 =	spop (v2sf)  }
0x2ab: {  	[tilespmem:s29], [sflag:$0x2] =	stream.linear.gather [hbm4b:s0+s2], $0x80, $0x38;
	[tilespmem:$0x1C280] =	vst v63  }
0x2ac: {  	s0 =	sadd.s32 s3, s28;
	s29 =	sadd.s32 $0x18480, s26;
	s31 =	sand.u32 $0x1FFFFFF0, s31  }
0x2ad: {  	[tilespmem:s1], [sflag:$0x2] =	stream.linear.gather [hbm4b:s0+s2], $0x80, $0x38;
	(v2sf) =	vpush v0, $0xA;
	[tilespmem:$0x1C280] =	vst v63  }
0x2ae: {  	s0 =	sadd.s32 s4, s28;
	s1 =	sadd.s32 $0x10500, s26;
	s28 =	spop (v2sf)  }
0x2af: {  	[tilespmem:s29], [sflag:$0x2] =	stream.linear.gather [hbm4b:s0+s2], $0x80, $0x38;
	[tilespmem:$0x1C280] =	vst v63  }
0x2b0: {  	s0 =	sadd.s32 s3, s30;
	s29 =	sadd.s32 $0x18500, s26;
	s28 =	sand.u32 $0x1FFFFFF0, s28  }
0x2b1: {  	[tilespmem:s1], [sflag:$0x2] =	stream.linear.gather [hbm4b:s0+s2], $0x80, $0x38;
	(v2sf) =	vpush v0, $0xB;
	[tilespmem:$0x1C280] =	vst v63  }
0x2b2: {  	s0 =	sadd.s32 s4, s30;
	s1 =	sadd.s32 $0x10580, s26;
	s30 =	sadd.s32 s3, s31  }
0x2b3: {  	[tilespmem:s29], [sflag:$0x2] =	stream.linear.gather [hbm4b:s0+s2], $0x80, $0x38;
	[tilespmem:$0x1C280] =	vst v63  }
0x2b4: {  	s0 =	sadd.s32 $0x18580, s26;
	s29 =	sadd.s32 s4, s31;
	s31 =	spop (v2sf)  }
0x2b5: {  	[tilespmem:s1], [sflag:$0x2] =	stream.linear.gather [hbm4b:s30+s2], $0x80, $0x38;
	(v2sf) =	vpush v0, $0xC;
	[tilespmem:$0x1C280] =	vst v63  }
0x2b6: {  	s1 =	sadd.s32 $0x10600, s26;
	s30 =	sadd.s32 s3, s28;
	s31 =	sand.u32 $0x1FFFFFF0, s31  }
0x2b7: {  	[tilespmem:s0], [sflag:$0x2] =	stream.linear.gather [hbm4b:s29+s2], $0x80, $0x38;
	[tilespmem:$0x1C280] =	vst v63  }
0x2b8: {  	s28 =	sadd.s32 s4, s28;
	s0 =	sadd.s32 $0x18600, s26;
	s29 =	spop (v2sf)  }
0x2b9: {  	[tilespmem:s1], [sflag:$0x2] =	stream.linear.gather [hbm4b:s30+s2], $0x80, $0x38;
	(v2sf) =	vpush v0, $0xD;
	[tilespmem:$0x1C280] =	vst v63  }
0x2ba: {  	s1 =	sadd.s32 $0x10680, s26;
	s30 =	sadd.s32 s3, s31;
	s29 =	sand.u32 $0x1FFFFFF0, s29  }
0x2bb: {  	[tilespmem:s0], [sflag:$0x2] =	stream.linear.gather [hbm4b:s28+s2], $0x80, $0x38;
	[tilespmem:$0x1C280] =	vst v63  }
0x2bc: {  	s0 =	sadd.s32 $0x18680, s26;
	s28 =	sadd.s32 s4, s31;
	s31 =	spop (v2sf)  }
0x2bd: {  	[tilespmem:s1], [sflag:$0x2] =	stream.linear.gather [hbm4b:s30+s2], $0x80, $0x38;
	(v2sf) =	vpush v0, $0xE;
	[tilespmem:$0x1C280] =	vst v63  }
0x2be: {  	s1 =	sadd.s32 $0x10700, s26;
	s30 =	sadd.s32 s3, s29;
	s31 =	sand.u32 $0x1FFFFFF0, s31  }
0x2bf: {  	[tilespmem:s0], [sflag:$0x2] =	stream.linear.gather [hbm4b:s28+s2], $0x80, $0x38;
	[tilespmem:$0x1C280] =	vst v63  }
0x2c0: {  	s0 =	sadd.s32 $0x18700, s26;
	s28 =	sadd.s32 s4, s29;
	s29 =	spop (v2sf)  }
0x2c1: {  	[tilespmem:s1], [sflag:$0x2] =	stream.linear.gather [hbm4b:s30+s2], $0x80, $0x38;
	(v2sf) =	vpush v0, $0xF;
	[tilespmem:$0x1C280] =	vst v63  }
0x2c2: {  	s1 =	sadd.s32 $0x10780, s26;
	s30 =	sadd.s32 s3, s31;
	s29 =	sand.u32 $0x1FFFFFF0, s29  }
0x2c3: {  	[tilespmem:s0], [sflag:$0x2] =	stream.linear.gather [hbm4b:s28+s2], $0x80, $0x38;
	[tilespmem:$0x1C280] =	vst v63  }
0x2c4: {  	s0 =	sadd.s32 $0x18780, s26;
	s28 =	sadd.s32 s4, s31;
	s31 =	spop (v2sf)  }
0x2c5: {  	[tilespmem:s1], [sflag:$0x2] =	stream.linear.gather [hbm4b:s30+s2], $0x80, $0x38;
	[tilespmem:$0x1C280] =	vst v63  }
0x2c6: {  	s1 =	sadd.s32 $0x10800, s26;
	s30 =	sadd.s32 s3, s29;
	s31 =	sand.u32 $0x1FFFFFF0, s31  }
0x2c7: {  	[tilespmem:s0], [sflag:$0x2] =	stream.linear.gather [hbm4b:s28+s2], $0x80, $0x38;
	[tilespmem:$0x1C280] =	vst v63  }
0x2c8: {  	s0 =	sadd.s32 $0x18800, s26;
	s28 =	sadd.s32 s4, s29;
	s29 =	spop (v2sf)  }
0x2c9: {  	[tilespmem:s1], [sflag:$0x2] =	stream.linear.gather [hbm4b:s30+s2], $0x80, $0x38;
	[tilespmem:$0x1C280] =	vst v63  }
0x2ca: {  	s1 =	sadd.s32 $0x10880, s26;
	s30 =	sadd.s32 s3, s31;
	s29 =	sand.u32 $0x1FFFFFF0, s29  }
0x2cb: {  	[tilespmem:s0], [sflag:$0x2] =	stream.linear.gather [hbm4b:s28+s2], $0x80, $0x38;
	[tilespmem:$0x1C280] =	vst v63  }
0x2cc: {  	s0 =	sadd.s32 $0x18880, s26;
	s28 =	sadd.s32 s4, s31;
	s31 =	spop (v2sf)  }
0x2cd: {  	[tilespmem:s1], [sflag:$0x2] =	stream.linear.gather [hbm4b:s30+s2], $0x80, $0x38;
	[tilespmem:$0x1C280] =	vst v63  }
0x2ce: {  	s1 =	sadd.s32 $0x10900, s26;
	s30 =	sadd.s32 s3, s29;
	s31 =	sand.u32 $0x1FFFFFF0, s31  }
0x2cf: {  	[tilespmem:s0], [sflag:$0x2] =	stream.linear.gather [hbm4b:s28+s2], $0x80, $0x38;
	[tilespmem:$0x1C280] =	vst v63  }
0x2d0: {  	s0 =	sadd.s32 $0x18900, s26;
	s28 =	sadd.s32 s4, s29;
	s29 =	spop (v2sf)  }
0x2d1: {  	[tilespmem:s1], [sflag:$0x2] =	stream.linear.gather [hbm4b:s30+s2], $0x80, $0x38;
	[tilespmem:$0x1C280] =	vst v63  }
0x2d2: {  	s1 =	sadd.s32 $0x10980, s26;
	s30 =	sadd.s32 s3, s31;
	s29 =	sand.u32 $0x1FFFFFF0, s29  }
0x2d3: {  	[tilespmem:s0], [sflag:$0x2] =	stream.linear.gather [hbm4b:s28+s2], $0x80, $0x38;
	[tilespmem:$0x1C280] =	vst v63  }
0x2d4: {  	s0 =	sadd.s32 $0x18980, s26;
	s28 =	sadd.s32 s4, s31  }
0x2d5: {  	[tilespmem:s1], [sflag:$0x2] =	stream.linear.gather [hbm4b:s30+s2], $0x80, $0x38;
	[tilespmem:$0x1C280] =	vst v63  }
.Ltmp5:
0x2d6: {  	_ = 	snop;
	(pc) =	sbr.rel @p0 .LBB2_12-.Ltmp5, $4  }
0x2d7: {  	s1 =	sadd.s32 $0x10A00, s26;
	s30 =	sadd.s32 s3, s29  }
0x2d8: {  	[tilespmem:s0], [sflag:$0x2] =	stream.linear.gather [hbm4b:s28+s2], $0x80, $0x38;
	[tilespmem:$0x1C280] =	vst v63  }
0x2d9: {  	s26 =	sadd.s32 $0x18A00, s26;
	s28 =	sadd.s32 s4, s29  }
0x2da: {  	[tilespmem:s1], [sflag:$0x2] =	stream.linear.gather [hbm4b:s30+s2], $0x80, $0x38;
	[tilespmem:$0x1C280] =	vst v63  }
0x2db: {  	[tilespmem:s26], [sflag:$0x2] =	stream.linear.gather [hbm4b:s28+s2], $0x80, $0x38;
	[tilespmem:$0x1C280] =	vst v63  }
0x2dc: {  	_ =	swait.ge [sflag:s18], $0x4000  }
0x2dd: {  	[sflag:s18] =	ssyncset.done $0x0  }
0x2de: {  	[sflag:s18] =	ssyncadd.s32 $0xFFFFC000  }
0x2df: {  	_ =	swait.ge [sflag:s18], $0x4000  }
0x2e0: {  	[sflag:s18] =	ssyncset.done $0x0  }
0x2e1: {  	[sflag:s18] =	ssyncadd.s32 $0xFFFFC000  }
0x2e2: {  	_ =	swait.ge [sflag:s18], $0x4000  }
0x2e3: {  	[sflag:s18] =	ssyncset.done $0x0  }
0x2e4: {  	s24 =	simm.s32 $0x0;
	[sflag:s18] =	ssyncadd.s32 $0xFFFFC000  }
0x2e5: {  	v0 =	vld [tilespmem:s24+$0xC290]  }
0x2e6: {  	v7 =	vld [tilespmem:s24+$0xC2A0]  }
0x2e7: {  	v6 =	vld [tilespmem:s24+$0x142B0]  }
0x2e8: {  	v10 =	vld [tilespmem:s24+$0x142A0]  }
0x2e9: {  	v3 =	vld [tilespmem:s24+$0x82E0]  }
0x2ea: {  	v14 =	vld [tilespmem:s24+$0x82F0]  }
0x2eb: {  	v1 =	vld [tilespmem:s24+$0x14280]  }
0x2ec: {  	v13 =	vld [tilespmem:s24+$0x82B0]  }
0x2ed: {  	v12 =	vld [tilespmem:s24+$0x82A0]  }
0x2ee: {  	v15 =	vld [tilespmem:s24+$0xC2B0]  }
0x2ef: {  	v4 =	vld [tilespmem:s24+$0x8290]  }
0x2f0: {  	v5 =	vld [tilespmem:s24+$0x82C0];
	v2 =	vmul.f32 v10, v3;
	v8 =	vmul.f32 v7, v3  }
0x2f1: {  	v3 =	vld [tilespmem:s24+$0x14290];
	v9 =	vmul.f32 v6, v14;
	v11 =	vmul.f32 v6, v13  }
0x2f2: {  	v6 =	vld [tilespmem:s24+$0xC280];
	v7 =	vmul.f32 v7, v12;
	v12 =	vmul.f32 v10, v12  }
0x2f3: {  	s25 =	simm.s32 $0x200;
	v10 =	vld [tilespmem:s24+$0x8280];
	v13 =	vmul.f32 v15, v13;
	v14 =	vmul.f32 v15, v14  }
.LBB2_14:
0x2f4: {  	s0 =	sshra.s32 s25, $0x2;
	p0 =	sne.s32 s25, $0xFE00;
	s25 =	sadd.s32 $0x200, s25;
	v15 =	vld [tilespmem:s24+$0x82D0]  }
0x2f5: {  	v16 =	vld [tilespmem:s0+$0xC290];
	v11 =	vadd.f32 v11, v14  }
0x2f6: {  	v8 =	vadd.f32 v12, v8;
	v18 =	vmul.f32 v3, v4;
	v14 =	vld [tilespmem:s0+$0xC2A0];
	v17 =	vmul.f32 v1, v5  }
0x2f7: {  	v4 =	vmul.f32 v0, v4;
	v9 =	vsub.f32 v13, v9;
	v12 =	vld [tilespmem:s0+$0x142B0];
	[tilespmem:s24+$0x82F0] =	vst v11  }
0x2f8: {  	v5 =	vmul.f32 v6, v5;
	v13 =	vld [tilespmem:s0+$0x142A0];
	v1 =	vmul.f32 v1, v10;
	[tilespmem:s24+$0x82E0] =	vst v8  }
0x2f9: {  	v6 =	vmul.f32 v6, v10;
	v8 =	vld [tilespmem:s0+$0x82E0];
	v3 =	vmul.f32 v3, v15;
	[tilespmem:s24+$0x82B0] =	vst v9  }
0x2fa: {  	v2 =	vsub.f32 v7, v2;
	v9 =	vmul.f32 v0, v15;
	v19 =	vld [tilespmem:s0+$0x82F0];
	v5 =	vadd.f32 v1, v5;
	v0 =	vmovc v16  }
0x2fb: {  	v6 =	vsub.f32 v6, v17;
	v1 =	vld [tilespmem:s0+$0x14280];
	v3 =	vsub.f32 v4, v3  }
0x2fc: {  	v7 =	vadd.f32 v18, v9;
	v15 =	vld [tilespmem:s0+$0x82B0];
	[tilespmem:s24+$0x82A0] =	vst v2  }
0x2fd: {  	v10 =	vld [tilespmem:s0+$0x82A0];
	[tilespmem:s24+$0x8280] =	vst v6  }
0x2fe: {  	v2 =	vmul.f32 v13, v8;
	v8 =	vmul.f32 v14, v8;
	v16 =	vld [tilespmem:s0+$0xC2B0];
	[tilespmem:s24+$0x8290] =	vst v3  }
.Ltmp6:
0x2ff: {  	v4 =	vld [tilespmem:s0+$0x8290];
	v9 =	vmul.f32 v12, v19;
	[tilespmem:s24+$0x82D0] =	vst v7;
	(pc) =	sbr.rel @p0 .LBB2_14-.Ltmp6, $4  }
0x300: {  	v3 =	vld [tilespmem:s0+$0x14290];
	[tilespmem:s24+$0x82C0] =	vst v5;
	s24 =	smov.u32 s0  }
0x301: {  	v5 =	vld [tilespmem:s24+$0x82C0];
	v11 =	vmul.f32 v12, v15  }
0x302: {  	v6 =	vld [tilespmem:s24+$0xC280];
	v7 =	vmul.f32 v14, v10;
	v12 =	vmul.f32 v13, v10  }
0x303: {  	v10 =	vld [tilespmem:s24+$0x8280];
	v13 =	vmul.f32 v16, v15;
	v14 =	vmul.f32 v16, v19  }
0x304: {  	_ = 	snop  }
0x305: {  	v15 =	vld [tilespmem:s24+$0x82D0]  }
0x306: {  	v11 =	vadd.f32 v11, v14  }
0x307: {  	v8 =	vadd.f32 v12, v8;
	v9 =	vsub.f32 v13, v9;
	v13 =	vmul.f32 v0, v4  }
0x308: {  	v2 =	vsub.f32 v7, v2;
	v12 =	vmul.f32 v1, v5;
	[tilespmem:s24+$0x82F0] =	vst v11;
	v11 =	vmul.f32 v6, v10  }
0x309: {  	[tilespmem:s24+$0x82E0] =	vst v8;
	v5 =	vmul.f32 v6, v5;
	v1 =	vmul.f32 v1, v10  }
0x30a: {  	[tilespmem:s24+$0x82A0] =	vst v2;
	v8 =	vmul.f32 v3, v15;
	v3 =	vmul.f32 v3, v4;
	v4 =	vsub.f32 v11, v12  }
0x30b: {  	[tilespmem:s24+$0x82B0] =	vst v9;
	v0 =	vmul.f32 v0, v15;
	v1 =	vadd.f32 v1, v5  }
0x30c: {  	v6 =	vsub.f32 v13, v8;
	[tilespmem:s24+$0x8280] =	vst v4  }
0x30d: {  	v0 =	vadd.f32 v3, v0;
	[tilespmem:s24+$0x82C0] =	vst v1  }
0x30e: {  	[tilespmem:s24+$0x8290] =	vst v6  }
0x30f: {  	s0 =	simm.s32 $0x0;
	[tilespmem:s24+$0x82D0] =	vst v0  }
0x310: {  	[hbm4b:s12+s0] =	stream.linear.scatter [tilespmem:s19], [sflag:$0x5], $0x4000, $0x38;
	[tilespmem:$0x1C280] =	vst v63  }
0x311: {  	_ =	swait.ge [sflag:s20], $0x4000  }
0x312: {  	[sflag:s20] =	ssyncset.done $0x0  }
0x313: {  	[sflag:s20] =	ssyncadd.s32 $0xFFFFC000  }
0x314: {  	_ =	swait.ge [sflag:s20], $0x4000  }
0x315: {  	[sflag:s20] =	ssyncset.done $0x0  }
0x316: {  	[sflag:s20] =	ssyncadd.s32 $0xFFFFC000  }
0x317: {  	_ =	swait.ge [sflag:s20], $0x4000  }
0x318: {  	[sflag:s20] =	ssyncset.done $0x0  }
0x319: {  	s24 =	simm.s32 $0x0;
	[sflag:s20] =	ssyncadd.s32 $0xFFFFC000  }
0x31a: {  	v0 =	vld [tilespmem:s24+$0x10290]  }
0x31b: {  	v7 =	vld [tilespmem:s24+$0x102A0]  }
0x31c: {  	v6 =	vld [tilespmem:s24+$0x182B0]  }
0x31d: {  	v10 =	vld [tilespmem:s24+$0x182A0]  }
0x31e: {  	v3 =	vld [tilespmem:s24+$0x2E0]  }
0x31f: {  	v14 =	vld [tilespmem:s24+$0x2F0]  }
0x320: {  	v1 =	vld [tilespmem:s24+$0x18280]  }
0x321: {  	v13 =	vld [tilespmem:s24+$0x2B0]  }
0x322: {  	v12 =	vld [tilespmem:s24+$0x2A0]  }
0x323: {  	v15 =	vld [tilespmem:s24+$0x102B0]  }
0x324: {  	v4 =	vld [tilespmem:s24+$0x290]  }
0x325: {  	v5 =	vld [tilespmem:s24+$0x2C0];
	v2 =	vmul.f32 v10, v3;
	v8 =	vmul.f32 v7, v3  }
0x326: {  	v3 =	vld [tilespmem:s24+$0x18290];
	v9 =	vmul.f32 v6, v14;
	v11 =	vmul.f32 v6, v13  }
0x327: {  	v6 =	vld [tilespmem:s24+$0x10280];
	v7 =	vmul.f32 v7, v12;
	v12 =	vmul.f32 v10, v12  }
0x328: {  	s25 =	simm.s32 $0x200;
	v10 =	vld [tilespmem:s24+$0x280];
	v13 =	vmul.f32 v15, v13;
	v14 =	vmul.f32 v15, v14  }
.LBB2_16:
0x329: {  	s0 =	sshra.s32 s25, $0x2;
	p0 =	sne.s32 s25, $0xFE00;
	s25 =	sadd.s32 $0x200, s25;
	v15 =	vld [tilespmem:s24+$0x2D0]  }
0x32a: {  	v16 =	vld [tilespmem:s0+$0x10290];
	v11 =	vadd.f32 v11, v14  }
0x32b: {  	v8 =	vadd.f32 v12, v8;
	v18 =	vmul.f32 v3, v4;
	v14 =	vld [tilespmem:s0+$0x102A0];
	v17 =	vmul.f32 v1, v5  }
0x32c: {  	v4 =	vmul.f32 v0, v4;
	v9 =	vsub.f32 v13, v9;
	v12 =	vld [tilespmem:s0+$0x182B0];
	[tilespmem:s24+$0x2F0] =	vst v11  }
0x32d: {  	v5 =	vmul.f32 v6, v5;
	v13 =	vld [tilespmem:s0+$0x182A0];
	v1 =	vmul.f32 v1, v10;
	[tilespmem:s24+$0x2E0] =	vst v8  }
0x32e: {  	v6 =	vmul.f32 v6, v10;
	v8 =	vld [tilespmem:s0+$0x2E0];
	v3 =	vmul.f32 v3, v15;
	[tilespmem:s24+$0x2B0] =	vst v9  }
0x32f: {  	v2 =	vsub.f32 v7, v2;
	v9 =	vmul.f32 v0, v15;
	v19 =	vld [tilespmem:s0+$0x2F0];
	v5 =	vadd.f32 v1, v5;
	v0 =	vmovc v16  }
0x330: {  	v6 =	vsub.f32 v6, v17;
	v1 =	vld [tilespmem:s0+$0x18280];
	v3 =	vsub.f32 v4, v3  }
0x331: {  	v7 =	vadd.f32 v18, v9;
	v15 =	vld [tilespmem:s0+$0x2B0];
	[tilespmem:s24+$0x2A0] =	vst v2  }
0x332: {  	v10 =	vld [tilespmem:s0+$0x2A0];
	[tilespmem:s24+$0x280] =	vst v6  }
0x333: {  	v2 =	vmul.f32 v13, v8;
	v8 =	vmul.f32 v14, v8;
	v16 =	vld [tilespmem:s0+$0x102B0];
	[tilespmem:s24+$0x290] =	vst v3  }
.Ltmp7:
0x334: {  	v4 =	vld [tilespmem:s0+$0x290];
	v9 =	vmul.f32 v12, v19;
	[tilespmem:s24+$0x2D0] =	vst v7;
	(pc) =	sbr.rel @p0 .LBB2_16-.Ltmp7, $4  }
0x335: {  	v3 =	vld [tilespmem:s0+$0x18290];
	[tilespmem:s24+$0x2C0] =	vst v5;
	s24 =	smov.u32 s0  }
0x336: {  	v5 =	vld [tilespmem:s24+$0x2C0];
	v11 =	vmul.f32 v12, v15  }
0x337: {  	v6 =	vld [tilespmem:s24+$0x10280];
	v7 =	vmul.f32 v14, v10;
	v12 =	vmul.f32 v13, v10  }
0x338: {  	v10 =	vld [tilespmem:s24+$0x280];
	v13 =	vmul.f32 v16, v15;
	v14 =	vmul.f32 v16, v19  }
0x339: {  	_ = 	snop  }
0x33a: {  	v15 =	vld [tilespmem:s24+$0x2D0]  }
0x33b: {  	v8 =	vadd.f32 v12, v8  }
0x33c: {  	v2 =	vsub.f32 v7, v2  }
0x33d: {  	v11 =	vadd.f32 v11, v14;
	v54 =	vmul.f32 v1, v5;
	[tilespmem:s24+$0x2E0] =	vst v8;
	v55 =	vmul.f32 v6, v10  }
0x33e: {  	v9 =	vsub.f32 v13, v9;
	[tilespmem:s24+$0x2A0] =	vst v2;
	v62 =	vmul.f32 v6, v5;
	v61 =	vmul.f32 v1, v10  }
0x33f: {  	v56 =	vmul.f32 v0, v4;
	[tilespmem:s24+$0x2F0] =	vst v11;
	v57 =	vmul.f32 v3, v15;
	v60 =	vsub.f32 v55, v54  }
0x340: {  	v58 =	vmul.f32 v3, v4;
	[tilespmem:s24+$0x2B0] =	vst v9;
	v59 =	vmul.f32 v0, v15;
	v1 =	vadd.f32 v61, v62  }
0x341: {  	v63 =	vsub.f32 v56, v57;
	[tilespmem:s24+$0x280] =	vst v60  }
0x342: {  	v0 =	vadd.f32 v58, v59;
	[tilespmem:s24+$0x2C0] =	vst v1  }
0x343: {  	[tilespmem:s24+$0x290] =	vst v63  }
0x344: {  	s23 =	sadd.s32 $0x1, s23;
	[tilespmem:s24+$0x2D0] =	vst v0  }
0x345: {  	[hbm4b:s13+s2] =	stream.linear.scatter [tilespmem:s16], [sflag:$0x3], $0x4000, $0x38;
	[tilespmem:$0x1C280] =	vst v63  }
0x346: {  	p0 =	sne.s32 s23, s14;
	_ =	swait.ge [sflag:s22], $0x4000  }
.Ltmp8:
0x347: {  	[sflag:s22] =	ssyncset.done $0x0;
	(pc) =	sbr.rel @p0 .LBB2_1-.Ltmp8, $4  }
0x348: {  	[sflag:s22] =	ssyncadd.s32 $0xFFFFC000  }
0x349: {  	_ =	swait.ge [sflag:s21], $0x4000  }
0x34a: {  	[sflag:s21] =	ssyncset.done $0x0  }
0x34b: {  	[sflag:s21] =	ssyncadd.s32 $0xFFFFC000  }
0x34c: {  	_ =	sfence.sel $0x180000  }
0x34d: {  	[bflag:$0x0] =	sbarrier.arrive $0xFFFF  }
0x34e: {  	_ =	strace $0x90000047  }
0x34f: {  	s0 =	stileid.u32;
	[bflag:$0x2] =	sbarrier.arrive $0xFFFF  }
0x350: {  	p0 =	sne.s32 s0, $0x0;
	s0 =	rddreg [dreg:$0x4]  }
0x351: {  	s0 =	sadd.s32 @!p0 $0x100000, s0  }
0x352: {  	[sflag:s0] =	ssyncadd.tile.s32 @!p0 $0x1;
	_ =	shalt  }
.Lfunc_end2:
_tile_overlayer_lowered:
.L_overlay_start_2:
0x353: {  	(tag) =	ssettag $0x2  }
0x354: {  	s0 =	rddreg [dreg:$0x0];
	s2 =	stileid.u32  }
0x355: {  	s1 =	rddreg [dreg:$0x1];
	p0 =	sne.s32 s2, $0x0  }
0x356: {  	s3 =	rddreg [dreg:$0x2];
	[bflag:$0x3] =	sbarrier.arrive $0xFFFF;
	s2 =	simm.s32 @!p0 $0x1C06  }
0x357: {  	[timem:s3], [sflag:s2] =	dma.local @!p0 [hbm:s0], s1  }
0x358: {  	s0 =	simm.s32 @!p0 $0x6  }
0x359: {  	_ =	swait.ge @!p0 [sflag:s0], s1  }
0x35a: {  	s1 =	ssub.s32 @!p0 $0x0, s1;
	[sflag:s0] =	ssyncset.done @!p0 $0x0  }
0x35b: {  	[sflag:s0] =	ssyncadd.s32 @!p0 s1  }
0x35c: {  	[bflag:$0x3] =	sbarrier.arrive $0xFFFF  }
0x35d: {  	_ =	shalt  }

</sc_bundles>
